<compile_context>
chip_gen: v7x
topology: tpu7x:2x2x1
jax: 0.10.2.dev20260603
libtpu: 0.0.44.dev20260713+nightly
codegen_flags: <defaults>
</compile_context>

<pallas_src>
import jax
import jax.numpy as jnp
from jax import lax
from jax.experimental import pallas as pl
from jax.experimental.pallas import tpu as pltpu
from jax.experimental.pallas import tpu_sc as plsc

N = 10000
E = 320000
D = 128
H = 128
O = 64
G = 64

NC, NS, L = 2, 16, 16
NPAD = 10240
GA = 72
AFLAT = GA * NPAD
ASH = (G + 1) * NPAD
STRIPE = ASH // NS
ZB = STRIPE // 4
ED_T = E // (NC * NS)
DEG_T = E // NS
NODES_T = NPAD // NS
CH = 128
NFULL = ED_T // CH
TAIL = ED_T - NFULL * CH
GRP = 2
DEPTH = 5
NGRP = NFULL // GRP
NBUF = DEPTH * GRP
CNT = 128


def _rsqrt16(d):
    i = plsc.bitcast(d, jnp.int32)
    y = plsc.bitcast(0x5F3759DF - (i >> 1), jnp.float32)
    for _ in range(3):
        y = y * (1.5 - 0.5 * d * y * y)
    return y


def _sc_body(edge, batch,
             a_out, cnt_out, dinv_out,
             a_sh, degstage, dinv_sh, cntstage,
             zbuf, ebuf, fp, bl, acc, tmp2d, cnt80, idx2, val2,
             sem, sem_b, sem_d, sem_s, sem_z):
    c = lax.axis_index("c")
    s = lax.axis_index("s")

    base = s * NODES_T
    ebase = s * DEG_T + c * ED_T
    ld_batch = pltpu.async_copy(batch, bl.at[pl.ds(0, N)], sem_b)
    ld_dst = pltpu.async_copy(edge.at[pl.ds(E + s * DEG_T, DEG_T)],
                              ebuf.at[pl.ds(0, DEG_T)], sem_d)
    ld_src = pltpu.async_copy(edge.at[pl.ds(ebase, ED_T)],
                              ebuf.at[pl.ds(2 * ED_T, ED_T)], sem_s)

    def _z(i, _):
        for u in range(5):
            zbuf[pl.ds((i * 5 + u) * L, L)] = jnp.zeros((L,), jnp.float32)
        return 0
    lax.fori_loop(0, ZB // L // 5, _z, 0)
    for q in range(4):
        pltpu.async_copy(zbuf, a_sh.at[pl.ds(s * STRIPE + q * ZB, ZB)], sem_z)

    def _zf(i, _):
        for u in range(5):
            fp[pl.ds((i * 5 + u) * L, L)] = jnp.zeros((L,), jnp.float32)
        return 0
    lax.fori_loop(0, NPAD // L // 5, _zf, 0)
    for k in range(CNT // L):
        cnt80[pl.ds(k * L, L)] = jnp.zeros((L,), jnp.float32)

    ld_batch.wait()
    for k in range((NPAD - N) // L):
        bl[pl.ds(N + k * L, L)] = jnp.full((L,), G, jnp.int32)

    def _hist(i, _):
        gv = bl[pl.ds(base + i * L, L)]
        plsc.addupdate_scatter(cnt80, [gv], jnp.ones((L,), jnp.float32))
        return 0
    lax.fori_loop(0, NODES_T // L, _hist, 0)
    pltpu.sync_copy(cnt80, cntstage.at[s])

    ld_dst.wait()

    def _deg(i, _):
        for u in range(10):
            dv = ebuf[pl.ds((i * 10 + u) * L, L)]
            plsc.addupdate_scatter(fp, [dv], jnp.ones((L,), jnp.float32))
        return 0
    lax.fori_loop(0, DEG_T // L // 10, _deg, 0)
    pltpu.sync_copy(fp, degstage.at[s])

    ld_src.wait()
    for q in range(4):
        pltpu.make_async_copy(
            zbuf, a_sh.at[pl.ds(s * STRIPE + q * ZB, ZB)], sem_z).wait()
    plsc.subcore_barrier()

    pltpu.sync_copy(degstage.at[:, pl.ds(base, NODES_T)], tmp2d)

    def _red(i, _):
        sl = pl.ds(i * L, L)
        d = tmp2d[0, sl]
        for t in range(1, NS):
            d = d + tmp2d[t, sl]
        acc[sl] = _rsqrt16(d + 1.0)
        return 0
    lax.fori_loop(0, NODES_T // L, _red, 0)
    pltpu.sync_copy(acc, dinv_sh.at[pl.ds(base, NODES_T)])

    @pl.when(c == 0)
    def _():
        pltpu.sync_copy(acc, dinv_out.at[0, pl.ds(base, NODES_T)])

    @pl.when((c == 0) & (s == 0))
    def _():
        pltpu.sync_copy(cntstage, cnt_out)
    plsc.subcore_barrier()

    pltpu.sync_copy(dinv_sh, fp)
    dbase = c * ED_T

    def _fill16(off, m, k):
        sv = ebuf[pl.ds(2 * ED_T + off, L)]
        dv = ebuf[pl.ds(dbase + off, L)]
        dd = plsc.load_gather(fp, [dv])
        g = plsc.load_gather(bl, [dv])
        val2[m, pl.ds(k * L, L)] = dd
        idx2[m, pl.ds(k * L, L)] = g * NPAD + sv

    def _drain(n):
        for _ in range(n):
            pltpu.make_async_copy(
                val2.at[0], a_sh.at[pl.ds(0, CH)], sem).wait()

    def _do_group(j, third):
        @pl.when(j >= DEPTH)
        def _():
            _drain(GRP)
        for i in range(GRP):
            for k in range(CH // L):
                _fill16((j * GRP + i) * CH + k * L, third * GRP + i, k)
        for i in range(GRP):
            m = third * GRP + i
            pltpu.async_copy(val2.at[m], a_sh.at[idx2.at[m]], sem, add=True)

    def _edge(j, _):
        for t in range(DEPTH):
            @pl.when(j % DEPTH == t)
            def _(t=t):
                _do_group(j, t)
        return 0
    lax.fori_loop(0, NGRP, _edge, 0)
    _drain(DEPTH * GRP)

    _fill16(NFULL * CH, 0, 0)
    for k in range(TAIL // L, CH // L):
        val2[0, pl.ds(k * L, L)] = jnp.zeros((L,), jnp.float32)
        idx2[0, pl.ds(k * L, L)] = jnp.zeros((L,), jnp.int32)
    pltpu.sync_copy(val2.at[0], a_sh.at[idx2.at[0]], add=True)

    def _self_chunk(j):
        for k in range(CH // L):
            off = base + j * CH + k * L
            iv = jnp.full((L,), off, jnp.int32) + lax.iota(jnp.int32, L)
            y = fp[pl.ds(off, L)]
            g = plsc.load_gather(bl, [iv])
            val2[0, pl.ds(k * L, L)] = y
            idx2[0, pl.ds(k * L, L)] = g * NPAD + iv
        pltpu.sync_copy(val2.at[0], a_sh.at[idx2.at[0]], add=True)

    @pl.when(c == 0)
    def _():
        for j in range(3):
            _self_chunk(j)

    @pl.when(c == 1)
    def _():
        for j in range(3, NODES_T // CH):
            _self_chunk(j)

    plsc.subcore_barrier()

    pltpu.sync_copy(a_sh.at[pl.ds(s * STRIPE, STRIPE)],
                    a_out.at[c, pl.ds(s * STRIPE, STRIPE)])


_sc_call = pl.kernel(
    _sc_body,
    out_type=(jax.ShapeDtypeStruct((NC, AFLAT), jnp.float32),
              jax.ShapeDtypeStruct((NS, CNT), jnp.float32),
              jax.ShapeDtypeStruct((1, NPAD), jnp.float32)),
    mesh=plsc.VectorSubcoreMesh(core_axis_name="c", subcore_axis_name="s",
                                num_cores=NC, num_subcores=NS),
    compiler_params=pltpu.CompilerParams(needs_layout_passes=False),
    scratch_types=[
        pltpu.VMEM_SHARED((ASH,), jnp.float32),
        pltpu.VMEM_SHARED((NS, NPAD), jnp.float32),
        pltpu.VMEM_SHARED((NPAD,), jnp.float32),
        pltpu.VMEM_SHARED((NS, CNT), jnp.float32),
        pltpu.VMEM((ZB,), jnp.float32),
        pltpu.VMEM((3 * ED_T,), jnp.int32),
        pltpu.VMEM((NPAD,), jnp.float32),
        pltpu.VMEM((NPAD,), jnp.int32),
        pltpu.VMEM((NODES_T,), jnp.float32),
        pltpu.VMEM((NS, NODES_T), jnp.float32),
        pltpu.VMEM((CNT,), jnp.float32),
        pltpu.VMEM((NBUF, CH), jnp.int32),
        pltpu.VMEM((NBUF, CH), jnp.float32),
        pltpu.SemaphoreType.DMA,
        pltpu.SemaphoreType.DMA,
        pltpu.SemaphoreType.DMA,
        pltpu.SemaphoreType.DMA,
        pltpu.SemaphoreType.DMA,
    ],
)


def _tc_body(a_ref, x_ref, cnt_ref, dinv_ref, w1_ref, b1_ref, w2_ref,
             b2_ref, o_ref):
    a = (a_ref[:G, :N] + a_ref[GA:GA + G, :N]) * dinv_ref[:, :N]
    p = jnp.dot(a, x_ref[...], preferred_element_type=jnp.float32)
    p = (jnp.dot(p, w1_ref[...], preferred_element_type=jnp.float32)
         + jnp.sum(cnt_ref[...], axis=0)[:G].reshape(G, 1)
         * b1_ref[...].reshape(1, H))
    o_ref[...] = (jnp.dot(p, w2_ref[...], preferred_element_type=jnp.float32)
                  + b2_ref[...].reshape(1, O))


_tc_call = pl.pallas_call(
    _tc_body,
    out_shape=jax.ShapeDtypeStruct((G, O), jnp.float32),
)


@jax.jit
def kernel(x, edge_index, batch, W1, b1, W2, b2):
    a, cnt, dinv = _sc_call(edge_index.reshape(2 * E), batch)
    return _tc_call(a.reshape(NC * GA, NPAD), x, cnt, dinv, W1, b1, W2, b2)

# --- scband reference (transcript-rebuilt; emitter-appended) ---
"""Pipeline reference for scband-pool-gnn-1932735283932 (READ-ONLY COPY).

The authoritative reference and input builder live on the scoring server;
editing this copy changes nothing except your own understanding.
"""

import jax, jax.numpy as jnp
import numpy as np

N = 10000   # n_nodes
E = 320000  # n_edges
D = 128     # in_channels
H = 128     # hidden_channels (conv out_channels forced to hidden)
O = 64      # out_channels of final linear
G = 64      # number of graphs in batch


def setup_inputs(seed: int = 0) -> dict:
    key = jax.random.key(seed)
    k1, k2, k3, k4, k5 = jax.random.split(key, 5)
    x = jax.random.normal(k1, (N, D), dtype=jnp.float32)
    edge_index = jax.random.randint(k2, (2, E), 0, N, dtype=jnp.int32)
    batch = jnp.sort(jax.random.randint(k3, (N,), 0, G, dtype=jnp.int32))
    # GCNConv parameters (in=D, out=H)
    W1 = jax.random.normal(k4, (D, H), dtype=jnp.float32) * (1.0 / np.sqrt(D))
    b1 = jnp.zeros((H,), dtype=jnp.float32)
    # Final Linear (hidden_channels -> out_channels)
    W2 = jax.random.normal(k5, (H, O), dtype=jnp.float32) * (1.0 / np.sqrt(H))
    b2 = jnp.zeros((O,), dtype=jnp.float32)
    return {"x": x, "edge_index": edge_index, "batch": batch,
            "W1": W1, "b1": b1, "W2": W2, "b2": b2}


def reference(x, edge_index, batch, W1, b1, W2, b2):
    # --- GCNConv with self-loops and symmetric normalization ---
    src = edge_index[0]
    dst = edge_index[1]
    loops = jnp.arange(N, dtype=src.dtype)
    src = jnp.concatenate([src, loops])
    dst = jnp.concatenate([dst, loops])
    deg = jnp.zeros((N,), dtype=jnp.float32).at[dst].add(1.0)
    dinv = 1.0 / jnp.sqrt(jnp.clip(deg, 1.0))
    norm = dinv[src] * dinv[dst]
    h = x @ W1                              # linear transform
    msg = h[src] * norm[:, None]            # gather + scale (memory-bound)
    agg = jax.ops.segment_sum(msg, dst, num_segments=N)  # scatter-add
    agg = agg + b1
    # --- global_add_pool over graph ids ---
    pooled = jax.ops.segment_sum(agg, batch, num_segments=G)
    # --- final Linear ---
    out = pooled @ W2 + b2
    return out

if __name__ == "__main__":
    import jax
    _d = setup_inputs()
    print(jax.jit(kernel)(*tuple(_d.values())))

</pallas_src>

<mosaic_0001>
#map = affine_map<(d0, d1) -> (0)>
#map1 = affine_map<(d0, d1) -> (0, 0)>
module attributes {stable_mosaic.version = 14 : i64} {
  func.func @_sc_body(%arg0: i32, %arg1: i32, %arg2: memref<640000xi32, #tpu.memory_space<hbm>>, %arg3: memref<10000xi32, #tpu.memory_space<hbm>>, %arg4: memref<2x737280xf32, #tpu.memory_space<hbm>>, %arg5: memref<16x128xf32, #tpu.memory_space<hbm>>, %arg6: memref<1x10240xf32, #tpu.memory_space<hbm>>, %arg7: memref<665600xf32, #tpu.memory_space<vmem_shared>>, %arg8: memref<16x10240xf32, #tpu.memory_space<vmem_shared>>, %arg9: memref<10240xf32, #tpu.memory_space<vmem_shared>>, %arg10: memref<16x128xf32, #tpu.memory_space<vmem_shared>>, %arg11: memref<10400xf32, #tpu.memory_space<vmem>>, %arg12: memref<30000xi32, #tpu.memory_space<vmem>>, %arg13: memref<10240xf32, #tpu.memory_space<vmem>>, %arg14: memref<10240xi32, #tpu.memory_space<vmem>>, %arg15: memref<640xf32, #tpu.memory_space<vmem>>, %arg16: memref<16x640xf32, #tpu.memory_space<vmem>>, %arg17: memref<128xf32, #tpu.memory_space<vmem>>, %arg18: memref<10x128xi32, #tpu.memory_space<vmem>>, %arg19: memref<10x128xf32, #tpu.memory_space<vmem>>, %arg20: memref<!tpu.dma_semaphore, #tpu.memory_space<semaphore_mem>>, %arg21: memref<!tpu.dma_semaphore, #tpu.memory_space<semaphore_mem>>, %arg22: memref<!tpu.dma_semaphore, #tpu.memory_space<semaphore_mem>>, %arg23: memref<!tpu.dma_semaphore, #tpu.memory_space<semaphore_mem>>, %arg24: memref<!tpu.dma_semaphore, #tpu.memory_space<semaphore_mem>>) attributes {dimension_semantics = [#tpu.dimension_semantics<core_parallel>, #tpu.dimension_semantics<subcore_parallel>], iteration_bounds = array<i64: 2, 16>, scalar_prefetch = 0 : i64, scratch_operands = 18 : i64, tpu.core_type = #tpu.core_type<sc_vector_subcore>, window_params = [{transform_indices = #map}, {transform_indices = #map}, {transform_indices = #map1}, {transform_indices = #map1}, {transform_indices = #map1}]} {
    %mul3A = arith.constant 640 : i32
    %mul3A_0 = arith.muli %arg1, %mul3A : i32
    %mul3A_1 = arith.constant 20000 : i32
    %mul3A_2 = arith.muli %arg1, %mul3A_1 : i32
    %mul3A_3 = arith.constant 10000 : i32
    %mul3A_4 = arith.muli %arg0, %mul3A_3 : i32
    %add3A = arith.addi %mul3A_2, %mul3A_4 : i32
    %dma_start3A = arith.constant 0 : i32
    %dma_start3A_5 = tpu.memref_slice %arg14[%dma_start3A] : memref<10240xi32, #tpu.memory_space<vmem>> -> memref<10000xi32, #tpu.memory_space<vmem>>
    %dma_start3A_6 = arith.constant 0 : i32
    %dma_start3A_7 = tpu.memref_slice %arg14[%dma_start3A_6] : memref<10240xi32, #tpu.memory_space<vmem>> -> memref<10000xi32, #tpu.memory_space<vmem>>
    tpu.enqueue_dma source(%arg3 : memref<10000xi32, #tpu.memory_space<hbm>>) target(%dma_start3A_7 : memref<10000xi32, #tpu.memory_space<vmem>>) target_semaphore(%arg21 : memref<!tpu.dma_semaphore, #tpu.memory_space<semaphore_mem>>)
    %mul3A_8 = arith.constant 20000 : i32
    %mul3A_9 = arith.muli %arg1, %mul3A_8 : i32
    %add3A_10 = arith.constant 320000 : i32
    %add3A_11 = arith.addi %add3A_10, %mul3A_9 : i32
    %dma_start3A_12 = arith.constant 0 : i32
    %dma_start3A_13 = tpu.memref_slice %arg12[%dma_start3A_12] : memref<30000xi32, #tpu.memory_space<vmem>> -> memref<20000xi32, #tpu.memory_space<vmem>>
    %dma_start3A_14 = tpu.memref_slice %arg2[%add3A_11] : memref<640000xi32, #tpu.memory_space<hbm>> -> memref<20000xi32, #tpu.memory_space<hbm>>
    %dma_start3A_15 = arith.constant 0 : i32
    %dma_start3A_16 = tpu.memref_slice %arg12[%dma_start3A_15] : memref<30000xi32, #tpu.memory_space<vmem>> -> memref<20000xi32, #tpu.memory_space<vmem>>
    %dma_start3A_17 = tpu.memref_slice %arg2[%add3A_11] : memref<640000xi32, #tpu.memory_space<hbm>> -> memref<20000xi32, #tpu.memory_space<hbm>>
    tpu.enqueue_dma source(%dma_start3A_17 : memref<20000xi32, #tpu.memory_space<hbm>>) target(%dma_start3A_16 : memref<20000xi32, #tpu.memory_space<vmem>>) target_semaphore(%arg22 : memref<!tpu.dma_semaphore, #tpu.memory_space<semaphore_mem>>)
    %dma_start3A_18 = arith.constant 20000 : i32
    %dma_start3A_19 = tpu.memref_slice %arg12[%dma_start3A_18] : memref<30000xi32, #tpu.memory_space<vmem>> -> memref<10000xi32, #tpu.memory_space<vmem>>
    %dma_start3A_20 = tpu.memref_slice %arg2[%add3A] : memref<640000xi32, #tpu.memory_space<hbm>> -> memref<10000xi32, #tpu.memory_space<hbm>>
    %dma_start3A_21 = arith.constant 20000 : i32
    %dma_start3A_22 = tpu.memref_slice %arg12[%dma_start3A_21] : memref<30000xi32, #tpu.memory_space<vmem>> -> memref<10000xi32, #tpu.memory_space<vmem>>
    %dma_start3A_23 = tpu.memref_slice %arg2[%add3A] : memref<640000xi32, #tpu.memory_space<hbm>> -> memref<10000xi32, #tpu.memory_space<hbm>>
    tpu.enqueue_dma source(%dma_start3A_23 : memref<10000xi32, #tpu.memory_space<hbm>>) target(%dma_start3A_22 : memref<10000xi32, #tpu.memory_space<vmem>>) target_semaphore(%arg23 : memref<!tpu.dma_semaphore, #tpu.memory_space<semaphore_mem>>)
    %scan3A = arith.constant 0 : i32
    %scan3A_24 = arith.constant 0 : i32
    %scan3A_25 = arith.constant 130 : i32
    %scan3A_26 = arith.addi %scan3A_24, %scan3A_25 : i32
    %scan3A_27 = arith.constant 1 : i32
    %scan3A_28 = scf.for %scan3A_458 = %scan3A_24 to %scan3A_26 step %scan3A_27 iter_args(%scan3A_459 = %scan3A) -> (i32)  : i32 {
      %broadcast_in_dim3A_460 = arith.constant 0.000000e+00 : f32
      %broadcast_in_dim3A_461 = vector.broadcast %broadcast_in_dim3A_460 : f32 to vector<16xf32>
      %mul3A_462 = arith.constant 5 : i32
      %mul3A_463 = arith.muli %scan3A_458, %mul3A_462 : i32
      %add3A_464 = arith.constant 0 : i32
      %add3A_465 = arith.addi %mul3A_463, %add3A_464 : i32
      %mul3A_466 = arith.constant 16 : i32
      %mul3A_467 = arith.muli %add3A_465, %mul3A_466 : i32
      %swap3A_468 = arith.index_cast %mul3A_467 : i32 to index
      %swap3A_469 = tpu.vector_load %arg11[%swap3A_468] {strides = array<i32>} : memref<10400xf32, #tpu.memory_space<vmem>>, vector<16xf32>,
      tpu.vector_store %arg11[%swap3A_468], %broadcast_in_dim3A_461 {strides = array<i32>} : memref<10400xf32, #tpu.memory_space<vmem>>, vector<16xf32>,
      %broadcast_in_dim3A_470 = arith.constant 0.000000e+00 : f32
      %broadcast_in_dim3A_471 = vector.broadcast %broadcast_in_dim3A_470 : f32 to vector<16xf32>
      %mul3A_472 = arith.constant 5 : i32
      %mul3A_473 = arith.muli %scan3A_458, %mul3A_472 : i32
      %add3A_474 = arith.constant 1 : i32
      %add3A_475 = arith.addi %mul3A_473, %add3A_474 : i32
      %mul3A_476 = arith.constant 16 : i32
      %mul3A_477 = arith.muli %add3A_475, %mul3A_476 : i32
      %swap3A_478 = arith.index_cast %mul3A_477 : i32 to index
      %swap3A_479 = tpu.vector_load %arg11[%swap3A_478] {strides = array<i32>} : memref<10400xf32, #tpu.memory_space<vmem>>, vector<16xf32>,
      tpu.vector_store %arg11[%swap3A_478], %broadcast_in_dim3A_471 {strides = array<i32>} : memref<10400xf32, #tpu.memory_space<vmem>>, vector<16xf32>,
      %broadcast_in_dim3A_480 = arith.constant 0.000000e+00 : f32
      %broadcast_in_dim3A_481 = vector.broadcast %broadcast_in_dim3A_480 : f32 to vector<16xf32>
      %mul3A_482 = arith.constant 5 : i32
      %mul3A_483 = arith.muli %scan3A_458, %mul3A_482 : i32
      %add3A_484 = arith.constant 2 : i32
      %add3A_485 = arith.addi %mul3A_483, %add3A_484 : i32
      %mul3A_486 = arith.constant 16 : i32
      %mul3A_487 = arith.muli %add3A_485, %mul3A_486 : i32
      %swap3A_488 = arith.index_cast %mul3A_487 : i32 to index
      %swap3A_489 = tpu.vector_load %arg11[%swap3A_488] {strides = array<i32>} : memref<10400xf32, #tpu.memory_space<vmem>>, vector<16xf32>,
      tpu.vector_store %arg11[%swap3A_488], %broadcast_in_dim3A_481 {strides = array<i32>} : memref<10400xf32, #tpu.memory_space<vmem>>, vector<16xf32>,
      %broadcast_in_dim3A_490 = arith.constant 0.000000e+00 : f32
      %broadcast_in_dim3A_491 = vector.broadcast %broadcast_in_dim3A_490 : f32 to vector<16xf32>
      %mul3A_492 = arith.constant 5 : i32
      %mul3A_493 = arith.muli %scan3A_458, %mul3A_492 : i32
      %add3A_494 = arith.constant 3 : i32
      %add3A_495 = arith.addi %mul3A_493, %add3A_494 : i32
      %mul3A_496 = arith.constant 16 : i32
      %mul3A_497 = arith.muli %add3A_495, %mul3A_496 : i32
      %swap3A_498 = arith.index_cast %mul3A_497 : i32 to index
      %swap3A_499 = tpu.vector_load %arg11[%swap3A_498] {strides = array<i32>} : memref<10400xf32, #tpu.memory_space<vmem>>, vector<16xf32>,
      tpu.vector_store %arg11[%swap3A_498], %broadcast_in_dim3A_491 {strides = array<i32>} : memref<10400xf32, #tpu.memory_space<vmem>>, vector<16xf32>,
      %broadcast_in_dim3A_500 = arith.constant 0.000000e+00 : f32
      %broadcast_in_dim3A_501 = vector.broadcast %broadcast_in_dim3A_500 : f32 to vector<16xf32>
      %mul3A_502 = arith.constant 5 : i32
      %mul3A_503 = arith.muli %scan3A_458, %mul3A_502 : i32
      %add3A_504 = arith.constant 4 : i32
      %add3A_505 = arith.addi %mul3A_503, %add3A_504 : i32
      %mul3A_506 = arith.constant 16 : i32
      %mul3A_507 = arith.muli %add3A_505, %mul3A_506 : i32
      %swap3A_508 = arith.index_cast %mul3A_507 : i32 to index
      %swap3A_509 = tpu.vector_load %arg11[%swap3A_508] {strides = array<i32>} : memref<10400xf32, #tpu.memory_space<vmem>>, vector<16xf32>,
      tpu.vector_store %arg11[%swap3A_508], %broadcast_in_dim3A_501 {strides = array<i32>} : memref<10400xf32, #tpu.memory_space<vmem>>, vector<16xf32>,
      %scan3A_510 = arith.constant 0 : i32
      scf.yield %scan3A_510 : i32
    }
    %scan3A_29 = arith.constant 130 : i32
    %mul3A_30 = arith.constant 41600 : i32
    %mul3A_31 = arith.muli %arg1, %mul3A_30 : i32
    %add3A_32 = arith.constant 0 : i32
    %add3A_33 = arith.addi %mul3A_31, %add3A_32 : i32
    %dma_start3A_34 = tpu.memref_slice %arg7[%add3A_33] : memref<665600xf32, #tpu.memory_space<vmem_shared>> -> memref<10400xf32, #tpu.memory_space<vmem_shared>>
    %dma_start3A_35 = tpu.memref_slice %arg7[%add3A_33] : memref<665600xf32, #tpu.memory_space<vmem_shared>> -> memref<10400xf32, #tpu.memory_space<vmem_shared>>
    tpu.enqueue_dma source(%arg11 : memref<10400xf32, #tpu.memory_space<vmem>>) target(%dma_start3A_35 : memref<10400xf32, #tpu.memory_space<vmem_shared>>) target_semaphore(%arg24 : memref<!tpu.dma_semaphore, #tpu.memory_space<semaphore_mem>>)
    %mul3A_36 = arith.constant 41600 : i32
    %mul3A_37 = arith.muli %arg1, %mul3A_36 : i32
    %add3A_38 = arith.constant 10400 : i32
    %add3A_39 = arith.addi %mul3A_37, %add3A_38 : i32
    %dma_start3A_40 = tpu.memref_slice %arg7[%add3A_39] : memref<665600xf32, #tpu.memory_space<vmem_shared>> -> memref<10400xf32, #tpu.memory_space<vmem_shared>>
    %dma_start3A_41 = tpu.memref_slice %arg7[%add3A_39] : memref<665600xf32, #tpu.memory_space<vmem_shared>> -> memref<10400xf32, #tpu.memory_space<vmem_shared>>
    tpu.enqueue_dma source(%arg11 : memref<10400xf32, #tpu.memory_space<vmem>>) target(%dma_start3A_41 : memref<10400xf32, #tpu.memory_space<vmem_shared>>) target_semaphore(%arg24 : memref<!tpu.dma_semaphore, #tpu.memory_space<semaphore_mem>>)
    %mul3A_42 = arith.constant 41600 : i32
    %mul3A_43 = arith.muli %arg1, %mul3A_42 : i32
    %add3A_44 = arith.constant 20800 : i32
    %add3A_45 = arith.addi %mul3A_43, %add3A_44 : i32
    %dma_start3A_46 = tpu.memref_slice %arg7[%add3A_45] : memref<665600xf32, #tpu.memory_space<vmem_shared>> -> memref<10400xf32, #tpu.memory_space<vmem_shared>>
    %dma_start3A_47 = tpu.memref_slice %arg7[%add3A_45] : memref<665600xf32, #tpu.memory_space<vmem_shared>> -> memref<10400xf32, #tpu.memory_space<vmem_shared>>
    tpu.enqueue_dma source(%arg11 : memref<10400xf32, #tpu.memory_space<vmem>>) target(%dma_start3A_47 : memref<10400xf32, #tpu.memory_space<vmem_shared>>) target_semaphore(%arg24 : memref<!tpu.dma_semaphore, #tpu.memory_space<semaphore_mem>>)
    %mul3A_48 = arith.constant 41600 : i32
    %mul3A_49 = arith.muli %arg1, %mul3A_48 : i32
    %add3A_50 = arith.constant 31200 : i32
    %add3A_51 = arith.addi %mul3A_49, %add3A_50 : i32
    %dma_start3A_52 = tpu.memref_slice %arg7[%add3A_51] : memref<665600xf32, #tpu.memory_space<vmem_shared>> -> memref<10400xf32, #tpu.memory_space<vmem_shared>>
    %dma_start3A_53 = tpu.memref_slice %arg7[%add3A_51] : memref<665600xf32, #tpu.memory_space<vmem_shared>> -> memref<10400xf32, #tpu.memory_space<vmem_shared>>
    tpu.enqueue_dma source(%arg11 : memref<10400xf32, #tpu.memory_space<vmem>>) target(%dma_start3A_53 : memref<10400xf32, #tpu.memory_space<vmem_shared>>) target_semaphore(%arg24 : memref<!tpu.dma_semaphore, #tpu.memory_space<semaphore_mem>>)
    %scan3A_54 = arith.constant 0 : i32
    %scan3A_55 = arith.constant 0 : i32
    %scan3A_56 = arith.constant 128 : i32
    %scan3A_57 = arith.addi %scan3A_55, %scan3A_56 : i32
    %scan3A_58 = arith.constant 1 : i32
    %scan3A_59 = scf.for %scan3A_458 = %scan3A_55 to %scan3A_57 step %scan3A_58 iter_args(%scan3A_459 = %scan3A_54) -> (i32)  : i32 {
      %broadcast_in_dim3A_460 = arith.constant 0.000000e+00 : f32
      %broadcast_in_dim3A_461 = vector.broadcast %broadcast_in_dim3A_460 : f32 to vector<16xf32>
      %mul3A_462 = arith.constant 5 : i32
      %mul3A_463 = arith.muli %scan3A_458, %mul3A_462 : i32
      %add3A_464 = arith.constant 0 : i32
      %add3A_465 = arith.addi %mul3A_463, %add3A_464 : i32
      %mul3A_466 = arith.constant 16 : i32
      %mul3A_467 = arith.muli %add3A_465, %mul3A_466 : i32
      %swap3A_468 = arith.index_cast %mul3A_467 : i32 to index
      %swap3A_469 = tpu.vector_load %arg13[%swap3A_468] {strides = array<i32>} : memref<10240xf32, #tpu.memory_space<vmem>>, vector<16xf32>,
      tpu.vector_store %arg13[%swap3A_468], %broadcast_in_dim3A_461 {strides = array<i32>} : memref<10240xf32, #tpu.memory_space<vmem>>, vector<16xf32>,
      %broadcast_in_dim3A_470 = arith.constant 0.000000e+00 : f32
      %broadcast_in_dim3A_471 = vector.broadcast %broadcast_in_dim3A_470 : f32 to vector<16xf32>
      %mul3A_472 = arith.constant 5 : i32
      %mul3A_473 = arith.muli %scan3A_458, %mul3A_472 : i32
      %add3A_474 = arith.constant 1 : i32
      %add3A_475 = arith.addi %mul3A_473, %add3A_474 : i32
      %mul3A_476 = arith.constant 16 : i32
      %mul3A_477 = arith.muli %add3A_475, %mul3A_476 : i32
      %swap3A_478 = arith.index_cast %mul3A_477 : i32 to index
      %swap3A_479 = tpu.vector_load %arg13[%swap3A_478] {strides = array<i32>} : memref<10240xf32, #tpu.memory_space<vmem>>, vector<16xf32>,
      tpu.vector_store %arg13[%swap3A_478], %broadcast_in_dim3A_471 {strides = array<i32>} : memref<10240xf32, #tpu.memory_space<vmem>>, vector<16xf32>,
      %broadcast_in_dim3A_480 = arith.constant 0.000000e+00 : f32
      %broadcast_in_dim3A_481 = vector.broadcast %broadcast_in_dim3A_480 : f32 to vector<16xf32>
      %mul3A_482 = arith.constant 5 : i32
      %mul3A_483 = arith.muli %scan3A_458, %mul3A_482 : i32
      %add3A_484 = arith.constant 2 : i32
      %add3A_485 = arith.addi %mul3A_483, %add3A_484 : i32
      %mul3A_486 = arith.constant 16 : i32
      %mul3A_487 = arith.muli %add3A_485, %mul3A_486 : i32
      %swap3A_488 = arith.index_cast %mul3A_487 : i32 to index
      %swap3A_489 = tpu.vector_load %arg13[%swap3A_488] {strides = array<i32>} : memref<10240xf32, #tpu.memory_space<vmem>>, vector<16xf32>,
      tpu.vector_store %arg13[%swap3A_488], %broadcast_in_dim3A_481 {strides = array<i32>} : memref<10240xf32, #tpu.memory_space<vmem>>, vector<16xf32>,
      %broadcast_in_dim3A_490 = arith.constant 0.000000e+00 : f32
      %broadcast_in_dim3A_491 = vector.broadcast %broadcast_in_dim3A_490 : f32 to vector<16xf32>
      %mul3A_492 = arith.constant 5 : i32
      %mul3A_493 = arith.muli %scan3A_458, %mul3A_492 : i32
      %add3A_494 = arith.constant 3 : i32
      %add3A_495 = arith.addi %mul3A_493, %add3A_494 : i32
      %mul3A_496 = arith.constant 16 : i32
      %mul3A_497 = arith.muli %add3A_495, %mul3A_496 : i32
      %swap3A_498 = arith.index_cast %mul3A_497 : i32 to index
      %swap3A_499 = tpu.vector_load %arg13[%swap3A_498] {strides = array<i32>} : memref<10240xf32, #tpu.memory_space<vmem>>, vector<16xf32>,
      tpu.vector_store %arg13[%swap3A_498], %broadcast_in_dim3A_491 {strides = array<i32>} : memref<10240xf32, #tpu.memory_space<vmem>>, vector<16xf32>,
      %broadcast_in_dim3A_500 = arith.constant 0.000000e+00 : f32
      %broadcast_in_dim3A_501 = vector.broadcast %broadcast_in_dim3A_500 : f32 to vector<16xf32>
      %mul3A_502 = arith.constant 5 : i32
      %mul3A_503 = arith.muli %scan3A_458, %mul3A_502 : i32
      %add3A_504 = arith.constant 4 : i32
      %add3A_505 = arith.addi %mul3A_503, %add3A_504 : i32
      %mul3A_506 = arith.constant 16 : i32
      %mul3A_507 = arith.muli %add3A_505, %mul3A_506 : i32
      %swap3A_508 = arith.index_cast %mul3A_507 : i32 to index
      %swap3A_509 = tpu.vector_load %arg13[%swap3A_508] {strides = array<i32>} : memref<10240xf32, #tpu.memory_space<vmem>>, vector<16xf32>,
      tpu.vector_store %arg13[%swap3A_508], %broadcast_in_dim3A_501 {strides = array<i32>} : memref<10240xf32, #tpu.memory_space<vmem>>, vector<16xf32>,
      %scan3A_510 = arith.constant 0 : i32
      scf.yield %scan3A_510 : i32
    }
    %scan3A_60 = arith.constant 128 : i32
    %broadcast_in_dim3A = arith.constant 0.000000e+00 : f32
    %broadcast_in_dim3A_61 = vector.broadcast %broadcast_in_dim3A : f32 to vector<16xf32>
    %swap3A = arith.constant 0 : index
    %swap3A_62 = tpu.vector_load %arg17[%swap3A] {strides = array<i32>} : memref<128xf32, #tpu.memory_space<vmem>>, vector<16xf32>,
    tpu.vector_store %arg17[%swap3A], %broadcast_in_dim3A_61 {strides = array<i32>} : memref<128xf32, #tpu.memory_space<vmem>>, vector<16xf32>,
    %broadcast_in_dim3A_63 = arith.constant 0.000000e+00 : f32
    %broadcast_in_dim3A_64 = vector.broadcast %broadcast_in_dim3A_63 : f32 to vector<16xf32>
    %swap3A_65 = arith.constant 16 : index
    %swap3A_66 = tpu.vector_load %arg17[%swap3A_65] {strides = array<i32>} : memref<128xf32, #tpu.memory_space<vmem>>, vector<16xf32>,
    tpu.vector_store %arg17[%swap3A_65], %broadcast_in_dim3A_64 {strides = array<i32>} : memref<128xf32, #tpu.memory_space<vmem>>, vector<16xf32>,
    %broadcast_in_dim3A_67 = arith.constant 0.000000e+00 : f32
    %broadcast_in_dim3A_68 = vector.broadcast %broadcast_in_dim3A_67 : f32 to vector<16xf32>
    %swap3A_69 = arith.constant 32 : index
    %swap3A_70 = tpu.vector_load %arg17[%swap3A_69] {strides = array<i32>} : memref<128xf32, #tpu.memory_space<vmem>>, vector<16xf32>,
    tpu.vector_store %arg17[%swap3A_69], %broadcast_in_dim3A_68 {strides = array<i32>} : memref<128xf32, #tpu.memory_space<vmem>>, vector<16xf32>,
    %broadcast_in_dim3A_71 = arith.constant 0.000000e+00 : f32
    %broadcast_in_dim3A_72 = vector.broadcast %broadcast_in_dim3A_71 : f32 to vector<16xf32>
    %swap3A_73 = arith.constant 48 : index
    %swap3A_74 = tpu.vector_load %arg17[%swap3A_73] {strides = array<i32>} : memref<128xf32, #tpu.memory_space<vmem>>, vector<16xf32>,
    tpu.vector_store %arg17[%swap3A_73], %broadcast_in_dim3A_72 {strides = array<i32>} : memref<128xf32, #tpu.memory_space<vmem>>, vector<16xf32>,
    %broadcast_in_dim3A_75 = arith.constant 0.000000e+00 : f32
    %broadcast_in_dim3A_76 = vector.broadcast %broadcast_in_dim3A_75 : f32 to vector<16xf32>
    %swap3A_77 = arith.constant 64 : index
    %swap3A_78 = tpu.vector_load %arg17[%swap3A_77] {strides = array<i32>} : memref<128xf32, #tpu.memory_space<vmem>>, vector<16xf32>,
    tpu.vector_store %arg17[%swap3A_77], %broadcast_in_dim3A_76 {strides = array<i32>} : memref<128xf32, #tpu.memory_space<vmem>>, vector<16xf32>,
    %broadcast_in_dim3A_79 = arith.constant 0.000000e+00 : f32
    %broadcast_in_dim3A_80 = vector.broadcast %broadcast_in_dim3A_79 : f32 to vector<16xf32>
    %swap3A_81 = arith.constant 80 : index
    %swap3A_82 = tpu.vector_load %arg17[%swap3A_81] {strides = array<i32>} : memref<128xf32, #tpu.memory_space<vmem>>, vector<16xf32>,
    tpu.vector_store %arg17[%swap3A_81], %broadcast_in_dim3A_80 {strides = array<i32>} : memref<128xf32, #tpu.memory_space<vmem>>, vector<16xf32>,
    %broadcast_in_dim3A_83 = arith.constant 0.000000e+00 : f32
    %broadcast_in_dim3A_84 = vector.broadcast %broadcast_in_dim3A_83 : f32 to vector<16xf32>
    %swap3A_85 = arith.constant 96 : index
    %swap3A_86 = tpu.vector_load %arg17[%swap3A_85] {strides = array<i32>} : memref<128xf32, #tpu.memory_space<vmem>>, vector<16xf32>,
    tpu.vector_store %arg17[%swap3A_85], %broadcast_in_dim3A_84 {strides = array<i32>} : memref<128xf32, #tpu.memory_space<vmem>>, vector<16xf32>,
    %broadcast_in_dim3A_87 = arith.constant 0.000000e+00 : f32
    %broadcast_in_dim3A_88 = vector.broadcast %broadcast_in_dim3A_87 : f32 to vector<16xf32>
    %swap3A_89 = arith.constant 112 : index
    %swap3A_90 = tpu.vector_load %arg17[%swap3A_89] {strides = array<i32>} : memref<128xf32, #tpu.memory_space<vmem>>, vector<16xf32>,
    tpu.vector_store %arg17[%swap3A_89], %broadcast_in_dim3A_88 {strides = array<i32>} : memref<128xf32, #tpu.memory_space<vmem>>, vector<16xf32>,
    %dma_wait3A = arith.constant 0 : i32
    %dma_wait3A_91 = tpu.memref_slice %arg14[%dma_wait3A] : memref<10240xi32, #tpu.memory_space<vmem>> -> memref<10000xi32, #tpu.memory_space<vmem>>
    %dma_wait3A_92 = arith.constant 0 : i32
    %dma_wait3A_93 = tpu.memref_slice %arg14[%dma_wait3A_92] : memref<10240xi32, #tpu.memory_space<vmem>> -> memref<10000xi32, #tpu.memory_space<vmem>>
    tpu.wait_dma2 semaphore(%arg21 : memref<!tpu.dma_semaphore, #tpu.memory_space<semaphore_mem>>) src(%arg3 : memref<10000xi32, #tpu.memory_space<hbm>>) dst(%dma_wait3A_93 : memref<10000xi32, #tpu.memory_space<vmem>>)
    %broadcast_in_dim3A_94 = arith.constant 64 : i32
    %broadcast_in_dim3A_95 = vector.broadcast %broadcast_in_dim3A_94 : i32 to vector<16xi32>
    %swap3A_96 = arith.constant 10000 : index
    %swap3A_97 = tpu.vector_load %arg14[%swap3A_96] {strides = array<i32>} : memref<10240xi32, #tpu.memory_space<vmem>>, vector<16xi32>,
    tpu.vector_store %arg14[%swap3A_96], %broadcast_in_dim3A_95 {strides = array<i32>} : memref<10240xi32, #tpu.memory_space<vmem>>, vector<16xi32>,
    %broadcast_in_dim3A_98 = arith.constant 64 : i32
    %broadcast_in_dim3A_99 = vector.broadcast %broadcast_in_dim3A_98 : i32 to vector<16xi32>
    %swap3A_100 = arith.constant 10016 : index
    %swap3A_101 = tpu.vector_load %arg14[%swap3A_100] {strides = array<i32>} : memref<10240xi32, #tpu.memory_space<vmem>>, vector<16xi32>,
    tpu.vector_store %arg14[%swap3A_100], %broadcast_in_dim3A_99 {strides = array<i32>} : memref<10240xi32, #tpu.memory_space<vmem>>, vector<16xi32>,
    %broadcast_in_dim3A_102 = arith.constant 64 : i32
    %broadcast_in_dim3A_103 = vector.broadcast %broadcast_in_dim3A_102 : i32 to vector<16xi32>
    %swap3A_104 = arith.constant 10032 : index
    %swap3A_105 = tpu.vector_load %arg14[%swap3A_104] {strides = array<i32>} : memref<10240xi32, #tpu.memory_space<vmem>>, vector<16xi32>,
    tpu.vector_store %arg14[%swap3A_104], %broadcast_in_dim3A_103 {strides = array<i32>} : memref<10240xi32, #tpu.memory_space<vmem>>, vector<16xi32>,
    %broadcast_in_dim3A_106 = arith.constant 64 : i32
    %broadcast_in_dim3A_107 = vector.broadcast %broadcast_in_dim3A_106 : i32 to vector<16xi32>
    %swap3A_108 = arith.constant 10048 : index
    %swap3A_109 = tpu.vector_load %arg14[%swap3A_108] {strides = array<i32>} : memref<10240xi32, #tpu.memory_space<vmem>>, vector<16xi32>,
    tpu.vector_store %arg14[%swap3A_108], %broadcast_in_dim3A_107 {strides = array<i32>} : memref<10240xi32, #tpu.memory_space<vmem>>, vector<16xi32>,
    %broadcast_in_dim3A_110 = arith.constant 64 : i32
    %broadcast_in_dim3A_111 = vector.broadcast %broadcast_in_dim3A_110 : i32 to vector<16xi32>
    %swap3A_112 = arith.constant 10064 : index
    %swap3A_113 = tpu.vector_load %arg14[%swap3A_112] {strides = array<i32>} : memref<10240xi32, #tpu.memory_space<vmem>>, vector<16xi32>,
    tpu.vector_store %arg14[%swap3A_112], %broadcast_in_dim3A_111 {strides = array<i32>} : memref<10240xi32, #tpu.memory_space<vmem>>, vector<16xi32>,
    %broadcast_in_dim3A_114 = arith.constant 64 : i32
    %broadcast_in_dim3A_115 = vector.broadcast %broadcast_in_dim3A_114 : i32 to vector<16xi32>
    %swap3A_116 = arith.constant 10080 : index
    %swap3A_117 = tpu.vector_load %arg14[%swap3A_116] {strides = array<i32>} : memref<10240xi32, #tpu.memory_space<vmem>>, vector<16xi32>,
    tpu.vector_store %arg14[%swap3A_116], %broadcast_in_dim3A_115 {strides = array<i32>} : memref<10240xi32, #tpu.memory_space<vmem>>, vector<16xi32>,
    %broadcast_in_dim3A_118 = arith.constant 64 : i32
    %broadcast_in_dim3A_119 = vector.broadcast %broadcast_in_dim3A_118 : i32 to vector<16xi32>
    %swap3A_120 = arith.constant 10096 : index
    %swap3A_121 = tpu.vector_load %arg14[%swap3A_120] {strides = array<i32>} : memref<10240xi32, #tpu.memory_space<vmem>>, vector<16xi32>,
    tpu.vector_store %arg14[%swap3A_120], %broadcast_in_dim3A_119 {strides = array<i32>} : memref<10240xi32, #tpu.memory_space<vmem>>, vector<16xi32>,
    %broadcast_in_dim3A_122 = arith.constant 64 : i32
    %broadcast_in_dim3A_123 = vector.broadcast %broadcast_in_dim3A_122 : i32 to vector<16xi32>
    %swap3A_124 = arith.constant 10112 : index
    %swap3A_125 = tpu.vector_load %arg14[%swap3A_124] {strides = array<i32>} : memref<10240xi32, #tpu.memory_space<vmem>>, vector<16xi32>,
    tpu.vector_store %arg14[%swap3A_124], %broadcast_in_dim3A_123 {strides = array<i32>} : memref<10240xi32, #tpu.memory_space<vmem>>, vector<16xi32>,
    %broadcast_in_dim3A_126 = arith.constant 64 : i32
    %broadcast_in_dim3A_127 = vector.broadcast %broadcast_in_dim3A_126 : i32 to vector<16xi32>
    %swap3A_128 = arith.constant 10128 : index
    %swap3A_129 = tpu.vector_load %arg14[%swap3A_128] {strides = array<i32>} : memref<10240xi32, #tpu.memory_space<vmem>>, vector<16xi32>,
    tpu.vector_store %arg14[%swap3A_128], %broadcast_in_dim3A_127 {strides = array<i32>} : memref<10240xi32, #tpu.memory_space<vmem>>, vector<16xi32>,
    %broadcast_in_dim3A_130 = arith.constant 64 : i32
    %broadcast_in_dim3A_131 = vector.broadcast %broadcast_in_dim3A_130 : i32 to vector<16xi32>
    %swap3A_132 = arith.constant 10144 : index
    %swap3A_133 = tpu.vector_load %arg14[%swap3A_132] {strides = array<i32>} : memref<10240xi32, #tpu.memory_space<vmem>>, vector<16xi32>,
    tpu.vector_store %arg14[%swap3A_132], %broadcast_in_dim3A_131 {strides = array<i32>} : memref<10240xi32, #tpu.memory_space<vmem>>, vector<16xi32>,
    %broadcast_in_dim3A_134 = arith.constant 64 : i32
    %broadcast_in_dim3A_135 = vector.broadcast %broadcast_in_dim3A_134 : i32 to vector<16xi32>
    %swap3A_136 = arith.constant 10160 : index
    %swap3A_137 = tpu.vector_load %arg14[%swap3A_136] {strides = array<i32>} : memref<10240xi32, #tpu.memory_space<vmem>>, vector<16xi32>,
    tpu.vector_store %arg14[%swap3A_136], %broadcast_in_dim3A_135 {strides = array<i32>} : memref<10240xi32, #tpu.memory_space<vmem>>, vector<16xi32>,
    %broadcast_in_dim3A_138 = arith.constant 64 : i32
    %broadcast_in_dim3A_139 = vector.broadcast %broadcast_in_dim3A_138 : i32 to vector<16xi32>
    %swap3A_140 = arith.constant 10176 : index
    %swap3A_141 = tpu.vector_load %arg14[%swap3A_140] {strides = array<i32>} : memref<10240xi32, #tpu.memory_space<vmem>>, vector<16xi32>,
    tpu.vector_store %arg14[%swap3A_140], %broadcast_in_dim3A_139 {strides = array<i32>} : memref<10240xi32, #tpu.memory_space<vmem>>, vector<16xi32>,
    %broadcast_in_dim3A_142 = arith.constant 64 : i32
    %broadcast_in_dim3A_143 = vector.broadcast %broadcast_in_dim3A_142 : i32 to vector<16xi32>
    %swap3A_144 = arith.constant 10192 : index
    %swap3A_145 = tpu.vector_load %arg14[%swap3A_144] {strides = array<i32>} : memref<10240xi32, #tpu.memory_space<vmem>>, vector<16xi32>,
    tpu.vector_store %arg14[%swap3A_144], %broadcast_in_dim3A_143 {strides = array<i32>} : memref<10240xi32, #tpu.memory_space<vmem>>, vector<16xi32>,
    %broadcast_in_dim3A_146 = arith.constant 64 : i32
    %broadcast_in_dim3A_147 = vector.broadcast %broadcast_in_dim3A_146 : i32 to vector<16xi32>
    %swap3A_148 = arith.constant 10208 : index
    %swap3A_149 = tpu.vector_load %arg14[%swap3A_148] {strides = array<i32>} : memref<10240xi32, #tpu.memory_space<vmem>>, vector<16xi32>,
    tpu.vector_store %arg14[%swap3A_148], %broadcast_in_dim3A_147 {strides = array<i32>} : memref<10240xi32, #tpu.memory_space<vmem>>, vector<16xi32>,
    %broadcast_in_dim3A_150 = arith.constant 64 : i32
    %broadcast_in_dim3A_151 = vector.broadcast %broadcast_in_dim3A_150 : i32 to vector<16xi32>
    %swap3A_152 = arith.constant 10224 : index
    %swap3A_153 = tpu.vector_load %arg14[%swap3A_152] {strides = array<i32>} : memref<10240xi32, #tpu.memory_space<vmem>>, vector<16xi32>,
    tpu.vector_store %arg14[%swap3A_152], %broadcast_in_dim3A_151 {strides = array<i32>} : memref<10240xi32, #tpu.memory_space<vmem>>, vector<16xi32>,
    %scan3A_154 = arith.constant 0 : i32
    %scan3A_155 = arith.constant 0 : i32
    %scan3A_156 = arith.constant 40 : i32
    %scan3A_157 = arith.addi %scan3A_155, %scan3A_156 : i32
    %scan3A_158 = arith.constant 1 : i32
    %scan3A_159 = scf.for %scan3A_458 = %scan3A_155 to %scan3A_157 step %scan3A_158 iter_args(%scan3A_459 = %scan3A_154) -> (i32)  : i32 {
      %mul3A_460 = arith.constant 16 : i32
      %mul3A_461 = arith.muli %scan3A_458, %mul3A_460 : i32
      %add3A_462 = arith.addi %mul3A_0, %mul3A_461 : i32
      %get3A_463 = arith.index_cast %add3A_462 : i32 to index
      %get3A_464 = tpu.vector_load %arg14[%get3A_463] {strides = array<i32>} : memref<10240xi32, #tpu.memory_space<vmem>>, vector<16xi32>,
      %broadcast_in_dim3A_465 = arith.constant 1.000000e+00 : f32
      %broadcast_in_dim3A_466 = vector.broadcast %broadcast_in_dim3A_465 : f32 to vector<16xf32>
      tpu.vector_store_idx %arg17[%get3A_464], %broadcast_in_dim3A_466 {add = true} : memref<128xf32, #tpu.memory_space<vmem>>[vector<16xi32>], vector<16xf32>,
      %scan3A_467 = arith.constant 0 : i32
      scf.yield %scan3A_467 : i32
    }
    %scan3A_160 = arith.constant 40 : i32
    "tpu.region"() ({
      %run_scoped3A_458 = tpu.sem_alloc : memref<!tpu.dma_semaphore, #tpu.memory_space<semaphore_mem>>
      %dma_start3A_459 = arith.constant 0 : i32
      %dma_start3A_460 = tpu.memref_slice %arg10[%arg1, %dma_start3A_459] : memref<16x128xf32, #tpu.memory_space<vmem_shared>> -> memref<1x128xf32, #tpu.memory_space<vmem_shared>>
      %dma_start3A_461 = tpu.memref_squeeze %dma_start3A_460 : memref<1x128xf32, #tpu.memory_space<vmem_shared>> -> memref<128xf32, #tpu.memory_space<vmem_shared>>
      %dma_start3A_462 = arith.constant 0 : i32
      %dma_start3A_463 = tpu.memref_slice %arg10[%arg1, %dma_start3A_462] : memref<16x128xf32, #tpu.memory_space<vmem_shared>> -> memref<1x128xf32, #tpu.memory_space<vmem_shared>>
      %dma_start3A_464 = tpu.memref_squeeze %dma_start3A_463 : memref<1x128xf32, #tpu.memory_space<vmem_shared>> -> memref<128xf32, #tpu.memory_space<vmem_shared>>
      tpu.enqueue_dma source(%arg17 : memref<128xf32, #tpu.memory_space<vmem>>) target(%dma_start3A_464 : memref<128xf32, #tpu.memory_space<vmem_shared>>) target_semaphore(%run_scoped3A_458 : memref<!tpu.dma_semaphore, #tpu.memory_space<semaphore_mem>>)
      %dma_wait3A_465 = arith.constant 0 : i32
      %dma_wait3A_466 = tpu.memref_slice %arg10[%arg1, %dma_wait3A_465] : memref<16x128xf32, #tpu.memory_space<vmem_shared>> -> memref<1x128xf32, #tpu.memory_space<vmem_shared>>
      %dma_wait3A_467 = tpu.memref_squeeze %dma_wait3A_466 : memref<1x128xf32, #tpu.memory_space<vmem_shared>> -> memref<128xf32, #tpu.memory_space<vmem_shared>>
      %dma_wait3A_468 = arith.constant 0 : i32
      %dma_wait3A_469 = tpu.memref_slice %arg10[%arg1, %dma_wait3A_468] : memref<16x128xf32, #tpu.memory_space<vmem_shared>> -> memref<1x128xf32, #tpu.memory_space<vmem_shared>>
      %dma_wait3A_470 = tpu.memref_squeeze %dma_wait3A_469 : memref<1x128xf32, #tpu.memory_space<vmem_shared>> -> memref<128xf32, #tpu.memory_space<vmem_shared>>
      tpu.wait_dma2 semaphore(%run_scoped3A_458 : memref<!tpu.dma_semaphore, #tpu.memory_space<semaphore_mem>>) src(%arg17 : memref<128xf32, #tpu.memory_space<vmem>>) dst(%dma_wait3A_470 : memref<128xf32, #tpu.memory_space<vmem_shared>>)
      tpu.yield
    }) : () -> ()
    %dma_wait3A_161 = arith.constant 0 : i32
    %dma_wait3A_162 = tpu.memref_slice %arg12[%dma_wait3A_161] : memref<30000xi32, #tpu.memory_space<vmem>> -> memref<20000xi32, #tpu.memory_space<vmem>>
    %dma_wait3A_163 = tpu.memref_slice %arg2[%add3A_11] : memref<640000xi32, #tpu.memory_space<hbm>> -> memref<20000xi32, #tpu.memory_space<hbm>>
    %dma_wait3A_164 = arith.constant 0 : i32
    %dma_wait3A_165 = tpu.memref_slice %arg12[%dma_wait3A_164] : memref<30000xi32, #tpu.memory_space<vmem>> -> memref<20000xi32, #tpu.memory_space<vmem>>
    %dma_wait3A_166 = tpu.memref_slice %arg2[%add3A_11] : memref<640000xi32, #tpu.memory_space<hbm>> -> memref<20000xi32, #tpu.memory_space<hbm>>
    tpu.wait_dma2 semaphore(%arg22 : memref<!tpu.dma_semaphore, #tpu.memory_space<semaphore_mem>>) src(%dma_wait3A_166 : memref<20000xi32, #tpu.memory_space<hbm>>) dst(%dma_wait3A_165 : memref<20000xi32, #tpu.memory_space<vmem>>)
    %scan3A_167 = arith.constant 0 : i32
    %scan3A_168 = arith.constant 0 : i32
    %scan3A_169 = arith.constant 125 : i32
    %scan3A_170 = arith.addi %scan3A_168, %scan3A_169 : i32
    %scan3A_171 = arith.constant 1 : i32
    %scan3A_172 = scf.for %scan3A_458 = %scan3A_168 to %scan3A_170 step %scan3A_171 iter_args(%scan3A_459 = %scan3A_167) -> (i32)  : i32 {
      %mul3A_460 = arith.constant 10 : i32
      %mul3A_461 = arith.muli %scan3A_458, %mul3A_460 : i32
      %add3A_462 = arith.constant 0 : i32
      %add3A_463 = arith.addi %mul3A_461, %add3A_462 : i32
      %mul3A_464 = arith.constant 16 : i32
      %mul3A_465 = arith.muli %add3A_463, %mul3A_464 : i32
      %get3A_466 = arith.index_cast %mul3A_465 : i32 to index
      %get3A_467 = tpu.vector_load %arg12[%get3A_466] {strides = array<i32>} : memref<30000xi32, #tpu.memory_space<vmem>>, vector<16xi32>,
      %broadcast_in_dim3A_468 = arith.constant 1.000000e+00 : f32
      %broadcast_in_dim3A_469 = vector.broadcast %broadcast_in_dim3A_468 : f32 to vector<16xf32>
      tpu.vector_store_idx %arg13[%get3A_467], %broadcast_in_dim3A_469 {add = true} : memref<10240xf32, #tpu.memory_space<vmem>>[vector<16xi32>], vector<16xf32>,
      %mul3A_470 = arith.constant 10 : i32
      %mul3A_471 = arith.muli %scan3A_458, %mul3A_470 : i32
      %add3A_472 = arith.constant 1 : i32
      %add3A_473 = arith.addi %mul3A_471, %add3A_472 : i32
      %mul3A_474 = arith.constant 16 : i32
      %mul3A_475 = arith.muli %add3A_473, %mul3A_474 : i32
      %get3A_476 = arith.index_cast %mul3A_475 : i32 to index
      %get3A_477 = tpu.vector_load %arg12[%get3A_476] {strides = array<i32>} : memref<30000xi32, #tpu.memory_space<vmem>>, vector<16xi32>,
      %broadcast_in_dim3A_478 = arith.constant 1.000000e+00 : f32
      %broadcast_in_dim3A_479 = vector.broadcast %broadcast_in_dim3A_478 : f32 to vector<16xf32>
      tpu.vector_store_idx %arg13[%get3A_477], %broadcast_in_dim3A_479 {add = true} : memref<10240xf32, #tpu.memory_space<vmem>>[vector<16xi32>], vector<16xf32>,
      %mul3A_480 = arith.constant 10 : i32
      %mul3A_481 = arith.muli %scan3A_458, %mul3A_480 : i32
      %add3A_482 = arith.constant 2 : i32
      %add3A_483 = arith.addi %mul3A_481, %add3A_482 : i32
      %mul3A_484 = arith.constant 16 : i32
      %mul3A_485 = arith.muli %add3A_483, %mul3A_484 : i32
      %get3A_486 = arith.index_cast %mul3A_485 : i32 to index
      %get3A_487 = tpu.vector_load %arg12[%get3A_486] {strides = array<i32>} : memref<30000xi32, #tpu.memory_space<vmem>>, vector<16xi32>,
      %broadcast_in_dim3A_488 = arith.constant 1.000000e+00 : f32
      %broadcast_in_dim3A_489 = vector.broadcast %broadcast_in_dim3A_488 : f32 to vector<16xf32>
      tpu.vector_store_idx %arg13[%get3A_487], %broadcast_in_dim3A_489 {add = true} : memref<10240xf32, #tpu.memory_space<vmem>>[vector<16xi32>], vector<16xf32>,
      %mul3A_490 = arith.constant 10 : i32
      %mul3A_491 = arith.muli %scan3A_458, %mul3A_490 : i32
      %add3A_492 = arith.constant 3 : i32
      %add3A_493 = arith.addi %mul3A_491, %add3A_492 : i32
      %mul3A_494 = arith.constant 16 : i32
      %mul3A_495 = arith.muli %add3A_493, %mul3A_494 : i32
      %get3A_496 = arith.index_cast %mul3A_495 : i32 to index
      %get3A_497 = tpu.vector_load %arg12[%get3A_496] {strides = array<i32>} : memref<30000xi32, #tpu.memory_space<vmem>>, vector<16xi32>,
      %broadcast_in_dim3A_498 = arith.constant 1.000000e+00 : f32
      %broadcast_in_dim3A_499 = vector.broadcast %broadcast_in_dim3A_498 : f32 to vector<16xf32>
      tpu.vector_store_idx %arg13[%get3A_497], %broadcast_in_dim3A_499 {add = true} : memref<10240xf32, #tpu.memory_space<vmem>>[vector<16xi32>], vector<16xf32>,
      %mul3A_500 = arith.constant 10 : i32
      %mul3A_501 = arith.muli %scan3A_458, %mul3A_500 : i32
      %add3A_502 = arith.constant 4 : i32
      %add3A_503 = arith.addi %mul3A_501, %add3A_502 : i32
      %mul3A_504 = arith.constant 16 : i32
      %mul3A_505 = arith.muli %add3A_503, %mul3A_504 : i32
      %get3A_506 = arith.index_cast %mul3A_505 : i32 to index
      %get3A_507 = tpu.vector_load %arg12[%get3A_506] {strides = array<i32>} : memref<30000xi32, #tpu.memory_space<vmem>>, vector<16xi32>,
      %broadcast_in_dim3A_508 = arith.constant 1.000000e+00 : f32
      %broadcast_in_dim3A_509 = vector.broadcast %broadcast_in_dim3A_508 : f32 to vector<16xf32>
      tpu.vector_store_idx %arg13[%get3A_507], %broadcast_in_dim3A_509 {add = true} : memref<10240xf32, #tpu.memory_space<vmem>>[vector<16xi32>], vector<16xf32>,
      %mul3A_510 = arith.constant 10 : i32
      %mul3A_511 = arith.muli %scan3A_458, %mul3A_510 : i32
      %add3A_512 = arith.constant 5 : i32
      %add3A_513 = arith.addi %mul3A_511, %add3A_512 : i32
      %mul3A_514 = arith.constant 16 : i32
      %mul3A_515 = arith.muli %add3A_513, %mul3A_514 : i32
      %get3A_516 = arith.index_cast %mul3A_515 : i32 to index
      %get3A_517 = tpu.vector_load %arg12[%get3A_516] {strides = array<i32>} : memref<30000xi32, #tpu.memory_space<vmem>>, vector<16xi32>,
      %broadcast_in_dim3A_518 = arith.constant 1.000000e+00 : f32
      %broadcast_in_dim3A_519 = vector.broadcast %broadcast_in_dim3A_518 : f32 to vector<16xf32>
      tpu.vector_store_idx %arg13[%get3A_517], %broadcast_in_dim3A_519 {add = true} : memref<10240xf32, #tpu.memory_space<vmem>>[vector<16xi32>], vector<16xf32>,
      %mul3A_520 = arith.constant 10 : i32
      %mul3A_521 = arith.muli %scan3A_458, %mul3A_520 : i32
      %add3A_522 = arith.constant 6 : i32
      %add3A_523 = arith.addi %mul3A_521, %add3A_522 : i32
      %mul3A_524 = arith.constant 16 : i32
      %mul3A_525 = arith.muli %add3A_523, %mul3A_524 : i32
      %get3A_526 = arith.index_cast %mul3A_525 : i32 to index
      %get3A_527 = tpu.vector_load %arg12[%get3A_526] {strides = array<i32>} : memref<30000xi32, #tpu.memory_space<vmem>>, vector<16xi32>,
      %broadcast_in_dim3A_528 = arith.constant 1.000000e+00 : f32
      %broadcast_in_dim3A_529 = vector.broadcast %broadcast_in_dim3A_528 : f32 to vector<16xf32>
      tpu.vector_store_idx %arg13[%get3A_527], %broadcast_in_dim3A_529 {add = true} : memref<10240xf32, #tpu.memory_space<vmem>>[vector<16xi32>], vector<16xf32>,
      %mul3A_530 = arith.constant 10 : i32
      %mul3A_531 = arith.muli %scan3A_458, %mul3A_530 : i32
      %add3A_532 = arith.constant 7 : i32
      %add3A_533 = arith.addi %mul3A_531, %add3A_532 : i32
      %mul3A_534 = arith.constant 16 : i32
      %mul3A_535 = arith.muli %add3A_533, %mul3A_534 : i32
      %get3A_536 = arith.index_cast %mul3A_535 : i32 to index
      %get3A_537 = tpu.vector_load %arg12[%get3A_536] {strides = array<i32>} : memref<30000xi32, #tpu.memory_space<vmem>>, vector<16xi32>,
      %broadcast_in_dim3A_538 = arith.constant 1.000000e+00 : f32
      %broadcast_in_dim3A_539 = vector.broadcast %broadcast_in_dim3A_538 : f32 to vector<16xf32>
      tpu.vector_store_idx %arg13[%get3A_537], %broadcast_in_dim3A_539 {add = true} : memref<10240xf32, #tpu.memory_space<vmem>>[vector<16xi32>], vector<16xf32>,
      %mul3A_540 = arith.constant 10 : i32
      %mul3A_541 = arith.muli %scan3A_458, %mul3A_540 : i32
      %add3A_542 = arith.constant 8 : i32
      %add3A_543 = arith.addi %mul3A_541, %add3A_542 : i32
      %mul3A_544 = arith.constant 16 : i32
      %mul3A_545 = arith.muli %add3A_543, %mul3A_544 : i32
      %get3A_546 = arith.index_cast %mul3A_545 : i32 to index
      %get3A_547 = tpu.vector_load %arg12[%get3A_546] {strides = array<i32>} : memref<30000xi32, #tpu.memory_space<vmem>>, vector<16xi32>,
      %broadcast_in_dim3A_548 = arith.constant 1.000000e+00 : f32
      %broadcast_in_dim3A_549 = vector.broadcast %broadcast_in_dim3A_548 : f32 to vector<16xf32>
      tpu.vector_store_idx %arg13[%get3A_547], %broadcast_in_dim3A_549 {add = true} : memref<10240xf32, #tpu.memory_space<vmem>>[vector<16xi32>], vector<16xf32>,
      %mul3A_550 = arith.constant 10 : i32
      %mul3A_551 = arith.muli %scan3A_458, %mul3A_550 : i32
      %add3A_552 = arith.constant 9 : i32
      %add3A_553 = arith.addi %mul3A_551, %add3A_552 : i32
      %mul3A_554 = arith.constant 16 : i32
      %mul3A_555 = arith.muli %add3A_553, %mul3A_554 : i32
      %get3A_556 = arith.index_cast %mul3A_555 : i32 to index
      %get3A_557 = tpu.vector_load %arg12[%get3A_556] {strides = array<i32>} : memref<30000xi32, #tpu.memory_space<vmem>>, vector<16xi32>,
      %broadcast_in_dim3A_558 = arith.constant 1.000000e+00 : f32
      %broadcast_in_dim3A_559 = vector.broadcast %broadcast_in_dim3A_558 : f32 to vector<16xf32>
      tpu.vector_store_idx %arg13[%get3A_557], %broadcast_in_dim3A_559 {add = true} : memref<10240xf32, #tpu.memory_space<vmem>>[vector<16xi32>], vector<16xf32>,
      %scan3A_560 = arith.constant 0 : i32
      scf.yield %scan3A_560 : i32
    }
    %scan3A_173 = arith.constant 125 : i32
    "tpu.region"() ({
      %run_scoped3A_458 = tpu.sem_alloc : memref<!tpu.dma_semaphore, #tpu.memory_space<semaphore_mem>>
      %dma_start3A_459 = arith.constant 0 : i32
      %dma_start3A_460 = tpu.memref_slice %arg8[%arg1, %dma_start3A_459] : memref<16x10240xf32, #tpu.memory_space<vmem_shared>> -> memref<1x10240xf32, #tpu.memory_space<vmem_shared>>
      %dma_start3A_461 = tpu.memref_squeeze %dma_start3A_460 : memref<1x10240xf32, #tpu.memory_space<vmem_shared>> -> memref<10240xf32, #tpu.memory_space<vmem_shared>>
      %dma_start3A_462 = arith.constant 0 : i32
      %dma_start3A_463 = tpu.memref_slice %arg8[%arg1, %dma_start3A_462] : memref<16x10240xf32, #tpu.memory_space<vmem_shared>> -> memref<1x10240xf32, #tpu.memory_space<vmem_shared>>
      %dma_start3A_464 = tpu.memref_squeeze %dma_start3A_463 : memref<1x10240xf32, #tpu.memory_space<vmem_shared>> -> memref<10240xf32, #tpu.memory_space<vmem_shared>>
      tpu.enqueue_dma source(%arg13 : memref<10240xf32, #tpu.memory_space<vmem>>) target(%dma_start3A_464 : memref<10240xf32, #tpu.memory_space<vmem_shared>>) target_semaphore(%run_scoped3A_458 : memref<!tpu.dma_semaphore, #tpu.memory_space<semaphore_mem>>)
      %dma_wait3A_465 = arith.constant 0 : i32
      %dma_wait3A_466 = tpu.memref_slice %arg8[%arg1, %dma_wait3A_465] : memref<16x10240xf32, #tpu.memory_space<vmem_shared>> -> memref<1x10240xf32, #tpu.memory_space<vmem_shared>>
      %dma_wait3A_467 = tpu.memref_squeeze %dma_wait3A_466 : memref<1x10240xf32, #tpu.memory_space<vmem_shared>> -> memref<10240xf32, #tpu.memory_space<vmem_shared>>
      %dma_wait3A_468 = arith.constant 0 : i32
      %dma_wait3A_469 = tpu.memref_slice %arg8[%arg1, %dma_wait3A_468] : memref<16x10240xf32, #tpu.memory_space<vmem_shared>> -> memref<1x10240xf32, #tpu.memory_space<vmem_shared>>
      %dma_wait3A_470 = tpu.memref_squeeze %dma_wait3A_469 : memref<1x10240xf32, #tpu.memory_space<vmem_shared>> -> memref<10240xf32, #tpu.memory_space<vmem_shared>>
      tpu.wait_dma2 semaphore(%run_scoped3A_458 : memref<!tpu.dma_semaphore, #tpu.memory_space<semaphore_mem>>) src(%arg13 : memref<10240xf32, #tpu.memory_space<vmem>>) dst(%dma_wait3A_470 : memref<10240xf32, #tpu.memory_space<vmem_shared>>)
      tpu.yield
    }) : () -> ()
    %dma_wait3A_174 = arith.constant 20000 : i32
    %dma_wait3A_175 = tpu.memref_slice %arg12[%dma_wait3A_174] : memref<30000xi32, #tpu.memory_space<vmem>> -> memref<10000xi32, #tpu.memory_space<vmem>>
    %dma_wait3A_176 = tpu.memref_slice %arg2[%add3A] : memref<640000xi32, #tpu.memory_space<hbm>> -> memref<10000xi32, #tpu.memory_space<hbm>>
    %dma_wait3A_177 = arith.constant 20000 : i32
    %dma_wait3A_178 = tpu.memref_slice %arg12[%dma_wait3A_177] : memref<30000xi32, #tpu.memory_space<vmem>> -> memref<10000xi32, #tpu.memory_space<vmem>>
    %dma_wait3A_179 = tpu.memref_slice %arg2[%add3A] : memref<640000xi32, #tpu.memory_space<hbm>> -> memref<10000xi32, #tpu.memory_space<hbm>>
    tpu.wait_dma2 semaphore(%arg23 : memref<!tpu.dma_semaphore, #tpu.memory_space<semaphore_mem>>) src(%dma_wait3A_179 : memref<10000xi32, #tpu.memory_space<hbm>>) dst(%dma_wait3A_178 : memref<10000xi32, #tpu.memory_space<vmem>>)
    %mul3A_180 = arith.constant 41600 : i32
    %mul3A_181 = arith.muli %arg1, %mul3A_180 : i32
    %add3A_182 = arith.constant 0 : i32
    %add3A_183 = arith.addi %mul3A_181, %add3A_182 : i32
    %dma_wait3A_184 = tpu.memref_slice %arg7[%add3A_183] : memref<665600xf32, #tpu.memory_space<vmem_shared>> -> memref<10400xf32, #tpu.memory_space<vmem_shared>>
    %dma_wait3A_185 = tpu.memref_slice %arg7[%add3A_183] : memref<665600xf32, #tpu.memory_space<vmem_shared>> -> memref<10400xf32, #tpu.memory_space<vmem_shared>>
    tpu.wait_dma2 semaphore(%arg24 : memref<!tpu.dma_semaphore, #tpu.memory_space<semaphore_mem>>) src(%arg11 : memref<10400xf32, #tpu.memory_space<vmem>>) dst(%dma_wait3A_185 : memref<10400xf32, #tpu.memory_space<vmem_shared>>)
    %mul3A_186 = arith.constant 41600 : i32
    %mul3A_187 = arith.muli %arg1, %mul3A_186 : i32
    %add3A_188 = arith.constant 10400 : i32
    %add3A_189 = arith.addi %mul3A_187, %add3A_188 : i32
    %dma_wait3A_190 = tpu.memref_slice %arg7[%add3A_189] : memref<665600xf32, #tpu.memory_space<vmem_shared>> -> memref<10400xf32, #tpu.memory_space<vmem_shared>>
    %dma_wait3A_191 = tpu.memref_slice %arg7[%add3A_189] : memref<665600xf32, #tpu.memory_space<vmem_shared>> -> memref<10400xf32, #tpu.memory_space<vmem_shared>>
    tpu.wait_dma2 semaphore(%arg24 : memref<!tpu.dma_semaphore, #tpu.memory_space<semaphore_mem>>) src(%arg11 : memref<10400xf32, #tpu.memory_space<vmem>>) dst(%dma_wait3A_191 : memref<10400xf32, #tpu.memory_space<vmem_shared>>)
    %mul3A_192 = arith.constant 41600 : i32
    %mul3A_193 = arith.muli %arg1, %mul3A_192 : i32
    %add3A_194 = arith.constant 20800 : i32
    %add3A_195 = arith.addi %mul3A_193, %add3A_194 : i32
    %dma_wait3A_196 = tpu.memref_slice %arg7[%add3A_195] : memref<665600xf32, #tpu.memory_space<vmem_shared>> -> memref<10400xf32, #tpu.memory_space<vmem_shared>>
    %dma_wait3A_197 = tpu.memref_slice %arg7[%add3A_195] : memref<665600xf32, #tpu.memory_space<vmem_shared>> -> memref<10400xf32, #tpu.memory_space<vmem_shared>>
    tpu.wait_dma2 semaphore(%arg24 : memref<!tpu.dma_semaphore, #tpu.memory_space<semaphore_mem>>) src(%arg11 : memref<10400xf32, #tpu.memory_space<vmem>>) dst(%dma_wait3A_197 : memref<10400xf32, #tpu.memory_space<vmem_shared>>)
    %mul3A_198 = arith.constant 41600 : i32
    %mul3A_199 = arith.muli %arg1, %mul3A_198 : i32
    %add3A_200 = arith.constant 31200 : i32
    %add3A_201 = arith.addi %mul3A_199, %add3A_200 : i32
    %dma_wait3A_202 = tpu.memref_slice %arg7[%add3A_201] : memref<665600xf32, #tpu.memory_space<vmem_shared>> -> memref<10400xf32, #tpu.memory_space<vmem_shared>>
    %dma_wait3A_203 = tpu.memref_slice %arg7[%add3A_201] : memref<665600xf32, #tpu.memory_space<vmem_shared>> -> memref<10400xf32, #tpu.memory_space<vmem_shared>>
    tpu.wait_dma2 semaphore(%arg24 : memref<!tpu.dma_semaphore, #tpu.memory_space<semaphore_mem>>) src(%arg11 : memref<10400xf32, #tpu.memory_space<vmem>>) dst(%dma_wait3A_203 : memref<10400xf32, #tpu.memory_space<vmem_shared>>)
    %barrier3A = arith.constant 0 : index
    tpu.barrier barrier_id(%barrier3A)
    "tpu.region"() ({
      %run_scoped3A_458 = tpu.sem_alloc : memref<!tpu.dma_semaphore, #tpu.memory_space<semaphore_mem>>
      %dma_start3A_459 = arith.constant 0 : i32
      %dma_start3A_460 = tpu.memref_slice %arg8[%dma_start3A_459, %mul3A_0] : memref<16x10240xf32, #tpu.memory_space<vmem_shared>> -> memref<16x640xf32, #tpu.memory_space<vmem_shared>>
      %dma_start3A_461 = arith.constant 0 : i32
      %dma_start3A_462 = tpu.memref_slice %arg8[%dma_start3A_461, %mul3A_0] : memref<16x10240xf32, #tpu.memory_space<vmem_shared>> -> memref<16x640xf32, #tpu.memory_space<vmem_shared>>
      tpu.enqueue_dma source(%dma_start3A_462 : memref<16x640xf32, #tpu.memory_space<vmem_shared>>) target(%arg16 : memref<16x640xf32, #tpu.memory_space<vmem>>) target_semaphore(%run_scoped3A_458 : memref<!tpu.dma_semaphore, #tpu.memory_space<semaphore_mem>>)
      %dma_wait3A_463 = arith.constant 0 : i32
      %dma_wait3A_464 = tpu.memref_slice %arg8[%dma_wait3A_463, %mul3A_0] : memref<16x10240xf32, #tpu.memory_space<vmem_shared>> -> memref<16x640xf32, #tpu.memory_space<vmem_shared>>
      %dma_wait3A_465 = arith.constant 0 : i32
      %dma_wait3A_466 = tpu.memref_slice %arg8[%dma_wait3A_465, %mul3A_0] : memref<16x10240xf32, #tpu.memory_space<vmem_shared>> -> memref<16x640xf32, #tpu.memory_space<vmem_shared>>
      tpu.wait_dma2 semaphore(%run_scoped3A_458 : memref<!tpu.dma_semaphore, #tpu.memory_space<semaphore_mem>>) src(%dma_wait3A_466 : memref<16x640xf32, #tpu.memory_space<vmem_shared>>) dst(%arg16 : memref<16x640xf32, #tpu.memory_space<vmem>>)
      tpu.yield
    }) : () -> ()
    %scan3A_204 = arith.constant 0 : i32
    %scan3A_205 = arith.constant 0 : i32
    %scan3A_206 = arith.constant 40 : i32
    %scan3A_207 = arith.addi %scan3A_205, %scan3A_206 : i32
    %scan3A_208 = arith.constant 1 : i32
    %scan3A_209 = scf.for %scan3A_458 = %scan3A_205 to %scan3A_207 step %scan3A_208 iter_args(%scan3A_459 = %scan3A_204) -> (i32)  : i32 {
      %mul3A_460 = arith.constant 16 : i32
      %mul3A_461 = arith.muli %scan3A_458, %mul3A_460 : i32
      %get3A_462 = arith.constant 0 : i32
      %get3A_463 = arith.index_cast %get3A_462 : i32 to index
      %get3A_464 = arith.index_cast %mul3A_461 : i32 to index
      %get3A_465 = tpu.vector_load %arg16[%get3A_463, %get3A_464] {strides = array<i32>} : memref<16x640xf32, #tpu.memory_space<vmem>>, vector<16xf32>,
      %get3A_466 = arith.constant 1 : i32
      %get3A_467 = arith.index_cast %get3A_466 : i32 to index
      %get3A_468 = arith.index_cast %mul3A_461 : i32 to index
      %get3A_469 = tpu.vector_load %arg16[%get3A_467, %get3A_468] {strides = array<i32>} : memref<16x640xf32, #tpu.memory_space<vmem>>, vector<16xf32>,
      %add3A_470 = arith.addf %get3A_465, %get3A_469 : vector<16xf32>
      %get3A_471 = arith.constant 2 : i32
      %get3A_472 = arith.index_cast %get3A_471 : i32 to index
      %get3A_473 = arith.index_cast %mul3A_461 : i32 to index
      %get3A_474 = tpu.vector_load %arg16[%get3A_472, %get3A_473] {strides = array<i32>} : memref<16x640xf32, #tpu.memory_space<vmem>>, vector<16xf32>,
      %add3A_475 = arith.addf %add3A_470, %get3A_474 : vector<16xf32>
      %get3A_476 = arith.constant 3 : i32
      %get3A_477 = arith.index_cast %get3A_476 : i32 to index
      %get3A_478 = arith.index_cast %mul3A_461 : i32 to index
      %get3A_479 = tpu.vector_load %arg16[%get3A_477, %get3A_478] {strides = array<i32>} : memref<16x640xf32, #tpu.memory_space<vmem>>, vector<16xf32>,
      %add3A_480 = arith.addf %add3A_475, %get3A_479 : vector<16xf32>
      %get3A_481 = arith.constant 4 : i32
      %get3A_482 = arith.index_cast %get3A_481 : i32 to index
      %get3A_483 = arith.index_cast %mul3A_461 : i32 to index
      %get3A_484 = tpu.vector_load %arg16[%get3A_482, %get3A_483] {strides = array<i32>} : memref<16x640xf32, #tpu.memory_space<vmem>>, vector<16xf32>,
      %add3A_485 = arith.addf %add3A_480, %get3A_484 : vector<16xf32>
      %get3A_486 = arith.constant 5 : i32
      %get3A_487 = arith.index_cast %get3A_486 : i32 to index
      %get3A_488 = arith.index_cast %mul3A_461 : i32 to index
      %get3A_489 = tpu.vector_load %arg16[%get3A_487, %get3A_488] {strides = array<i32>} : memref<16x640xf32, #tpu.memory_space<vmem>>, vector<16xf32>,
      %add3A_490 = arith.addf %add3A_485, %get3A_489 : vector<16xf32>
      %get3A_491 = arith.constant 6 : i32
      %get3A_492 = arith.index_cast %get3A_491 : i32 to index
      %get3A_493 = arith.index_cast %mul3A_461 : i32 to index
      %get3A_494 = tpu.vector_load %arg16[%get3A_492, %get3A_493] {strides = array<i32>} : memref<16x640xf32, #tpu.memory_space<vmem>>, vector<16xf32>,
      %add3A_495 = arith.addf %add3A_490, %get3A_494 : vector<16xf32>
      %get3A_496 = arith.constant 7 : i32
      %get3A_497 = arith.index_cast %get3A_496 : i32 to index
      %get3A_498 = arith.index_cast %mul3A_461 : i32 to index
      %get3A_499 = tpu.vector_load %arg16[%get3A_497, %get3A_498] {strides = array<i32>} : memref<16x640xf32, #tpu.memory_space<vmem>>, vector<16xf32>,
      %add3A_500 = arith.addf %add3A_495, %get3A_499 : vector<16xf32>
      %get3A_501 = arith.constant 8 : i32
      %get3A_502 = arith.index_cast %get3A_501 : i32 to index
      %get3A_503 = arith.index_cast %mul3A_461 : i32 to index
      %get3A_504 = tpu.vector_load %arg16[%get3A_502, %get3A_503] {strides = array<i32>} : memref<16x640xf32, #tpu.memory_space<vmem>>, vector<16xf32>,
      %add3A_505 = arith.addf %add3A_500, %get3A_504 : vector<16xf32>
      %get3A_506 = arith.constant 9 : i32
      %get3A_507 = arith.index_cast %get3A_506 : i32 to index
      %get3A_508 = arith.index_cast %mul3A_461 : i32 to index
      %get3A_509 = tpu.vector_load %arg16[%get3A_507, %get3A_508] {strides = array<i32>} : memref<16x640xf32, #tpu.memory_space<vmem>>, vector<16xf32>,
      %add3A_510 = arith.addf %add3A_505, %get3A_509 : vector<16xf32>
      %get3A_511 = arith.constant 10 : i32
      %get3A_512 = arith.index_cast %get3A_511 : i32 to index
      %get3A_513 = arith.index_cast %mul3A_461 : i32 to index
      %get3A_514 = tpu.vector_load %arg16[%get3A_512, %get3A_513] {strides = array<i32>} : memref<16x640xf32, #tpu.memory_space<vmem>>, vector<16xf32>,
      %add3A_515 = arith.addf %add3A_510, %get3A_514 : vector<16xf32>
      %get3A_516 = arith.constant 11 : i32
      %get3A_517 = arith.index_cast %get3A_516 : i32 to index
      %get3A_518 = arith.index_cast %mul3A_461 : i32 to index
      %get3A_519 = tpu.vector_load %arg16[%get3A_517, %get3A_518] {strides = array<i32>} : memref<16x640xf32, #tpu.memory_space<vmem>>, vector<16xf32>,
      %add3A_520 = arith.addf %add3A_515, %get3A_519 : vector<16xf32>
      %get3A_521 = arith.constant 12 : i32
      %get3A_522 = arith.index_cast %get3A_521 : i32 to index
      %get3A_523 = arith.index_cast %mul3A_461 : i32 to index
      %get3A_524 = tpu.vector_load %arg16[%get3A_522, %get3A_523] {strides = array<i32>} : memref<16x640xf32, #tpu.memory_space<vmem>>, vector<16xf32>,
      %add3A_525 = arith.addf %add3A_520, %get3A_524 : vector<16xf32>
      %get3A_526 = arith.constant 13 : i32
      %get3A_527 = arith.index_cast %get3A_526 : i32 to index
      %get3A_528 = arith.index_cast %mul3A_461 : i32 to index
      %get3A_529 = tpu.vector_load %arg16[%get3A_527, %get3A_528] {strides = array<i32>} : memref<16x640xf32, #tpu.memory_space<vmem>>, vector<16xf32>,
      %add3A_530 = arith.addf %add3A_525, %get3A_529 : vector<16xf32>
      %get3A_531 = arith.constant 14 : i32
      %get3A_532 = arith.index_cast %get3A_531 : i32 to index
      %get3A_533 = arith.index_cast %mul3A_461 : i32 to index
      %get3A_534 = tpu.vector_load %arg16[%get3A_532, %get3A_533] {strides = array<i32>} : memref<16x640xf32, #tpu.memory_space<vmem>>, vector<16xf32>,
      %add3A_535 = arith.addf %add3A_530, %get3A_534 : vector<16xf32>
      %get3A_536 = arith.constant 15 : i32
      %get3A_537 = arith.index_cast %get3A_536 : i32 to index
      %get3A_538 = arith.index_cast %mul3A_461 : i32 to index
      %get3A_539 = tpu.vector_load %arg16[%get3A_537, %get3A_538] {strides = array<i32>} : memref<16x640xf32, #tpu.memory_space<vmem>>, vector<16xf32>,
      %add3A_540 = arith.addf %add3A_535, %get3A_539 : vector<16xf32>
      %add3A_541 = arith.constant 1.000000e+00 : f32
      %add3A_542 = vector.broadcast %add3A_541 : f32 to vector<16xf32>
      %add3A_543 = arith.addf %add3A_540, %add3A_542 : vector<16xf32>
      %bitcast3A = vector.bitcast %add3A_543 : vector<16xf32> to vector<16xi32>
      %shift_right_arithmetic3A = arith.constant 1 : i32
      %shift_right_arithmetic3A_544 = vector.broadcast %shift_right_arithmetic3A : i32 to vector<16xi32>
      %shift_right_arithmetic3A_545 = arith.shrsi %bitcast3A, %shift_right_arithmetic3A_544 : vector<16xi32>
      %sub3A = arith.constant 1597463007 : i32
      %sub3A_546 = vector.broadcast %sub3A : i32 to vector<16xi32>
      %sub3A_547 = arith.subi %sub3A_546, %shift_right_arithmetic3A_545 : vector<16xi32>
      %bitcast3A_548 = vector.bitcast %sub3A_547 : vector<16xi32> to vector<16xf32>
      %mul3A_549 = arith.constant 5.000000e-01 : f32
      %mul3A_550 = vector.broadcast %mul3A_549 : f32 to vector<16xf32>
      %mul3A_551 = arith.mulf %mul3A_550, %add3A_543 : vector<16xf32>
      %mul3A_552 = arith.mulf %mul3A_551, %bitcast3A_548 : vector<16xf32>
      %mul3A_553 = arith.mulf %mul3A_552, %bitcast3A_548 : vector<16xf32>
      %sub3A_554 = arith.constant 1.500000e+00 : f32
      %sub3A_555 = vector.broadcast %sub3A_554 : f32 to vector<16xf32>
      %sub3A_556 = arith.subf %sub3A_555, %mul3A_553 : vector<16xf32>
      %mul3A_557 = arith.mulf %bitcast3A_548, %sub3A_556 : vector<16xf32>
      %mul3A_558 = arith.constant 5.000000e-01 : f32
      %mul3A_559 = vector.broadcast %mul3A_558 : f32 to vector<16xf32>
      %mul3A_560 = arith.mulf %mul3A_559, %add3A_543 : vector<16xf32>
      %mul3A_561 = arith.mulf %mul3A_560, %mul3A_557 : vector<16xf32>
      %mul3A_562 = arith.mulf %mul3A_561, %mul3A_557 : vector<16xf32>
      %sub3A_563 = arith.constant 1.500000e+00 : f32
      %sub3A_564 = vector.broadcast %sub3A_563 : f32 to vector<16xf32>
      %sub3A_565 = arith.subf %sub3A_564, %mul3A_562 : vector<16xf32>
      %mul3A_566 = arith.mulf %mul3A_557, %sub3A_565 : vector<16xf32>
      %mul3A_567 = arith.constant 5.000000e-01 : f32
      %mul3A_568 = vector.broadcast %mul3A_567 : f32 to vector<16xf32>
      %mul3A_569 = arith.mulf %mul3A_568, %add3A_543 : vector<16xf32>
      %mul3A_570 = arith.mulf %mul3A_569, %mul3A_566 : vector<16xf32>
      %mul3A_571 = arith.mulf %mul3A_570, %mul3A_566 : vector<16xf32>
      %sub3A_572 = arith.constant 1.500000e+00 : f32
      %sub3A_573 = vector.broadcast %sub3A_572 : f32 to vector<16xf32>
      %sub3A_574 = arith.subf %sub3A_573, %mul3A_571 : vector<16xf32>
      %mul3A_575 = arith.mulf %mul3A_566, %sub3A_574 : vector<16xf32>
      %swap3A_576 = arith.index_cast %mul3A_461 : i32 to index
      %swap3A_577 = tpu.vector_load %arg15[%swap3A_576] {strides = array<i32>} : memref<640xf32, #tpu.memory_space<vmem>>, vector<16xf32>,
      tpu.vector_store %arg15[%swap3A_576], %mul3A_575 {strides = array<i32>} : memref<640xf32, #tpu.memory_space<vmem>>, vector<16xf32>,
      %scan3A_578 = arith.constant 0 : i32
      scf.yield %scan3A_578 : i32
    }
    %scan3A_210 = arith.constant 40 : i32
    "tpu.region"() ({
      %run_scoped3A_458 = tpu.sem_alloc : memref<!tpu.dma_semaphore, #tpu.memory_space<semaphore_mem>>
      %dma_start3A_459 = tpu.memref_slice %arg9[%mul3A_0] : memref<10240xf32, #tpu.memory_space<vmem_shared>> -> memref<640xf32, #tpu.memory_space<vmem_shared>>
      %dma_start3A_460 = tpu.memref_slice %arg9[%mul3A_0] : memref<10240xf32, #tpu.memory_space<vmem_shared>> -> memref<640xf32, #tpu.memory_space<vmem_shared>>
      tpu.enqueue_dma source(%arg15 : memref<640xf32, #tpu.memory_space<vmem>>) target(%dma_start3A_460 : memref<640xf32, #tpu.memory_space<vmem_shared>>) target_semaphore(%run_scoped3A_458 : memref<!tpu.dma_semaphore, #tpu.memory_space<semaphore_mem>>)
      %dma_wait3A_461 = tpu.memref_slice %arg9[%mul3A_0] : memref<10240xf32, #tpu.memory_space<vmem_shared>> -> memref<640xf32, #tpu.memory_space<vmem_shared>>
      %dma_wait3A_462 = tpu.memref_slice %arg9[%mul3A_0] : memref<10240xf32, #tpu.memory_space<vmem_shared>> -> memref<640xf32, #tpu.memory_space<vmem_shared>>
      tpu.wait_dma2 semaphore(%run_scoped3A_458 : memref<!tpu.dma_semaphore, #tpu.memory_space<semaphore_mem>>) src(%arg15 : memref<640xf32, #tpu.memory_space<vmem>>) dst(%dma_wait3A_462 : memref<640xf32, #tpu.memory_space<vmem_shared>>)
      tpu.yield
    }) : () -> ()
    %eq3A = arith.constant 0 : i32
    %eq3A_211 = arith.cmpi eq, %arg0, %eq3A : i32
    %convert_element_type3A = arith.extui %eq3A_211 : i1 to i32
    %cond3A = arith.constant 0 : i32
    %cond3A_212 = arith.cmpi ne, %convert_element_type3A, %cond3A : i32
    scf.if %cond3A_212 {
      %run_scoped3A_458 = arith.constant 0 : i32
      "tpu.region"() ({
        %run_scoped3A_459 = tpu.sem_alloc : memref<!tpu.dma_semaphore, #tpu.memory_space<semaphore_mem>>
        %dma_start3A_460 = tpu.memref_slice %arg6[%run_scoped3A_458, %mul3A_0] : memref<1x10240xf32, #tpu.memory_space<hbm>> -> memref<1x640xf32, #tpu.memory_space<hbm>>
        %dma_start3A_461 = tpu.memref_squeeze %dma_start3A_460 : memref<1x640xf32, #tpu.memory_space<hbm>> -> memref<640xf32, #tpu.memory_space<hbm>>
        %dma_start3A_462 = tpu.memref_slice %arg6[%run_scoped3A_458, %mul3A_0] : memref<1x10240xf32, #tpu.memory_space<hbm>> -> memref<1x640xf32, #tpu.memory_space<hbm>>
        %dma_start3A_463 = tpu.memref_squeeze %dma_start3A_462 : memref<1x640xf32, #tpu.memory_space<hbm>> -> memref<640xf32, #tpu.memory_space<hbm>>
        tpu.enqueue_dma source(%arg15 : memref<640xf32, #tpu.memory_space<vmem>>) target(%dma_start3A_463 : memref<640xf32, #tpu.memory_space<hbm>>) target_semaphore(%run_scoped3A_459 : memref<!tpu.dma_semaphore, #tpu.memory_space<semaphore_mem>>)
        %dma_wait3A_464 = tpu.memref_slice %arg6[%run_scoped3A_458, %mul3A_0] : memref<1x10240xf32, #tpu.memory_space<hbm>> -> memref<1x640xf32, #tpu.memory_space<hbm>>
        %dma_wait3A_465 = tpu.memref_squeeze %dma_wait3A_464 : memref<1x640xf32, #tpu.memory_space<hbm>> -> memref<640xf32, #tpu.memory_space<hbm>>
        %dma_wait3A_466 = tpu.memref_slice %arg6[%run_scoped3A_458, %mul3A_0] : memref<1x10240xf32, #tpu.memory_space<hbm>> -> memref<1x640xf32, #tpu.memory_space<hbm>>
        %dma_wait3A_467 = tpu.memref_squeeze %dma_wait3A_466 : memref<1x640xf32, #tpu.memory_space<hbm>> -> memref<640xf32, #tpu.memory_space<hbm>>
        tpu.wait_dma2 semaphore(%run_scoped3A_459 : memref<!tpu.dma_semaphore, #tpu.memory_space<semaphore_mem>>) src(%arg15 : memref<640xf32, #tpu.memory_space<vmem>>) dst(%dma_wait3A_467 : memref<640xf32, #tpu.memory_space<hbm>>)
        tpu.yield
      }) : () -> ()
    } else {
    }
    %eq3A_213 = arith.constant 0 : i32
    %eq3A_214 = arith.cmpi eq, %arg0, %eq3A_213 : i32
    %eq3A_215 = arith.constant 0 : i32
    %eq3A_216 = arith.cmpi eq, %arg1, %eq3A_215 : i32
    %and3A = arith.andi %eq3A_214, %eq3A_216 : i1
    %convert_element_type3A_217 = arith.extui %and3A : i1 to i32
    %cond3A_218 = arith.constant 0 : i32
    %cond3A_219 = arith.cmpi ne, %convert_element_type3A_217, %cond3A_218 : i32
    scf.if %cond3A_219 {
      "tpu.region"() ({
        %run_scoped3A_458 = tpu.sem_alloc : memref<!tpu.dma_semaphore, #tpu.memory_space<semaphore_mem>>
        tpu.enqueue_dma source(%arg10 : memref<16x128xf32, #tpu.memory_space<vmem_shared>>) target(%arg5 : memref<16x128xf32, #tpu.memory_space<hbm>>) target_semaphore(%run_scoped3A_458 : memref<!tpu.dma_semaphore, #tpu.memory_space<semaphore_mem>>)
        tpu.wait_dma2 semaphore(%run_scoped3A_458 : memref<!tpu.dma_semaphore, #tpu.memory_space<semaphore_mem>>) src(%arg10 : memref<16x128xf32, #tpu.memory_space<vmem_shared>>) dst(%arg5 : memref<16x128xf32, #tpu.memory_space<hbm>>)
        tpu.yield
      }) : () -> ()
    } else {
    }
    %barrier3A_220 = arith.constant 0 : index
    tpu.barrier barrier_id(%barrier3A_220)
    "tpu.region"() ({
      %run_scoped3A_458 = tpu.sem_alloc : memref<!tpu.dma_semaphore, #tpu.memory_space<semaphore_mem>>
      tpu.enqueue_dma source(%arg9 : memref<10240xf32, #tpu.memory_space<vmem_shared>>) target(%arg13 : memref<10240xf32, #tpu.memory_space<vmem>>) target_semaphore(%run_scoped3A_458 : memref<!tpu.dma_semaphore, #tpu.memory_space<semaphore_mem>>)
      tpu.wait_dma2 semaphore(%run_scoped3A_458 : memref<!tpu.dma_semaphore, #tpu.memory_space<semaphore_mem>>) src(%arg9 : memref<10240xf32, #tpu.memory_space<vmem_shared>>) dst(%arg13 : memref<10240xf32, #tpu.memory_space<vmem>>)
      tpu.yield
    }) : () -> ()
    %mul3A_221 = arith.constant 10000 : i32
    %mul3A_222 = arith.muli %arg0, %mul3A_221 : i32
    %scan3A_223 = arith.constant 0 : i32
    %scan3A_224 = arith.constant 0 : i32
    %scan3A_225 = arith.constant 39 : i32
    %scan3A_226 = arith.addi %scan3A_224, %scan3A_225 : i32
    %scan3A_227 = arith.constant 1 : i32
    %scan3A_228 = scf.for %scan3A_458 = %scan3A_224 to %scan3A_226 step %scan3A_227 iter_args(%scan3A_459 = %scan3A_223) -> (i32)  : i32 {
      %jit3A = arith.constant 5 : i32
      %eq3A_460 = arith.constant 0 : i32
      %eq3A_461 = arith.cmpi eq, %jit3A, %eq3A_460 : i32
      %jit3A_462 = arith.constant 1 : i32
      %select_n3A = arith.select %eq3A_461, %jit3A_462, %jit3A : i32
      %rem3A = arith.remsi %scan3A_458, %select_n3A : i32
      %ne3A = arith.constant 0 : i32
      %ne3A_463 = arith.cmpi ne, %rem3A, %ne3A : i32
      %lt3A = arith.constant 0 : i32
      %lt3A_464 = arith.cmpi slt, %rem3A, %lt3A : i32
      %lt3A_465 = arith.constant 0 : i32
      %lt3A_466 = arith.cmpi slt, %select_n3A, %lt3A_465 : i32
      %ne3A_467 = arith.xori %lt3A_464, %lt3A_466 : i1
      %and3A_468 = arith.andi %ne3A_467, %ne3A_463 : i1
      %add3A_469 = arith.addi %rem3A, %select_n3A : i32
      %select_n3A_470 = arith.select %and3A_468, %add3A_469, %rem3A : i32
      %eq3A_471 = arith.constant 0 : i32
      %eq3A_472 = arith.cmpi eq, %select_n3A_470, %eq3A_471 : i32
      %convert_element_type3A_473 = arith.extui %eq3A_472 : i1 to i32
      %cond3A_474 = arith.constant 0 : i32
      %cond3A_475 = arith.cmpi ne, %convert_element_type3A_473, %cond3A_474 : i32
      scf.if %cond3A_475 {
        %ge3A = arith.constant 5 : i32
        %ge3A_561 = arith.cmpi sge, %scan3A_458, %ge3A : i32
        %convert_element_type3A_562 = arith.extui %ge3A_561 : i1 to i32
        %cond3A_563 = arith.constant 0 : i32
        %cond3A_564 = arith.cmpi ne, %convert_element_type3A_562, %cond3A_563 : i32
        scf.if %cond3A_564 {
          %dma_wait3A_1049 = arith.constant 0 : i32
          %dma_wait3A_1050 = arith.constant 0 : i32
          %dma_wait3A_1051 = tpu.memref_slice %arg19[%dma_wait3A_1049, %dma_wait3A_1050] : memref<10x128xf32, #tpu.memory_space<vmem>> -> memref<1x128xf32, #tpu.memory_space<vmem>>
          %dma_wait3A_1052 = tpu.memref_squeeze %dma_wait3A_1051 : memref<1x128xf32, #tpu.memory_space<vmem>> -> memref<128xf32, #tpu.memory_space<vmem>>
          %dma_wait3A_1053 = arith.constant 0 : i32
          %dma_wait3A_1054 = tpu.memref_slice %arg7[%dma_wait3A_1053] : memref<665600xf32, #tpu.memory_space<vmem_shared>> -> memref<128xf32, #tpu.memory_space<vmem_shared>>
          %dma_wait3A_1055 = arith.constant 0 : i32
          %dma_wait3A_1056 = tpu.memref_slice %arg7[%dma_wait3A_1055] : memref<665600xf32, #tpu.memory_space<vmem_shared>> -> memref<128xf32, #tpu.memory_space<vmem_shared>>
          %dma_wait3A_1057 = arith.constant 0 : i32
          %dma_wait3A_1058 = tpu.memref_slice %arg19[%dma_wait3A_1049, %dma_wait3A_1057] : memref<10x128xf32, #tpu.memory_space<vmem>> -> memref<1x128xf32, #tpu.memory_space<vmem>>
          %dma_wait3A_1059 = tpu.memref_squeeze %dma_wait3A_1058 : memref<1x128xf32, #tpu.memory_space<vmem>> -> memref<128xf32, #tpu.memory_space<vmem>>
          tpu.wait_dma2 semaphore(%arg20 : memref<!tpu.dma_semaphore, #tpu.memory_space<semaphore_mem>>) src(%dma_wait3A_1059 : memref<128xf32, #tpu.memory_space<vmem>>) dst(%dma_wait3A_1056 : memref<128xf32, #tpu.memory_space<vmem_shared>>)
          %dma_wait3A_1060 = arith.constant 0 : i32
          %dma_wait3A_1061 = arith.constant 0 : i32
          %dma_wait3A_1062 = tpu.memref_slice %arg19[%dma_wait3A_1060, %dma_wait3A_1061] : memref<10x128xf32, #tpu.memory_space<vmem>> -> memref<1x128xf32, #tpu.memory_space<vmem>>
          %dma_wait3A_1063 = tpu.memref_squeeze %dma_wait3A_1062 : memref<1x128xf32, #tpu.memory_space<vmem>> -> memref<128xf32, #tpu.memory_space<vmem>>
          %dma_wait3A_1064 = arith.constant 0 : i32
          %dma_wait3A_1065 = tpu.memref_slice %arg7[%dma_wait3A_1064] : memref<665600xf32, #tpu.memory_space<vmem_shared>> -> memref<128xf32, #tpu.memory_space<vmem_shared>>
          %dma_wait3A_1066 = arith.constant 0 : i32
          %dma_wait3A_1067 = tpu.memref_slice %arg7[%dma_wait3A_1066] : memref<665600xf32, #tpu.memory_space<vmem_shared>> -> memref<128xf32, #tpu.memory_space<vmem_shared>>
          %dma_wait3A_1068 = arith.constant 0 : i32
          %dma_wait3A_1069 = tpu.memref_slice %arg19[%dma_wait3A_1060, %dma_wait3A_1068] : memref<10x128xf32, #tpu.memory_space<vmem>> -> memref<1x128xf32, #tpu.memory_space<vmem>>
          %dma_wait3A_1070 = tpu.memref_squeeze %dma_wait3A_1069 : memref<1x128xf32, #tpu.memory_space<vmem>> -> memref<128xf32, #tpu.memory_space<vmem>>
          tpu.wait_dma2 semaphore(%arg20 : memref<!tpu.dma_semaphore, #tpu.memory_space<semaphore_mem>>) src(%dma_wait3A_1070 : memref<128xf32, #tpu.memory_space<vmem>>) dst(%dma_wait3A_1067 : memref<128xf32, #tpu.memory_space<vmem_shared>>)
        } else {
        }
        %mul3A_565 = arith.constant 2 : i32
        %mul3A_566 = arith.muli %scan3A_458, %mul3A_565 : i32
        %add3A_567 = arith.constant 0 : i32
        %add3A_568 = arith.addi %mul3A_566, %add3A_567 : i32
        %mul3A_569 = arith.constant 128 : i32
        %mul3A_570 = arith.muli %add3A_568, %mul3A_569 : i32
        %add3A_571 = arith.constant 0 : i32
        %add3A_572 = arith.addi %mul3A_570, %add3A_571 : i32
        %add3A_573 = arith.constant 20000 : i32
        %add3A_574 = arith.addi %add3A_573, %add3A_572 : i32
        %get3A_575 = arith.index_cast %add3A_574 : i32 to index
        %get3A_576 = tpu.vector_load %arg12[%get3A_575] {strides = array<i32>} : memref<30000xi32, #tpu.memory_space<vmem>>, vector<16xi32>,
        %add3A_577 = arith.addi %mul3A_222, %add3A_572 : i32
        %get3A_578 = arith.index_cast %add3A_577 : i32 to index
        %get3A_579 = tpu.vector_load %arg12[%get3A_578] {strides = array<i32>} : memref<30000xi32, #tpu.memory_space<vmem>>, vector<16xi32>,
        %gather3A_580 = tpu.vector_load_idx %arg13[%get3A_579] : memref<10240xf32, #tpu.memory_space<vmem>>[vector<16xi32>], vector<16xf32>,
        %gather3A_581 = tpu.vector_load_idx %arg14[%get3A_579] : memref<10240xi32, #tpu.memory_space<vmem>>[vector<16xi32>], vector<16xi32>,
        %swap3A_582 = arith.constant 0 : i32
        %swap3A_583 = arith.index_cast %swap3A_582 : i32 to index
        %swap3A_584 = arith.constant 0 : index
        %swap3A_585 = tpu.vector_load %arg19[%swap3A_583, %swap3A_584] {strides = array<i32>} : memref<10x128xf32, #tpu.memory_space<vmem>>, vector<16xf32>,
        tpu.vector_store %arg19[%swap3A_583, %swap3A_584], %gather3A_580 {strides = array<i32>} : memref<10x128xf32, #tpu.memory_space<vmem>>, vector<16xf32>,
        %mul3A_586 = arith.constant 10240 : i32
        %mul3A_587 = vector.broadcast %mul3A_586 : i32 to vector<16xi32>
        %mul3A_588 = arith.muli %gather3A_581, %mul3A_587 : vector<16xi32>
        %add3A_589 = arith.addi %mul3A_588, %get3A_576 : vector<16xi32>
        %swap3A_590 = arith.constant 0 : i32
        %swap3A_591 = arith.index_cast %swap3A_590 : i32 to index
        %swap3A_592 = arith.constant 0 : index
        %swap3A_593 = tpu.vector_load %arg18[%swap3A_591, %swap3A_592] {strides = array<i32>} : memref<10x128xi32, #tpu.memory_space<vmem>>, vector<16xi32>,
        tpu.vector_store %arg18[%swap3A_591, %swap3A_592], %add3A_589 {strides = array<i32>} : memref<10x128xi32, #tpu.memory_space<vmem>>, vector<16xi32>,
        %mul3A_594 = arith.constant 2 : i32
        %mul3A_595 = arith.muli %scan3A_458, %mul3A_594 : i32
        %add3A_596 = arith.constant 0 : i32
        %add3A_597 = arith.addi %mul3A_595, %add3A_596 : i32
        %mul3A_598 = arith.constant 128 : i32
        %mul3A_599 = arith.muli %add3A_597, %mul3A_598 : i32
        %add3A_600 = arith.constant 16 : i32
        %add3A_601 = arith.addi %mul3A_599, %add3A_600 : i32
        %add3A_602 = arith.constant 20000 : i32
        %add3A_603 = arith.addi %add3A_602, %add3A_601 : i32
        %get3A_604 = arith.index_cast %add3A_603 : i32 to index
        %get3A_605 = tpu.vector_load %arg12[%get3A_604] {strides = array<i32>} : memref<30000xi32, #tpu.memory_space<vmem>>, vector<16xi32>,
        %add3A_606 = arith.addi %mul3A_222, %add3A_601 : i32
        %get3A_607 = arith.index_cast %add3A_606 : i32 to index
        %get3A_608 = tpu.vector_load %arg12[%get3A_607] {strides = array<i32>} : memref<30000xi32, #tpu.memory_space<vmem>>, vector<16xi32>,
        %gather3A_609 = tpu.vector_load_idx %arg13[%get3A_608] : memref<10240xf32, #tpu.memory_space<vmem>>[vector<16xi32>], vector<16xf32>,
        %gather3A_610 = tpu.vector_load_idx %arg14[%get3A_608] : memref<10240xi32, #tpu.memory_space<vmem>>[vector<16xi32>], vector<16xi32>,
        %swap3A_611 = arith.constant 0 : i32
        %swap3A_612 = arith.index_cast %swap3A_611 : i32 to index
        %swap3A_613 = arith.constant 16 : index
        %swap3A_614 = tpu.vector_load %arg19[%swap3A_612, %swap3A_613] {strides = array<i32>} : memref<10x128xf32, #tpu.memory_space<vmem>>, vector<16xf32>,
        tpu.vector_store %arg19[%swap3A_612, %swap3A_613], %gather3A_609 {strides = array<i32>} : memref<10x128xf32, #tpu.memory_space<vmem>>, vector<16xf32>,
        %mul3A_615 = arith.constant 10240 : i32
        %mul3A_616 = vector.broadcast %mul3A_615 : i32 to vector<16xi32>
        %mul3A_617 = arith.muli %gather3A_610, %mul3A_616 : vector<16xi32>
        %add3A_618 = arith.addi %mul3A_617, %get3A_605 : vector<16xi32>
        %swap3A_619 = arith.constant 0 : i32
        %swap3A_620 = arith.index_cast %swap3A_619 : i32 to index
        %swap3A_621 = arith.constant 16 : index
        %swap3A_622 = tpu.vector_load %arg18[%swap3A_620, %swap3A_621] {strides = array<i32>} : memref<10x128xi32, #tpu.memory_space<vmem>>, vector<16xi32>,
        tpu.vector_store %arg18[%swap3A_620, %swap3A_621], %add3A_618 {strides = array<i32>} : memref<10x128xi32, #tpu.memory_space<vmem>>, vector<16xi32>,
        %mul3A_623 = arith.constant 2 : i32
        %mul3A_624 = arith.muli %scan3A_458, %mul3A_623 : i32
        %add3A_625 = arith.constant 0 : i32
        %add3A_626 = arith.addi %mul3A_624, %add3A_625 : i32
        %mul3A_627 = arith.constant 128 : i32
        %mul3A_628 = arith.muli %add3A_626, %mul3A_627 : i32
        %add3A_629 = arith.constant 32 : i32
        %add3A_630 = arith.addi %mul3A_628, %add3A_629 : i32
        %add3A_631 = arith.constant 20000 : i32
        %add3A_632 = arith.addi %add3A_631, %add3A_630 : i32
        %get3A_633 = arith.index_cast %add3A_632 : i32 to index
        %get3A_634 = tpu.vector_load %arg12[%get3A_633] {strides = array<i32>} : memref<30000xi32, #tpu.memory_space<vmem>>, vector<16xi32>,
        %add3A_635 = arith.addi %mul3A_222, %add3A_630 : i32
        %get3A_636 = arith.index_cast %add3A_635 : i32 to index
        %get3A_637 = tpu.vector_load %arg12[%get3A_636] {strides = array<i32>} : memref<30000xi32, #tpu.memory_space<vmem>>, vector<16xi32>,
        %gather3A_638 = tpu.vector_load_idx %arg13[%get3A_637] : memref<10240xf32, #tpu.memory_space<vmem>>[vector<16xi32>], vector<16xf32>,
        %gather3A_639 = tpu.vector_load_idx %arg14[%get3A_637] : memref<10240xi32, #tpu.memory_space<vmem>>[vector<16xi32>], vector<16xi32>,
        %swap3A_640 = arith.constant 0 : i32
        %swap3A_641 = arith.index_cast %swap3A_640 : i32 to index
        %swap3A_642 = arith.constant 32 : index
        %swap3A_643 = tpu.vector_load %arg19[%swap3A_641, %swap3A_642] {strides = array<i32>} : memref<10x128xf32, #tpu.memory_space<vmem>>, vector<16xf32>,
        tpu.vector_store %arg19[%swap3A_641, %swap3A_642], %gather3A_638 {strides = array<i32>} : memref<10x128xf32, #tpu.memory_space<vmem>>, vector<16xf32>,
        %mul3A_644 = arith.constant 10240 : i32
        %mul3A_645 = vector.broadcast %mul3A_644 : i32 to vector<16xi32>
        %mul3A_646 = arith.muli %gather3A_639, %mul3A_645 : vector<16xi32>
        %add3A_647 = arith.addi %mul3A_646, %get3A_634 : vector<16xi32>
        %swap3A_648 = arith.constant 0 : i32
        %swap3A_649 = arith.index_cast %swap3A_648 : i32 to index
        %swap3A_650 = arith.constant 32 : index
        %swap3A_651 = tpu.vector_load %arg18[%swap3A_649, %swap3A_650] {strides = array<i32>} : memref<10x128xi32, #tpu.memory_space<vmem>>, vector<16xi32>,
        tpu.vector_store %arg18[%swap3A_649, %swap3A_650], %add3A_647 {strides = array<i32>} : memref<10x128xi32, #tpu.memory_space<vmem>>, vector<16xi32>,
        %mul3A_652 = arith.constant 2 : i32
        %mul3A_653 = arith.muli %scan3A_458, %mul3A_652 : i32
        %add3A_654 = arith.constant 0 : i32
        %add3A_655 = arith.addi %mul3A_653, %add3A_654 : i32
        %mul3A_656 = arith.constant 128 : i32
        %mul3A_657 = arith.muli %add3A_655, %mul3A_656 : i32
        %add3A_658 = arith.constant 48 : i32
        %add3A_659 = arith.addi %mul3A_657, %add3A_658 : i32
        %add3A_660 = arith.constant 20000 : i32
        %add3A_661 = arith.addi %add3A_660, %add3A_659 : i32
        %get3A_662 = arith.index_cast %add3A_661 : i32 to index
        %get3A_663 = tpu.vector_load %arg12[%get3A_662] {strides = array<i32>} : memref<30000xi32, #tpu.memory_space<vmem>>, vector<16xi32>,
        %add3A_664 = arith.addi %mul3A_222, %add3A_659 : i32
        %get3A_665 = arith.index_cast %add3A_664 : i32 to index
        %get3A_666 = tpu.vector_load %arg12[%get3A_665] {strides = array<i32>} : memref<30000xi32, #tpu.memory_space<vmem>>, vector<16xi32>,
        %gather3A_667 = tpu.vector_load_idx %arg13[%get3A_666] : memref<10240xf32, #tpu.memory_space<vmem>>[vector<16xi32>], vector<16xf32>,
        %gather3A_668 = tpu.vector_load_idx %arg14[%get3A_666] : memref<10240xi32, #tpu.memory_space<vmem>>[vector<16xi32>], vector<16xi32>,
        %swap3A_669 = arith.constant 0 : i32
        %swap3A_670 = arith.index_cast %swap3A_669 : i32 to index
        %swap3A_671 = arith.constant 48 : index
        %swap3A_672 = tpu.vector_load %arg19[%swap3A_670, %swap3A_671] {strides = array<i32>} : memref<10x128xf32, #tpu.memory_space<vmem>>, vector<16xf32>,
        tpu.vector_store %arg19[%swap3A_670, %swap3A_671], %gather3A_667 {strides = array<i32>} : memref<10x128xf32, #tpu.memory_space<vmem>>, vector<16xf32>,
        %mul3A_673 = arith.constant 10240 : i32
        %mul3A_674 = vector.broadcast %mul3A_673 : i32 to vector<16xi32>
        %mul3A_675 = arith.muli %gather3A_668, %mul3A_674 : vector<16xi32>
        %add3A_676 = arith.addi %mul3A_675, %get3A_663 : vector<16xi32>
        %swap3A_677 = arith.constant 0 : i32
        %swap3A_678 = arith.index_cast %swap3A_677 : i32 to index
        %swap3A_679 = arith.constant 48 : index
        %swap3A_680 = tpu.vector_load %arg18[%swap3A_678, %swap3A_679] {strides = array<i32>} : memref<10x128xi32, #tpu.memory_space<vmem>>, vector<16xi32>,
        tpu.vector_store %arg18[%swap3A_678, %swap3A_679], %add3A_676 {strides = array<i32>} : memref<10x128xi32, #tpu.memory_space<vmem>>, vector<16xi32>,
        %mul3A_681 = arith.constant 2 : i32
        %mul3A_682 = arith.muli %scan3A_458, %mul3A_681 : i32
        %add3A_683 = arith.constant 0 : i32
        %add3A_684 = arith.addi %mul3A_682, %add3A_683 : i32
        %mul3A_685 = arith.constant 128 : i32
        %mul3A_686 = arith.muli %add3A_684, %mul3A_685 : i32
        %add3A_687 = arith.constant 64 : i32
        %add3A_688 = arith.addi %mul3A_686, %add3A_687 : i32
        %add3A_689 = arith.constant 20000 : i32
        %add3A_690 = arith.addi %add3A_689, %add3A_688 : i32
        %get3A_691 = arith.index_cast %add3A_690 : i32 to index
        %get3A_692 = tpu.vector_load %arg12[%get3A_691] {strides = array<i32>} : memref<30000xi32, #tpu.memory_space<vmem>>, vector<16xi32>,
        %add3A_693 = arith.addi %mul3A_222, %add3A_688 : i32
        %get3A_694 = arith.index_cast %add3A_693 : i32 to index
        %get3A_695 = tpu.vector_load %arg12[%get3A_694] {strides = array<i32>} : memref<30000xi32, #tpu.memory_space<vmem>>, vector<16xi32>,
        %gather3A_696 = tpu.vector_load_idx %arg13[%get3A_695] : memref<10240xf32, #tpu.memory_space<vmem>>[vector<16xi32>], vector<16xf32>,
        %gather3A_697 = tpu.vector_load_idx %arg14[%get3A_695] : memref<10240xi32, #tpu.memory_space<vmem>>[vector<16xi32>], vector<16xi32>,
        %swap3A_698 = arith.constant 0 : i32
        %swap3A_699 = arith.index_cast %swap3A_698 : i32 to index
        %swap3A_700 = arith.constant 64 : index
        %swap3A_701 = tpu.vector_load %arg19[%swap3A_699, %swap3A_700] {strides = array<i32>} : memref<10x128xf32, #tpu.memory_space<vmem>>, vector<16xf32>,
        tpu.vector_store %arg19[%swap3A_699, %swap3A_700], %gather3A_696 {strides = array<i32>} : memref<10x128xf32, #tpu.memory_space<vmem>>, vector<16xf32>,
        %mul3A_702 = arith.constant 10240 : i32
        %mul3A_703 = vector.broadcast %mul3A_702 : i32 to vector<16xi32>
        %mul3A_704 = arith.muli %gather3A_697, %mul3A_703 : vector<16xi32>
        %add3A_705 = arith.addi %mul3A_704, %get3A_692 : vector<16xi32>
        %swap3A_706 = arith.constant 0 : i32
        %swap3A_707 = arith.index_cast %swap3A_706 : i32 to index
        %swap3A_708 = arith.constant 64 : index
        %swap3A_709 = tpu.vector_load %arg18[%swap3A_707, %swap3A_708] {strides = array<i32>} : memref<10x128xi32, #tpu.memory_space<vmem>>, vector<16xi32>,
        tpu.vector_store %arg18[%swap3A_707, %swap3A_708], %add3A_705 {strides = array<i32>} : memref<10x128xi32, #tpu.memory_space<vmem>>, vector<16xi32>,
        %mul3A_710 = arith.constant 2 : i32
        %mul3A_711 = arith.muli %scan3A_458, %mul3A_710 : i32
        %add3A_712 = arith.constant 0 : i32
        %add3A_713 = arith.addi %mul3A_711, %add3A_712 : i32
        %mul3A_714 = arith.constant 128 : i32
        %mul3A_715 = arith.muli %add3A_713, %mul3A_714 : i32
        %add3A_716 = arith.constant 80 : i32
        %add3A_717 = arith.addi %mul3A_715, %add3A_716 : i32
        %add3A_718 = arith.constant 20000 : i32
        %add3A_719 = arith.addi %add3A_718, %add3A_717 : i32
        %get3A_720 = arith.index_cast %add3A_719 : i32 to index
        %get3A_721 = tpu.vector_load %arg12[%get3A_720] {strides = array<i32>} : memref<30000xi32, #tpu.memory_space<vmem>>, vector<16xi32>,
        %add3A_722 = arith.addi %mul3A_222, %add3A_717 : i32
        %get3A_723 = arith.index_cast %add3A_722 : i32 to index
        %get3A_724 = tpu.vector_load %arg12[%get3A_723] {strides = array<i32>} : memref<30000xi32, #tpu.memory_space<vmem>>, vector<16xi32>,
        %gather3A_725 = tpu.vector_load_idx %arg13[%get3A_724] : memref<10240xf32, #tpu.memory_space<vmem>>[vector<16xi32>], vector<16xf32>,
        %gather3A_726 = tpu.vector_load_idx %arg14[%get3A_724] : memref<10240xi32, #tpu.memory_space<vmem>>[vector<16xi32>], vector<16xi32>,
        %swap3A_727 = arith.constant 0 : i32
        %swap3A_728 = arith.index_cast %swap3A_727 : i32 to index
        %swap3A_729 = arith.constant 80 : index
        %swap3A_730 = tpu.vector_load %arg19[%swap3A_728, %swap3A_729] {strides = array<i32>} : memref<10x128xf32, #tpu.memory_space<vmem>>, vector<16xf32>,
        tpu.vector_store %arg19[%swap3A_728, %swap3A_729], %gather3A_725 {strides = array<i32>} : memref<10x128xf32, #tpu.memory_space<vmem>>, vector<16xf32>,
        %mul3A_731 = arith.constant 10240 : i32
        %mul3A_732 = vector.broadcast %mul3A_731 : i32 to vector<16xi32>
        %mul3A_733 = arith.muli %gather3A_726, %mul3A_732 : vector<16xi32>
        %add3A_734 = arith.addi %mul3A_733, %get3A_721 : vector<16xi32>
        %swap3A_735 = arith.constant 0 : i32
        %swap3A_736 = arith.index_cast %swap3A_735 : i32 to index
        %swap3A_737 = arith.constant 80 : index
        %swap3A_738 = tpu.vector_load %arg18[%swap3A_736, %swap3A_737] {strides = array<i32>} : memref<10x128xi32, #tpu.memory_space<vmem>>, vector<16xi32>,
        tpu.vector_store %arg18[%swap3A_736, %swap3A_737], %add3A_734 {strides = array<i32>} : memref<10x128xi32, #tpu.memory_space<vmem>>, vector<16xi32>,
        %mul3A_739 = arith.constant 2 : i32
        %mul3A_740 = arith.muli %scan3A_458, %mul3A_739 : i32
        %add3A_741 = arith.constant 0 : i32
        %add3A_742 = arith.addi %mul3A_740, %add3A_741 : i32
        %mul3A_743 = arith.constant 128 : i32
        %mul3A_744 = arith.muli %add3A_742, %mul3A_743 : i32
        %add3A_745 = arith.constant 96 : i32
        %add3A_746 = arith.addi %mul3A_744, %add3A_745 : i32
        %add3A_747 = arith.constant 20000 : i32
        %add3A_748 = arith.addi %add3A_747, %add3A_746 : i32
        %get3A_749 = arith.index_cast %add3A_748 : i32 to index
        %get3A_750 = tpu.vector_load %arg12[%get3A_749] {strides = array<i32>} : memref<30000xi32, #tpu.memory_space<vmem>>, vector<16xi32>,
        %add3A_751 = arith.addi %mul3A_222, %add3A_746 : i32
        %get3A_752 = arith.index_cast %add3A_751 : i32 to index
        %get3A_753 = tpu.vector_load %arg12[%get3A_752] {strides = array<i32>} : memref<30000xi32, #tpu.memory_space<vmem>>, vector<16xi32>,
        %gather3A_754 = tpu.vector_load_idx %arg13[%get3A_753] : memref<10240xf32, #tpu.memory_space<vmem>>[vector<16xi32>], vector<16xf32>,
        %gather3A_755 = tpu.vector_load_idx %arg14[%get3A_753] : memref<10240xi32, #tpu.memory_space<vmem>>[vector<16xi32>], vector<16xi32>,
        %swap3A_756 = arith.constant 0 : i32
        %swap3A_757 = arith.index_cast %swap3A_756 : i32 to index
        %swap3A_758 = arith.constant 96 : index
        %swap3A_759 = tpu.vector_load %arg19[%swap3A_757, %swap3A_758] {strides = array<i32>} : memref<10x128xf32, #tpu.memory_space<vmem>>, vector<16xf32>,
        tpu.vector_store %arg19[%swap3A_757, %swap3A_758], %gather3A_754 {strides = array<i32>} : memref<10x128xf32, #tpu.memory_space<vmem>>, vector<16xf32>,
        %mul3A_760 = arith.constant 10240 : i32
        %mul3A_761 = vector.broadcast %mul3A_760 : i32 to vector<16xi32>
        %mul3A_762 = arith.muli %gather3A_755, %mul3A_761 : vector<16xi32>
        %add3A_763 = arith.addi %mul3A_762, %get3A_750 : vector<16xi32>
        %swap3A_764 = arith.constant 0 : i32
        %swap3A_765 = arith.index_cast %swap3A_764 : i32 to index
        %swap3A_766 = arith.constant 96 : index
        %swap3A_767 = tpu.vector_load %arg18[%swap3A_765, %swap3A_766] {strides = array<i32>} : memref<10x128xi32, #tpu.memory_space<vmem>>, vector<16xi32>,
        tpu.vector_store %arg18[%swap3A_765, %swap3A_766], %add3A_763 {strides = array<i32>} : memref<10x128xi32, #tpu.memory_space<vmem>>, vector<16xi32>,
        %mul3A_768 = arith.constant 2 : i32
        %mul3A_769 = arith.muli %scan3A_458, %mul3A_768 : i32
        %add3A_770 = arith.constant 0 : i32
        %add3A_771 = arith.addi %mul3A_769, %add3A_770 : i32
        %mul3A_772 = arith.constant 128 : i32
        %mul3A_773 = arith.muli %add3A_771, %mul3A_772 : i32
        %add3A_774 = arith.constant 112 : i32
        %add3A_775 = arith.addi %mul3A_773, %add3A_774 : i32
        %add3A_776 = arith.constant 20000 : i32
        %add3A_777 = arith.addi %add3A_776, %add3A_775 : i32
        %get3A_778 = arith.index_cast %add3A_777 : i32 to index
        %get3A_779 = tpu.vector_load %arg12[%get3A_778] {strides = array<i32>} : memref<30000xi32, #tpu.memory_space<vmem>>, vector<16xi32>,
        %add3A_780 = arith.addi %mul3A_222, %add3A_775 : i32
        %get3A_781 = arith.index_cast %add3A_780 : i32 to index
        %get3A_782 = tpu.vector_load %arg12[%get3A_781] {strides = array<i32>} : memref<30000xi32, #tpu.memory_space<vmem>>, vector<16xi32>,
        %gather3A_783 = tpu.vector_load_idx %arg13[%get3A_782] : memref<10240xf32, #tpu.memory_space<vmem>>[vector<16xi32>], vector<16xf32>,
        %gather3A_784 = tpu.vector_load_idx %arg14[%get3A_782] : memref<10240xi32, #tpu.memory_space<vmem>>[vector<16xi32>], vector<16xi32>,
        %swap3A_785 = arith.constant 0 : i32
        %swap3A_786 = arith.index_cast %swap3A_785 : i32 to index
        %swap3A_787 = arith.constant 112 : index
        %swap3A_788 = tpu.vector_load %arg19[%swap3A_786, %swap3A_787] {strides = array<i32>} : memref<10x128xf32, #tpu.memory_space<vmem>>, vector<16xf32>,
        tpu.vector_store %arg19[%swap3A_786, %swap3A_787], %gather3A_783 {strides = array<i32>} : memref<10x128xf32, #tpu.memory_space<vmem>>, vector<16xf32>,
        %mul3A_789 = arith.constant 10240 : i32
        %mul3A_790 = vector.broadcast %mul3A_789 : i32 to vector<16xi32>
        %mul3A_791 = arith.muli %gather3A_784, %mul3A_790 : vector<16xi32>
        %add3A_792 = arith.addi %mul3A_791, %get3A_779 : vector<16xi32>
        %swap3A_793 = arith.constant 0 : i32
        %swap3A_794 = arith.index_cast %swap3A_793 : i32 to index
        %swap3A_795 = arith.constant 112 : index
        %swap3A_796 = tpu.vector_load %arg18[%swap3A_794, %swap3A_795] {strides = array<i32>} : memref<10x128xi32, #tpu.memory_space<vmem>>, vector<16xi32>,
        tpu.vector_store %arg18[%swap3A_794, %swap3A_795], %add3A_792 {strides = array<i32>} : memref<10x128xi32, #tpu.memory_space<vmem>>, vector<16xi32>,
        %mul3A_797 = arith.constant 2 : i32
        %mul3A_798 = arith.muli %scan3A_458, %mul3A_797 : i32
        %add3A_799 = arith.constant 1 : i32
        %add3A_800 = arith.addi %mul3A_798, %add3A_799 : i32
        %mul3A_801 = arith.constant 128 : i32
        %mul3A_802 = arith.muli %add3A_800, %mul3A_801 : i32
        %add3A_803 = arith.constant 0 : i32
        %add3A_804 = arith.addi %mul3A_802, %add3A_803 : i32
        %add3A_805 = arith.constant 20000 : i32
        %add3A_806 = arith.addi %add3A_805, %add3A_804 : i32
        %get3A_807 = arith.index_cast %add3A_806 : i32 to index
        %get3A_808 = tpu.vector_load %arg12[%get3A_807] {strides = array<i32>} : memref<30000xi32, #tpu.memory_space<vmem>>, vector<16xi32>,
        %add3A_809 = arith.addi %mul3A_222, %add3A_804 : i32
        %get3A_810 = arith.index_cast %add3A_809 : i32 to index
        %get3A_811 = tpu.vector_load %arg12[%get3A_810] {strides = array<i32>} : memref<30000xi32, #tpu.memory_space<vmem>>, vector<16xi32>,
        %gather3A_812 = tpu.vector_load_idx %arg13[%get3A_811] : memref<10240xf32, #tpu.memory_space<vmem>>[vector<16xi32>], vector<16xf32>,
        %gather3A_813 = tpu.vector_load_idx %arg14[%get3A_811] : memref<10240xi32, #tpu.memory_space<vmem>>[vector<16xi32>], vector<16xi32>,
        %swap3A_814 = arith.constant 1 : i32
        %swap3A_815 = arith.index_cast %swap3A_814 : i32 to index
        %swap3A_816 = arith.constant 0 : index
        %swap3A_817 = tpu.vector_load %arg19[%swap3A_815, %swap3A_816] {strides = array<i32>} : memref<10x128xf32, #tpu.memory_space<vmem>>, vector<16xf32>,
        tpu.vector_store %arg19[%swap3A_815, %swap3A_816], %gather3A_812 {strides = array<i32>} : memref<10x128xf32, #tpu.memory_space<vmem>>, vector<16xf32>,
        %mul3A_818 = arith.constant 10240 : i32
        %mul3A_819 = vector.broadcast %mul3A_818 : i32 to vector<16xi32>
        %mul3A_820 = arith.muli %gather3A_813, %mul3A_819 : vector<16xi32>
        %add3A_821 = arith.addi %mul3A_820, %get3A_808 : vector<16xi32>
        %swap3A_822 = arith.constant 1 : i32
        %swap3A_823 = arith.index_cast %swap3A_822 : i32 to index
        %swap3A_824 = arith.constant 0 : index
        %swap3A_825 = tpu.vector_load %arg18[%swap3A_823, %swap3A_824] {strides = array<i32>} : memref<10x128xi32, #tpu.memory_space<vmem>>, vector<16xi32>,
        tpu.vector_store %arg18[%swap3A_823, %swap3A_824], %add3A_821 {strides = array<i32>} : memref<10x128xi32, #tpu.memory_space<vmem>>, vector<16xi32>,
        %mul3A_826 = arith.constant 2 : i32
        %mul3A_827 = arith.muli %scan3A_458, %mul3A_826 : i32
        %add3A_828 = arith.constant 1 : i32
        %add3A_829 = arith.addi %mul3A_827, %add3A_828 : i32
        %mul3A_830 = arith.constant 128 : i32
        %mul3A_831 = arith.muli %add3A_829, %mul3A_830 : i32
        %add3A_832 = arith.constant 16 : i32
        %add3A_833 = arith.addi %mul3A_831, %add3A_832 : i32
        %add3A_834 = arith.constant 20000 : i32
        %add3A_835 = arith.addi %add3A_834, %add3A_833 : i32
        %get3A_836 = arith.index_cast %add3A_835 : i32 to index
        %get3A_837 = tpu.vector_load %arg12[%get3A_836] {strides = array<i32>} : memref<30000xi32, #tpu.memory_space<vmem>>, vector<16xi32>,
        %add3A_838 = arith.addi %mul3A_222, %add3A_833 : i32
        %get3A_839 = arith.index_cast %add3A_838 : i32 to index
        %get3A_840 = tpu.vector_load %arg12[%get3A_839] {strides = array<i32>} : memref<30000xi32, #tpu.memory_space<vmem>>, vector<16xi32>,
        %gather3A_841 = tpu.vector_load_idx %arg13[%get3A_840] : memref<10240xf32, #tpu.memory_space<vmem>>[vector<16xi32>], vector<16xf32>,
        %gather3A_842 = tpu.vector_load_idx %arg14[%get3A_840] : memref<10240xi32, #tpu.memory_space<vmem>>[vector<16xi32>], vector<16xi32>,
        %swap3A_843 = arith.constant 1 : i32
        %swap3A_844 = arith.index_cast %swap3A_843 : i32 to index
        %swap3A_845 = arith.constant 16 : index
        %swap3A_846 = tpu.vector_load %arg19[%swap3A_844, %swap3A_845] {strides = array<i32>} : memref<10x128xf32, #tpu.memory_space<vmem>>, vector<16xf32>,
        tpu.vector_store %arg19[%swap3A_844, %swap3A_845], %gather3A_841 {strides = array<i32>} : memref<10x128xf32, #tpu.memory_space<vmem>>, vector<16xf32>,
        %mul3A_847 = arith.constant 10240 : i32
        %mul3A_848 = vector.broadcast %mul3A_847 : i32 to vector<16xi32>
        %mul3A_849 = arith.muli %gather3A_842, %mul3A_848 : vector<16xi32>
        %add3A_850 = arith.addi %mul3A_849, %get3A_837 : vector<16xi32>
        %swap3A_851 = arith.constant 1 : i32
        %swap3A_852 = arith.index_cast %swap3A_851 : i32 to index
        %swap3A_853 = arith.constant 16 : index
        %swap3A_854 = tpu.vector_load %arg18[%swap3A_852, %swap3A_853] {strides = array<i32>} : memref<10x128xi32, #tpu.memory_space<vmem>>, vector<16xi32>,
        tpu.vector_store %arg18[%swap3A_852, %swap3A_853], %add3A_850 {strides = array<i32>} : memref<10x128xi32, #tpu.memory_space<vmem>>, vector<16xi32>,
        %mul3A_855 = arith.constant 2 : i32
        %mul3A_856 = arith.muli %scan3A_458, %mul3A_855 : i32
        %add3A_857 = arith.constant 1 : i32
        %add3A_858 = arith.addi %mul3A_856, %add3A_857 : i32
        %mul3A_859 = arith.constant 128 : i32
        %mul3A_860 = arith.muli %add3A_858, %mul3A_859 : i32
        %add3A_861 = arith.constant 32 : i32
        %add3A_862 = arith.addi %mul3A_860, %add3A_861 : i32
        %add3A_863 = arith.constant 20000 : i32
        %add3A_864 = arith.addi %add3A_863, %add3A_862 : i32
        %get3A_865 = arith.index_cast %add3A_864 : i32 to index
        %get3A_866 = tpu.vector_load %arg12[%get3A_865] {strides = array<i32>} : memref<30000xi32, #tpu.memory_space<vmem>>, vector<16xi32>,
        %add3A_867 = arith.addi %mul3A_222, %add3A_862 : i32
        %get3A_868 = arith.index_cast %add3A_867 : i32 to index
        %get3A_869 = tpu.vector_load %arg12[%get3A_868] {strides = array<i32>} : memref<30000xi32, #tpu.memory_space<vmem>>, vector<16xi32>,
        %gather3A_870 = tpu.vector_load_idx %arg13[%get3A_869] : memref<10240xf32, #tpu.memory_space<vmem>>[vector<16xi32>], vector<16xf32>,
        %gather3A_871 = tpu.vector_load_idx %arg14[%get3A_869] : memref<10240xi32, #tpu.memory_space<vmem>>[vector<16xi32>], vector<16xi32>,
        %swap3A_872 = arith.constant 1 : i32
        %swap3A_873 = arith.index_cast %swap3A_872 : i32 to index
        %swap3A_874 = arith.constant 32 : index
        %swap3A_875 = tpu.vector_load %arg19[%swap3A_873, %swap3A_874] {strides = array<i32>} : memref<10x128xf32, #tpu.memory_space<vmem>>, vector<16xf32>,
        tpu.vector_store %arg19[%swap3A_873, %swap3A_874], %gather3A_870 {strides = array<i32>} : memref<10x128xf32, #tpu.memory_space<vmem>>, vector<16xf32>,
        %mul3A_876 = arith.constant 10240 : i32
        %mul3A_877 = vector.broadcast %mul3A_876 : i32 to vector<16xi32>
        %mul3A_878 = arith.muli %gather3A_871, %mul3A_877 : vector<16xi32>
        %add3A_879 = arith.addi %mul3A_878, %get3A_866 : vector<16xi32>
        %swap3A_880 = arith.constant 1 : i32
        %swap3A_881 = arith.index_cast %swap3A_880 : i32 to index
        %swap3A_882 = arith.constant 32 : index
        %swap3A_883 = tpu.vector_load %arg18[%swap3A_881, %swap3A_882] {strides = array<i32>} : memref<10x128xi32, #tpu.memory_space<vmem>>, vector<16xi32>,
        tpu.vector_store %arg18[%swap3A_881, %swap3A_882], %add3A_879 {strides = array<i32>} : memref<10x128xi32, #tpu.memory_space<vmem>>, vector<16xi32>,
        %mul3A_884 = arith.constant 2 : i32
        %mul3A_885 = arith.muli %scan3A_458, %mul3A_884 : i32
        %add3A_886 = arith.constant 1 : i32
        %add3A_887 = arith.addi %mul3A_885, %add3A_886 : i32
        %mul3A_888 = arith.constant 128 : i32
        %mul3A_889 = arith.muli %add3A_887, %mul3A_888 : i32
        %add3A_890 = arith.constant 48 : i32
        %add3A_891 = arith.addi %mul3A_889, %add3A_890 : i32
        %add3A_892 = arith.constant 20000 : i32
        %add3A_893 = arith.addi %add3A_892, %add3A_891 : i32
        %get3A_894 = arith.index_cast %add3A_893 : i32 to index
        %get3A_895 = tpu.vector_load %arg12[%get3A_894] {strides = array<i32>} : memref<30000xi32, #tpu.memory_space<vmem>>, vector<16xi32>,
        %add3A_896 = arith.addi %mul3A_222, %add3A_891 : i32
        %get3A_897 = arith.index_cast %add3A_896 : i32 to index
        %get3A_898 = tpu.vector_load %arg12[%get3A_897] {strides = array<i32>} : memref<30000xi32, #tpu.memory_space<vmem>>, vector<16xi32>,
        %gather3A_899 = tpu.vector_load_idx %arg13[%get3A_898] : memref<10240xf32, #tpu.memory_space<vmem>>[vector<16xi32>], vector<16xf32>,
        %gather3A_900 = tpu.vector_load_idx %arg14[%get3A_898] : memref<10240xi32, #tpu.memory_space<vmem>>[vector<16xi32>], vector<16xi32>,
        %swap3A_901 = arith.constant 1 : i32
        %swap3A_902 = arith.index_cast %swap3A_901 : i32 to index
        %swap3A_903 = arith.constant 48 : index
        %swap3A_904 = tpu.vector_load %arg19[%swap3A_902, %swap3A_903] {strides = array<i32>} : memref<10x128xf32, #tpu.memory_space<vmem>>, vector<16xf32>,
        tpu.vector_store %arg19[%swap3A_902, %swap3A_903], %gather3A_899 {strides = array<i32>} : memref<10x128xf32, #tpu.memory_space<vmem>>, vector<16xf32>,
        %mul3A_905 = arith.constant 10240 : i32
        %mul3A_906 = vector.broadcast %mul3A_905 : i32 to vector<16xi32>
        %mul3A_907 = arith.muli %gather3A_900, %mul3A_906 : vector<16xi32>
        %add3A_908 = arith.addi %mul3A_907, %get3A_895 : vector<16xi32>
        %swap3A_909 = arith.constant 1 : i32
        %swap3A_910 = arith.index_cast %swap3A_909 : i32 to index
        %swap3A_911 = arith.constant 48 : index
        %swap3A_912 = tpu.vector_load %arg18[%swap3A_910, %swap3A_911] {strides = array<i32>} : memref<10x128xi32, #tpu.memory_space<vmem>>, vector<16xi32>,
        tpu.vector_store %arg18[%swap3A_910, %swap3A_911], %add3A_908 {strides = array<i32>} : memref<10x128xi32, #tpu.memory_space<vmem>>, vector<16xi32>,
        %mul3A_913 = arith.constant 2 : i32
        %mul3A_914 = arith.muli %scan3A_458, %mul3A_913 : i32
        %add3A_915 = arith.constant 1 : i32
        %add3A_916 = arith.addi %mul3A_914, %add3A_915 : i32
        %mul3A_917 = arith.constant 128 : i32
        %mul3A_918 = arith.muli %add3A_916, %mul3A_917 : i32
        %add3A_919 = arith.constant 64 : i32
        %add3A_920 = arith.addi %mul3A_918, %add3A_919 : i32
        %add3A_921 = arith.constant 20000 : i32
        %add3A_922 = arith.addi %add3A_921, %add3A_920 : i32
        %get3A_923 = arith.index_cast %add3A_922 : i32 to index
        %get3A_924 = tpu.vector_load %arg12[%get3A_923] {strides = array<i32>} : memref<30000xi32, #tpu.memory_space<vmem>>, vector<16xi32>,
        %add3A_925 = arith.addi %mul3A_222, %add3A_920 : i32
        %get3A_926 = arith.index_cast %add3A_925 : i32 to index
        %get3A_927 = tpu.vector_load %arg12[%get3A_926] {strides = array<i32>} : memref<30000xi32, #tpu.memory_space<vmem>>, vector<16xi32>,
        %gather3A_928 = tpu.vector_load_idx %arg13[%get3A_927] : memref<10240xf32, #tpu.memory_space<vmem>>[vector<16xi32>], vector<16xf32>,
        %gather3A_929 = tpu.vector_load_idx %arg14[%get3A_927] : memref<10240xi32, #tpu.memory_space<vmem>>[vector<16xi32>], vector<16xi32>,
        %swap3A_930 = arith.constant 1 : i32
        %swap3A_931 = arith.index_cast %swap3A_930 : i32 to index
        %swap3A_932 = arith.constant 64 : index
        %swap3A_933 = tpu.vector_load %arg19[%swap3A_931, %swap3A_932] {strides = array<i32>} : memref<10x128xf32, #tpu.memory_space<vmem>>, vector<16xf32>,
        tpu.vector_store %arg19[%swap3A_931, %swap3A_932], %gather3A_928 {strides = array<i32>} : memref<10x128xf32, #tpu.memory_space<vmem>>, vector<16xf32>,
        %mul3A_934 = arith.constant 10240 : i32
        %mul3A_935 = vector.broadcast %mul3A_934 : i32 to vector<16xi32>
        %mul3A_936 = arith.muli %gather3A_929, %mul3A_935 : vector<16xi32>
        %add3A_937 = arith.addi %mul3A_936, %get3A_924 : vector<16xi32>
        %swap3A_938 = arith.constant 1 : i32
        %swap3A_939 = arith.index_cast %swap3A_938 : i32 to index
        %swap3A_940 = arith.constant 64 : index
        %swap3A_941 = tpu.vector_load %arg18[%swap3A_939, %swap3A_940] {strides = array<i32>} : memref<10x128xi32, #tpu.memory_space<vmem>>, vector<16xi32>,
        tpu.vector_store %arg18[%swap3A_939, %swap3A_940], %add3A_937 {strides = array<i32>} : memref<10x128xi32, #tpu.memory_space<vmem>>, vector<16xi32>,
        %mul3A_942 = arith.constant 2 : i32
        %mul3A_943 = arith.muli %scan3A_458, %mul3A_942 : i32
        %add3A_944 = arith.constant 1 : i32
        %add3A_945 = arith.addi %mul3A_943, %add3A_944 : i32
        %mul3A_946 = arith.constant 128 : i32
        %mul3A_947 = arith.muli %add3A_945, %mul3A_946 : i32
        %add3A_948 = arith.constant 80 : i32
        %add3A_949 = arith.addi %mul3A_947, %add3A_948 : i32
        %add3A_950 = arith.constant 20000 : i32
        %add3A_951 = arith.addi %add3A_950, %add3A_949 : i32
        %get3A_952 = arith.index_cast %add3A_951 : i32 to index
        %get3A_953 = tpu.vector_load %arg12[%get3A_952] {strides = array<i32>} : memref<30000xi32, #tpu.memory_space<vmem>>, vector<16xi32>,
        %add3A_954 = arith.addi %mul3A_222, %add3A_949 : i32
        %get3A_955 = arith.index_cast %add3A_954 : i32 to index
        %get3A_956 = tpu.vector_load %arg12[%get3A_955] {strides = array<i32>} : memref<30000xi32, #tpu.memory_space<vmem>>, vector<16xi32>,
        %gather3A_957 = tpu.vector_load_idx %arg13[%get3A_956] : memref<10240xf32, #tpu.memory_space<vmem>>[vector<16xi32>], vector<16xf32>,
        %gather3A_958 = tpu.vector_load_idx %arg14[%get3A_956] : memref<10240xi32, #tpu.memory_space<vmem>>[vector<16xi32>], vector<16xi32>,
        %swap3A_959 = arith.constant 1 : i32
        %swap3A_960 = arith.index_cast %swap3A_959 : i32 to index
        %swap3A_961 = arith.constant 80 : index
        %swap3A_962 = tpu.vector_load %arg19[%swap3A_960, %swap3A_961] {strides = array<i32>} : memref<10x128xf32, #tpu.memory_space<vmem>>, vector<16xf32>,
        tpu.vector_store %arg19[%swap3A_960, %swap3A_961], %gather3A_957 {strides = array<i32>} : memref<10x128xf32, #tpu.memory_space<vmem>>, vector<16xf32>,
        %mul3A_963 = arith.constant 10240 : i32
        %mul3A_964 = vector.broadcast %mul3A_963 : i32 to vector<16xi32>
        %mul3A_965 = arith.muli %gather3A_958, %mul3A_964 : vector<16xi32>
        %add3A_966 = arith.addi %mul3A_965, %get3A_953 : vector<16xi32>
        %swap3A_967 = arith.constant 1 : i32
        %swap3A_968 = arith.index_cast %swap3A_967 : i32 to index
        %swap3A_969 = arith.constant 80 : index
        %swap3A_970 = tpu.vector_load %arg18[%swap3A_968, %swap3A_969] {strides = array<i32>} : memref<10x128xi32, #tpu.memory_space<vmem>>, vector<16xi32>,
        tpu.vector_store %arg18[%swap3A_968, %swap3A_969], %add3A_966 {strides = array<i32>} : memref<10x128xi32, #tpu.memory_space<vmem>>, vector<16xi32>,
        %mul3A_971 = arith.constant 2 : i32
        %mul3A_972 = arith.muli %scan3A_458, %mul3A_971 : i32
        %add3A_973 = arith.constant 1 : i32
        %add3A_974 = arith.addi %mul3A_972, %add3A_973 : i32
        %mul3A_975 = arith.constant 128 : i32
        %mul3A_976 = arith.muli %add3A_974, %mul3A_975 : i32
        %add3A_977 = arith.constant 96 : i32
        %add3A_978 = arith.addi %mul3A_976, %add3A_977 : i32
        %add3A_979 = arith.constant 20000 : i32
        %add3A_980 = arith.addi %add3A_979, %add3A_978 : i32
        %get3A_981 = arith.index_cast %add3A_980 : i32 to index
        %get3A_982 = tpu.vector_load %arg12[%get3A_981] {strides = array<i32>} : memref<30000xi32, #tpu.memory_space<vmem>>, vector<16xi32>,
        %add3A_983 = arith.addi %mul3A_222, %add3A_978 : i32
        %get3A_984 = arith.index_cast %add3A_983 : i32 to index
        %get3A_985 = tpu.vector_load %arg12[%get3A_984] {strides = array<i32>} : memref<30000xi32, #tpu.memory_space<vmem>>, vector<16xi32>,
        %gather3A_986 = tpu.vector_load_idx %arg13[%get3A_985] : memref<10240xf32, #tpu.memory_space<vmem>>[vector<16xi32>], vector<16xf32>,
        %gather3A_987 = tpu.vector_load_idx %arg14[%get3A_985] : memref<10240xi32, #tpu.memory_space<vmem>>[vector<16xi32>], vector<16xi32>,
        %swap3A_988 = arith.constant 1 : i32
        %swap3A_989 = arith.index_cast %swap3A_988 : i32 to index
        %swap3A_990 = arith.constant 96 : index
        %swap3A_991 = tpu.vector_load %arg19[%swap3A_989, %swap3A_990] {strides = array<i32>} : memref<10x128xf32, #tpu.memory_space<vmem>>, vector<16xf32>,
        tpu.vector_store %arg19[%swap3A_989, %swap3A_990], %gather3A_986 {strides = array<i32>} : memref<10x128xf32, #tpu.memory_space<vmem>>, vector<16xf32>,
        %mul3A_992 = arith.constant 10240 : i32
        %mul3A_993 = vector.broadcast %mul3A_992 : i32 to vector<16xi32>
        %mul3A_994 = arith.muli %gather3A_987, %mul3A_993 : vector<16xi32>
        %add3A_995 = arith.addi %mul3A_994, %get3A_982 : vector<16xi32>
        %swap3A_996 = arith.constant 1 : i32
        %swap3A_997 = arith.index_cast %swap3A_996 : i32 to index
        %swap3A_998 = arith.constant 96 : index
        %swap3A_999 = tpu.vector_load %arg18[%swap3A_997, %swap3A_998] {strides = array<i32>} : memref<10x128xi32, #tpu.memory_space<vmem>>, vector<16xi32>,
        tpu.vector_store %arg18[%swap3A_997, %swap3A_998], %add3A_995 {strides = array<i32>} : memref<10x128xi32, #tpu.memory_space<vmem>>, vector<16xi32>,
        %mul3A_1000 = arith.constant 2 : i32
        %mul3A_1001 = arith.muli %scan3A_458, %mul3A_1000 : i32
        %add3A_1002 = arith.constant 1 : i32
        %add3A_1003 = arith.addi %mul3A_1001, %add3A_1002 : i32
        %mul3A_1004 = arith.constant 128 : i32
        %mul3A_1005 = arith.muli %add3A_1003, %mul3A_1004 : i32
        %add3A_1006 = arith.constant 112 : i32
        %add3A_1007 = arith.addi %mul3A_1005, %add3A_1006 : i32
        %add3A_1008 = arith.constant 20000 : i32
        %add3A_1009 = arith.addi %add3A_1008, %add3A_1007 : i32
        %get3A_1010 = arith.index_cast %add3A_1009 : i32 to index
        %get3A_1011 = tpu.vector_load %arg12[%get3A_1010] {strides = array<i32>} : memref<30000xi32, #tpu.memory_space<vmem>>, vector<16xi32>,
        %add3A_1012 = arith.addi %mul3A_222, %add3A_1007 : i32
        %get3A_1013 = arith.index_cast %add3A_1012 : i32 to index
        %get3A_1014 = tpu.vector_load %arg12[%get3A_1013] {strides = array<i32>} : memref<30000xi32, #tpu.memory_space<vmem>>, vector<16xi32>,
        %gather3A_1015 = tpu.vector_load_idx %arg13[%get3A_1014] : memref<10240xf32, #tpu.memory_space<vmem>>[vector<16xi32>], vector<16xf32>,
        %gather3A_1016 = tpu.vector_load_idx %arg14[%get3A_1014] : memref<10240xi32, #tpu.memory_space<vmem>>[vector<16xi32>], vector<16xi32>,
        %swap3A_1017 = arith.constant 1 : i32
        %swap3A_1018 = arith.index_cast %swap3A_1017 : i32 to index
        %swap3A_1019 = arith.constant 112 : index
        %swap3A_1020 = tpu.vector_load %arg19[%swap3A_1018, %swap3A_1019] {strides = array<i32>} : memref<10x128xf32, #tpu.memory_space<vmem>>, vector<16xf32>,
        tpu.vector_store %arg19[%swap3A_1018, %swap3A_1019], %gather3A_1015 {strides = array<i32>} : memref<10x128xf32, #tpu.memory_space<vmem>>, vector<16xf32>,
        %mul3A_1021 = arith.constant 10240 : i32
        %mul3A_1022 = vector.broadcast %mul3A_1021 : i32 to vector<16xi32>
        %mul3A_1023 = arith.muli %gather3A_1016, %mul3A_1022 : vector<16xi32>
        %add3A_1024 = arith.addi %mul3A_1023, %get3A_1011 : vector<16xi32>
        %swap3A_1025 = arith.constant 1 : i32
        %swap3A_1026 = arith.index_cast %swap3A_1025 : i32 to index
        %swap3A_1027 = arith.constant 112 : index
        %swap3A_1028 = tpu.vector_load %arg18[%swap3A_1026, %swap3A_1027] {strides = array<i32>} : memref<10x128xi32, #tpu.memory_space<vmem>>, vector<16xi32>,
        tpu.vector_store %arg18[%swap3A_1026, %swap3A_1027], %add3A_1024 {strides = array<i32>} : memref<10x128xi32, #tpu.memory_space<vmem>>, vector<16xi32>,
        %dma_start3A_1029 = arith.constant 0 : i32
        %dma_start3A_1030 = arith.constant 0 : i32
        %dma_start3A_1031 = arith.constant 0 : i32
        %dma_start3A_1032 = tpu.memref_slice %arg19[%dma_start3A_1029, %dma_start3A_1031] : memref<10x128xf32, #tpu.memory_space<vmem>> -> memref<1x128xf32, #tpu.memory_space<vmem>>
        %dma_start3A_1033 = tpu.memref_squeeze %dma_start3A_1032 : memref<1x128xf32, #tpu.memory_space<vmem>> -> memref<128xf32, #tpu.memory_space<vmem>>
        %dma_start3A_1034 = arith.constant 0 : i32
        %dma_start3A_1035 = tpu.memref_slice %arg18[%dma_start3A_1030, %dma_start3A_1034] : memref<10x128xi32, #tpu.memory_space<vmem>> -> memref<1x128xi32, #tpu.memory_space<vmem>>
        %dma_start3A_1036 = tpu.memref_squeeze %dma_start3A_1035 : memref<1x128xi32, #tpu.memory_space<vmem>> -> memref<128xi32, #tpu.memory_space<vmem>>
        %dma_start3A_1037 = arith.constant 0 : i32
        %dma_start3A_1038 = tpu.memref_slice %arg7[%dma_start3A_1037] : memref<665600xf32, #tpu.memory_space<vmem_shared>> -> memref<665600xf32, #tpu.memory_space<vmem_shared>>
        tpu.enqueue_indirect_dma source(%dma_start3A_1033 : memref<128xf32, #tpu.memory_space<vmem>>) target(%dma_start3A_1038 : memref<665600xf32, #tpu.memory_space<vmem_shared>>) offsets(%dma_start3A_1036 : memref<128xi32, #tpu.memory_space<vmem>>) semaphore(%arg20 : memref<!tpu.dma_semaphore, #tpu.memory_space<semaphore_mem>>) {add = true}
        %dma_start3A_1039 = arith.constant 1 : i32
        %dma_start3A_1040 = arith.constant 1 : i32
        %dma_start3A_1041 = arith.constant 0 : i32
        %dma_start3A_1042 = tpu.memref_slice %arg19[%dma_start3A_1039, %dma_start3A_1041] : memref<10x128xf32, #tpu.memory_space<vmem>> -> memref<1x128xf32, #tpu.memory_space<vmem>>
        %dma_start3A_1043 = tpu.memref_squeeze %dma_start3A_1042 : memref<1x128xf32, #tpu.memory_space<vmem>> -> memref<128xf32, #tpu.memory_space<vmem>>
        %dma_start3A_1044 = arith.constant 0 : i32
        %dma_start3A_1045 = tpu.memref_slice %arg18[%dma_start3A_1040, %dma_start3A_1044] : memref<10x128xi32, #tpu.memory_space<vmem>> -> memref<1x128xi32, #tpu.memory_space<vmem>>
        %dma_start3A_1046 = tpu.memref_squeeze %dma_start3A_1045 : memref<1x128xi32, #tpu.memory_space<vmem>> -> memref<128xi32, #tpu.memory_space<vmem>>
        %dma_start3A_1047 = arith.constant 0 : i32
        %dma_start3A_1048 = tpu.memref_slice %arg7[%dma_start3A_1047] : memref<665600xf32, #tpu.memory_space<vmem_shared>> -> memref<665600xf32, #tpu.memory_space<vmem_shared>>
        tpu.enqueue_indirect_dma source(%dma_start3A_1043 : memref<128xf32, #tpu.memory_space<vmem>>) target(%dma_start3A_1048 : memref<665600xf32, #tpu.memory_space<vmem_shared>>) offsets(%dma_start3A_1046 : memref<128xi32, #tpu.memory_space<vmem>>) semaphore(%arg20 : memref<!tpu.dma_semaphore, #tpu.memory_space<semaphore_mem>>) {add = true}
      } else {
      }
      %jit3A_476 = arith.constant 5 : i32
      %eq3A_477 = arith.constant 0 : i32
      %eq3A_478 = arith.cmpi eq, %jit3A_476, %eq3A_477 : i32
      %jit3A_479 = arith.constant 1 : i32
      %select_n3A_480 = arith.select %eq3A_478, %jit3A_479, %jit3A_476 : i32
      %rem3A_481 = arith.remsi %scan3A_458, %select_n3A_480 : i32
      %ne3A_482 = arith.constant 0 : i32
      %ne3A_483 = arith.cmpi ne, %rem3A_481, %ne3A_482 : i32
      %lt3A_484 = arith.constant 0 : i32
      %lt3A_485 = arith.cmpi slt, %rem3A_481, %lt3A_484 : i32
      %lt3A_486 = arith.constant 0 : i32
      %lt3A_487 = arith.cmpi slt, %select_n3A_480, %lt3A_486 : i32
      %ne3A_488 = arith.xori %lt3A_485, %lt3A_487 : i1
      %and3A_489 = arith.andi %ne3A_488, %ne3A_483 : i1
      %add3A_490 = arith.addi %rem3A_481, %select_n3A_480 : i32
      %select_n3A_491 = arith.select %and3A_489, %add3A_490, %rem3A_481 : i32
      %eq3A_492 = arith.constant 1 : i32
      %eq3A_493 = arith.cmpi eq, %select_n3A_491, %eq3A_492 : i32
      %convert_element_type3A_494 = arith.extui %eq3A_493 : i1 to i32
      %cond3A_495 = arith.constant 0 : i32
      %cond3A_496 = arith.cmpi ne, %convert_element_type3A_494, %cond3A_495 : i32
      scf.if %cond3A_496 {
        %ge3A = arith.constant 5 : i32
        %ge3A_561 = arith.cmpi sge, %scan3A_458, %ge3A : i32
        %convert_element_type3A_562 = arith.extui %ge3A_561 : i1 to i32
        %cond3A_563 = arith.constant 0 : i32
        %cond3A_564 = arith.cmpi ne, %convert_element_type3A_562, %cond3A_563 : i32
        scf.if %cond3A_564 {
          %dma_wait3A_1049 = arith.constant 0 : i32
          %dma_wait3A_1050 = arith.constant 0 : i32
          %dma_wait3A_1051 = tpu.memref_slice %arg19[%dma_wait3A_1049, %dma_wait3A_1050] : memref<10x128xf32, #tpu.memory_space<vmem>> -> memref<1x128xf32, #tpu.memory_space<vmem>>
          %dma_wait3A_1052 = tpu.memref_squeeze %dma_wait3A_1051 : memref<1x128xf32, #tpu.memory_space<vmem>> -> memref<128xf32, #tpu.memory_space<vmem>>
          %dma_wait3A_1053 = arith.constant 0 : i32
          %dma_wait3A_1054 = tpu.memref_slice %arg7[%dma_wait3A_1053] : memref<665600xf32, #tpu.memory_space<vmem_shared>> -> memref<128xf32, #tpu.memory_space<vmem_shared>>
          %dma_wait3A_1055 = arith.constant 0 : i32
          %dma_wait3A_1056 = tpu.memref_slice %arg7[%dma_wait3A_1055] : memref<665600xf32, #tpu.memory_space<vmem_shared>> -> memref<128xf32, #tpu.memory_space<vmem_shared>>
          %dma_wait3A_1057 = arith.constant 0 : i32
          %dma_wait3A_1058 = tpu.memref_slice %arg19[%dma_wait3A_1049, %dma_wait3A_1057] : memref<10x128xf32, #tpu.memory_space<vmem>> -> memref<1x128xf32, #tpu.memory_space<vmem>>
          %dma_wait3A_1059 = tpu.memref_squeeze %dma_wait3A_1058 : memref<1x128xf32, #tpu.memory_space<vmem>> -> memref<128xf32, #tpu.memory_space<vmem>>
          tpu.wait_dma2 semaphore(%arg20 : memref<!tpu.dma_semaphore, #tpu.memory_space<semaphore_mem>>) src(%dma_wait3A_1059 : memref<128xf32, #tpu.memory_space<vmem>>) dst(%dma_wait3A_1056 : memref<128xf32, #tpu.memory_space<vmem_shared>>)
          %dma_wait3A_1060 = arith.constant 0 : i32
          %dma_wait3A_1061 = arith.constant 0 : i32
          %dma_wait3A_1062 = tpu.memref_slice %arg19[%dma_wait3A_1060, %dma_wait3A_1061] : memref<10x128xf32, #tpu.memory_space<vmem>> -> memref<1x128xf32, #tpu.memory_space<vmem>>
          %dma_wait3A_1063 = tpu.memref_squeeze %dma_wait3A_1062 : memref<1x128xf32, #tpu.memory_space<vmem>> -> memref<128xf32, #tpu.memory_space<vmem>>
          %dma_wait3A_1064 = arith.constant 0 : i32
          %dma_wait3A_1065 = tpu.memref_slice %arg7[%dma_wait3A_1064] : memref<665600xf32, #tpu.memory_space<vmem_shared>> -> memref<128xf32, #tpu.memory_space<vmem_shared>>
          %dma_wait3A_1066 = arith.constant 0 : i32
          %dma_wait3A_1067 = tpu.memref_slice %arg7[%dma_wait3A_1066] : memref<665600xf32, #tpu.memory_space<vmem_shared>> -> memref<128xf32, #tpu.memory_space<vmem_shared>>
          %dma_wait3A_1068 = arith.constant 0 : i32
          %dma_wait3A_1069 = tpu.memref_slice %arg19[%dma_wait3A_1060, %dma_wait3A_1068] : memref<10x128xf32, #tpu.memory_space<vmem>> -> memref<1x128xf32, #tpu.memory_space<vmem>>
          %dma_wait3A_1070 = tpu.memref_squeeze %dma_wait3A_1069 : memref<1x128xf32, #tpu.memory_space<vmem>> -> memref<128xf32, #tpu.memory_space<vmem>>
          tpu.wait_dma2 semaphore(%arg20 : memref<!tpu.dma_semaphore, #tpu.memory_space<semaphore_mem>>) src(%dma_wait3A_1070 : memref<128xf32, #tpu.memory_space<vmem>>) dst(%dma_wait3A_1067 : memref<128xf32, #tpu.memory_space<vmem_shared>>)
        } else {
        }
        %mul3A_565 = arith.constant 2 : i32
        %mul3A_566 = arith.muli %scan3A_458, %mul3A_565 : i32
        %add3A_567 = arith.constant 0 : i32
        %add3A_568 = arith.addi %mul3A_566, %add3A_567 : i32
        %mul3A_569 = arith.constant 128 : i32
        %mul3A_570 = arith.muli %add3A_568, %mul3A_569 : i32
        %add3A_571 = arith.constant 0 : i32
        %add3A_572 = arith.addi %mul3A_570, %add3A_571 : i32
        %add3A_573 = arith.constant 20000 : i32
        %add3A_574 = arith.addi %add3A_573, %add3A_572 : i32
        %get3A_575 = arith.index_cast %add3A_574 : i32 to index
        %get3A_576 = tpu.vector_load %arg12[%get3A_575] {strides = array<i32>} : memref<30000xi32, #tpu.memory_space<vmem>>, vector<16xi32>,
        %add3A_577 = arith.addi %mul3A_222, %add3A_572 : i32
        %get3A_578 = arith.index_cast %add3A_577 : i32 to index
        %get3A_579 = tpu.vector_load %arg12[%get3A_578] {strides = array<i32>} : memref<30000xi32, #tpu.memory_space<vmem>>, vector<16xi32>,
        %gather3A_580 = tpu.vector_load_idx %arg13[%get3A_579] : memref<10240xf32, #tpu.memory_space<vmem>>[vector<16xi32>], vector<16xf32>,
        %gather3A_581 = tpu.vector_load_idx %arg14[%get3A_579] : memref<10240xi32, #tpu.memory_space<vmem>>[vector<16xi32>], vector<16xi32>,
        %swap3A_582 = arith.constant 2 : i32
        %swap3A_583 = arith.index_cast %swap3A_582 : i32 to index
        %swap3A_584 = arith.constant 0 : index
        %swap3A_585 = tpu.vector_load %arg19[%swap3A_583, %swap3A_584] {strides = array<i32>} : memref<10x128xf32, #tpu.memory_space<vmem>>, vector<16xf32>,
        tpu.vector_store %arg19[%swap3A_583, %swap3A_584], %gather3A_580 {strides = array<i32>} : memref<10x128xf32, #tpu.memory_space<vmem>>, vector<16xf32>,
        %mul3A_586 = arith.constant 10240 : i32
        %mul3A_587 = vector.broadcast %mul3A_586 : i32 to vector<16xi32>
        %mul3A_588 = arith.muli %gather3A_581, %mul3A_587 : vector<16xi32>
        %add3A_589 = arith.addi %mul3A_588, %get3A_576 : vector<16xi32>
        %swap3A_590 = arith.constant 2 : i32
        %swap3A_591 = arith.index_cast %swap3A_590 : i32 to index
        %swap3A_592 = arith.constant 0 : index
        %swap3A_593 = tpu.vector_load %arg18[%swap3A_591, %swap3A_592] {strides = array<i32>} : memref<10x128xi32, #tpu.memory_space<vmem>>, vector<16xi32>,
        tpu.vector_store %arg18[%swap3A_591, %swap3A_592], %add3A_589 {strides = array<i32>} : memref<10x128xi32, #tpu.memory_space<vmem>>, vector<16xi32>,
        %mul3A_594 = arith.constant 2 : i32
        %mul3A_595 = arith.muli %scan3A_458, %mul3A_594 : i32
        %add3A_596 = arith.constant 0 : i32
        %add3A_597 = arith.addi %mul3A_595, %add3A_596 : i32
        %mul3A_598 = arith.constant 128 : i32
        %mul3A_599 = arith.muli %add3A_597, %mul3A_598 : i32
        %add3A_600 = arith.constant 16 : i32
        %add3A_601 = arith.addi %mul3A_599, %add3A_600 : i32
        %add3A_602 = arith.constant 20000 : i32
        %add3A_603 = arith.addi %add3A_602, %add3A_601 : i32
        %get3A_604 = arith.index_cast %add3A_603 : i32 to index
        %get3A_605 = tpu.vector_load %arg12[%get3A_604] {strides = array<i32>} : memref<30000xi32, #tpu.memory_space<vmem>>, vector<16xi32>,
        %add3A_606 = arith.addi %mul3A_222, %add3A_601 : i32
        %get3A_607 = arith.index_cast %add3A_606 : i32 to index
        %get3A_608 = tpu.vector_load %arg12[%get3A_607] {strides = array<i32>} : memref<30000xi32, #tpu.memory_space<vmem>>, vector<16xi32>,
        %gather3A_609 = tpu.vector_load_idx %arg13[%get3A_608] : memref<10240xf32, #tpu.memory_space<vmem>>[vector<16xi32>], vector<16xf32>,
        %gather3A_610 = tpu.vector_load_idx %arg14[%get3A_608] : memref<10240xi32, #tpu.memory_space<vmem>>[vector<16xi32>], vector<16xi32>,
        %swap3A_611 = arith.constant 2 : i32
        %swap3A_612 = arith.index_cast %swap3A_611 : i32 to index
        %swap3A_613 = arith.constant 16 : index
        %swap3A_614 = tpu.vector_load %arg19[%swap3A_612, %swap3A_613] {strides = array<i32>} : memref<10x128xf32, #tpu.memory_space<vmem>>, vector<16xf32>,
        tpu.vector_store %arg19[%swap3A_612, %swap3A_613], %gather3A_609 {strides = array<i32>} : memref<10x128xf32, #tpu.memory_space<vmem>>, vector<16xf32>,
        %mul3A_615 = arith.constant 10240 : i32
        %mul3A_616 = vector.broadcast %mul3A_615 : i32 to vector<16xi32>
        %mul3A_617 = arith.muli %gather3A_610, %mul3A_616 : vector<16xi32>
        %add3A_618 = arith.addi %mul3A_617, %get3A_605 : vector<16xi32>
        %swap3A_619 = arith.constant 2 : i32
        %swap3A_620 = arith.index_cast %swap3A_619 : i32 to index
        %swap3A_621 = arith.constant 16 : index
        %swap3A_622 = tpu.vector_load %arg18[%swap3A_620, %swap3A_621] {strides = array<i32>} : memref<10x128xi32, #tpu.memory_space<vmem>>, vector<16xi32>,
        tpu.vector_store %arg18[%swap3A_620, %swap3A_621], %add3A_618 {strides = array<i32>} : memref<10x128xi32, #tpu.memory_space<vmem>>, vector<16xi32>,
        %mul3A_623 = arith.constant 2 : i32
        %mul3A_624 = arith.muli %scan3A_458, %mul3A_623 : i32
        %add3A_625 = arith.constant 0 : i32
        %add3A_626 = arith.addi %mul3A_624, %add3A_625 : i32
        %mul3A_627 = arith.constant 128 : i32
        %mul3A_628 = arith.muli %add3A_626, %mul3A_627 : i32
        %add3A_629 = arith.constant 32 : i32
        %add3A_630 = arith.addi %mul3A_628, %add3A_629 : i32
        %add3A_631 = arith.constant 20000 : i32
        %add3A_632 = arith.addi %add3A_631, %add3A_630 : i32
        %get3A_633 = arith.index_cast %add3A_632 : i32 to index
        %get3A_634 = tpu.vector_load %arg12[%get3A_633] {strides = array<i32>} : memref<30000xi32, #tpu.memory_space<vmem>>, vector<16xi32>,
        %add3A_635 = arith.addi %mul3A_222, %add3A_630 : i32
        %get3A_636 = arith.index_cast %add3A_635 : i32 to index
        %get3A_637 = tpu.vector_load %arg12[%get3A_636] {strides = array<i32>} : memref<30000xi32, #tpu.memory_space<vmem>>, vector<16xi32>,
        %gather3A_638 = tpu.vector_load_idx %arg13[%get3A_637] : memref<10240xf32, #tpu.memory_space<vmem>>[vector<16xi32>], vector<16xf32>,
        %gather3A_639 = tpu.vector_load_idx %arg14[%get3A_637] : memref<10240xi32, #tpu.memory_space<vmem>>[vector<16xi32>], vector<16xi32>,
        %swap3A_640 = arith.constant 2 : i32
        %swap3A_641 = arith.index_cast %swap3A_640 : i32 to index
        %swap3A_642 = arith.constant 32 : index
        %swap3A_643 = tpu.vector_load %arg19[%swap3A_641, %swap3A_642] {strides = array<i32>} : memref<10x128xf32, #tpu.memory_space<vmem>>, vector<16xf32>,
        tpu.vector_store %arg19[%swap3A_641, %swap3A_642], %gather3A_638 {strides = array<i32>} : memref<10x128xf32, #tpu.memory_space<vmem>>, vector<16xf32>,
        %mul3A_644 = arith.constant 10240 : i32
        %mul3A_645 = vector.broadcast %mul3A_644 : i32 to vector<16xi32>
        %mul3A_646 = arith.muli %gather3A_639, %mul3A_645 : vector<16xi32>
        %add3A_647 = arith.addi %mul3A_646, %get3A_634 : vector<16xi32>
        %swap3A_648 = arith.constant 2 : i32
        %swap3A_649 = arith.index_cast %swap3A_648 : i32 to index
        %swap3A_650 = arith.constant 32 : index
        %swap3A_651 = tpu.vector_load %arg18[%swap3A_649, %swap3A_650] {strides = array<i32>} : memref<10x128xi32, #tpu.memory_space<vmem>>, vector<16xi32>,
        tpu.vector_store %arg18[%swap3A_649, %swap3A_650], %add3A_647 {strides = array<i32>} : memref<10x128xi32, #tpu.memory_space<vmem>>, vector<16xi32>,
        %mul3A_652 = arith.constant 2 : i32
        %mul3A_653 = arith.muli %scan3A_458, %mul3A_652 : i32
        %add3A_654 = arith.constant 0 : i32
        %add3A_655 = arith.addi %mul3A_653, %add3A_654 : i32
        %mul3A_656 = arith.constant 128 : i32
        %mul3A_657 = arith.muli %add3A_655, %mul3A_656 : i32
        %add3A_658 = arith.constant 48 : i32
        %add3A_659 = arith.addi %mul3A_657, %add3A_658 : i32
        %add3A_660 = arith.constant 20000 : i32
        %add3A_661 = arith.addi %add3A_660, %add3A_659 : i32
        %get3A_662 = arith.index_cast %add3A_661 : i32 to index
        %get3A_663 = tpu.vector_load %arg12[%get3A_662] {strides = array<i32>} : memref<30000xi32, #tpu.memory_space<vmem>>, vector<16xi32>,
        %add3A_664 = arith.addi %mul3A_222, %add3A_659 : i32
        %get3A_665 = arith.index_cast %add3A_664 : i32 to index
        %get3A_666 = tpu.vector_load %arg12[%get3A_665] {strides = array<i32>} : memref<30000xi32, #tpu.memory_space<vmem>>, vector<16xi32>,
        %gather3A_667 = tpu.vector_load_idx %arg13[%get3A_666] : memref<10240xf32, #tpu.memory_space<vmem>>[vector<16xi32>], vector<16xf32>,
        %gather3A_668 = tpu.vector_load_idx %arg14[%get3A_666] : memref<10240xi32, #tpu.memory_space<vmem>>[vector<16xi32>], vector<16xi32>,
        %swap3A_669 = arith.constant 2 : i32
        %swap3A_670 = arith.index_cast %swap3A_669 : i32 to index
        %swap3A_671 = arith.constant 48 : index
        %swap3A_672 = tpu.vector_load %arg19[%swap3A_670, %swap3A_671] {strides = array<i32>} : memref<10x128xf32, #tpu.memory_space<vmem>>, vector<16xf32>,
        tpu.vector_store %arg19[%swap3A_670, %swap3A_671], %gather3A_667 {strides = array<i32>} : memref<10x128xf32, #tpu.memory_space<vmem>>, vector<16xf32>,
        %mul3A_673 = arith.constant 10240 : i32
        %mul3A_674 = vector.broadcast %mul3A_673 : i32 to vector<16xi32>
        %mul3A_675 = arith.muli %gather3A_668, %mul3A_674 : vector<16xi32>
        %add3A_676 = arith.addi %mul3A_675, %get3A_663 : vector<16xi32>
        %swap3A_677 = arith.constant 2 : i32
        %swap3A_678 = arith.index_cast %swap3A_677 : i32 to index
        %swap3A_679 = arith.constant 48 : index
        %swap3A_680 = tpu.vector_load %arg18[%swap3A_678, %swap3A_679] {strides = array<i32>} : memref<10x128xi32, #tpu.memory_space<vmem>>, vector<16xi32>,
        tpu.vector_store %arg18[%swap3A_678, %swap3A_679], %add3A_676 {strides = array<i32>} : memref<10x128xi32, #tpu.memory_space<vmem>>, vector<16xi32>,
        %mul3A_681 = arith.constant 2 : i32
        %mul3A_682 = arith.muli %scan3A_458, %mul3A_681 : i32
        %add3A_683 = arith.constant 0 : i32
        %add3A_684 = arith.addi %mul3A_682, %add3A_683 : i32
        %mul3A_685 = arith.constant 128 : i32
        %mul3A_686 = arith.muli %add3A_684, %mul3A_685 : i32
        %add3A_687 = arith.constant 64 : i32
        %add3A_688 = arith.addi %mul3A_686, %add3A_687 : i32
        %add3A_689 = arith.constant 20000 : i32
        %add3A_690 = arith.addi %add3A_689, %add3A_688 : i32
        %get3A_691 = arith.index_cast %add3A_690 : i32 to index
        %get3A_692 = tpu.vector_load %arg12[%get3A_691] {strides = array<i32>} : memref<30000xi32, #tpu.memory_space<vmem>>, vector<16xi32>,
        %add3A_693 = arith.addi %mul3A_222, %add3A_688 : i32
        %get3A_694 = arith.index_cast %add3A_693 : i32 to index
        %get3A_695 = tpu.vector_load %arg12[%get3A_694] {strides = array<i32>} : memref<30000xi32, #tpu.memory_space<vmem>>, vector<16xi32>,
        %gather3A_696 = tpu.vector_load_idx %arg13[%get3A_695] : memref<10240xf32, #tpu.memory_space<vmem>>[vector<16xi32>], vector<16xf32>,
        %gather3A_697 = tpu.vector_load_idx %arg14[%get3A_695] : memref<10240xi32, #tpu.memory_space<vmem>>[vector<16xi32>], vector<16xi32>,
        %swap3A_698 = arith.constant 2 : i32
        %swap3A_699 = arith.index_cast %swap3A_698 : i32 to index
        %swap3A_700 = arith.constant 64 : index
        %swap3A_701 = tpu.vector_load %arg19[%swap3A_699, %swap3A_700] {strides = array<i32>} : memref<10x128xf32, #tpu.memory_space<vmem>>, vector<16xf32>,
        tpu.vector_store %arg19[%swap3A_699, %swap3A_700], %gather3A_696 {strides = array<i32>} : memref<10x128xf32, #tpu.memory_space<vmem>>, vector<16xf32>,
        %mul3A_702 = arith.constant 10240 : i32
        %mul3A_703 = vector.broadcast %mul3A_702 : i32 to vector<16xi32>
        %mul3A_704 = arith.muli %gather3A_697, %mul3A_703 : vector<16xi32>
        %add3A_705 = arith.addi %mul3A_704, %get3A_692 : vector<16xi32>
        %swap3A_706 = arith.constant 2 : i32
        %swap3A_707 = arith.index_cast %swap3A_706 : i32 to index
        %swap3A_708 = arith.constant 64 : index
        %swap3A_709 = tpu.vector_load %arg18[%swap3A_707, %swap3A_708] {strides = array<i32>} : memref<10x128xi32, #tpu.memory_space<vmem>>, vector<16xi32>,
        tpu.vector_store %arg18[%swap3A_707, %swap3A_708], %add3A_705 {strides = array<i32>} : memref<10x128xi32, #tpu.memory_space<vmem>>, vector<16xi32>,
        %mul3A_710 = arith.constant 2 : i32
        %mul3A_711 = arith.muli %scan3A_458, %mul3A_710 : i32
        %add3A_712 = arith.constant 0 : i32
        %add3A_713 = arith.addi %mul3A_711, %add3A_712 : i32
        %mul3A_714 = arith.constant 128 : i32
        %mul3A_715 = arith.muli %add3A_713, %mul3A_714 : i32
        %add3A_716 = arith.constant 80 : i32
        %add3A_717 = arith.addi %mul3A_715, %add3A_716 : i32
        %add3A_718 = arith.constant 20000 : i32
        %add3A_719 = arith.addi %add3A_718, %add3A_717 : i32
        %get3A_720 = arith.index_cast %add3A_719 : i32 to index
        %get3A_721 = tpu.vector_load %arg12[%get3A_720] {strides = array<i32>} : memref<30000xi32, #tpu.memory_space<vmem>>, vector<16xi32>,
        %add3A_722 = arith.addi %mul3A_222, %add3A_717 : i32
        %get3A_723 = arith.index_cast %add3A_722 : i32 to index
        %get3A_724 = tpu.vector_load %arg12[%get3A_723] {strides = array<i32>} : memref<30000xi32, #tpu.memory_space<vmem>>, vector<16xi32>,
        %gather3A_725 = tpu.vector_load_idx %arg13[%get3A_724] : memref<10240xf32, #tpu.memory_space<vmem>>[vector<16xi32>], vector<16xf32>,
        %gather3A_726 = tpu.vector_load_idx %arg14[%get3A_724] : memref<10240xi32, #tpu.memory_space<vmem>>[vector<16xi32>], vector<16xi32>,
        %swap3A_727 = arith.constant 2 : i32
        %swap3A_728 = arith.index_cast %swap3A_727 : i32 to index
        %swap3A_729 = arith.constant 80 : index
        %swap3A_730 = tpu.vector_load %arg19[%swap3A_728, %swap3A_729] {strides = array<i32>} : memref<10x128xf32, #tpu.memory_space<vmem>>, vector<16xf32>,
        tpu.vector_store %arg19[%swap3A_728, %swap3A_729], %gather3A_725 {strides = array<i32>} : memref<10x128xf32, #tpu.memory_space<vmem>>, vector<16xf32>,
        %mul3A_731 = arith.constant 10240 : i32
        %mul3A_732 = vector.broadcast %mul3A_731 : i32 to vector<16xi32>
        %mul3A_733 = arith.muli %gather3A_726, %mul3A_732 : vector<16xi32>
        %add3A_734 = arith.addi %mul3A_733, %get3A_721 : vector<16xi32>
        %swap3A_735 = arith.constant 2 : i32
        %swap3A_736 = arith.index_cast %swap3A_735 : i32 to index
        %swap3A_737 = arith.constant 80 : index
        %swap3A_738 = tpu.vector_load %arg18[%swap3A_736, %swap3A_737] {strides = array<i32>} : memref<10x128xi32, #tpu.memory_space<vmem>>, vector<16xi32>,
        tpu.vector_store %arg18[%swap3A_736, %swap3A_737], %add3A_734 {strides = array<i32>} : memref<10x128xi32, #tpu.memory_space<vmem>>, vector<16xi32>,
        %mul3A_739 = arith.constant 2 : i32
        %mul3A_740 = arith.muli %scan3A_458, %mul3A_739 : i32
        %add3A_741 = arith.constant 0 : i32
        %add3A_742 = arith.addi %mul3A_740, %add3A_741 : i32
        %mul3A_743 = arith.constant 128 : i32
        %mul3A_744 = arith.muli %add3A_742, %mul3A_743 : i32
        %add3A_745 = arith.constant 96 : i32
        %add3A_746 = arith.addi %mul3A_744, %add3A_745 : i32
        %add3A_747 = arith.constant 20000 : i32
        %add3A_748 = arith.addi %add3A_747, %add3A_746 : i32
        %get3A_749 = arith.index_cast %add3A_748 : i32 to index
        %get3A_750 = tpu.vector_load %arg12[%get3A_749] {strides = array<i32>} : memref<30000xi32, #tpu.memory_space<vmem>>, vector<16xi32>,
        %add3A_751 = arith.addi %mul3A_222, %add3A_746 : i32
        %get3A_752 = arith.index_cast %add3A_751 : i32 to index
        %get3A_753 = tpu.vector_load %arg12[%get3A_752] {strides = array<i32>} : memref<30000xi32, #tpu.memory_space<vmem>>, vector<16xi32>,
        %gather3A_754 = tpu.vector_load_idx %arg13[%get3A_753] : memref<10240xf32, #tpu.memory_space<vmem>>[vector<16xi32>], vector<16xf32>,
        %gather3A_755 = tpu.vector_load_idx %arg14[%get3A_753] : memref<10240xi32, #tpu.memory_space<vmem>>[vector<16xi32>], vector<16xi32>,
        %swap3A_756 = arith.constant 2 : i32
        %swap3A_757 = arith.index_cast %swap3A_756 : i32 to index
        %swap3A_758 = arith.constant 96 : index
        %swap3A_759 = tpu.vector_load %arg19[%swap3A_757, %swap3A_758] {strides = array<i32>} : memref<10x128xf32, #tpu.memory_space<vmem>>, vector<16xf32>,
        tpu.vector_store %arg19[%swap3A_757, %swap3A_758], %gather3A_754 {strides = array<i32>} : memref<10x128xf32, #tpu.memory_space<vmem>>, vector<16xf32>,
        %mul3A_760 = arith.constant 10240 : i32
        %mul3A_761 = vector.broadcast %mul3A_760 : i32 to vector<16xi32>
        %mul3A_762 = arith.muli %gather3A_755, %mul3A_761 : vector<16xi32>
        %add3A_763 = arith.addi %mul3A_762, %get3A_750 : vector<16xi32>
        %swap3A_764 = arith.constant 2 : i32
        %swap3A_765 = arith.index_cast %swap3A_764 : i32 to index
        %swap3A_766 = arith.constant 96 : index
        %swap3A_767 = tpu.vector_load %arg18[%swap3A_765, %swap3A_766] {strides = array<i32>} : memref<10x128xi32, #tpu.memory_space<vmem>>, vector<16xi32>,
        tpu.vector_store %arg18[%swap3A_765, %swap3A_766], %add3A_763 {strides = array<i32>} : memref<10x128xi32, #tpu.memory_space<vmem>>, vector<16xi32>,
        %mul3A_768 = arith.constant 2 : i32
        %mul3A_769 = arith.muli %scan3A_458, %mul3A_768 : i32
        %add3A_770 = arith.constant 0 : i32
        %add3A_771 = arith.addi %mul3A_769, %add3A_770 : i32
        %mul3A_772 = arith.constant 128 : i32
        %mul3A_773 = arith.muli %add3A_771, %mul3A_772 : i32
        %add3A_774 = arith.constant 112 : i32
        %add3A_775 = arith.addi %mul3A_773, %add3A_774 : i32
        %add3A_776 = arith.constant 20000 : i32
        %add3A_777 = arith.addi %add3A_776, %add3A_775 : i32
        %get3A_778 = arith.index_cast %add3A_777 : i32 to index
        %get3A_779 = tpu.vector_load %arg12[%get3A_778] {strides = array<i32>} : memref<30000xi32, #tpu.memory_space<vmem>>, vector<16xi32>,
        %add3A_780 = arith.addi %mul3A_222, %add3A_775 : i32
        %get3A_781 = arith.index_cast %add3A_780 : i32 to index
        %get3A_782 = tpu.vector_load %arg12[%get3A_781] {strides = array<i32>} : memref<30000xi32, #tpu.memory_space<vmem>>, vector<16xi32>,
        %gather3A_783 = tpu.vector_load_idx %arg13[%get3A_782] : memref<10240xf32, #tpu.memory_space<vmem>>[vector<16xi32>], vector<16xf32>,
        %gather3A_784 = tpu.vector_load_idx %arg14[%get3A_782] : memref<10240xi32, #tpu.memory_space<vmem>>[vector<16xi32>], vector<16xi32>,
        %swap3A_785 = arith.constant 2 : i32
        %swap3A_786 = arith.index_cast %swap3A_785 : i32 to index
        %swap3A_787 = arith.constant 112 : index
        %swap3A_788 = tpu.vector_load %arg19[%swap3A_786, %swap3A_787] {strides = array<i32>} : memref<10x128xf32, #tpu.memory_space<vmem>>, vector<16xf32>,
        tpu.vector_store %arg19[%swap3A_786, %swap3A_787], %gather3A_783 {strides = array<i32>} : memref<10x128xf32, #tpu.memory_space<vmem>>, vector<16xf32>,
        %mul3A_789 = arith.constant 10240 : i32
        %mul3A_790 = vector.broadcast %mul3A_789 : i32 to vector<16xi32>
        %mul3A_791 = arith.muli %gather3A_784, %mul3A_790 : vector<16xi32>
        %add3A_792 = arith.addi %mul3A_791, %get3A_779 : vector<16xi32>
        %swap3A_793 = arith.constant 2 : i32
        %swap3A_794 = arith.index_cast %swap3A_793 : i32 to index
        %swap3A_795 = arith.constant 112 : index
        %swap3A_796 = tpu.vector_load %arg18[%swap3A_794, %swap3A_795] {strides = array<i32>} : memref<10x128xi32, #tpu.memory_space<vmem>>, vector<16xi32>,
        tpu.vector_store %arg18[%swap3A_794, %swap3A_795], %add3A_792 {strides = array<i32>} : memref<10x128xi32, #tpu.memory_space<vmem>>, vector<16xi32>,
        %mul3A_797 = arith.constant 2 : i32
        %mul3A_798 = arith.muli %scan3A_458, %mul3A_797 : i32
        %add3A_799 = arith.constant 1 : i32
        %add3A_800 = arith.addi %mul3A_798, %add3A_799 : i32
        %mul3A_801 = arith.constant 128 : i32
        %mul3A_802 = arith.muli %add3A_800, %mul3A_801 : i32
        %add3A_803 = arith.constant 0 : i32
        %add3A_804 = arith.addi %mul3A_802, %add3A_803 : i32
        %add3A_805 = arith.constant 20000 : i32
        %add3A_806 = arith.addi %add3A_805, %add3A_804 : i32
        %get3A_807 = arith.index_cast %add3A_806 : i32 to index
        %get3A_808 = tpu.vector_load %arg12[%get3A_807] {strides = array<i32>} : memref<30000xi32, #tpu.memory_space<vmem>>, vector<16xi32>,
        %add3A_809 = arith.addi %mul3A_222, %add3A_804 : i32
        %get3A_810 = arith.index_cast %add3A_809 : i32 to index
        %get3A_811 = tpu.vector_load %arg12[%get3A_810] {strides = array<i32>} : memref<30000xi32, #tpu.memory_space<vmem>>, vector<16xi32>,
        %gather3A_812 = tpu.vector_load_idx %arg13[%get3A_811] : memref<10240xf32, #tpu.memory_space<vmem>>[vector<16xi32>], vector<16xf32>,
        %gather3A_813 = tpu.vector_load_idx %arg14[%get3A_811] : memref<10240xi32, #tpu.memory_space<vmem>>[vector<16xi32>], vector<16xi32>,
        %swap3A_814 = arith.constant 3 : i32
        %swap3A_815 = arith.index_cast %swap3A_814 : i32 to index
        %swap3A_816 = arith.constant 0 : index
        %swap3A_817 = tpu.vector_load %arg19[%swap3A_815, %swap3A_816] {strides = array<i32>} : memref<10x128xf32, #tpu.memory_space<vmem>>, vector<16xf32>,
        tpu.vector_store %arg19[%swap3A_815, %swap3A_816], %gather3A_812 {strides = array<i32>} : memref<10x128xf32, #tpu.memory_space<vmem>>, vector<16xf32>,
        %mul3A_818 = arith.constant 10240 : i32
        %mul3A_819 = vector.broadcast %mul3A_818 : i32 to vector<16xi32>
        %mul3A_820 = arith.muli %gather3A_813, %mul3A_819 : vector<16xi32>
        %add3A_821 = arith.addi %mul3A_820, %get3A_808 : vector<16xi32>
        %swap3A_822 = arith.constant 3 : i32
        %swap3A_823 = arith.index_cast %swap3A_822 : i32 to index
        %swap3A_824 = arith.constant 0 : index
        %swap3A_825 = tpu.vector_load %arg18[%swap3A_823, %swap3A_824] {strides = array<i32>} : memref<10x128xi32, #tpu.memory_space<vmem>>, vector<16xi32>,
        tpu.vector_store %arg18[%swap3A_823, %swap3A_824], %add3A_821 {strides = array<i32>} : memref<10x128xi32, #tpu.memory_space<vmem>>, vector<16xi32>,
        %mul3A_826 = arith.constant 2 : i32
        %mul3A_827 = arith.muli %scan3A_458, %mul3A_826 : i32
        %add3A_828 = arith.constant 1 : i32
        %add3A_829 = arith.addi %mul3A_827, %add3A_828 : i32
        %mul3A_830 = arith.constant 128 : i32
        %mul3A_831 = arith.muli %add3A_829, %mul3A_830 : i32
        %add3A_832 = arith.constant 16 : i32
        %add3A_833 = arith.addi %mul3A_831, %add3A_832 : i32
        %add3A_834 = arith.constant 20000 : i32
        %add3A_835 = arith.addi %add3A_834, %add3A_833 : i32
        %get3A_836 = arith.index_cast %add3A_835 : i32 to index
        %get3A_837 = tpu.vector_load %arg12[%get3A_836] {strides = array<i32>} : memref<30000xi32, #tpu.memory_space<vmem>>, vector<16xi32>,
        %add3A_838 = arith.addi %mul3A_222, %add3A_833 : i32
        %get3A_839 = arith.index_cast %add3A_838 : i32 to index
        %get3A_840 = tpu.vector_load %arg12[%get3A_839] {strides = array<i32>} : memref<30000xi32, #tpu.memory_space<vmem>>, vector<16xi32>,
        %gather3A_841 = tpu.vector_load_idx %arg13[%get3A_840] : memref<10240xf32, #tpu.memory_space<vmem>>[vector<16xi32>], vector<16xf32>,
        %gather3A_842 = tpu.vector_load_idx %arg14[%get3A_840] : memref<10240xi32, #tpu.memory_space<vmem>>[vector<16xi32>], vector<16xi32>,
        %swap3A_843 = arith.constant 3 : i32
        %swap3A_844 = arith.index_cast %swap3A_843 : i32 to index
        %swap3A_845 = arith.constant 16 : index
        %swap3A_846 = tpu.vector_load %arg19[%swap3A_844, %swap3A_845] {strides = array<i32>} : memref<10x128xf32, #tpu.memory_space<vmem>>, vector<16xf32>,
        tpu.vector_store %arg19[%swap3A_844, %swap3A_845], %gather3A_841 {strides = array<i32>} : memref<10x128xf32, #tpu.memory_space<vmem>>, vector<16xf32>,
        %mul3A_847 = arith.constant 10240 : i32
        %mul3A_848 = vector.broadcast %mul3A_847 : i32 to vector<16xi32>
        %mul3A_849 = arith.muli %gather3A_842, %mul3A_848 : vector<16xi32>
        %add3A_850 = arith.addi %mul3A_849, %get3A_837 : vector<16xi32>
        %swap3A_851 = arith.constant 3 : i32
        %swap3A_852 = arith.index_cast %swap3A_851 : i32 to index
        %swap3A_853 = arith.constant 16 : index
        %swap3A_854 = tpu.vector_load %arg18[%swap3A_852, %swap3A_853] {strides = array<i32>} : memref<10x128xi32, #tpu.memory_space<vmem>>, vector<16xi32>,
        tpu.vector_store %arg18[%swap3A_852, %swap3A_853], %add3A_850 {strides = array<i32>} : memref<10x128xi32, #tpu.memory_space<vmem>>, vector<16xi32>,
        %mul3A_855 = arith.constant 2 : i32
        %mul3A_856 = arith.muli %scan3A_458, %mul3A_855 : i32
        %add3A_857 = arith.constant 1 : i32
        %add3A_858 = arith.addi %mul3A_856, %add3A_857 : i32
        %mul3A_859 = arith.constant 128 : i32
        %mul3A_860 = arith.muli %add3A_858, %mul3A_859 : i32
        %add3A_861 = arith.constant 32 : i32
        %add3A_862 = arith.addi %mul3A_860, %add3A_861 : i32
        %add3A_863 = arith.constant 20000 : i32
        %add3A_864 = arith.addi %add3A_863, %add3A_862 : i32
        %get3A_865 = arith.index_cast %add3A_864 : i32 to index
        %get3A_866 = tpu.vector_load %arg12[%get3A_865] {strides = array<i32>} : memref<30000xi32, #tpu.memory_space<vmem>>, vector<16xi32>,
        %add3A_867 = arith.addi %mul3A_222, %add3A_862 : i32
        %get3A_868 = arith.index_cast %add3A_867 : i32 to index
        %get3A_869 = tpu.vector_load %arg12[%get3A_868] {strides = array<i32>} : memref<30000xi32, #tpu.memory_space<vmem>>, vector<16xi32>,
        %gather3A_870 = tpu.vector_load_idx %arg13[%get3A_869] : memref<10240xf32, #tpu.memory_space<vmem>>[vector<16xi32>], vector<16xf32>,
        %gather3A_871 = tpu.vector_load_idx %arg14[%get3A_869] : memref<10240xi32, #tpu.memory_space<vmem>>[vector<16xi32>], vector<16xi32>,
        %swap3A_872 = arith.constant 3 : i32
        %swap3A_873 = arith.index_cast %swap3A_872 : i32 to index
        %swap3A_874 = arith.constant 32 : index
        %swap3A_875 = tpu.vector_load %arg19[%swap3A_873, %swap3A_874] {strides = array<i32>} : memref<10x128xf32, #tpu.memory_space<vmem>>, vector<16xf32>,
        tpu.vector_store %arg19[%swap3A_873, %swap3A_874], %gather3A_870 {strides = array<i32>} : memref<10x128xf32, #tpu.memory_space<vmem>>, vector<16xf32>,
        %mul3A_876 = arith.constant 10240 : i32
        %mul3A_877 = vector.broadcast %mul3A_876 : i32 to vector<16xi32>
        %mul3A_878 = arith.muli %gather3A_871, %mul3A_877 : vector<16xi32>
        %add3A_879 = arith.addi %mul3A_878, %get3A_866 : vector<16xi32>
        %swap3A_880 = arith.constant 3 : i32
        %swap3A_881 = arith.index_cast %swap3A_880 : i32 to index
        %swap3A_882 = arith.constant 32 : index
        %swap3A_883 = tpu.vector_load %arg18[%swap3A_881, %swap3A_882] {strides = array<i32>} : memref<10x128xi32, #tpu.memory_space<vmem>>, vector<16xi32>,
        tpu.vector_store %arg18[%swap3A_881, %swap3A_882], %add3A_879 {strides = array<i32>} : memref<10x128xi32, #tpu.memory_space<vmem>>, vector<16xi32>,
        %mul3A_884 = arith.constant 2 : i32
        %mul3A_885 = arith.muli %scan3A_458, %mul3A_884 : i32
        %add3A_886 = arith.constant 1 : i32
        %add3A_887 = arith.addi %mul3A_885, %add3A_886 : i32
        %mul3A_888 = arith.constant 128 : i32
        %mul3A_889 = arith.muli %add3A_887, %mul3A_888 : i32
        %add3A_890 = arith.constant 48 : i32
        %add3A_891 = arith.addi %mul3A_889, %add3A_890 : i32
        %add3A_892 = arith.constant 20000 : i32
        %add3A_893 = arith.addi %add3A_892, %add3A_891 : i32
        %get3A_894 = arith.index_cast %add3A_893 : i32 to index
        %get3A_895 = tpu.vector_load %arg12[%get3A_894] {strides = array<i32>} : memref<30000xi32, #tpu.memory_space<vmem>>, vector<16xi32>,
        %add3A_896 = arith.addi %mul3A_222, %add3A_891 : i32
        %get3A_897 = arith.index_cast %add3A_896 : i32 to index
        %get3A_898 = tpu.vector_load %arg12[%get3A_897] {strides = array<i32>} : memref<30000xi32, #tpu.memory_space<vmem>>, vector<16xi32>,
        %gather3A_899 = tpu.vector_load_idx %arg13[%get3A_898] : memref<10240xf32, #tpu.memory_space<vmem>>[vector<16xi32>], vector<16xf32>,
        %gather3A_900 = tpu.vector_load_idx %arg14[%get3A_898] : memref<10240xi32, #tpu.memory_space<vmem>>[vector<16xi32>], vector<16xi32>,
        %swap3A_901 = arith.constant 3 : i32
        %swap3A_902 = arith.index_cast %swap3A_901 : i32 to index
        %swap3A_903 = arith.constant 48 : index
        %swap3A_904 = tpu.vector_load %arg19[%swap3A_902, %swap3A_903] {strides = array<i32>} : memref<10x128xf32, #tpu.memory_space<vmem>>, vector<16xf32>,
        tpu.vector_store %arg19[%swap3A_902, %swap3A_903], %gather3A_899 {strides = array<i32>} : memref<10x128xf32, #tpu.memory_space<vmem>>, vector<16xf32>,
        %mul3A_905 = arith.constant 10240 : i32
        %mul3A_906 = vector.broadcast %mul3A_905 : i32 to vector<16xi32>
        %mul3A_907 = arith.muli %gather3A_900, %mul3A_906 : vector<16xi32>
        %add3A_908 = arith.addi %mul3A_907, %get3A_895 : vector<16xi32>
        %swap3A_909 = arith.constant 3 : i32
        %swap3A_910 = arith.index_cast %swap3A_909 : i32 to index
        %swap3A_911 = arith.constant 48 : index
        %swap3A_912 = tpu.vector_load %arg18[%swap3A_910, %swap3A_911] {strides = array<i32>} : memref<10x128xi32, #tpu.memory_space<vmem>>, vector<16xi32>,
        tpu.vector_store %arg18[%swap3A_910, %swap3A_911], %add3A_908 {strides = array<i32>} : memref<10x128xi32, #tpu.memory_space<vmem>>, vector<16xi32>,
        %mul3A_913 = arith.constant 2 : i32
        %mul3A_914 = arith.muli %scan3A_458, %mul3A_913 : i32
        %add3A_915 = arith.constant 1 : i32
        %add3A_916 = arith.addi %mul3A_914, %add3A_915 : i32
        %mul3A_917 = arith.constant 128 : i32
        %mul3A_918 = arith.muli %add3A_916, %mul3A_917 : i32
        %add3A_919 = arith.constant 64 : i32
        %add3A_920 = arith.addi %mul3A_918, %add3A_919 : i32
        %add3A_921 = arith.constant 20000 : i32
        %add3A_922 = arith.addi %add3A_921, %add3A_920 : i32
        %get3A_923 = arith.index_cast %add3A_922 : i32 to index
        %get3A_924 = tpu.vector_load %arg12[%get3A_923] {strides = array<i32>} : memref<30000xi32, #tpu.memory_space<vmem>>, vector<16xi32>,
        %add3A_925 = arith.addi %mul3A_222, %add3A_920 : i32
        %get3A_926 = arith.index_cast %add3A_925 : i32 to index
        %get3A_927 = tpu.vector_load %arg12[%get3A_926] {strides = array<i32>} : memref<30000xi32, #tpu.memory_space<vmem>>, vector<16xi32>,
        %gather3A_928 = tpu.vector_load_idx %arg13[%get3A_927] : memref<10240xf32, #tpu.memory_space<vmem>>[vector<16xi32>], vector<16xf32>,
        %gather3A_929 = tpu.vector_load_idx %arg14[%get3A_927] : memref<10240xi32, #tpu.memory_space<vmem>>[vector<16xi32>], vector<16xi32>,
        %swap3A_930 = arith.constant 3 : i32
        %swap3A_931 = arith.index_cast %swap3A_930 : i32 to index
        %swap3A_932 = arith.constant 64 : index
        %swap3A_933 = tpu.vector_load %arg19[%swap3A_931, %swap3A_932] {strides = array<i32>} : memref<10x128xf32, #tpu.memory_space<vmem>>, vector<16xf32>,
        tpu.vector_store %arg19[%swap3A_931, %swap3A_932], %gather3A_928 {strides = array<i32>} : memref<10x128xf32, #tpu.memory_space<vmem>>, vector<16xf32>,
        %mul3A_934 = arith.constant 10240 : i32
        %mul3A_935 = vector.broadcast %mul3A_934 : i32 to vector<16xi32>
        %mul3A_936 = arith.muli %gather3A_929, %mul3A_935 : vector<16xi32>
        %add3A_937 = arith.addi %mul3A_936, %get3A_924 : vector<16xi32>
        %swap3A_938 = arith.constant 3 : i32
        %swap3A_939 = arith.index_cast %swap3A_938 : i32 to index
        %swap3A_940 = arith.constant 64 : index
        %swap3A_941 = tpu.vector_load %arg18[%swap3A_939, %swap3A_940] {strides = array<i32>} : memref<10x128xi32, #tpu.memory_space<vmem>>, vector<16xi32>,
        tpu.vector_store %arg18[%swap3A_939, %swap3A_940], %add3A_937 {strides = array<i32>} : memref<10x128xi32, #tpu.memory_space<vmem>>, vector<16xi32>,
        %mul3A_942 = arith.constant 2 : i32
        %mul3A_943 = arith.muli %scan3A_458, %mul3A_942 : i32
        %add3A_944 = arith.constant 1 : i32
        %add3A_945 = arith.addi %mul3A_943, %add3A_944 : i32
        %mul3A_946 = arith.constant 128 : i32
        %mul3A_947 = arith.muli %add3A_945, %mul3A_946 : i32
        %add3A_948 = arith.constant 80 : i32
        %add3A_949 = arith.addi %mul3A_947, %add3A_948 : i32
        %add3A_950 = arith.constant 20000 : i32
        %add3A_951 = arith.addi %add3A_950, %add3A_949 : i32
        %get3A_952 = arith.index_cast %add3A_951 : i32 to index
        %get3A_953 = tpu.vector_load %arg12[%get3A_952] {strides = array<i32>} : memref<30000xi32, #tpu.memory_space<vmem>>, vector<16xi32>,
        %add3A_954 = arith.addi %mul3A_222, %add3A_949 : i32
        %get3A_955 = arith.index_cast %add3A_954 : i32 to index
        %get3A_956 = tpu.vector_load %arg12[%get3A_955] {strides = array<i32>} : memref<30000xi32, #tpu.memory_space<vmem>>, vector<16xi32>,
        %gather3A_957 = tpu.vector_load_idx %arg13[%get3A_956] : memref<10240xf32, #tpu.memory_space<vmem>>[vector<16xi32>], vector<16xf32>,
        %gather3A_958 = tpu.vector_load_idx %arg14[%get3A_956] : memref<10240xi32, #tpu.memory_space<vmem>>[vector<16xi32>], vector<16xi32>,
        %swap3A_959 = arith.constant 3 : i32
        %swap3A_960 = arith.index_cast %swap3A_959 : i32 to index
        %swap3A_961 = arith.constant 80 : index
        %swap3A_962 = tpu.vector_load %arg19[%swap3A_960, %swap3A_961] {strides = array<i32>} : memref<10x128xf32, #tpu.memory_space<vmem>>, vector<16xf32>,
        tpu.vector_store %arg19[%swap3A_960, %swap3A_961], %gather3A_957 {strides = array<i32>} : memref<10x128xf32, #tpu.memory_space<vmem>>, vector<16xf32>,
        %mul3A_963 = arith.constant 10240 : i32
        %mul3A_964 = vector.broadcast %mul3A_963 : i32 to vector<16xi32>
        %mul3A_965 = arith.muli %gather3A_958, %mul3A_964 : vector<16xi32>
        %add3A_966 = arith.addi %mul3A_965, %get3A_953 : vector<16xi32>
        %swap3A_967 = arith.constant 3 : i32
        %swap3A_968 = arith.index_cast %swap3A_967 : i32 to index
        %swap3A_969 = arith.constant 80 : index
        %swap3A_970 = tpu.vector_load %arg18[%swap3A_968, %swap3A_969] {strides = array<i32>} : memref<10x128xi32, #tpu.memory_space<vmem>>, vector<16xi32>,
        tpu.vector_store %arg18[%swap3A_968, %swap3A_969], %add3A_966 {strides = array<i32>} : memref<10x128xi32, #tpu.memory_space<vmem>>, vector<16xi32>,
        %mul3A_971 = arith.constant 2 : i32
        %mul3A_972 = arith.muli %scan3A_458, %mul3A_971 : i32
        %add3A_973 = arith.constant 1 : i32
        %add3A_974 = arith.addi %mul3A_972, %add3A_973 : i32
        %mul3A_975 = arith.constant 128 : i32
        %mul3A_976 = arith.muli %add3A_974, %mul3A_975 : i32
        %add3A_977 = arith.constant 96 : i32
        %add3A_978 = arith.addi %mul3A_976, %add3A_977 : i32
        %add3A_979 = arith.constant 20000 : i32
        %add3A_980 = arith.addi %add3A_979, %add3A_978 : i32
        %get3A_981 = arith.index_cast %add3A_980 : i32 to index
        %get3A_982 = tpu.vector_load %arg12[%get3A_981] {strides = array<i32>} : memref<30000xi32, #tpu.memory_space<vmem>>, vector<16xi32>,
        %add3A_983 = arith.addi %mul3A_222, %add3A_978 : i32
        %get3A_984 = arith.index_cast %add3A_983 : i32 to index
        %get3A_985 = tpu.vector_load %arg12[%get3A_984] {strides = array<i32>} : memref<30000xi32, #tpu.memory_space<vmem>>, vector<16xi32>,
        %gather3A_986 = tpu.vector_load_idx %arg13[%get3A_985] : memref<10240xf32, #tpu.memory_space<vmem>>[vector<16xi32>], vector<16xf32>,
        %gather3A_987 = tpu.vector_load_idx %arg14[%get3A_985] : memref<10240xi32, #tpu.memory_space<vmem>>[vector<16xi32>], vector<16xi32>,
        %swap3A_988 = arith.constant 3 : i32
        %swap3A_989 = arith.index_cast %swap3A_988 : i32 to index
        %swap3A_990 = arith.constant 96 : index
        %swap3A_991 = tpu.vector_load %arg19[%swap3A_989, %swap3A_990] {strides = array<i32>} : memref<10x128xf32, #tpu.memory_space<vmem>>, vector<16xf32>,
        tpu.vector_store %arg19[%swap3A_989, %swap3A_990], %gather3A_986 {strides = array<i32>} : memref<10x128xf32, #tpu.memory_space<vmem>>, vector<16xf32>,
        %mul3A_992 = arith.constant 10240 : i32
        %mul3A_993 = vector.broadcast %mul3A_992 : i32 to vector<16xi32>
        %mul3A_994 = arith.muli %gather3A_987, %mul3A_993 : vector<16xi32>
        %add3A_995 = arith.addi %mul3A_994, %get3A_982 : vector<16xi32>
        %swap3A_996 = arith.constant 3 : i32
        %swap3A_997 = arith.index_cast %swap3A_996 : i32 to index
        %swap3A_998 = arith.constant 96 : index
        %swap3A_999 = tpu.vector_load %arg18[%swap3A_997, %swap3A_998] {strides = array<i32>} : memref<10x128xi32, #tpu.memory_space<vmem>>, vector<16xi32>,
        tpu.vector_store %arg18[%swap3A_997, %swap3A_998], %add3A_995 {strides = array<i32>} : memref<10x128xi32, #tpu.memory_space<vmem>>, vector<16xi32>,
        %mul3A_1000 = arith.constant 2 : i32
        %mul3A_1001 = arith.muli %scan3A_458, %mul3A_1000 : i32
        %add3A_1002 = arith.constant 1 : i32
        %add3A_1003 = arith.addi %mul3A_1001, %add3A_1002 : i32
        %mul3A_1004 = arith.constant 128 : i32
        %mul3A_1005 = arith.muli %add3A_1003, %mul3A_1004 : i32
        %add3A_1006 = arith.constant 112 : i32
        %add3A_1007 = arith.addi %mul3A_1005, %add3A_1006 : i32
        %add3A_1008 = arith.constant 20000 : i32
        %add3A_1009 = arith.addi %add3A_1008, %add3A_1007 : i32
        %get3A_1010 = arith.index_cast %add3A_1009 : i32 to index
        %get3A_1011 = tpu.vector_load %arg12[%get3A_1010] {strides = array<i32>} : memref<30000xi32, #tpu.memory_space<vmem>>, vector<16xi32>,
        %add3A_1012 = arith.addi %mul3A_222, %add3A_1007 : i32
        %get3A_1013 = arith.index_cast %add3A_1012 : i32 to index
        %get3A_1014 = tpu.vector_load %arg12[%get3A_1013] {strides = array<i32>} : memref<30000xi32, #tpu.memory_space<vmem>>, vector<16xi32>,
        %gather3A_1015 = tpu.vector_load_idx %arg13[%get3A_1014] : memref<10240xf32, #tpu.memory_space<vmem>>[vector<16xi32>], vector<16xf32>,
        %gather3A_1016 = tpu.vector_load_idx %arg14[%get3A_1014] : memref<10240xi32, #tpu.memory_space<vmem>>[vector<16xi32>], vector<16xi32>,
        %swap3A_1017 = arith.constant 3 : i32
        %swap3A_1018 = arith.index_cast %swap3A_1017 : i32 to index
        %swap3A_1019 = arith.constant 112 : index
        %swap3A_1020 = tpu.vector_load %arg19[%swap3A_1018, %swap3A_1019] {strides = array<i32>} : memref<10x128xf32, #tpu.memory_space<vmem>>, vector<16xf32>,
        tpu.vector_store %arg19[%swap3A_1018, %swap3A_1019], %gather3A_1015 {strides = array<i32>} : memref<10x128xf32, #tpu.memory_space<vmem>>, vector<16xf32>,
        %mul3A_1021 = arith.constant 10240 : i32
        %mul3A_1022 = vector.broadcast %mul3A_1021 : i32 to vector<16xi32>
        %mul3A_1023 = arith.muli %gather3A_1016, %mul3A_1022 : vector<16xi32>
        %add3A_1024 = arith.addi %mul3A_1023, %get3A_1011 : vector<16xi32>
        %swap3A_1025 = arith.constant 3 : i32
        %swap3A_1026 = arith.index_cast %swap3A_1025 : i32 to index
        %swap3A_1027 = arith.constant 112 : index
        %swap3A_1028 = tpu.vector_load %arg18[%swap3A_1026, %swap3A_1027] {strides = array<i32>} : memref<10x128xi32, #tpu.memory_space<vmem>>, vector<16xi32>,
        tpu.vector_store %arg18[%swap3A_1026, %swap3A_1027], %add3A_1024 {strides = array<i32>} : memref<10x128xi32, #tpu.memory_space<vmem>>, vector<16xi32>,
        %dma_start3A_1029 = arith.constant 2 : i32
        %dma_start3A_1030 = arith.constant 2 : i32
        %dma_start3A_1031 = arith.constant 0 : i32
        %dma_start3A_1032 = tpu.memref_slice %arg19[%dma_start3A_1029, %dma_start3A_1031] : memref<10x128xf32, #tpu.memory_space<vmem>> -> memref<1x128xf32, #tpu.memory_space<vmem>>
        %dma_start3A_1033 = tpu.memref_squeeze %dma_start3A_1032 : memref<1x128xf32, #tpu.memory_space<vmem>> -> memref<128xf32, #tpu.memory_space<vmem>>
        %dma_start3A_1034 = arith.constant 0 : i32
        %dma_start3A_1035 = tpu.memref_slice %arg18[%dma_start3A_1030, %dma_start3A_1034] : memref<10x128xi32, #tpu.memory_space<vmem>> -> memref<1x128xi32, #tpu.memory_space<vmem>>
        %dma_start3A_1036 = tpu.memref_squeeze %dma_start3A_1035 : memref<1x128xi32, #tpu.memory_space<vmem>> -> memref<128xi32, #tpu.memory_space<vmem>>
        %dma_start3A_1037 = arith.constant 0 : i32
        %dma_start3A_1038 = tpu.memref_slice %arg7[%dma_start3A_1037] : memref<665600xf32, #tpu.memory_space<vmem_shared>> -> memref<665600xf32, #tpu.memory_space<vmem_shared>>
        tpu.enqueue_indirect_dma source(%dma_start3A_1033 : memref<128xf32, #tpu.memory_space<vmem>>) target(%dma_start3A_1038 : memref<665600xf32, #tpu.memory_space<vmem_shared>>) offsets(%dma_start3A_1036 : memref<128xi32, #tpu.memory_space<vmem>>) semaphore(%arg20 : memref<!tpu.dma_semaphore, #tpu.memory_space<semaphore_mem>>) {add = true}
        %dma_start3A_1039 = arith.constant 3 : i32
        %dma_start3A_1040 = arith.constant 3 : i32
        %dma_start3A_1041 = arith.constant 0 : i32
        %dma_start3A_1042 = tpu.memref_slice %arg19[%dma_start3A_1039, %dma_start3A_1041] : memref<10x128xf32, #tpu.memory_space<vmem>> -> memref<1x128xf32, #tpu.memory_space<vmem>>
        %dma_start3A_1043 = tpu.memref_squeeze %dma_start3A_1042 : memref<1x128xf32, #tpu.memory_space<vmem>> -> memref<128xf32, #tpu.memory_space<vmem>>
        %dma_start3A_1044 = arith.constant 0 : i32
        %dma_start3A_1045 = tpu.memref_slice %arg18[%dma_start3A_1040, %dma_start3A_1044] : memref<10x128xi32, #tpu.memory_space<vmem>> -> memref<1x128xi32, #tpu.memory_space<vmem>>
        %dma_start3A_1046 = tpu.memref_squeeze %dma_start3A_1045 : memref<1x128xi32, #tpu.memory_space<vmem>> -> memref<128xi32, #tpu.memory_space<vmem>>
        %dma_start3A_1047 = arith.constant 0 : i32
        %dma_start3A_1048 = tpu.memref_slice %arg7[%dma_start3A_1047] : memref<665600xf32, #tpu.memory_space<vmem_shared>> -> memref<665600xf32, #tpu.memory_space<vmem_shared>>
        tpu.enqueue_indirect_dma source(%dma_start3A_1043 : memref<128xf32, #tpu.memory_space<vmem>>) target(%dma_start3A_1048 : memref<665600xf32, #tpu.memory_space<vmem_shared>>) offsets(%dma_start3A_1046 : memref<128xi32, #tpu.memory_space<vmem>>) semaphore(%arg20 : memref<!tpu.dma_semaphore, #tpu.memory_space<semaphore_mem>>) {add = true}
      } else {
      }
      %jit3A_497 = arith.constant 5 : i32
      %eq3A_498 = arith.constant 0 : i32
      %eq3A_499 = arith.cmpi eq, %jit3A_497, %eq3A_498 : i32
      %jit3A_500 = arith.constant 1 : i32
      %select_n3A_501 = arith.select %eq3A_499, %jit3A_500, %jit3A_497 : i32
      %rem3A_502 = arith.remsi %scan3A_458, %select_n3A_501 : i32
      %ne3A_503 = arith.constant 0 : i32
      %ne3A_504 = arith.cmpi ne, %rem3A_502, %ne3A_503 : i32
      %lt3A_505 = arith.constant 0 : i32
      %lt3A_506 = arith.cmpi slt, %rem3A_502, %lt3A_505 : i32
      %lt3A_507 = arith.constant 0 : i32
      %lt3A_508 = arith.cmpi slt, %select_n3A_501, %lt3A_507 : i32
      %ne3A_509 = arith.xori %lt3A_506, %lt3A_508 : i1
      %and3A_510 = arith.andi %ne3A_509, %ne3A_504 : i1
      %add3A_511 = arith.addi %rem3A_502, %select_n3A_501 : i32
      %select_n3A_512 = arith.select %and3A_510, %add3A_511, %rem3A_502 : i32
      %eq3A_513 = arith.constant 2 : i32
      %eq3A_514 = arith.cmpi eq, %select_n3A_512, %eq3A_513 : i32
      %convert_element_type3A_515 = arith.extui %eq3A_514 : i1 to i32
      %cond3A_516 = arith.constant 0 : i32
      %cond3A_517 = arith.cmpi ne, %convert_element_type3A_515, %cond3A_516 : i32
      scf.if %cond3A_517 {
        %ge3A = arith.constant 5 : i32
        %ge3A_561 = arith.cmpi sge, %scan3A_458, %ge3A : i32
        %convert_element_type3A_562 = arith.extui %ge3A_561 : i1 to i32
        %cond3A_563 = arith.constant 0 : i32
        %cond3A_564 = arith.cmpi ne, %convert_element_type3A_562, %cond3A_563 : i32
        scf.if %cond3A_564 {
          %dma_wait3A_1049 = arith.constant 0 : i32
          %dma_wait3A_1050 = arith.constant 0 : i32
          %dma_wait3A_1051 = tpu.memref_slice %arg19[%dma_wait3A_1049, %dma_wait3A_1050] : memref<10x128xf32, #tpu.memory_space<vmem>> -> memref<1x128xf32, #tpu.memory_space<vmem>>
          %dma_wait3A_1052 = tpu.memref_squeeze %dma_wait3A_1051 : memref<1x128xf32, #tpu.memory_space<vmem>> -> memref<128xf32, #tpu.memory_space<vmem>>
          %dma_wait3A_1053 = arith.constant 0 : i32
          %dma_wait3A_1054 = tpu.memref_slice %arg7[%dma_wait3A_1053] : memref<665600xf32, #tpu.memory_space<vmem_shared>> -> memref<128xf32, #tpu.memory_space<vmem_shared>>
          %dma_wait3A_1055 = arith.constant 0 : i32
          %dma_wait3A_1056 = tpu.memref_slice %arg7[%dma_wait3A_1055] : memref<665600xf32, #tpu.memory_space<vmem_shared>> -> memref<128xf32, #tpu.memory_space<vmem_shared>>
          %dma_wait3A_1057 = arith.constant 0 : i32
          %dma_wait3A_1058 = tpu.memref_slice %arg19[%dma_wait3A_1049, %dma_wait3A_1057] : memref<10x128xf32, #tpu.memory_space<vmem>> -> memref<1x128xf32, #tpu.memory_space<vmem>>
          %dma_wait3A_1059 = tpu.memref_squeeze %dma_wait3A_1058 : memref<1x128xf32, #tpu.memory_space<vmem>> -> memref<128xf32, #tpu.memory_space<vmem>>
          tpu.wait_dma2 semaphore(%arg20 : memref<!tpu.dma_semaphore, #tpu.memory_space<semaphore_mem>>) src(%dma_wait3A_1059 : memref<128xf32, #tpu.memory_space<vmem>>) dst(%dma_wait3A_1056 : memref<128xf32, #tpu.memory_space<vmem_shared>>)
          %dma_wait3A_1060 = arith.constant 0 : i32
          %dma_wait3A_1061 = arith.constant 0 : i32
          %dma_wait3A_1062 = tpu.memref_slice %arg19[%dma_wait3A_1060, %dma_wait3A_1061] : memref<10x128xf32, #tpu.memory_space<vmem>> -> memref<1x128xf32, #tpu.memory_space<vmem>>
          %dma_wait3A_1063 = tpu.memref_squeeze %dma_wait3A_1062 : memref<1x128xf32, #tpu.memory_space<vmem>> -> memref<128xf32, #tpu.memory_space<vmem>>
          %dma_wait3A_1064 = arith.constant 0 : i32
          %dma_wait3A_1065 = tpu.memref_slice %arg7[%dma_wait3A_1064] : memref<665600xf32, #tpu.memory_space<vmem_shared>> -> memref<128xf32, #tpu.memory_space<vmem_shared>>
          %dma_wait3A_1066 = arith.constant 0 : i32
          %dma_wait3A_1067 = tpu.memref_slice %arg7[%dma_wait3A_1066] : memref<665600xf32, #tpu.memory_space<vmem_shared>> -> memref<128xf32, #tpu.memory_space<vmem_shared>>
          %dma_wait3A_1068 = arith.constant 0 : i32
          %dma_wait3A_1069 = tpu.memref_slice %arg19[%dma_wait3A_1060, %dma_wait3A_1068] : memref<10x128xf32, #tpu.memory_space<vmem>> -> memref<1x128xf32, #tpu.memory_space<vmem>>
          %dma_wait3A_1070 = tpu.memref_squeeze %dma_wait3A_1069 : memref<1x128xf32, #tpu.memory_space<vmem>> -> memref<128xf32, #tpu.memory_space<vmem>>
          tpu.wait_dma2 semaphore(%arg20 : memref<!tpu.dma_semaphore, #tpu.memory_space<semaphore_mem>>) src(%dma_wait3A_1070 : memref<128xf32, #tpu.memory_space<vmem>>) dst(%dma_wait3A_1067 : memref<128xf32, #tpu.memory_space<vmem_shared>>)
        } else {
        }
        %mul3A_565 = arith.constant 2 : i32
        %mul3A_566 = arith.muli %scan3A_458, %mul3A_565 : i32
        %add3A_567 = arith.constant 0 : i32
        %add3A_568 = arith.addi %mul3A_566, %add3A_567 : i32
        %mul3A_569 = arith.constant 128 : i32
        %mul3A_570 = arith.muli %add3A_568, %mul3A_569 : i32
        %add3A_571 = arith.constant 0 : i32
        %add3A_572 = arith.addi %mul3A_570, %add3A_571 : i32
        %add3A_573 = arith.constant 20000 : i32
        %add3A_574 = arith.addi %add3A_573, %add3A_572 : i32
        %get3A_575 = arith.index_cast %add3A_574 : i32 to index
        %get3A_576 = tpu.vector_load %arg12[%get3A_575] {strides = array<i32>} : memref<30000xi32, #tpu.memory_space<vmem>>, vector<16xi32>,
        %add3A_577 = arith.addi %mul3A_222, %add3A_572 : i32
        %get3A_578 = arith.index_cast %add3A_577 : i32 to index
        %get3A_579 = tpu.vector_load %arg12[%get3A_578] {strides = array<i32>} : memref<30000xi32, #tpu.memory_space<vmem>>, vector<16xi32>,
        %gather3A_580 = tpu.vector_load_idx %arg13[%get3A_579] : memref<10240xf32, #tpu.memory_space<vmem>>[vector<16xi32>], vector<16xf32>,
        %gather3A_581 = tpu.vector_load_idx %arg14[%get3A_579] : memref<10240xi32, #tpu.memory_space<vmem>>[vector<16xi32>], vector<16xi32>,
        %swap3A_582 = arith.constant 4 : i32
        %swap3A_583 = arith.index_cast %swap3A_582 : i32 to index
        %swap3A_584 = arith.constant 0 : index
        %swap3A_585 = tpu.vector_load %arg19[%swap3A_583, %swap3A_584] {strides = array<i32>} : memref<10x128xf32, #tpu.memory_space<vmem>>, vector<16xf32>,
        tpu.vector_store %arg19[%swap3A_583, %swap3A_584], %gather3A_580 {strides = array<i32>} : memref<10x128xf32, #tpu.memory_space<vmem>>, vector<16xf32>,
        %mul3A_586 = arith.constant 10240 : i32
        %mul3A_587 = vector.broadcast %mul3A_586 : i32 to vector<16xi32>
        %mul3A_588 = arith.muli %gather3A_581, %mul3A_587 : vector<16xi32>
        %add3A_589 = arith.addi %mul3A_588, %get3A_576 : vector<16xi32>
        %swap3A_590 = arith.constant 4 : i32
        %swap3A_591 = arith.index_cast %swap3A_590 : i32 to index
        %swap3A_592 = arith.constant 0 : index
        %swap3A_593 = tpu.vector_load %arg18[%swap3A_591, %swap3A_592] {strides = array<i32>} : memref<10x128xi32, #tpu.memory_space<vmem>>, vector<16xi32>,
        tpu.vector_store %arg18[%swap3A_591, %swap3A_592], %add3A_589 {strides = array<i32>} : memref<10x128xi32, #tpu.memory_space<vmem>>, vector<16xi32>,
        %mul3A_594 = arith.constant 2 : i32
        %mul3A_595 = arith.muli %scan3A_458, %mul3A_594 : i32
        %add3A_596 = arith.constant 0 : i32
        %add3A_597 = arith.addi %mul3A_595, %add3A_596 : i32
        %mul3A_598 = arith.constant 128 : i32
        %mul3A_599 = arith.muli %add3A_597, %mul3A_598 : i32
        %add3A_600 = arith.constant 16 : i32
        %add3A_601 = arith.addi %mul3A_599, %add3A_600 : i32
        %add3A_602 = arith.constant 20000 : i32
        %add3A_603 = arith.addi %add3A_602, %add3A_601 : i32
        %get3A_604 = arith.index_cast %add3A_603 : i32 to index
        %get3A_605 = tpu.vector_load %arg12[%get3A_604] {strides = array<i32>} : memref<30000xi32, #tpu.memory_space<vmem>>, vector<16xi32>,
        %add3A_606 = arith.addi %mul3A_222, %add3A_601 : i32
        %get3A_607 = arith.index_cast %add3A_606 : i32 to index
        %get3A_608 = tpu.vector_load %arg12[%get3A_607] {strides = array<i32>} : memref<30000xi32, #tpu.memory_space<vmem>>, vector<16xi32>,
        %gather3A_609 = tpu.vector_load_idx %arg13[%get3A_608] : memref<10240xf32, #tpu.memory_space<vmem>>[vector<16xi32>], vector<16xf32>,
        %gather3A_610 = tpu.vector_load_idx %arg14[%get3A_608] : memref<10240xi32, #tpu.memory_space<vmem>>[vector<16xi32>], vector<16xi32>,
        %swap3A_611 = arith.constant 4 : i32
        %swap3A_612 = arith.index_cast %swap3A_611 : i32 to index
        %swap3A_613 = arith.constant 16 : index
        %swap3A_614 = tpu.vector_load %arg19[%swap3A_612, %swap3A_613] {strides = array<i32>} : memref<10x128xf32, #tpu.memory_space<vmem>>, vector<16xf32>,
        tpu.vector_store %arg19[%swap3A_612, %swap3A_613], %gather3A_609 {strides = array<i32>} : memref<10x128xf32, #tpu.memory_space<vmem>>, vector<16xf32>,
        %mul3A_615 = arith.constant 10240 : i32
        %mul3A_616 = vector.broadcast %mul3A_615 : i32 to vector<16xi32>
        %mul3A_617 = arith.muli %gather3A_610, %mul3A_616 : vector<16xi32>
        %add3A_618 = arith.addi %mul3A_617, %get3A_605 : vector<16xi32>
        %swap3A_619 = arith.constant 4 : i32
        %swap3A_620 = arith.index_cast %swap3A_619 : i32 to index
        %swap3A_621 = arith.constant 16 : index
        %swap3A_622 = tpu.vector_load %arg18[%swap3A_620, %swap3A_621] {strides = array<i32>} : memref<10x128xi32, #tpu.memory_space<vmem>>, vector<16xi32>,
        tpu.vector_store %arg18[%swap3A_620, %swap3A_621], %add3A_618 {strides = array<i32>} : memref<10x128xi32, #tpu.memory_space<vmem>>, vector<16xi32>,
        %mul3A_623 = arith.constant 2 : i32
        %mul3A_624 = arith.muli %scan3A_458, %mul3A_623 : i32
        %add3A_625 = arith.constant 0 : i32
        %add3A_626 = arith.addi %mul3A_624, %add3A_625 : i32
        %mul3A_627 = arith.constant 128 : i32
        %mul3A_628 = arith.muli %add3A_626, %mul3A_627 : i32
        %add3A_629 = arith.constant 32 : i32
        %add3A_630 = arith.addi %mul3A_628, %add3A_629 : i32
        %add3A_631 = arith.constant 20000 : i32
        %add3A_632 = arith.addi %add3A_631, %add3A_630 : i32
        %get3A_633 = arith.index_cast %add3A_632 : i32 to index
        %get3A_634 = tpu.vector_load %arg12[%get3A_633] {strides = array<i32>} : memref<30000xi32, #tpu.memory_space<vmem>>, vector<16xi32>,
        %add3A_635 = arith.addi %mul3A_222, %add3A_630 : i32
        %get3A_636 = arith.index_cast %add3A_635 : i32 to index
        %get3A_637 = tpu.vector_load %arg12[%get3A_636] {strides = array<i32>} : memref<30000xi32, #tpu.memory_space<vmem>>, vector<16xi32>,
        %gather3A_638 = tpu.vector_load_idx %arg13[%get3A_637] : memref<10240xf32, #tpu.memory_space<vmem>>[vector<16xi32>], vector<16xf32>,
        %gather3A_639 = tpu.vector_load_idx %arg14[%get3A_637] : memref<10240xi32, #tpu.memory_space<vmem>>[vector<16xi32>], vector<16xi32>,
        %swap3A_640 = arith.constant 4 : i32
        %swap3A_641 = arith.index_cast %swap3A_640 : i32 to index
        %swap3A_642 = arith.constant 32 : index
        %swap3A_643 = tpu.vector_load %arg19[%swap3A_641, %swap3A_642] {strides = array<i32>} : memref<10x128xf32, #tpu.memory_space<vmem>>, vector<16xf32>,
        tpu.vector_store %arg19[%swap3A_641, %swap3A_642], %gather3A_638 {strides = array<i32>} : memref<10x128xf32, #tpu.memory_space<vmem>>, vector<16xf32>,
        %mul3A_644 = arith.constant 10240 : i32
        %mul3A_645 = vector.broadcast %mul3A_644 : i32 to vector<16xi32>
        %mul3A_646 = arith.muli %gather3A_639, %mul3A_645 : vector<16xi32>
        %add3A_647 = arith.addi %mul3A_646, %get3A_634 : vector<16xi32>
        %swap3A_648 = arith.constant 4 : i32
        %swap3A_649 = arith.index_cast %swap3A_648 : i32 to index
        %swap3A_650 = arith.constant 32 : index
        %swap3A_651 = tpu.vector_load %arg18[%swap3A_649, %swap3A_650] {strides = array<i32>} : memref<10x128xi32, #tpu.memory_space<vmem>>, vector<16xi32>,
        tpu.vector_store %arg18[%swap3A_649, %swap3A_650], %add3A_647 {strides = array<i32>} : memref<10x128xi32, #tpu.memory_space<vmem>>, vector<16xi32>,
        %mul3A_652 = arith.constant 2 : i32
        %mul3A_653 = arith.muli %scan3A_458, %mul3A_652 : i32
        %add3A_654 = arith.constant 0 : i32
        %add3A_655 = arith.addi %mul3A_653, %add3A_654 : i32
        %mul3A_656 = arith.constant 128 : i32
        %mul3A_657 = arith.muli %add3A_655, %mul3A_656 : i32
        %add3A_658 = arith.constant 48 : i32
        %add3A_659 = arith.addi %mul3A_657, %add3A_658 : i32
        %add3A_660 = arith.constant 20000 : i32
        %add3A_661 = arith.addi %add3A_660, %add3A_659 : i32
        %get3A_662 = arith.index_cast %add3A_661 : i32 to index
        %get3A_663 = tpu.vector_load %arg12[%get3A_662] {strides = array<i32>} : memref<30000xi32, #tpu.memory_space<vmem>>, vector<16xi32>,
        %add3A_664 = arith.addi %mul3A_222, %add3A_659 : i32
        %get3A_665 = arith.index_cast %add3A_664 : i32 to index
        %get3A_666 = tpu.vector_load %arg12[%get3A_665] {strides = array<i32>} : memref<30000xi32, #tpu.memory_space<vmem>>, vector<16xi32>,
        %gather3A_667 = tpu.vector_load_idx %arg13[%get3A_666] : memref<10240xf32, #tpu.memory_space<vmem>>[vector<16xi32>], vector<16xf32>,
        %gather3A_668 = tpu.vector_load_idx %arg14[%get3A_666] : memref<10240xi32, #tpu.memory_space<vmem>>[vector<16xi32>], vector<16xi32>,
        %swap3A_669 = arith.constant 4 : i32
        %swap3A_670 = arith.index_cast %swap3A_669 : i32 to index
        %swap3A_671 = arith.constant 48 : index
        %swap3A_672 = tpu.vector_load %arg19[%swap3A_670, %swap3A_671] {strides = array<i32>} : memref<10x128xf32, #tpu.memory_space<vmem>>, vector<16xf32>,
        tpu.vector_store %arg19[%swap3A_670, %swap3A_671], %gather3A_667 {strides = array<i32>} : memref<10x128xf32, #tpu.memory_space<vmem>>, vector<16xf32>,
        %mul3A_673 = arith.constant 10240 : i32
        %mul3A_674 = vector.broadcast %mul3A_673 : i32 to vector<16xi32>
        %mul3A_675 = arith.muli %gather3A_668, %mul3A_674 : vector<16xi32>
        %add3A_676 = arith.addi %mul3A_675, %get3A_663 : vector<16xi32>
        %swap3A_677 = arith.constant 4 : i32
        %swap3A_678 = arith.index_cast %swap3A_677 : i32 to index
        %swap3A_679 = arith.constant 48 : index
        %swap3A_680 = tpu.vector_load %arg18[%swap3A_678, %swap3A_679] {strides = array<i32>} : memref<10x128xi32, #tpu.memory_space<vmem>>, vector<16xi32>,
        tpu.vector_store %arg18[%swap3A_678, %swap3A_679], %add3A_676 {strides = array<i32>} : memref<10x128xi32, #tpu.memory_space<vmem>>, vector<16xi32>,
        %mul3A_681 = arith.constant 2 : i32
        %mul3A_682 = arith.muli %scan3A_458, %mul3A_681 : i32
        %add3A_683 = arith.constant 0 : i32
        %add3A_684 = arith.addi %mul3A_682, %add3A_683 : i32
        %mul3A_685 = arith.constant 128 : i32
        %mul3A_686 = arith.muli %add3A_684, %mul3A_685 : i32
        %add3A_687 = arith.constant 64 : i32
        %add3A_688 = arith.addi %mul3A_686, %add3A_687 : i32
        %add3A_689 = arith.constant 20000 : i32
        %add3A_690 = arith.addi %add3A_689, %add3A_688 : i32
        %get3A_691 = arith.index_cast %add3A_690 : i32 to index
        %get3A_692 = tpu.vector_load %arg12[%get3A_691] {strides = array<i32>} : memref<30000xi32, #tpu.memory_space<vmem>>, vector<16xi32>,
        %add3A_693 = arith.addi %mul3A_222, %add3A_688 : i32
        %get3A_694 = arith.index_cast %add3A_693 : i32 to index
        %get3A_695 = tpu.vector_load %arg12[%get3A_694] {strides = array<i32>} : memref<30000xi32, #tpu.memory_space<vmem>>, vector<16xi32>,
        %gather3A_696 = tpu.vector_load_idx %arg13[%get3A_695] : memref<10240xf32, #tpu.memory_space<vmem>>[vector<16xi32>], vector<16xf32>,
        %gather3A_697 = tpu.vector_load_idx %arg14[%get3A_695] : memref<10240xi32, #tpu.memory_space<vmem>>[vector<16xi32>], vector<16xi32>,
        %swap3A_698 = arith.constant 4 : i32
        %swap3A_699 = arith.index_cast %swap3A_698 : i32 to index
        %swap3A_700 = arith.constant 64 : index
        %swap3A_701 = tpu.vector_load %arg19[%swap3A_699, %swap3A_700] {strides = array<i32>} : memref<10x128xf32, #tpu.memory_space<vmem>>, vector<16xf32>,
        tpu.vector_store %arg19[%swap3A_699, %swap3A_700], %gather3A_696 {strides = array<i32>} : memref<10x128xf32, #tpu.memory_space<vmem>>, vector<16xf32>,
        %mul3A_702 = arith.constant 10240 : i32
        %mul3A_703 = vector.broadcast %mul3A_702 : i32 to vector<16xi32>
        %mul3A_704 = arith.muli %gather3A_697, %mul3A_703 : vector<16xi32>
        %add3A_705 = arith.addi %mul3A_704, %get3A_692 : vector<16xi32>
        %swap3A_706 = arith.constant 4 : i32
        %swap3A_707 = arith.index_cast %swap3A_706 : i32 to index
        %swap3A_708 = arith.constant 64 : index
        %swap3A_709 = tpu.vector_load %arg18[%swap3A_707, %swap3A_708] {strides = array<i32>} : memref<10x128xi32, #tpu.memory_space<vmem>>, vector<16xi32>,
        tpu.vector_store %arg18[%swap3A_707, %swap3A_708], %add3A_705 {strides = array<i32>} : memref<10x128xi32, #tpu.memory_space<vmem>>, vector<16xi32>,
        %mul3A_710 = arith.constant 2 : i32
        %mul3A_711 = arith.muli %scan3A_458, %mul3A_710 : i32
        %add3A_712 = arith.constant 0 : i32
        %add3A_713 = arith.addi %mul3A_711, %add3A_712 : i32
        %mul3A_714 = arith.constant 128 : i32
        %mul3A_715 = arith.muli %add3A_713, %mul3A_714 : i32
        %add3A_716 = arith.constant 80 : i32
        %add3A_717 = arith.addi %mul3A_715, %add3A_716 : i32
        %add3A_718 = arith.constant 20000 : i32
        %add3A_719 = arith.addi %add3A_718, %add3A_717 : i32
        %get3A_720 = arith.index_cast %add3A_719 : i32 to index
        %get3A_721 = tpu.vector_load %arg12[%get3A_720] {strides = array<i32>} : memref<30000xi32, #tpu.memory_space<vmem>>, vector<16xi32>,
        %add3A_722 = arith.addi %mul3A_222, %add3A_717 : i32
        %get3A_723 = arith.index_cast %add3A_722 : i32 to index
        %get3A_724 = tpu.vector_load %arg12[%get3A_723] {strides = array<i32>} : memref<30000xi32, #tpu.memory_space<vmem>>, vector<16xi32>,
        %gather3A_725 = tpu.vector_load_idx %arg13[%get3A_724] : memref<10240xf32, #tpu.memory_space<vmem>>[vector<16xi32>], vector<16xf32>,
        %gather3A_726 = tpu.vector_load_idx %arg14[%get3A_724] : memref<10240xi32, #tpu.memory_space<vmem>>[vector<16xi32>], vector<16xi32>,
        %swap3A_727 = arith.constant 4 : i32
        %swap3A_728 = arith.index_cast %swap3A_727 : i32 to index
        %swap3A_729 = arith.constant 80 : index
        %swap3A_730 = tpu.vector_load %arg19[%swap3A_728, %swap3A_729] {strides = array<i32>} : memref<10x128xf32, #tpu.memory_space<vmem>>, vector<16xf32>,
        tpu.vector_store %arg19[%swap3A_728, %swap3A_729], %gather3A_725 {strides = array<i32>} : memref<10x128xf32, #tpu.memory_space<vmem>>, vector<16xf32>,
        %mul3A_731 = arith.constant 10240 : i32
        %mul3A_732 = vector.broadcast %mul3A_731 : i32 to vector<16xi32>
        %mul3A_733 = arith.muli %gather3A_726, %mul3A_732 : vector<16xi32>
        %add3A_734 = arith.addi %mul3A_733, %get3A_721 : vector<16xi32>
        %swap3A_735 = arith.constant 4 : i32
        %swap3A_736 = arith.index_cast %swap3A_735 : i32 to index
        %swap3A_737 = arith.constant 80 : index
        %swap3A_738 = tpu.vector_load %arg18[%swap3A_736, %swap3A_737] {strides = array<i32>} : memref<10x128xi32, #tpu.memory_space<vmem>>, vector<16xi32>,
        tpu.vector_store %arg18[%swap3A_736, %swap3A_737], %add3A_734 {strides = array<i32>} : memref<10x128xi32, #tpu.memory_space<vmem>>, vector<16xi32>,
        %mul3A_739 = arith.constant 2 : i32
        %mul3A_740 = arith.muli %scan3A_458, %mul3A_739 : i32
        %add3A_741 = arith.constant 0 : i32
        %add3A_742 = arith.addi %mul3A_740, %add3A_741 : i32
        %mul3A_743 = arith.constant 128 : i32
        %mul3A_744 = arith.muli %add3A_742, %mul3A_743 : i32
        %add3A_745 = arith.constant 96 : i32
        %add3A_746 = arith.addi %mul3A_744, %add3A_745 : i32
        %add3A_747 = arith.constant 20000 : i32
        %add3A_748 = arith.addi %add3A_747, %add3A_746 : i32
        %get3A_749 = arith.index_cast %add3A_748 : i32 to index
        %get3A_750 = tpu.vector_load %arg12[%get3A_749] {strides = array<i32>} : memref<30000xi32, #tpu.memory_space<vmem>>, vector<16xi32>,
        %add3A_751 = arith.addi %mul3A_222, %add3A_746 : i32
        %get3A_752 = arith.index_cast %add3A_751 : i32 to index
        %get3A_753 = tpu.vector_load %arg12[%get3A_752] {strides = array<i32>} : memref<30000xi32, #tpu.memory_space<vmem>>, vector<16xi32>,
        %gather3A_754 = tpu.vector_load_idx %arg13[%get3A_753] : memref<10240xf32, #tpu.memory_space<vmem>>[vector<16xi32>], vector<16xf32>,
        %gather3A_755 = tpu.vector_load_idx %arg14[%get3A_753] : memref<10240xi32, #tpu.memory_space<vmem>>[vector<16xi32>], vector<16xi32>,
        %swap3A_756 = arith.constant 4 : i32
        %swap3A_757 = arith.index_cast %swap3A_756 : i32 to index
        %swap3A_758 = arith.constant 96 : index
        %swap3A_759 = tpu.vector_load %arg19[%swap3A_757, %swap3A_758] {strides = array<i32>} : memref<10x128xf32, #tpu.memory_space<vmem>>, vector<16xf32>,
        tpu.vector_store %arg19[%swap3A_757, %swap3A_758], %gather3A_754 {strides = array<i32>} : memref<10x128xf32, #tpu.memory_space<vmem>>, vector<16xf32>,
        %mul3A_760 = arith.constant 10240 : i32
        %mul3A_761 = vector.broadcast %mul3A_760 : i32 to vector<16xi32>
        %mul3A_762 = arith.muli %gather3A_755, %mul3A_761 : vector<16xi32>
        %add3A_763 = arith.addi %mul3A_762, %get3A_750 : vector<16xi32>
        %swap3A_764 = arith.constant 4 : i32
        %swap3A_765 = arith.index_cast %swap3A_764 : i32 to index
        %swap3A_766 = arith.constant 96 : index
        %swap3A_767 = tpu.vector_load %arg18[%swap3A_765, %swap3A_766] {strides = array<i32>} : memref<10x128xi32, #tpu.memory_space<vmem>>, vector<16xi32>,
        tpu.vector_store %arg18[%swap3A_765, %swap3A_766], %add3A_763 {strides = array<i32>} : memref<10x128xi32, #tpu.memory_space<vmem>>, vector<16xi32>,
        %mul3A_768 = arith.constant 2 : i32
        %mul3A_769 = arith.muli %scan3A_458, %mul3A_768 : i32
        %add3A_770 = arith.constant 0 : i32
        %add3A_771 = arith.addi %mul3A_769, %add3A_770 : i32
        %mul3A_772 = arith.constant 128 : i32
        %mul3A_773 = arith.muli %add3A_771, %mul3A_772 : i32
        %add3A_774 = arith.constant 112 : i32
        %add3A_775 = arith.addi %mul3A_773, %add3A_774 : i32
        %add3A_776 = arith.constant 20000 : i32
        %add3A_777 = arith.addi %add3A_776, %add3A_775 : i32
        %get3A_778 = arith.index_cast %add3A_777 : i32 to index
        %get3A_779 = tpu.vector_load %arg12[%get3A_778] {strides = array<i32>} : memref<30000xi32, #tpu.memory_space<vmem>>, vector<16xi32>,
        %add3A_780 = arith.addi %mul3A_222, %add3A_775 : i32
        %get3A_781 = arith.index_cast %add3A_780 : i32 to index
        %get3A_782 = tpu.vector_load %arg12[%get3A_781] {strides = array<i32>} : memref<30000xi32, #tpu.memory_space<vmem>>, vector<16xi32>,
        %gather3A_783 = tpu.vector_load_idx %arg13[%get3A_782] : memref<10240xf32, #tpu.memory_space<vmem>>[vector<16xi32>], vector<16xf32>,
        %gather3A_784 = tpu.vector_load_idx %arg14[%get3A_782] : memref<10240xi32, #tpu.memory_space<vmem>>[vector<16xi32>], vector<16xi32>,
        %swap3A_785 = arith.constant 4 : i32
        %swap3A_786 = arith.index_cast %swap3A_785 : i32 to index
        %swap3A_787 = arith.constant 112 : index
        %swap3A_788 = tpu.vector_load %arg19[%swap3A_786, %swap3A_787] {strides = array<i32>} : memref<10x128xf32, #tpu.memory_space<vmem>>, vector<16xf32>,
        tpu.vector_store %arg19[%swap3A_786, %swap3A_787], %gather3A_783 {strides = array<i32>} : memref<10x128xf32, #tpu.memory_space<vmem>>, vector<16xf32>,
        %mul3A_789 = arith.constant 10240 : i32
        %mul3A_790 = vector.broadcast %mul3A_789 : i32 to vector<16xi32>
        %mul3A_791 = arith.muli %gather3A_784, %mul3A_790 : vector<16xi32>
        %add3A_792 = arith.addi %mul3A_791, %get3A_779 : vector<16xi32>
        %swap3A_793 = arith.constant 4 : i32
        %swap3A_794 = arith.index_cast %swap3A_793 : i32 to index
        %swap3A_795 = arith.constant 112 : index
        %swap3A_796 = tpu.vector_load %arg18[%swap3A_794, %swap3A_795] {strides = array<i32>} : memref<10x128xi32, #tpu.memory_space<vmem>>, vector<16xi32>,
        tpu.vector_store %arg18[%swap3A_794, %swap3A_795], %add3A_792 {strides = array<i32>} : memref<10x128xi32, #tpu.memory_space<vmem>>, vector<16xi32>,
        %mul3A_797 = arith.constant 2 : i32
        %mul3A_798 = arith.muli %scan3A_458, %mul3A_797 : i32
        %add3A_799 = arith.constant 1 : i32
        %add3A_800 = arith.addi %mul3A_798, %add3A_799 : i32
        %mul3A_801 = arith.constant 128 : i32
        %mul3A_802 = arith.muli %add3A_800, %mul3A_801 : i32
        %add3A_803 = arith.constant 0 : i32
        %add3A_804 = arith.addi %mul3A_802, %add3A_803 : i32
        %add3A_805 = arith.constant 20000 : i32
        %add3A_806 = arith.addi %add3A_805, %add3A_804 : i32
        %get3A_807 = arith.index_cast %add3A_806 : i32 to index
        %get3A_808 = tpu.vector_load %arg12[%get3A_807] {strides = array<i32>} : memref<30000xi32, #tpu.memory_space<vmem>>, vector<16xi32>,
        %add3A_809 = arith.addi %mul3A_222, %add3A_804 : i32
        %get3A_810 = arith.index_cast %add3A_809 : i32 to index
        %get3A_811 = tpu.vector_load %arg12[%get3A_810] {strides = array<i32>} : memref<30000xi32, #tpu.memory_space<vmem>>, vector<16xi32>,
        %gather3A_812 = tpu.vector_load_idx %arg13[%get3A_811] : memref<10240xf32, #tpu.memory_space<vmem>>[vector<16xi32>], vector<16xf32>,
        %gather3A_813 = tpu.vector_load_idx %arg14[%get3A_811] : memref<10240xi32, #tpu.memory_space<vmem>>[vector<16xi32>], vector<16xi32>,
        %swap3A_814 = arith.constant 5 : i32
        %swap3A_815 = arith.index_cast %swap3A_814 : i32 to index
        %swap3A_816 = arith.constant 0 : index
        %swap3A_817 = tpu.vector_load %arg19[%swap3A_815, %swap3A_816] {strides = array<i32>} : memref<10x128xf32, #tpu.memory_space<vmem>>, vector<16xf32>,
        tpu.vector_store %arg19[%swap3A_815, %swap3A_816], %gather3A_812 {strides = array<i32>} : memref<10x128xf32, #tpu.memory_space<vmem>>, vector<16xf32>,
        %mul3A_818 = arith.constant 10240 : i32
        %mul3A_819 = vector.broadcast %mul3A_818 : i32 to vector<16xi32>
        %mul3A_820 = arith.muli %gather3A_813, %mul3A_819 : vector<16xi32>
        %add3A_821 = arith.addi %mul3A_820, %get3A_808 : vector<16xi32>
        %swap3A_822 = arith.constant 5 : i32
        %swap3A_823 = arith.index_cast %swap3A_822 : i32 to index
        %swap3A_824 = arith.constant 0 : index
        %swap3A_825 = tpu.vector_load %arg18[%swap3A_823, %swap3A_824] {strides = array<i32>} : memref<10x128xi32, #tpu.memory_space<vmem>>, vector<16xi32>,
        tpu.vector_store %arg18[%swap3A_823, %swap3A_824], %add3A_821 {strides = array<i32>} : memref<10x128xi32, #tpu.memory_space<vmem>>, vector<16xi32>,
        %mul3A_826 = arith.constant 2 : i32
        %mul3A_827 = arith.muli %scan3A_458, %mul3A_826 : i32
        %add3A_828 = arith.constant 1 : i32
        %add3A_829 = arith.addi %mul3A_827, %add3A_828 : i32
        %mul3A_830 = arith.constant 128 : i32
        %mul3A_831 = arith.muli %add3A_829, %mul3A_830 : i32
        %add3A_832 = arith.constant 16 : i32
        %add3A_833 = arith.addi %mul3A_831, %add3A_832 : i32
        %add3A_834 = arith.constant 20000 : i32
        %add3A_835 = arith.addi %add3A_834, %add3A_833 : i32
        %get3A_836 = arith.index_cast %add3A_835 : i32 to index
        %get3A_837 = tpu.vector_load %arg12[%get3A_836] {strides = array<i32>} : memref<30000xi32, #tpu.memory_space<vmem>>, vector<16xi32>,
        %add3A_838 = arith.addi %mul3A_222, %add3A_833 : i32
        %get3A_839 = arith.index_cast %add3A_838 : i32 to index
        %get3A_840 = tpu.vector_load %arg12[%get3A_839] {strides = array<i32>} : memref<30000xi32, #tpu.memory_space<vmem>>, vector<16xi32>,
        %gather3A_841 = tpu.vector_load_idx %arg13[%get3A_840] : memref<10240xf32, #tpu.memory_space<vmem>>[vector<16xi32>], vector<16xf32>,
        %gather3A_842 = tpu.vector_load_idx %arg14[%get3A_840] : memref<10240xi32, #tpu.memory_space<vmem>>[vector<16xi32>], vector<16xi32>,
        %swap3A_843 = arith.constant 5 : i32
        %swap3A_844 = arith.index_cast %swap3A_843 : i32 to index
        %swap3A_845 = arith.constant 16 : index
        %swap3A_846 = tpu.vector_load %arg19[%swap3A_844, %swap3A_845] {strides = array<i32>} : memref<10x128xf32, #tpu.memory_space<vmem>>, vector<16xf32>,
        tpu.vector_store %arg19[%swap3A_844, %swap3A_845], %gather3A_841 {strides = array<i32>} : memref<10x128xf32, #tpu.memory_space<vmem>>, vector<16xf32>,
        %mul3A_847 = arith.constant 10240 : i32
        %mul3A_848 = vector.broadcast %mul3A_847 : i32 to vector<16xi32>
        %mul3A_849 = arith.muli %gather3A_842, %mul3A_848 : vector<16xi32>
        %add3A_850 = arith.addi %mul3A_849, %get3A_837 : vector<16xi32>
        %swap3A_851 = arith.constant 5 : i32
        %swap3A_852 = arith.index_cast %swap3A_851 : i32 to index
        %swap3A_853 = arith.constant 16 : index
        %swap3A_854 = tpu.vector_load %arg18[%swap3A_852, %swap3A_853] {strides = array<i32>} : memref<10x128xi32, #tpu.memory_space<vmem>>, vector<16xi32>,
        tpu.vector_store %arg18[%swap3A_852, %swap3A_853], %add3A_850 {strides = array<i32>} : memref<10x128xi32, #tpu.memory_space<vmem>>, vector<16xi32>,
        %mul3A_855 = arith.constant 2 : i32
        %mul3A_856 = arith.muli %scan3A_458, %mul3A_855 : i32
        %add3A_857 = arith.constant 1 : i32
        %add3A_858 = arith.addi %mul3A_856, %add3A_857 : i32
        %mul3A_859 = arith.constant 128 : i32
        %mul3A_860 = arith.muli %add3A_858, %mul3A_859 : i32
        %add3A_861 = arith.constant 32 : i32
        %add3A_862 = arith.addi %mul3A_860, %add3A_861 : i32
        %add3A_863 = arith.constant 20000 : i32
        %add3A_864 = arith.addi %add3A_863, %add3A_862 : i32
        %get3A_865 = arith.index_cast %add3A_864 : i32 to index
        %get3A_866 = tpu.vector_load %arg12[%get3A_865] {strides = array<i32>} : memref<30000xi32, #tpu.memory_space<vmem>>, vector<16xi32>,
        %add3A_867 = arith.addi %mul3A_222, %add3A_862 : i32
        %get3A_868 = arith.index_cast %add3A_867 : i32 to index
        %get3A_869 = tpu.vector_load %arg12[%get3A_868] {strides = array<i32>} : memref<30000xi32, #tpu.memory_space<vmem>>, vector<16xi32>,
        %gather3A_870 = tpu.vector_load_idx %arg13[%get3A_869] : memref<10240xf32, #tpu.memory_space<vmem>>[vector<16xi32>], vector<16xf32>,
        %gather3A_871 = tpu.vector_load_idx %arg14[%get3A_869] : memref<10240xi32, #tpu.memory_space<vmem>>[vector<16xi32>], vector<16xi32>,
        %swap3A_872 = arith.constant 5 : i32
        %swap3A_873 = arith.index_cast %swap3A_872 : i32 to index
        %swap3A_874 = arith.constant 32 : index
        %swap3A_875 = tpu.vector_load %arg19[%swap3A_873, %swap3A_874] {strides = array<i32>} : memref<10x128xf32, #tpu.memory_space<vmem>>, vector<16xf32>,
        tpu.vector_store %arg19[%swap3A_873, %swap3A_874], %gather3A_870 {strides = array<i32>} : memref<10x128xf32, #tpu.memory_space<vmem>>, vector<16xf32>,
        %mul3A_876 = arith.constant 10240 : i32
        %mul3A_877 = vector.broadcast %mul3A_876 : i32 to vector<16xi32>
        %mul3A_878 = arith.muli %gather3A_871, %mul3A_877 : vector<16xi32>
        %add3A_879 = arith.addi %mul3A_878, %get3A_866 : vector<16xi32>
        %swap3A_880 = arith.constant 5 : i32
        %swap3A_881 = arith.index_cast %swap3A_880 : i32 to index
        %swap3A_882 = arith.constant 32 : index
        %swap3A_883 = tpu.vector_load %arg18[%swap3A_881, %swap3A_882] {strides = array<i32>} : memref<10x128xi32, #tpu.memory_space<vmem>>, vector<16xi32>,
        tpu.vector_store %arg18[%swap3A_881, %swap3A_882], %add3A_879 {strides = array<i32>} : memref<10x128xi32, #tpu.memory_space<vmem>>, vector<16xi32>,
        %mul3A_884 = arith.constant 2 : i32
        %mul3A_885 = arith.muli %scan3A_458, %mul3A_884 : i32
        %add3A_886 = arith.constant 1 : i32
        %add3A_887 = arith.addi %mul3A_885, %add3A_886 : i32
        %mul3A_888 = arith.constant 128 : i32
        %mul3A_889 = arith.muli %add3A_887, %mul3A_888 : i32
        %add3A_890 = arith.constant 48 : i32
        %add3A_891 = arith.addi %mul3A_889, %add3A_890 : i32
        %add3A_892 = arith.constant 20000 : i32
        %add3A_893 = arith.addi %add3A_892, %add3A_891 : i32
        %get3A_894 = arith.index_cast %add3A_893 : i32 to index
        %get3A_895 = tpu.vector_load %arg12[%get3A_894] {strides = array<i32>} : memref<30000xi32, #tpu.memory_space<vmem>>, vector<16xi32>,
        %add3A_896 = arith.addi %mul3A_222, %add3A_891 : i32
        %get3A_897 = arith.index_cast %add3A_896 : i32 to index
        %get3A_898 = tpu.vector_load %arg12[%get3A_897] {strides = array<i32>} : memref<30000xi32, #tpu.memory_space<vmem>>, vector<16xi32>,
        %gather3A_899 = tpu.vector_load_idx %arg13[%get3A_898] : memref<10240xf32, #tpu.memory_space<vmem>>[vector<16xi32>], vector<16xf32>,
        %gather3A_900 = tpu.vector_load_idx %arg14[%get3A_898] : memref<10240xi32, #tpu.memory_space<vmem>>[vector<16xi32>], vector<16xi32>,
        %swap3A_901 = arith.constant 5 : i32
        %swap3A_902 = arith.index_cast %swap3A_901 : i32 to index
        %swap3A_903 = arith.constant 48 : index
        %swap3A_904 = tpu.vector_load %arg19[%swap3A_902, %swap3A_903] {strides = array<i32>} : memref<10x128xf32, #tpu.memory_space<vmem>>, vector<16xf32>,
        tpu.vector_store %arg19[%swap3A_902, %swap3A_903], %gather3A_899 {strides = array<i32>} : memref<10x128xf32, #tpu.memory_space<vmem>>, vector<16xf32>,
        %mul3A_905 = arith.constant 10240 : i32
        %mul3A_906 = vector.broadcast %mul3A_905 : i32 to vector<16xi32>
        %mul3A_907 = arith.muli %gather3A_900, %mul3A_906 : vector<16xi32>
        %add3A_908 = arith.addi %mul3A_907, %get3A_895 : vector<16xi32>
        %swap3A_909 = arith.constant 5 : i32
        %swap3A_910 = arith.index_cast %swap3A_909 : i32 to index
        %swap3A_911 = arith.constant 48 : index
        %swap3A_912 = tpu.vector_load %arg18[%swap3A_910, %swap3A_911] {strides = array<i32>} : memref<10x128xi32, #tpu.memory_space<vmem>>, vector<16xi32>,
        tpu.vector_store %arg18[%swap3A_910, %swap3A_911], %add3A_908 {strides = array<i32>} : memref<10x128xi32, #tpu.memory_space<vmem>>, vector<16xi32>,
        %mul3A_913 = arith.constant 2 : i32
        %mul3A_914 = arith.muli %scan3A_458, %mul3A_913 : i32
        %add3A_915 = arith.constant 1 : i32
        %add3A_916 = arith.addi %mul3A_914, %add3A_915 : i32
        %mul3A_917 = arith.constant 128 : i32
        %mul3A_918 = arith.muli %add3A_916, %mul3A_917 : i32
        %add3A_919 = arith.constant 64 : i32
        %add3A_920 = arith.addi %mul3A_918, %add3A_919 : i32
        %add3A_921 = arith.constant 20000 : i32
        %add3A_922 = arith.addi %add3A_921, %add3A_920 : i32
        %get3A_923 = arith.index_cast %add3A_922 : i32 to index
        %get3A_924 = tpu.vector_load %arg12[%get3A_923] {strides = array<i32>} : memref<30000xi32, #tpu.memory_space<vmem>>, vector<16xi32>,
        %add3A_925 = arith.addi %mul3A_222, %add3A_920 : i32
        %get3A_926 = arith.index_cast %add3A_925 : i32 to index
        %get3A_927 = tpu.vector_load %arg12[%get3A_926] {strides = array<i32>} : memref<30000xi32, #tpu.memory_space<vmem>>, vector<16xi32>,
        %gather3A_928 = tpu.vector_load_idx %arg13[%get3A_927] : memref<10240xf32, #tpu.memory_space<vmem>>[vector<16xi32>], vector<16xf32>,
        %gather3A_929 = tpu.vector_load_idx %arg14[%get3A_927] : memref<10240xi32, #tpu.memory_space<vmem>>[vector<16xi32>], vector<16xi32>,
        %swap3A_930 = arith.constant 5 : i32
        %swap3A_931 = arith.index_cast %swap3A_930 : i32 to index
        %swap3A_932 = arith.constant 64 : index
        %swap3A_933 = tpu.vector_load %arg19[%swap3A_931, %swap3A_932] {strides = array<i32>} : memref<10x128xf32, #tpu.memory_space<vmem>>, vector<16xf32>,
        tpu.vector_store %arg19[%swap3A_931, %swap3A_932], %gather3A_928 {strides = array<i32>} : memref<10x128xf32, #tpu.memory_space<vmem>>, vector<16xf32>,
        %mul3A_934 = arith.constant 10240 : i32
        %mul3A_935 = vector.broadcast %mul3A_934 : i32 to vector<16xi32>
        %mul3A_936 = arith.muli %gather3A_929, %mul3A_935 : vector<16xi32>
        %add3A_937 = arith.addi %mul3A_936, %get3A_924 : vector<16xi32>
        %swap3A_938 = arith.constant 5 : i32
        %swap3A_939 = arith.index_cast %swap3A_938 : i32 to index
        %swap3A_940 = arith.constant 64 : index
        %swap3A_941 = tpu.vector_load %arg18[%swap3A_939, %swap3A_940] {strides = array<i32>} : memref<10x128xi32, #tpu.memory_space<vmem>>, vector<16xi32>,
        tpu.vector_store %arg18[%swap3A_939, %swap3A_940], %add3A_937 {strides = array<i32>} : memref<10x128xi32, #tpu.memory_space<vmem>>, vector<16xi32>,
        %mul3A_942 = arith.constant 2 : i32
        %mul3A_943 = arith.muli %scan3A_458, %mul3A_942 : i32
        %add3A_944 = arith.constant 1 : i32
        %add3A_945 = arith.addi %mul3A_943, %add3A_944 : i32
        %mul3A_946 = arith.constant 128 : i32
        %mul3A_947 = arith.muli %add3A_945, %mul3A_946 : i32
        %add3A_948 = arith.constant 80 : i32
        %add3A_949 = arith.addi %mul3A_947, %add3A_948 : i32
        %add3A_950 = arith.constant 20000 : i32
        %add3A_951 = arith.addi %add3A_950, %add3A_949 : i32
        %get3A_952 = arith.index_cast %add3A_951 : i32 to index
        %get3A_953 = tpu.vector_load %arg12[%get3A_952] {strides = array<i32>} : memref<30000xi32, #tpu.memory_space<vmem>>, vector<16xi32>,
        %add3A_954 = arith.addi %mul3A_222, %add3A_949 : i32
        %get3A_955 = arith.index_cast %add3A_954 : i32 to index
        %get3A_956 = tpu.vector_load %arg12[%get3A_955] {strides = array<i32>} : memref<30000xi32, #tpu.memory_space<vmem>>, vector<16xi32>,
        %gather3A_957 = tpu.vector_load_idx %arg13[%get3A_956] : memref<10240xf32, #tpu.memory_space<vmem>>[vector<16xi32>], vector<16xf32>,
        %gather3A_958 = tpu.vector_load_idx %arg14[%get3A_956] : memref<10240xi32, #tpu.memory_space<vmem>>[vector<16xi32>], vector<16xi32>,
        %swap3A_959 = arith.constant 5 : i32
        %swap3A_960 = arith.index_cast %swap3A_959 : i32 to index
        %swap3A_961 = arith.constant 80 : index
        %swap3A_962 = tpu.vector_load %arg19[%swap3A_960, %swap3A_961] {strides = array<i32>} : memref<10x128xf32, #tpu.memory_space<vmem>>, vector<16xf32>,
        tpu.vector_store %arg19[%swap3A_960, %swap3A_961], %gather3A_957 {strides = array<i32>} : memref<10x128xf32, #tpu.memory_space<vmem>>, vector<16xf32>,
        %mul3A_963 = arith.constant 10240 : i32
        %mul3A_964 = vector.broadcast %mul3A_963 : i32 to vector<16xi32>
        %mul3A_965 = arith.muli %gather3A_958, %mul3A_964 : vector<16xi32>
        %add3A_966 = arith.addi %mul3A_965, %get3A_953 : vector<16xi32>
        %swap3A_967 = arith.constant 5 : i32
        %swap3A_968 = arith.index_cast %swap3A_967 : i32 to index
        %swap3A_969 = arith.constant 80 : index
        %swap3A_970 = tpu.vector_load %arg18[%swap3A_968, %swap3A_969] {strides = array<i32>} : memref<10x128xi32, #tpu.memory_space<vmem>>, vector<16xi32>,
        tpu.vector_store %arg18[%swap3A_968, %swap3A_969], %add3A_966 {strides = array<i32>} : memref<10x128xi32, #tpu.memory_space<vmem>>, vector<16xi32>,
        %mul3A_971 = arith.constant 2 : i32
        %mul3A_972 = arith.muli %scan3A_458, %mul3A_971 : i32
        %add3A_973 = arith.constant 1 : i32
        %add3A_974 = arith.addi %mul3A_972, %add3A_973 : i32
        %mul3A_975 = arith.constant 128 : i32
        %mul3A_976 = arith.muli %add3A_974, %mul3A_975 : i32
        %add3A_977 = arith.constant 96 : i32
        %add3A_978 = arith.addi %mul3A_976, %add3A_977 : i32
        %add3A_979 = arith.constant 20000 : i32
        %add3A_980 = arith.addi %add3A_979, %add3A_978 : i32
        %get3A_981 = arith.index_cast %add3A_980 : i32 to index
        %get3A_982 = tpu.vector_load %arg12[%get3A_981] {strides = array<i32>} : memref<30000xi32, #tpu.memory_space<vmem>>, vector<16xi32>,
        %add3A_983 = arith.addi %mul3A_222, %add3A_978 : i32
        %get3A_984 = arith.index_cast %add3A_983 : i32 to index
        %get3A_985 = tpu.vector_load %arg12[%get3A_984] {strides = array<i32>} : memref<30000xi32, #tpu.memory_space<vmem>>, vector<16xi32>,
        %gather3A_986 = tpu.vector_load_idx %arg13[%get3A_985] : memref<10240xf32, #tpu.memory_space<vmem>>[vector<16xi32>], vector<16xf32>,
        %gather3A_987 = tpu.vector_load_idx %arg14[%get3A_985] : memref<10240xi32, #tpu.memory_space<vmem>>[vector<16xi32>], vector<16xi32>,
        %swap3A_988 = arith.constant 5 : i32
        %swap3A_989 = arith.index_cast %swap3A_988 : i32 to index
        %swap3A_990 = arith.constant 96 : index
        %swap3A_991 = tpu.vector_load %arg19[%swap3A_989, %swap3A_990] {strides = array<i32>} : memref<10x128xf32, #tpu.memory_space<vmem>>, vector<16xf32>,
        tpu.vector_store %arg19[%swap3A_989, %swap3A_990], %gather3A_986 {strides = array<i32>} : memref<10x128xf32, #tpu.memory_space<vmem>>, vector<16xf32>,
        %mul3A_992 = arith.constant 10240 : i32
        %mul3A_993 = vector.broadcast %mul3A_992 : i32 to vector<16xi32>
        %mul3A_994 = arith.muli %gather3A_987, %mul3A_993 : vector<16xi32>
        %add3A_995 = arith.addi %mul3A_994, %get3A_982 : vector<16xi32>
        %swap3A_996 = arith.constant 5 : i32
        %swap3A_997 = arith.index_cast %swap3A_996 : i32 to index
        %swap3A_998 = arith.constant 96 : index
        %swap3A_999 = tpu.vector_load %arg18[%swap3A_997, %swap3A_998] {strides = array<i32>} : memref<10x128xi32, #tpu.memory_space<vmem>>, vector<16xi32>,
        tpu.vector_store %arg18[%swap3A_997, %swap3A_998], %add3A_995 {strides = array<i32>} : memref<10x128xi32, #tpu.memory_space<vmem>>, vector<16xi32>,
        %mul3A_1000 = arith.constant 2 : i32
        %mul3A_1001 = arith.muli %scan3A_458, %mul3A_1000 : i32
        %add3A_1002 = arith.constant 1 : i32
        %add3A_1003 = arith.addi %mul3A_1001, %add3A_1002 : i32
        %mul3A_1004 = arith.constant 128 : i32
        %mul3A_1005 = arith.muli %add3A_1003, %mul3A_1004 : i32
        %add3A_1006 = arith.constant 112 : i32
        %add3A_1007 = arith.addi %mul3A_1005, %add3A_1006 : i32
        %add3A_1008 = arith.constant 20000 : i32
        %add3A_1009 = arith.addi %add3A_1008, %add3A_1007 : i32
        %get3A_1010 = arith.index_cast %add3A_1009 : i32 to index
        %get3A_1011 = tpu.vector_load %arg12[%get3A_1010] {strides = array<i32>} : memref<30000xi32, #tpu.memory_space<vmem>>, vector<16xi32>,
        %add3A_1012 = arith.addi %mul3A_222, %add3A_1007 : i32
        %get3A_1013 = arith.index_cast %add3A_1012 : i32 to index
        %get3A_1014 = tpu.vector_load %arg12[%get3A_1013] {strides = array<i32>} : memref<30000xi32, #tpu.memory_space<vmem>>, vector<16xi32>,
        %gather3A_1015 = tpu.vector_load_idx %arg13[%get3A_1014] : memref<10240xf32, #tpu.memory_space<vmem>>[vector<16xi32>], vector<16xf32>,
        %gather3A_1016 = tpu.vector_load_idx %arg14[%get3A_1014] : memref<10240xi32, #tpu.memory_space<vmem>>[vector<16xi32>], vector<16xi32>,
        %swap3A_1017 = arith.constant 5 : i32
        %swap3A_1018 = arith.index_cast %swap3A_1017 : i32 to index
        %swap3A_1019 = arith.constant 112 : index
        %swap3A_1020 = tpu.vector_load %arg19[%swap3A_1018, %swap3A_1019] {strides = array<i32>} : memref<10x128xf32, #tpu.memory_space<vmem>>, vector<16xf32>,
        tpu.vector_store %arg19[%swap3A_1018, %swap3A_1019], %gather3A_1015 {strides = array<i32>} : memref<10x128xf32, #tpu.memory_space<vmem>>, vector<16xf32>,
        %mul3A_1021 = arith.constant 10240 : i32
        %mul3A_1022 = vector.broadcast %mul3A_1021 : i32 to vector<16xi32>
        %mul3A_1023 = arith.muli %gather3A_1016, %mul3A_1022 : vector<16xi32>
        %add3A_1024 = arith.addi %mul3A_1023, %get3A_1011 : vector<16xi32>
        %swap3A_1025 = arith.constant 5 : i32
        %swap3A_1026 = arith.index_cast %swap3A_1025 : i32 to index
        %swap3A_1027 = arith.constant 112 : index
        %swap3A_1028 = tpu.vector_load %arg18[%swap3A_1026, %swap3A_1027] {strides = array<i32>} : memref<10x128xi32, #tpu.memory_space<vmem>>, vector<16xi32>,
        tpu.vector_store %arg18[%swap3A_1026, %swap3A_1027], %add3A_1024 {strides = array<i32>} : memref<10x128xi32, #tpu.memory_space<vmem>>, vector<16xi32>,
        %dma_start3A_1029 = arith.constant 4 : i32
        %dma_start3A_1030 = arith.constant 4 : i32
        %dma_start3A_1031 = arith.constant 0 : i32
        %dma_start3A_1032 = tpu.memref_slice %arg19[%dma_start3A_1029, %dma_start3A_1031] : memref<10x128xf32, #tpu.memory_space<vmem>> -> memref<1x128xf32, #tpu.memory_space<vmem>>
        %dma_start3A_1033 = tpu.memref_squeeze %dma_start3A_1032 : memref<1x128xf32, #tpu.memory_space<vmem>> -> memref<128xf32, #tpu.memory_space<vmem>>
        %dma_start3A_1034 = arith.constant 0 : i32
        %dma_start3A_1035 = tpu.memref_slice %arg18[%dma_start3A_1030, %dma_start3A_1034] : memref<10x128xi32, #tpu.memory_space<vmem>> -> memref<1x128xi32, #tpu.memory_space<vmem>>
        %dma_start3A_1036 = tpu.memref_squeeze %dma_start3A_1035 : memref<1x128xi32, #tpu.memory_space<vmem>> -> memref<128xi32, #tpu.memory_space<vmem>>
        %dma_start3A_1037 = arith.constant 0 : i32
        %dma_start3A_1038 = tpu.memref_slice %arg7[%dma_start3A_1037] : memref<665600xf32, #tpu.memory_space<vmem_shared>> -> memref<665600xf32, #tpu.memory_space<vmem_shared>>
        tpu.enqueue_indirect_dma source(%dma_start3A_1033 : memref<128xf32, #tpu.memory_space<vmem>>) target(%dma_start3A_1038 : memref<665600xf32, #tpu.memory_space<vmem_shared>>) offsets(%dma_start3A_1036 : memref<128xi32, #tpu.memory_space<vmem>>) semaphore(%arg20 : memref<!tpu.dma_semaphore, #tpu.memory_space<semaphore_mem>>) {add = true}
        %dma_start3A_1039 = arith.constant 5 : i32
        %dma_start3A_1040 = arith.constant 5 : i32
        %dma_start3A_1041 = arith.constant 0 : i32
        %dma_start3A_1042 = tpu.memref_slice %arg19[%dma_start3A_1039, %dma_start3A_1041] : memref<10x128xf32, #tpu.memory_space<vmem>> -> memref<1x128xf32, #tpu.memory_space<vmem>>
        %dma_start3A_1043 = tpu.memref_squeeze %dma_start3A_1042 : memref<1x128xf32, #tpu.memory_space<vmem>> -> memref<128xf32, #tpu.memory_space<vmem>>
        %dma_start3A_1044 = arith.constant 0 : i32
        %dma_start3A_1045 = tpu.memref_slice %arg18[%dma_start3A_1040, %dma_start3A_1044] : memref<10x128xi32, #tpu.memory_space<vmem>> -> memref<1x128xi32, #tpu.memory_space<vmem>>
        %dma_start3A_1046 = tpu.memref_squeeze %dma_start3A_1045 : memref<1x128xi32, #tpu.memory_space<vmem>> -> memref<128xi32, #tpu.memory_space<vmem>>
        %dma_start3A_1047 = arith.constant 0 : i32
        %dma_start3A_1048 = tpu.memref_slice %arg7[%dma_start3A_1047] : memref<665600xf32, #tpu.memory_space<vmem_shared>> -> memref<665600xf32, #tpu.memory_space<vmem_shared>>
        tpu.enqueue_indirect_dma source(%dma_start3A_1043 : memref<128xf32, #tpu.memory_space<vmem>>) target(%dma_start3A_1048 : memref<665600xf32, #tpu.memory_space<vmem_shared>>) offsets(%dma_start3A_1046 : memref<128xi32, #tpu.memory_space<vmem>>) semaphore(%arg20 : memref<!tpu.dma_semaphore, #tpu.memory_space<semaphore_mem>>) {add = true}
      } else {
      }
      %jit3A_518 = arith.constant 5 : i32
      %eq3A_519 = arith.constant 0 : i32
      %eq3A_520 = arith.cmpi eq, %jit3A_518, %eq3A_519 : i32
      %jit3A_521 = arith.constant 1 : i32
      %select_n3A_522 = arith.select %eq3A_520, %jit3A_521, %jit3A_518 : i32
      %rem3A_523 = arith.remsi %scan3A_458, %select_n3A_522 : i32
      %ne3A_524 = arith.constant 0 : i32
      %ne3A_525 = arith.cmpi ne, %rem3A_523, %ne3A_524 : i32
      %lt3A_526 = arith.constant 0 : i32
      %lt3A_527 = arith.cmpi slt, %rem3A_523, %lt3A_526 : i32
      %lt3A_528 = arith.constant 0 : i32
      %lt3A_529 = arith.cmpi slt, %select_n3A_522, %lt3A_528 : i32
      %ne3A_530 = arith.xori %lt3A_527, %lt3A_529 : i1
      %and3A_531 = arith.andi %ne3A_530, %ne3A_525 : i1
      %add3A_532 = arith.addi %rem3A_523, %select_n3A_522 : i32
      %select_n3A_533 = arith.select %and3A_531, %add3A_532, %rem3A_523 : i32
      %eq3A_534 = arith.constant 3 : i32
      %eq3A_535 = arith.cmpi eq, %select_n3A_533, %eq3A_534 : i32
      %convert_element_type3A_536 = arith.extui %eq3A_535 : i1 to i32
      %cond3A_537 = arith.constant 0 : i32
      %cond3A_538 = arith.cmpi ne, %convert_element_type3A_536, %cond3A_537 : i32
      scf.if %cond3A_538 {
        %ge3A = arith.constant 5 : i32
        %ge3A_561 = arith.cmpi sge, %scan3A_458, %ge3A : i32
        %convert_element_type3A_562 = arith.extui %ge3A_561 : i1 to i32
        %cond3A_563 = arith.constant 0 : i32
        %cond3A_564 = arith.cmpi ne, %convert_element_type3A_562, %cond3A_563 : i32
        scf.if %cond3A_564 {
          %dma_wait3A_1049 = arith.constant 0 : i32
          %dma_wait3A_1050 = arith.constant 0 : i32
          %dma_wait3A_1051 = tpu.memref_slice %arg19[%dma_wait3A_1049, %dma_wait3A_1050] : memref<10x128xf32, #tpu.memory_space<vmem>> -> memref<1x128xf32, #tpu.memory_space<vmem>>
          %dma_wait3A_1052 = tpu.memref_squeeze %dma_wait3A_1051 : memref<1x128xf32, #tpu.memory_space<vmem>> -> memref<128xf32, #tpu.memory_space<vmem>>
          %dma_wait3A_1053 = arith.constant 0 : i32
          %dma_wait3A_1054 = tpu.memref_slice %arg7[%dma_wait3A_1053] : memref<665600xf32, #tpu.memory_space<vmem_shared>> -> memref<128xf32, #tpu.memory_space<vmem_shared>>
          %dma_wait3A_1055 = arith.constant 0 : i32
          %dma_wait3A_1056 = tpu.memref_slice %arg7[%dma_wait3A_1055] : memref<665600xf32, #tpu.memory_space<vmem_shared>> -> memref<128xf32, #tpu.memory_space<vmem_shared>>
          %dma_wait3A_1057 = arith.constant 0 : i32
          %dma_wait3A_1058 = tpu.memref_slice %arg19[%dma_wait3A_1049, %dma_wait3A_1057] : memref<10x128xf32, #tpu.memory_space<vmem>> -> memref<1x128xf32, #tpu.memory_space<vmem>>
          %dma_wait3A_1059 = tpu.memref_squeeze %dma_wait3A_1058 : memref<1x128xf32, #tpu.memory_space<vmem>> -> memref<128xf32, #tpu.memory_space<vmem>>
          tpu.wait_dma2 semaphore(%arg20 : memref<!tpu.dma_semaphore, #tpu.memory_space<semaphore_mem>>) src(%dma_wait3A_1059 : memref<128xf32, #tpu.memory_space<vmem>>) dst(%dma_wait3A_1056 : memref<128xf32, #tpu.memory_space<vmem_shared>>)
          %dma_wait3A_1060 = arith.constant 0 : i32
          %dma_wait3A_1061 = arith.constant 0 : i32
          %dma_wait3A_1062 = tpu.memref_slice %arg19[%dma_wait3A_1060, %dma_wait3A_1061] : memref<10x128xf32, #tpu.memory_space<vmem>> -> memref<1x128xf32, #tpu.memory_space<vmem>>
          %dma_wait3A_1063 = tpu.memref_squeeze %dma_wait3A_1062 : memref<1x128xf32, #tpu.memory_space<vmem>> -> memref<128xf32, #tpu.memory_space<vmem>>
          %dma_wait3A_1064 = arith.constant 0 : i32
          %dma_wait3A_1065 = tpu.memref_slice %arg7[%dma_wait3A_1064] : memref<665600xf32, #tpu.memory_space<vmem_shared>> -> memref<128xf32, #tpu.memory_space<vmem_shared>>
          %dma_wait3A_1066 = arith.constant 0 : i32
          %dma_wait3A_1067 = tpu.memref_slice %arg7[%dma_wait3A_1066] : memref<665600xf32, #tpu.memory_space<vmem_shared>> -> memref<128xf32, #tpu.memory_space<vmem_shared>>
          %dma_wait3A_1068 = arith.constant 0 : i32
          %dma_wait3A_1069 = tpu.memref_slice %arg19[%dma_wait3A_1060, %dma_wait3A_1068] : memref<10x128xf32, #tpu.memory_space<vmem>> -> memref<1x128xf32, #tpu.memory_space<vmem>>
          %dma_wait3A_1070 = tpu.memref_squeeze %dma_wait3A_1069 : memref<1x128xf32, #tpu.memory_space<vmem>> -> memref<128xf32, #tpu.memory_space<vmem>>
          tpu.wait_dma2 semaphore(%arg20 : memref<!tpu.dma_semaphore, #tpu.memory_space<semaphore_mem>>) src(%dma_wait3A_1070 : memref<128xf32, #tpu.memory_space<vmem>>) dst(%dma_wait3A_1067 : memref<128xf32, #tpu.memory_space<vmem_shared>>)
        } else {
        }
        %mul3A_565 = arith.constant 2 : i32
        %mul3A_566 = arith.muli %scan3A_458, %mul3A_565 : i32
        %add3A_567 = arith.constant 0 : i32
        %add3A_568 = arith.addi %mul3A_566, %add3A_567 : i32
        %mul3A_569 = arith.constant 128 : i32
        %mul3A_570 = arith.muli %add3A_568, %mul3A_569 : i32
        %add3A_571 = arith.constant 0 : i32
        %add3A_572 = arith.addi %mul3A_570, %add3A_571 : i32
        %add3A_573 = arith.constant 20000 : i32
        %add3A_574 = arith.addi %add3A_573, %add3A_572 : i32
        %get3A_575 = arith.index_cast %add3A_574 : i32 to index
        %get3A_576 = tpu.vector_load %arg12[%get3A_575] {strides = array<i32>} : memref<30000xi32, #tpu.memory_space<vmem>>, vector<16xi32>,
        %add3A_577 = arith.addi %mul3A_222, %add3A_572 : i32
        %get3A_578 = arith.index_cast %add3A_577 : i32 to index
        %get3A_579 = tpu.vector_load %arg12[%get3A_578] {strides = array<i32>} : memref<30000xi32, #tpu.memory_space<vmem>>, vector<16xi32>,
        %gather3A_580 = tpu.vector_load_idx %arg13[%get3A_579] : memref<10240xf32, #tpu.memory_space<vmem>>[vector<16xi32>], vector<16xf32>,
        %gather3A_581 = tpu.vector_load_idx %arg14[%get3A_579] : memref<10240xi32, #tpu.memory_space<vmem>>[vector<16xi32>], vector<16xi32>,
        %swap3A_582 = arith.constant 6 : i32
        %swap3A_583 = arith.index_cast %swap3A_582 : i32 to index
        %swap3A_584 = arith.constant 0 : index
        %swap3A_585 = tpu.vector_load %arg19[%swap3A_583, %swap3A_584] {strides = array<i32>} : memref<10x128xf32, #tpu.memory_space<vmem>>, vector<16xf32>,
        tpu.vector_store %arg19[%swap3A_583, %swap3A_584], %gather3A_580 {strides = array<i32>} : memref<10x128xf32, #tpu.memory_space<vmem>>, vector<16xf32>,
        %mul3A_586 = arith.constant 10240 : i32
        %mul3A_587 = vector.broadcast %mul3A_586 : i32 to vector<16xi32>
        %mul3A_588 = arith.muli %gather3A_581, %mul3A_587 : vector<16xi32>
        %add3A_589 = arith.addi %mul3A_588, %get3A_576 : vector<16xi32>
        %swap3A_590 = arith.constant 6 : i32
        %swap3A_591 = arith.index_cast %swap3A_590 : i32 to index
        %swap3A_592 = arith.constant 0 : index
        %swap3A_593 = tpu.vector_load %arg18[%swap3A_591, %swap3A_592] {strides = array<i32>} : memref<10x128xi32, #tpu.memory_space<vmem>>, vector<16xi32>,
        tpu.vector_store %arg18[%swap3A_591, %swap3A_592], %add3A_589 {strides = array<i32>} : memref<10x128xi32, #tpu.memory_space<vmem>>, vector<16xi32>,
        %mul3A_594 = arith.constant 2 : i32
        %mul3A_595 = arith.muli %scan3A_458, %mul3A_594 : i32
        %add3A_596 = arith.constant 0 : i32
        %add3A_597 = arith.addi %mul3A_595, %add3A_596 : i32
        %mul3A_598 = arith.constant 128 : i32
        %mul3A_599 = arith.muli %add3A_597, %mul3A_598 : i32
        %add3A_600 = arith.constant 16 : i32
        %add3A_601 = arith.addi %mul3A_599, %add3A_600 : i32
        %add3A_602 = arith.constant 20000 : i32
        %add3A_603 = arith.addi %add3A_602, %add3A_601 : i32
        %get3A_604 = arith.index_cast %add3A_603 : i32 to index
        %get3A_605 = tpu.vector_load %arg12[%get3A_604] {strides = array<i32>} : memref<30000xi32, #tpu.memory_space<vmem>>, vector<16xi32>,
        %add3A_606 = arith.addi %mul3A_222, %add3A_601 : i32
        %get3A_607 = arith.index_cast %add3A_606 : i32 to index
        %get3A_608 = tpu.vector_load %arg12[%get3A_607] {strides = array<i32>} : memref<30000xi32, #tpu.memory_space<vmem>>, vector<16xi32>,
        %gather3A_609 = tpu.vector_load_idx %arg13[%get3A_608] : memref<10240xf32, #tpu.memory_space<vmem>>[vector<16xi32>], vector<16xf32>,
        %gather3A_610 = tpu.vector_load_idx %arg14[%get3A_608] : memref<10240xi32, #tpu.memory_space<vmem>>[vector<16xi32>], vector<16xi32>,
        %swap3A_611 = arith.constant 6 : i32
        %swap3A_612 = arith.index_cast %swap3A_611 : i32 to index
        %swap3A_613 = arith.constant 16 : index
        %swap3A_614 = tpu.vector_load %arg19[%swap3A_612, %swap3A_613] {strides = array<i32>} : memref<10x128xf32, #tpu.memory_space<vmem>>, vector<16xf32>,
        tpu.vector_store %arg19[%swap3A_612, %swap3A_613], %gather3A_609 {strides = array<i32>} : memref<10x128xf32, #tpu.memory_space<vmem>>, vector<16xf32>,
        %mul3A_615 = arith.constant 10240 : i32
        %mul3A_616 = vector.broadcast %mul3A_615 : i32 to vector<16xi32>
        %mul3A_617 = arith.muli %gather3A_610, %mul3A_616 : vector<16xi32>
        %add3A_618 = arith.addi %mul3A_617, %get3A_605 : vector<16xi32>
        %swap3A_619 = arith.constant 6 : i32
        %swap3A_620 = arith.index_cast %swap3A_619 : i32 to index
        %swap3A_621 = arith.constant 16 : index
        %swap3A_622 = tpu.vector_load %arg18[%swap3A_620, %swap3A_621] {strides = array<i32>} : memref<10x128xi32, #tpu.memory_space<vmem>>, vector<16xi32>,
        tpu.vector_store %arg18[%swap3A_620, %swap3A_621], %add3A_618 {strides = array<i32>} : memref<10x128xi32, #tpu.memory_space<vmem>>, vector<16xi32>,
        %mul3A_623 = arith.constant 2 : i32
        %mul3A_624 = arith.muli %scan3A_458, %mul3A_623 : i32
        %add3A_625 = arith.constant 0 : i32
        %add3A_626 = arith.addi %mul3A_624, %add3A_625 : i32
        %mul3A_627 = arith.constant 128 : i32
        %mul3A_628 = arith.muli %add3A_626, %mul3A_627 : i32
        %add3A_629 = arith.constant 32 : i32
        %add3A_630 = arith.addi %mul3A_628, %add3A_629 : i32
        %add3A_631 = arith.constant 20000 : i32
        %add3A_632 = arith.addi %add3A_631, %add3A_630 : i32
        %get3A_633 = arith.index_cast %add3A_632 : i32 to index
        %get3A_634 = tpu.vector_load %arg12[%get3A_633] {strides = array<i32>} : memref<30000xi32, #tpu.memory_space<vmem>>, vector<16xi32>,
        %add3A_635 = arith.addi %mul3A_222, %add3A_630 : i32
        %get3A_636 = arith.index_cast %add3A_635 : i32 to index
        %get3A_637 = tpu.vector_load %arg12[%get3A_636] {strides = array<i32>} : memref<30000xi32, #tpu.memory_space<vmem>>, vector<16xi32>,
        %gather3A_638 = tpu.vector_load_idx %arg13[%get3A_637] : memref<10240xf32, #tpu.memory_space<vmem>>[vector<16xi32>], vector<16xf32>,
        %gather3A_639 = tpu.vector_load_idx %arg14[%get3A_637] : memref<10240xi32, #tpu.memory_space<vmem>>[vector<16xi32>], vector<16xi32>,
        %swap3A_640 = arith.constant 6 : i32
        %swap3A_641 = arith.index_cast %swap3A_640 : i32 to index
        %swap3A_642 = arith.constant 32 : index
        %swap3A_643 = tpu.vector_load %arg19[%swap3A_641, %swap3A_642] {strides = array<i32>} : memref<10x128xf32, #tpu.memory_space<vmem>>, vector<16xf32>,
        tpu.vector_store %arg19[%swap3A_641, %swap3A_642], %gather3A_638 {strides = array<i32>} : memref<10x128xf32, #tpu.memory_space<vmem>>, vector<16xf32>,
        %mul3A_644 = arith.constant 10240 : i32
        %mul3A_645 = vector.broadcast %mul3A_644 : i32 to vector<16xi32>
        %mul3A_646 = arith.muli %gather3A_639, %mul3A_645 : vector<16xi32>
        %add3A_647 = arith.addi %mul3A_646, %get3A_634 : vector<16xi32>
        %swap3A_648 = arith.constant 6 : i32
        %swap3A_649 = arith.index_cast %swap3A_648 : i32 to index
        %swap3A_650 = arith.constant 32 : index
        %swap3A_651 = tpu.vector_load %arg18[%swap3A_649, %swap3A_650] {strides = array<i32>} : memref<10x128xi32, #tpu.memory_space<vmem>>, vector<16xi32>,
        tpu.vector_store %arg18[%swap3A_649, %swap3A_650], %add3A_647 {strides = array<i32>} : memref<10x128xi32, #tpu.memory_space<vmem>>, vector<16xi32>,
        %mul3A_652 = arith.constant 2 : i32
        %mul3A_653 = arith.muli %scan3A_458, %mul3A_652 : i32
        %add3A_654 = arith.constant 0 : i32
        %add3A_655 = arith.addi %mul3A_653, %add3A_654 : i32
        %mul3A_656 = arith.constant 128 : i32
        %mul3A_657 = arith.muli %add3A_655, %mul3A_656 : i32
        %add3A_658 = arith.constant 48 : i32
        %add3A_659 = arith.addi %mul3A_657, %add3A_658 : i32
        %add3A_660 = arith.constant 20000 : i32
        %add3A_661 = arith.addi %add3A_660, %add3A_659 : i32
        %get3A_662 = arith.index_cast %add3A_661 : i32 to index
        %get3A_663 = tpu.vector_load %arg12[%get3A_662] {strides = array<i32>} : memref<30000xi32, #tpu.memory_space<vmem>>, vector<16xi32>,
        %add3A_664 = arith.addi %mul3A_222, %add3A_659 : i32
        %get3A_665 = arith.index_cast %add3A_664 : i32 to index
        %get3A_666 = tpu.vector_load %arg12[%get3A_665] {strides = array<i32>} : memref<30000xi32, #tpu.memory_space<vmem>>, vector<16xi32>,
        %gather3A_667 = tpu.vector_load_idx %arg13[%get3A_666] : memref<10240xf32, #tpu.memory_space<vmem>>[vector<16xi32>], vector<16xf32>,
        %gather3A_668 = tpu.vector_load_idx %arg14[%get3A_666] : memref<10240xi32, #tpu.memory_space<vmem>>[vector<16xi32>], vector<16xi32>,
        %swap3A_669 = arith.constant 6 : i32
        %swap3A_670 = arith.index_cast %swap3A_669 : i32 to index
        %swap3A_671 = arith.constant 48 : index
        %swap3A_672 = tpu.vector_load %arg19[%swap3A_670, %swap3A_671] {strides = array<i32>} : memref<10x128xf32, #tpu.memory_space<vmem>>, vector<16xf32>,
        tpu.vector_store %arg19[%swap3A_670, %swap3A_671], %gather3A_667 {strides = array<i32>} : memref<10x128xf32, #tpu.memory_space<vmem>>, vector<16xf32>,
        %mul3A_673 = arith.constant 10240 : i32
        %mul3A_674 = vector.broadcast %mul3A_673 : i32 to vector<16xi32>
        %mul3A_675 = arith.muli %gather3A_668, %mul3A_674 : vector<16xi32>
        %add3A_676 = arith.addi %mul3A_675, %get3A_663 : vector<16xi32>
        %swap3A_677 = arith.constant 6 : i32
        %swap3A_678 = arith.index_cast %swap3A_677 : i32 to index
        %swap3A_679 = arith.constant 48 : index
        %swap3A_680 = tpu.vector_load %arg18[%swap3A_678, %swap3A_679] {strides = array<i32>} : memref<10x128xi32, #tpu.memory_space<vmem>>, vector<16xi32>,
        tpu.vector_store %arg18[%swap3A_678, %swap3A_679], %add3A_676 {strides = array<i32>} : memref<10x128xi32, #tpu.memory_space<vmem>>, vector<16xi32>,
        %mul3A_681 = arith.constant 2 : i32
        %mul3A_682 = arith.muli %scan3A_458, %mul3A_681 : i32
        %add3A_683 = arith.constant 0 : i32
        %add3A_684 = arith.addi %mul3A_682, %add3A_683 : i32
        %mul3A_685 = arith.constant 128 : i32
        %mul3A_686 = arith.muli %add3A_684, %mul3A_685 : i32
        %add3A_687 = arith.constant 64 : i32
        %add3A_688 = arith.addi %mul3A_686, %add3A_687 : i32
        %add3A_689 = arith.constant 20000 : i32
        %add3A_690 = arith.addi %add3A_689, %add3A_688 : i32
        %get3A_691 = arith.index_cast %add3A_690 : i32 to index
        %get3A_692 = tpu.vector_load %arg12[%get3A_691] {strides = array<i32>} : memref<30000xi32, #tpu.memory_space<vmem>>, vector<16xi32>,
        %add3A_693 = arith.addi %mul3A_222, %add3A_688 : i32
        %get3A_694 = arith.index_cast %add3A_693 : i32 to index
        %get3A_695 = tpu.vector_load %arg12[%get3A_694] {strides = array<i32>} : memref<30000xi32, #tpu.memory_space<vmem>>, vector<16xi32>,
        %gather3A_696 = tpu.vector_load_idx %arg13[%get3A_695] : memref<10240xf32, #tpu.memory_space<vmem>>[vector<16xi32>], vector<16xf32>,
        %gather3A_697 = tpu.vector_load_idx %arg14[%get3A_695] : memref<10240xi32, #tpu.memory_space<vmem>>[vector<16xi32>], vector<16xi32>,
        %swap3A_698 = arith.constant 6 : i32
        %swap3A_699 = arith.index_cast %swap3A_698 : i32 to index
        %swap3A_700 = arith.constant 64 : index
        %swap3A_701 = tpu.vector_load %arg19[%swap3A_699, %swap3A_700] {strides = array<i32>} : memref<10x128xf32, #tpu.memory_space<vmem>>, vector<16xf32>,
        tpu.vector_store %arg19[%swap3A_699, %swap3A_700], %gather3A_696 {strides = array<i32>} : memref<10x128xf32, #tpu.memory_space<vmem>>, vector<16xf32>,
        %mul3A_702 = arith.constant 10240 : i32
        %mul3A_703 = vector.broadcast %mul3A_702 : i32 to vector<16xi32>
        %mul3A_704 = arith.muli %gather3A_697, %mul3A_703 : vector<16xi32>
        %add3A_705 = arith.addi %mul3A_704, %get3A_692 : vector<16xi32>
        %swap3A_706 = arith.constant 6 : i32
        %swap3A_707 = arith.index_cast %swap3A_706 : i32 to index
        %swap3A_708 = arith.constant 64 : index
        %swap3A_709 = tpu.vector_load %arg18[%swap3A_707, %swap3A_708] {strides = array<i32>} : memref<10x128xi32, #tpu.memory_space<vmem>>, vector<16xi32>,
        tpu.vector_store %arg18[%swap3A_707, %swap3A_708], %add3A_705 {strides = array<i32>} : memref<10x128xi32, #tpu.memory_space<vmem>>, vector<16xi32>,
        %mul3A_710 = arith.constant 2 : i32
        %mul3A_711 = arith.muli %scan3A_458, %mul3A_710 : i32
        %add3A_712 = arith.constant 0 : i32
        %add3A_713 = arith.addi %mul3A_711, %add3A_712 : i32
        %mul3A_714 = arith.constant 128 : i32
        %mul3A_715 = arith.muli %add3A_713, %mul3A_714 : i32
        %add3A_716 = arith.constant 80 : i32
        %add3A_717 = arith.addi %mul3A_715, %add3A_716 : i32
        %add3A_718 = arith.constant 20000 : i32
        %add3A_719 = arith.addi %add3A_718, %add3A_717 : i32
        %get3A_720 = arith.index_cast %add3A_719 : i32 to index
        %get3A_721 = tpu.vector_load %arg12[%get3A_720] {strides = array<i32>} : memref<30000xi32, #tpu.memory_space<vmem>>, vector<16xi32>,
        %add3A_722 = arith.addi %mul3A_222, %add3A_717 : i32
        %get3A_723 = arith.index_cast %add3A_722 : i32 to index
        %get3A_724 = tpu.vector_load %arg12[%get3A_723] {strides = array<i32>} : memref<30000xi32, #tpu.memory_space<vmem>>, vector<16xi32>,
        %gather3A_725 = tpu.vector_load_idx %arg13[%get3A_724] : memref<10240xf32, #tpu.memory_space<vmem>>[vector<16xi32>], vector<16xf32>,
        %gather3A_726 = tpu.vector_load_idx %arg14[%get3A_724] : memref<10240xi32, #tpu.memory_space<vmem>>[vector<16xi32>], vector<16xi32>,
        %swap3A_727 = arith.constant 6 : i32
        %swap3A_728 = arith.index_cast %swap3A_727 : i32 to index
        %swap3A_729 = arith.constant 80 : index
        %swap3A_730 = tpu.vector_load %arg19[%swap3A_728, %swap3A_729] {strides = array<i32>} : memref<10x128xf32, #tpu.memory_space<vmem>>, vector<16xf32>,
        tpu.vector_store %arg19[%swap3A_728, %swap3A_729], %gather3A_725 {strides = array<i32>} : memref<10x128xf32, #tpu.memory_space<vmem>>, vector<16xf32>,
        %mul3A_731 = arith.constant 10240 : i32
        %mul3A_732 = vector.broadcast %mul3A_731 : i32 to vector<16xi32>
        %mul3A_733 = arith.muli %gather3A_726, %mul3A_732 : vector<16xi32>
        %add3A_734 = arith.addi %mul3A_733, %get3A_721 : vector<16xi32>
        %swap3A_735 = arith.constant 6 : i32
        %swap3A_736 = arith.index_cast %swap3A_735 : i32 to index
        %swap3A_737 = arith.constant 80 : index
        %swap3A_738 = tpu.vector_load %arg18[%swap3A_736, %swap3A_737] {strides = array<i32>} : memref<10x128xi32, #tpu.memory_space<vmem>>, vector<16xi32>,
        tpu.vector_store %arg18[%swap3A_736, %swap3A_737], %add3A_734 {strides = array<i32>} : memref<10x128xi32, #tpu.memory_space<vmem>>, vector<16xi32>,
        %mul3A_739 = arith.constant 2 : i32
        %mul3A_740 = arith.muli %scan3A_458, %mul3A_739 : i32
        %add3A_741 = arith.constant 0 : i32
        %add3A_742 = arith.addi %mul3A_740, %add3A_741 : i32
        %mul3A_743 = arith.constant 128 : i32
        %mul3A_744 = arith.muli %add3A_742, %mul3A_743 : i32
        %add3A_745 = arith.constant 96 : i32
        %add3A_746 = arith.addi %mul3A_744, %add3A_745 : i32
        %add3A_747 = arith.constant 20000 : i32
        %add3A_748 = arith.addi %add3A_747, %add3A_746 : i32
        %get3A_749 = arith.index_cast %add3A_748 : i32 to index
        %get3A_750 = tpu.vector_load %arg12[%get3A_749] {strides = array<i32>} : memref<30000xi32, #tpu.memory_space<vmem>>, vector<16xi32>,
        %add3A_751 = arith.addi %mul3A_222, %add3A_746 : i32
        %get3A_752 = arith.index_cast %add3A_751 : i32 to index
        %get3A_753 = tpu.vector_load %arg12[%get3A_752] {strides = array<i32>} : memref<30000xi32, #tpu.memory_space<vmem>>, vector<16xi32>,
        %gather3A_754 = tpu.vector_load_idx %arg13[%get3A_753] : memref<10240xf32, #tpu.memory_space<vmem>>[vector<16xi32>], vector<16xf32>,
        %gather3A_755 = tpu.vector_load_idx %arg14[%get3A_753] : memref<10240xi32, #tpu.memory_space<vmem>>[vector<16xi32>], vector<16xi32>,
        %swap3A_756 = arith.constant 6 : i32
        %swap3A_757 = arith.index_cast %swap3A_756 : i32 to index
        %swap3A_758 = arith.constant 96 : index
        %swap3A_759 = tpu.vector_load %arg19[%swap3A_757, %swap3A_758] {strides = array<i32>} : memref<10x128xf32, #tpu.memory_space<vmem>>, vector<16xf32>,
        tpu.vector_store %arg19[%swap3A_757, %swap3A_758], %gather3A_754 {strides = array<i32>} : memref<10x128xf32, #tpu.memory_space<vmem>>, vector<16xf32>,
        %mul3A_760 = arith.constant 10240 : i32
        %mul3A_761 = vector.broadcast %mul3A_760 : i32 to vector<16xi32>
        %mul3A_762 = arith.muli %gather3A_755, %mul3A_761 : vector<16xi32>
        %add3A_763 = arith.addi %mul3A_762, %get3A_750 : vector<16xi32>
        %swap3A_764 = arith.constant 6 : i32
        %swap3A_765 = arith.index_cast %swap3A_764 : i32 to index
        %swap3A_766 = arith.constant 96 : index
        %swap3A_767 = tpu.vector_load %arg18[%swap3A_765, %swap3A_766] {strides = array<i32>} : memref<10x128xi32, #tpu.memory_space<vmem>>, vector<16xi32>,
        tpu.vector_store %arg18[%swap3A_765, %swap3A_766], %add3A_763 {strides = array<i32>} : memref<10x128xi32, #tpu.memory_space<vmem>>, vector<16xi32>,
        %mul3A_768 = arith.constant 2 : i32
        %mul3A_769 = arith.muli %scan3A_458, %mul3A_768 : i32
        %add3A_770 = arith.constant 0 : i32
        %add3A_771 = arith.addi %mul3A_769, %add3A_770 : i32
        %mul3A_772 = arith.constant 128 : i32
        %mul3A_773 = arith.muli %add3A_771, %mul3A_772 : i32
        %add3A_774 = arith.constant 112 : i32
        %add3A_775 = arith.addi %mul3A_773, %add3A_774 : i32
        %add3A_776 = arith.constant 20000 : i32
        %add3A_777 = arith.addi %add3A_776, %add3A_775 : i32
        %get3A_778 = arith.index_cast %add3A_777 : i32 to index
        %get3A_779 = tpu.vector_load %arg12[%get3A_778] {strides = array<i32>} : memref<30000xi32, #tpu.memory_space<vmem>>, vector<16xi32>,
        %add3A_780 = arith.addi %mul3A_222, %add3A_775 : i32
        %get3A_781 = arith.index_cast %add3A_780 : i32 to index
        %get3A_782 = tpu.vector_load %arg12[%get3A_781] {strides = array<i32>} : memref<30000xi32, #tpu.memory_space<vmem>>, vector<16xi32>,
        %gather3A_783 = tpu.vector_load_idx %arg13[%get3A_782] : memref<10240xf32, #tpu.memory_space<vmem>>[vector<16xi32>], vector<16xf32>,
        %gather3A_784 = tpu.vector_load_idx %arg14[%get3A_782] : memref<10240xi32, #tpu.memory_space<vmem>>[vector<16xi32>], vector<16xi32>,
        %swap3A_785 = arith.constant 6 : i32
        %swap3A_786 = arith.index_cast %swap3A_785 : i32 to index
        %swap3A_787 = arith.constant 112 : index
        %swap3A_788 = tpu.vector_load %arg19[%swap3A_786, %swap3A_787] {strides = array<i32>} : memref<10x128xf32, #tpu.memory_space<vmem>>, vector<16xf32>,
        tpu.vector_store %arg19[%swap3A_786, %swap3A_787], %gather3A_783 {strides = array<i32>} : memref<10x128xf32, #tpu.memory_space<vmem>>, vector<16xf32>,
        %mul3A_789 = arith.constant 10240 : i32
        %mul3A_790 = vector.broadcast %mul3A_789 : i32 to vector<16xi32>
        %mul3A_791 = arith.muli %gather3A_784, %mul3A_790 : vector<16xi32>
        %add3A_792 = arith.addi %mul3A_791, %get3A_779 : vector<16xi32>
        %swap3A_793 = arith.constant 6 : i32
        %swap3A_794 = arith.index_cast %swap3A_793 : i32 to index
        %swap3A_795 = arith.constant 112 : index
        %swap3A_796 = tpu.vector_load %arg18[%swap3A_794, %swap3A_795] {strides = array<i32>} : memref<10x128xi32, #tpu.memory_space<vmem>>, vector<16xi32>,
        tpu.vector_store %arg18[%swap3A_794, %swap3A_795], %add3A_792 {strides = array<i32>} : memref<10x128xi32, #tpu.memory_space<vmem>>, vector<16xi32>,
        %mul3A_797 = arith.constant 2 : i32
        %mul3A_798 = arith.muli %scan3A_458, %mul3A_797 : i32
        %add3A_799 = arith.constant 1 : i32
        %add3A_800 = arith.addi %mul3A_798, %add3A_799 : i32
        %mul3A_801 = arith.constant 128 : i32
        %mul3A_802 = arith.muli %add3A_800, %mul3A_801 : i32
        %add3A_803 = arith.constant 0 : i32
        %add3A_804 = arith.addi %mul3A_802, %add3A_803 : i32
        %add3A_805 = arith.constant 20000 : i32
        %add3A_806 = arith.addi %add3A_805, %add3A_804 : i32
        %get3A_807 = arith.index_cast %add3A_806 : i32 to index
        %get3A_808 = tpu.vector_load %arg12[%get3A_807] {strides = array<i32>} : memref<30000xi32, #tpu.memory_space<vmem>>, vector<16xi32>,
        %add3A_809 = arith.addi %mul3A_222, %add3A_804 : i32
        %get3A_810 = arith.index_cast %add3A_809 : i32 to index
        %get3A_811 = tpu.vector_load %arg12[%get3A_810] {strides = array<i32>} : memref<30000xi32, #tpu.memory_space<vmem>>, vector<16xi32>,
        %gather3A_812 = tpu.vector_load_idx %arg13[%get3A_811] : memref<10240xf32, #tpu.memory_space<vmem>>[vector<16xi32>], vector<16xf32>,
        %gather3A_813 = tpu.vector_load_idx %arg14[%get3A_811] : memref<10240xi32, #tpu.memory_space<vmem>>[vector<16xi32>], vector<16xi32>,
        %swap3A_814 = arith.constant 7 : i32
        %swap3A_815 = arith.index_cast %swap3A_814 : i32 to index
        %swap3A_816 = arith.constant 0 : index
        %swap3A_817 = tpu.vector_load %arg19[%swap3A_815, %swap3A_816] {strides = array<i32>} : memref<10x128xf32, #tpu.memory_space<vmem>>, vector<16xf32>,
        tpu.vector_store %arg19[%swap3A_815, %swap3A_816], %gather3A_812 {strides = array<i32>} : memref<10x128xf32, #tpu.memory_space<vmem>>, vector<16xf32>,
        %mul3A_818 = arith.constant 10240 : i32
        %mul3A_819 = vector.broadcast %mul3A_818 : i32 to vector<16xi32>
        %mul3A_820 = arith.muli %gather3A_813, %mul3A_819 : vector<16xi32>
        %add3A_821 = arith.addi %mul3A_820, %get3A_808 : vector<16xi32>
        %swap3A_822 = arith.constant 7 : i32
        %swap3A_823 = arith.index_cast %swap3A_822 : i32 to index
        %swap3A_824 = arith.constant 0 : index
        %swap3A_825 = tpu.vector_load %arg18[%swap3A_823, %swap3A_824] {strides = array<i32>} : memref<10x128xi32, #tpu.memory_space<vmem>>, vector<16xi32>,
        tpu.vector_store %arg18[%swap3A_823, %swap3A_824], %add3A_821 {strides = array<i32>} : memref<10x128xi32, #tpu.memory_space<vmem>>, vector<16xi32>,
        %mul3A_826 = arith.constant 2 : i32
        %mul3A_827 = arith.muli %scan3A_458, %mul3A_826 : i32
        %add3A_828 = arith.constant 1 : i32
        %add3A_829 = arith.addi %mul3A_827, %add3A_828 : i32
        %mul3A_830 = arith.constant 128 : i32
        %mul3A_831 = arith.muli %add3A_829, %mul3A_830 : i32
        %add3A_832 = arith.constant 16 : i32
        %add3A_833 = arith.addi %mul3A_831, %add3A_832 : i32
        %add3A_834 = arith.constant 20000 : i32
        %add3A_835 = arith.addi %add3A_834, %add3A_833 : i32
        %get3A_836 = arith.index_cast %add3A_835 : i32 to index
        %get3A_837 = tpu.vector_load %arg12[%get3A_836] {strides = array<i32>} : memref<30000xi32, #tpu.memory_space<vmem>>, vector<16xi32>,
        %add3A_838 = arith.addi %mul3A_222, %add3A_833 : i32
        %get3A_839 = arith.index_cast %add3A_838 : i32 to index
        %get3A_840 = tpu.vector_load %arg12[%get3A_839] {strides = array<i32>} : memref<30000xi32, #tpu.memory_space<vmem>>, vector<16xi32>,
        %gather3A_841 = tpu.vector_load_idx %arg13[%get3A_840] : memref<10240xf32, #tpu.memory_space<vmem>>[vector<16xi32>], vector<16xf32>,
        %gather3A_842 = tpu.vector_load_idx %arg14[%get3A_840] : memref<10240xi32, #tpu.memory_space<vmem>>[vector<16xi32>], vector<16xi32>,
        %swap3A_843 = arith.constant 7 : i32
        %swap3A_844 = arith.index_cast %swap3A_843 : i32 to index
        %swap3A_845 = arith.constant 16 : index
        %swap3A_846 = tpu.vector_load %arg19[%swap3A_844, %swap3A_845] {strides = array<i32>} : memref<10x128xf32, #tpu.memory_space<vmem>>, vector<16xf32>,
        tpu.vector_store %arg19[%swap3A_844, %swap3A_845], %gather3A_841 {strides = array<i32>} : memref<10x128xf32, #tpu.memory_space<vmem>>, vector<16xf32>,
        %mul3A_847 = arith.constant 10240 : i32
        %mul3A_848 = vector.broadcast %mul3A_847 : i32 to vector<16xi32>
        %mul3A_849 = arith.muli %gather3A_842, %mul3A_848 : vector<16xi32>
        %add3A_850 = arith.addi %mul3A_849, %get3A_837 : vector<16xi32>
        %swap3A_851 = arith.constant 7 : i32
        %swap3A_852 = arith.index_cast %swap3A_851 : i32 to index
        %swap3A_853 = arith.constant 16 : index
        %swap3A_854 = tpu.vector_load %arg18[%swap3A_852, %swap3A_853] {strides = array<i32>} : memref<10x128xi32, #tpu.memory_space<vmem>>, vector<16xi32>,
        tpu.vector_store %arg18[%swap3A_852, %swap3A_853], %add3A_850 {strides = array<i32>} : memref<10x128xi32, #tpu.memory_space<vmem>>, vector<16xi32>,
        %mul3A_855 = arith.constant 2 : i32
        %mul3A_856 = arith.muli %scan3A_458, %mul3A_855 : i32
        %add3A_857 = arith.constant 1 : i32
        %add3A_858 = arith.addi %mul3A_856, %add3A_857 : i32
        %mul3A_859 = arith.constant 128 : i32
        %mul3A_860 = arith.muli %add3A_858, %mul3A_859 : i32
        %add3A_861 = arith.constant 32 : i32
        %add3A_862 = arith.addi %mul3A_860, %add3A_861 : i32
        %add3A_863 = arith.constant 20000 : i32
        %add3A_864 = arith.addi %add3A_863, %add3A_862 : i32
        %get3A_865 = arith.index_cast %add3A_864 : i32 to index
        %get3A_866 = tpu.vector_load %arg12[%get3A_865] {strides = array<i32>} : memref<30000xi32, #tpu.memory_space<vmem>>, vector<16xi32>,
        %add3A_867 = arith.addi %mul3A_222, %add3A_862 : i32
        %get3A_868 = arith.index_cast %add3A_867 : i32 to index
        %get3A_869 = tpu.vector_load %arg12[%get3A_868] {strides = array<i32>} : memref<30000xi32, #tpu.memory_space<vmem>>, vector<16xi32>,
        %gather3A_870 = tpu.vector_load_idx %arg13[%get3A_869] : memref<10240xf32, #tpu.memory_space<vmem>>[vector<16xi32>], vector<16xf32>,
        %gather3A_871 = tpu.vector_load_idx %arg14[%get3A_869] : memref<10240xi32, #tpu.memory_space<vmem>>[vector<16xi32>], vector<16xi32>,
        %swap3A_872 = arith.constant 7 : i32
        %swap3A_873 = arith.index_cast %swap3A_872 : i32 to index
        %swap3A_874 = arith.constant 32 : index
        %swap3A_875 = tpu.vector_load %arg19[%swap3A_873, %swap3A_874] {strides = array<i32>} : memref<10x128xf32, #tpu.memory_space<vmem>>, vector<16xf32>,
        tpu.vector_store %arg19[%swap3A_873, %swap3A_874], %gather3A_870 {strides = array<i32>} : memref<10x128xf32, #tpu.memory_space<vmem>>, vector<16xf32>,
        %mul3A_876 = arith.constant 10240 : i32
        %mul3A_877 = vector.broadcast %mul3A_876 : i32 to vector<16xi32>
        %mul3A_878 = arith.muli %gather3A_871, %mul3A_877 : vector<16xi32>
        %add3A_879 = arith.addi %mul3A_878, %get3A_866 : vector<16xi32>
        %swap3A_880 = arith.constant 7 : i32
        %swap3A_881 = arith.index_cast %swap3A_880 : i32 to index
        %swap3A_882 = arith.constant 32 : index
        %swap3A_883 = tpu.vector_load %arg18[%swap3A_881, %swap3A_882] {strides = array<i32>} : memref<10x128xi32, #tpu.memory_space<vmem>>, vector<16xi32>,
        tpu.vector_store %arg18[%swap3A_881, %swap3A_882], %add3A_879 {strides = array<i32>} : memref<10x128xi32, #tpu.memory_space<vmem>>, vector<16xi32>,
        %mul3A_884 = arith.constant 2 : i32
        %mul3A_885 = arith.muli %scan3A_458, %mul3A_884 : i32
        %add3A_886 = arith.constant 1 : i32
        %add3A_887 = arith.addi %mul3A_885, %add3A_886 : i32
        %mul3A_888 = arith.constant 128 : i32
        %mul3A_889 = arith.muli %add3A_887, %mul3A_888 : i32
        %add3A_890 = arith.constant 48 : i32
        %add3A_891 = arith.addi %mul3A_889, %add3A_890 : i32
        %add3A_892 = arith.constant 20000 : i32
        %add3A_893 = arith.addi %add3A_892, %add3A_891 : i32
        %get3A_894 = arith.index_cast %add3A_893 : i32 to index
        %get3A_895 = tpu.vector_load %arg12[%get3A_894] {strides = array<i32>} : memref<30000xi32, #tpu.memory_space<vmem>>, vector<16xi32>,
        %add3A_896 = arith.addi %mul3A_222, %add3A_891 : i32
        %get3A_897 = arith.index_cast %add3A_896 : i32 to index
        %get3A_898 = tpu.vector_load %arg12[%get3A_897] {strides = array<i32>} : memref<30000xi32, #tpu.memory_space<vmem>>, vector<16xi32>,
        %gather3A_899 = tpu.vector_load_idx %arg13[%get3A_898] : memref<10240xf32, #tpu.memory_space<vmem>>[vector<16xi32>], vector<16xf32>,
        %gather3A_900 = tpu.vector_load_idx %arg14[%get3A_898] : memref<10240xi32, #tpu.memory_space<vmem>>[vector<16xi32>], vector<16xi32>,
        %swap3A_901 = arith.constant 7 : i32
        %swap3A_902 = arith.index_cast %swap3A_901 : i32 to index
        %swap3A_903 = arith.constant 48 : index
        %swap3A_904 = tpu.vector_load %arg19[%swap3A_902, %swap3A_903] {strides = array<i32>} : memref<10x128xf32, #tpu.memory_space<vmem>>, vector<16xf32>,
        tpu.vector_store %arg19[%swap3A_902, %swap3A_903], %gather3A_899 {strides = array<i32>} : memref<10x128xf32, #tpu.memory_space<vmem>>, vector<16xf32>,
        %mul3A_905 = arith.constant 10240 : i32
        %mul3A_906 = vector.broadcast %mul3A_905 : i32 to vector<16xi32>
        %mul3A_907 = arith.muli %gather3A_900, %mul3A_906 : vector<16xi32>
        %add3A_908 = arith.addi %mul3A_907, %get3A_895 : vector<16xi32>
        %swap3A_909 = arith.constant 7 : i32
        %swap3A_910 = arith.index_cast %swap3A_909 : i32 to index
        %swap3A_911 = arith.constant 48 : index
        %swap3A_912 = tpu.vector_load %arg18[%swap3A_910, %swap3A_911] {strides = array<i32>} : memref<10x128xi32, #tpu.memory_space<vmem>>, vector<16xi32>,
        tpu.vector_store %arg18[%swap3A_910, %swap3A_911], %add3A_908 {strides = array<i32>} : memref<10x128xi32, #tpu.memory_space<vmem>>, vector<16xi32>,
        %mul3A_913 = arith.constant 2 : i32
        %mul3A_914 = arith.muli %scan3A_458, %mul3A_913 : i32
        %add3A_915 = arith.constant 1 : i32
        %add3A_916 = arith.addi %mul3A_914, %add3A_915 : i32
        %mul3A_917 = arith.constant 128 : i32
        %mul3A_918 = arith.muli %add3A_916, %mul3A_917 : i32
        %add3A_919 = arith.constant 64 : i32
        %add3A_920 = arith.addi %mul3A_918, %add3A_919 : i32
        %add3A_921 = arith.constant 20000 : i32
        %add3A_922 = arith.addi %add3A_921, %add3A_920 : i32
        %get3A_923 = arith.index_cast %add3A_922 : i32 to index
        %get3A_924 = tpu.vector_load %arg12[%get3A_923] {strides = array<i32>} : memref<30000xi32, #tpu.memory_space<vmem>>, vector<16xi32>,
        %add3A_925 = arith.addi %mul3A_222, %add3A_920 : i32
        %get3A_926 = arith.index_cast %add3A_925 : i32 to index
        %get3A_927 = tpu.vector_load %arg12[%get3A_926] {strides = array<i32>} : memref<30000xi32, #tpu.memory_space<vmem>>, vector<16xi32>,
        %gather3A_928 = tpu.vector_load_idx %arg13[%get3A_927] : memref<10240xf32, #tpu.memory_space<vmem>>[vector<16xi32>], vector<16xf32>,
        %gather3A_929 = tpu.vector_load_idx %arg14[%get3A_927] : memref<10240xi32, #tpu.memory_space<vmem>>[vector<16xi32>], vector<16xi32>,
        %swap3A_930 = arith.constant 7 : i32
        %swap3A_931 = arith.index_cast %swap3A_930 : i32 to index
        %swap3A_932 = arith.constant 64 : index
        %swap3A_933 = tpu.vector_load %arg19[%swap3A_931, %swap3A_932] {strides = array<i32>} : memref<10x128xf32, #tpu.memory_space<vmem>>, vector<16xf32>,
        tpu.vector_store %arg19[%swap3A_931, %swap3A_932], %gather3A_928 {strides = array<i32>} : memref<10x128xf32, #tpu.memory_space<vmem>>, vector<16xf32>,
        %mul3A_934 = arith.constant 10240 : i32
        %mul3A_935 = vector.broadcast %mul3A_934 : i32 to vector<16xi32>
        %mul3A_936 = arith.muli %gather3A_929, %mul3A_935 : vector<16xi32>
        %add3A_937 = arith.addi %mul3A_936, %get3A_924 : vector<16xi32>
        %swap3A_938 = arith.constant 7 : i32
        %swap3A_939 = arith.index_cast %swap3A_938 : i32 to index
        %swap3A_940 = arith.constant 64 : index
        %swap3A_941 = tpu.vector_load %arg18[%swap3A_939, %swap3A_940] {strides = array<i32>} : memref<10x128xi32, #tpu.memory_space<vmem>>, vector<16xi32>,
        tpu.vector_store %arg18[%swap3A_939, %swap3A_940], %add3A_937 {strides = array<i32>} : memref<10x128xi32, #tpu.memory_space<vmem>>, vector<16xi32>,
        %mul3A_942 = arith.constant 2 : i32
        %mul3A_943 = arith.muli %scan3A_458, %mul3A_942 : i32
        %add3A_944 = arith.constant 1 : i32
        %add3A_945 = arith.addi %mul3A_943, %add3A_944 : i32
        %mul3A_946 = arith.constant 128 : i32
        %mul3A_947 = arith.muli %add3A_945, %mul3A_946 : i32
        %add3A_948 = arith.constant 80 : i32
        %add3A_949 = arith.addi %mul3A_947, %add3A_948 : i32
        %add3A_950 = arith.constant 20000 : i32
        %add3A_951 = arith.addi %add3A_950, %add3A_949 : i32
        %get3A_952 = arith.index_cast %add3A_951 : i32 to index
        %get3A_953 = tpu.vector_load %arg12[%get3A_952] {strides = array<i32>} : memref<30000xi32, #tpu.memory_space<vmem>>, vector<16xi32>,
        %add3A_954 = arith.addi %mul3A_222, %add3A_949 : i32
        %get3A_955 = arith.index_cast %add3A_954 : i32 to index
        %get3A_956 = tpu.vector_load %arg12[%get3A_955] {strides = array<i32>} : memref<30000xi32, #tpu.memory_space<vmem>>, vector<16xi32>,
        %gather3A_957 = tpu.vector_load_idx %arg13[%get3A_956] : memref<10240xf32, #tpu.memory_space<vmem>>[vector<16xi32>], vector<16xf32>,
        %gather3A_958 = tpu.vector_load_idx %arg14[%get3A_956] : memref<10240xi32, #tpu.memory_space<vmem>>[vector<16xi32>], vector<16xi32>,
        %swap3A_959 = arith.constant 7 : i32
        %swap3A_960 = arith.index_cast %swap3A_959 : i32 to index
        %swap3A_961 = arith.constant 80 : index
        %swap3A_962 = tpu.vector_load %arg19[%swap3A_960, %swap3A_961] {strides = array<i32>} : memref<10x128xf32, #tpu.memory_space<vmem>>, vector<16xf32>,
        tpu.vector_store %arg19[%swap3A_960, %swap3A_961], %gather3A_957 {strides = array<i32>} : memref<10x128xf32, #tpu.memory_space<vmem>>, vector<16xf32>,
        %mul3A_963 = arith.constant 10240 : i32
        %mul3A_964 = vector.broadcast %mul3A_963 : i32 to vector<16xi32>
        %mul3A_965 = arith.muli %gather3A_958, %mul3A_964 : vector<16xi32>
        %add3A_966 = arith.addi %mul3A_965, %get3A_953 : vector<16xi32>
        %swap3A_967 = arith.constant 7 : i32
        %swap3A_968 = arith.index_cast %swap3A_967 : i32 to index
        %swap3A_969 = arith.constant 80 : index
        %swap3A_970 = tpu.vector_load %arg18[%swap3A_968, %swap3A_969] {strides = array<i32>} : memref<10x128xi32, #tpu.memory_space<vmem>>, vector<16xi32>,
        tpu.vector_store %arg18[%swap3A_968, %swap3A_969], %add3A_966 {strides = array<i32>} : memref<10x128xi32, #tpu.memory_space<vmem>>, vector<16xi32>,
        %mul3A_971 = arith.constant 2 : i32
        %mul3A_972 = arith.muli %scan3A_458, %mul3A_971 : i32
        %add3A_973 = arith.constant 1 : i32
        %add3A_974 = arith.addi %mul3A_972, %add3A_973 : i32
        %mul3A_975 = arith.constant 128 : i32
        %mul3A_976 = arith.muli %add3A_974, %mul3A_975 : i32
        %add3A_977 = arith.constant 96 : i32
        %add3A_978 = arith.addi %mul3A_976, %add3A_977 : i32
        %add3A_979 = arith.constant 20000 : i32
        %add3A_980 = arith.addi %add3A_979, %add3A_978 : i32
        %get3A_981 = arith.index_cast %add3A_980 : i32 to index
        %get3A_982 = tpu.vector_load %arg12[%get3A_981] {strides = array<i32>} : memref<30000xi32, #tpu.memory_space<vmem>>, vector<16xi32>,
        %add3A_983 = arith.addi %mul3A_222, %add3A_978 : i32
        %get3A_984 = arith.index_cast %add3A_983 : i32 to index
        %get3A_985 = tpu.vector_load %arg12[%get3A_984] {strides = array<i32>} : memref<30000xi32, #tpu.memory_space<vmem>>, vector<16xi32>,
        %gather3A_986 = tpu.vector_load_idx %arg13[%get3A_985] : memref<10240xf32, #tpu.memory_space<vmem>>[vector<16xi32>], vector<16xf32>,
        %gather3A_987 = tpu.vector_load_idx %arg14[%get3A_985] : memref<10240xi32, #tpu.memory_space<vmem>>[vector<16xi32>], vector<16xi32>,
        %swap3A_988 = arith.constant 7 : i32
        %swap3A_989 = arith.index_cast %swap3A_988 : i32 to index
        %swap3A_990 = arith.constant 96 : index
        %swap3A_991 = tpu.vector_load %arg19[%swap3A_989, %swap3A_990] {strides = array<i32>} : memref<10x128xf32, #tpu.memory_space<vmem>>, vector<16xf32>,
        tpu.vector_store %arg19[%swap3A_989, %swap3A_990], %gather3A_986 {strides = array<i32>} : memref<10x128xf32, #tpu.memory_space<vmem>>, vector<16xf32>,
        %mul3A_992 = arith.constant 10240 : i32
        %mul3A_993 = vector.broadcast %mul3A_992 : i32 to vector<16xi32>
        %mul3A_994 = arith.muli %gather3A_987, %mul3A_993 : vector<16xi32>
        %add3A_995 = arith.addi %mul3A_994, %get3A_982 : vector<16xi32>
        %swap3A_996 = arith.constant 7 : i32
        %swap3A_997 = arith.index_cast %swap3A_996 : i32 to index
        %swap3A_998 = arith.constant 96 : index
        %swap3A_999 = tpu.vector_load %arg18[%swap3A_997, %swap3A_998] {strides = array<i32>} : memref<10x128xi32, #tpu.memory_space<vmem>>, vector<16xi32>,
        tpu.vector_store %arg18[%swap3A_997, %swap3A_998], %add3A_995 {strides = array<i32>} : memref<10x128xi32, #tpu.memory_space<vmem>>, vector<16xi32>,
        %mul3A_1000 = arith.constant 2 : i32
        %mul3A_1001 = arith.muli %scan3A_458, %mul3A_1000 : i32
        %add3A_1002 = arith.constant 1 : i32
        %add3A_1003 = arith.addi %mul3A_1001, %add3A_1002 : i32
        %mul3A_1004 = arith.constant 128 : i32
        %mul3A_1005 = arith.muli %add3A_1003, %mul3A_1004 : i32
        %add3A_1006 = arith.constant 112 : i32
        %add3A_1007 = arith.addi %mul3A_1005, %add3A_1006 : i32
        %add3A_1008 = arith.constant 20000 : i32
        %add3A_1009 = arith.addi %add3A_1008, %add3A_1007 : i32
        %get3A_1010 = arith.index_cast %add3A_1009 : i32 to index
        %get3A_1011 = tpu.vector_load %arg12[%get3A_1010] {strides = array<i32>} : memref<30000xi32, #tpu.memory_space<vmem>>, vector<16xi32>,
        %add3A_1012 = arith.addi %mul3A_222, %add3A_1007 : i32
        %get3A_1013 = arith.index_cast %add3A_1012 : i32 to index
        %get3A_1014 = tpu.vector_load %arg12[%get3A_1013] {strides = array<i32>} : memref<30000xi32, #tpu.memory_space<vmem>>, vector<16xi32>,
        %gather3A_1015 = tpu.vector_load_idx %arg13[%get3A_1014] : memref<10240xf32, #tpu.memory_space<vmem>>[vector<16xi32>], vector<16xf32>,
        %gather3A_1016 = tpu.vector_load_idx %arg14[%get3A_1014] : memref<10240xi32, #tpu.memory_space<vmem>>[vector<16xi32>], vector<16xi32>,
        %swap3A_1017 = arith.constant 7 : i32
        %swap3A_1018 = arith.index_cast %swap3A_1017 : i32 to index
        %swap3A_1019 = arith.constant 112 : index
        %swap3A_1020 = tpu.vector_load %arg19[%swap3A_1018, %swap3A_1019] {strides = array<i32>} : memref<10x128xf32, #tpu.memory_space<vmem>>, vector<16xf32>,
        tpu.vector_store %arg19[%swap3A_1018, %swap3A_1019], %gather3A_1015 {strides = array<i32>} : memref<10x128xf32, #tpu.memory_space<vmem>>, vector<16xf32>,
        %mul3A_1021 = arith.constant 10240 : i32
        %mul3A_1022 = vector.broadcast %mul3A_1021 : i32 to vector<16xi32>
        %mul3A_1023 = arith.muli %gather3A_1016, %mul3A_1022 : vector<16xi32>
        %add3A_1024 = arith.addi %mul3A_1023, %get3A_1011 : vector<16xi32>
        %swap3A_1025 = arith.constant 7 : i32
        %swap3A_1026 = arith.index_cast %swap3A_1025 : i32 to index
        %swap3A_1027 = arith.constant 112 : index
        %swap3A_1028 = tpu.vector_load %arg18[%swap3A_1026, %swap3A_1027] {strides = array<i32>} : memref<10x128xi32, #tpu.memory_space<vmem>>, vector<16xi32>,
        tpu.vector_store %arg18[%swap3A_1026, %swap3A_1027], %add3A_1024 {strides = array<i32>} : memref<10x128xi32, #tpu.memory_space<vmem>>, vector<16xi32>,
        %dma_start3A_1029 = arith.constant 6 : i32
        %dma_start3A_1030 = arith.constant 6 : i32
        %dma_start3A_1031 = arith.constant 0 : i32
        %dma_start3A_1032 = tpu.memref_slice %arg19[%dma_start3A_1029, %dma_start3A_1031] : memref<10x128xf32, #tpu.memory_space<vmem>> -> memref<1x128xf32, #tpu.memory_space<vmem>>
        %dma_start3A_1033 = tpu.memref_squeeze %dma_start3A_1032 : memref<1x128xf32, #tpu.memory_space<vmem>> -> memref<128xf32, #tpu.memory_space<vmem>>
        %dma_start3A_1034 = arith.constant 0 : i32
        %dma_start3A_1035 = tpu.memref_slice %arg18[%dma_start3A_1030, %dma_start3A_1034] : memref<10x128xi32, #tpu.memory_space<vmem>> -> memref<1x128xi32, #tpu.memory_space<vmem>>
        %dma_start3A_1036 = tpu.memref_squeeze %dma_start3A_1035 : memref<1x128xi32, #tpu.memory_space<vmem>> -> memref<128xi32, #tpu.memory_space<vmem>>
        %dma_start3A_1037 = arith.constant 0 : i32
        %dma_start3A_1038 = tpu.memref_slice %arg7[%dma_start3A_1037] : memref<665600xf32, #tpu.memory_space<vmem_shared>> -> memref<665600xf32, #tpu.memory_space<vmem_shared>>
        tpu.enqueue_indirect_dma source(%dma_start3A_1033 : memref<128xf32, #tpu.memory_space<vmem>>) target(%dma_start3A_1038 : memref<665600xf32, #tpu.memory_space<vmem_shared>>) offsets(%dma_start3A_1036 : memref<128xi32, #tpu.memory_space<vmem>>) semaphore(%arg20 : memref<!tpu.dma_semaphore, #tpu.memory_space<semaphore_mem>>) {add = true}
        %dma_start3A_1039 = arith.constant 7 : i32
        %dma_start3A_1040 = arith.constant 7 : i32
        %dma_start3A_1041 = arith.constant 0 : i32
        %dma_start3A_1042 = tpu.memref_slice %arg19[%dma_start3A_1039, %dma_start3A_1041] : memref<10x128xf32, #tpu.memory_space<vmem>> -> memref<1x128xf32, #tpu.memory_space<vmem>>
        %dma_start3A_1043 = tpu.memref_squeeze %dma_start3A_1042 : memref<1x128xf32, #tpu.memory_space<vmem>> -> memref<128xf32, #tpu.memory_space<vmem>>
        %dma_start3A_1044 = arith.constant 0 : i32
        %dma_start3A_1045 = tpu.memref_slice %arg18[%dma_start3A_1040, %dma_start3A_1044] : memref<10x128xi32, #tpu.memory_space<vmem>> -> memref<1x128xi32, #tpu.memory_space<vmem>>
        %dma_start3A_1046 = tpu.memref_squeeze %dma_start3A_1045 : memref<1x128xi32, #tpu.memory_space<vmem>> -> memref<128xi32, #tpu.memory_space<vmem>>
        %dma_start3A_1047 = arith.constant 0 : i32
        %dma_start3A_1048 = tpu.memref_slice %arg7[%dma_start3A_1047] : memref<665600xf32, #tpu.memory_space<vmem_shared>> -> memref<665600xf32, #tpu.memory_space<vmem_shared>>
        tpu.enqueue_indirect_dma source(%dma_start3A_1043 : memref<128xf32, #tpu.memory_space<vmem>>) target(%dma_start3A_1048 : memref<665600xf32, #tpu.memory_space<vmem_shared>>) offsets(%dma_start3A_1046 : memref<128xi32, #tpu.memory_space<vmem>>) semaphore(%arg20 : memref<!tpu.dma_semaphore, #tpu.memory_space<semaphore_mem>>) {add = true}
      } else {
      }
      %jit3A_539 = arith.constant 5 : i32
      %eq3A_540 = arith.constant 0 : i32
      %eq3A_541 = arith.cmpi eq, %jit3A_539, %eq3A_540 : i32
      %jit3A_542 = arith.constant 1 : i32
      %select_n3A_543 = arith.select %eq3A_541, %jit3A_542, %jit3A_539 : i32
      %rem3A_544 = arith.remsi %scan3A_458, %select_n3A_543 : i32
      %ne3A_545 = arith.constant 0 : i32
      %ne3A_546 = arith.cmpi ne, %rem3A_544, %ne3A_545 : i32
      %lt3A_547 = arith.constant 0 : i32
      %lt3A_548 = arith.cmpi slt, %rem3A_544, %lt3A_547 : i32
      %lt3A_549 = arith.constant 0 : i32
      %lt3A_550 = arith.cmpi slt, %select_n3A_543, %lt3A_549 : i32
      %ne3A_551 = arith.xori %lt3A_548, %lt3A_550 : i1
      %and3A_552 = arith.andi %ne3A_551, %ne3A_546 : i1
      %add3A_553 = arith.addi %rem3A_544, %select_n3A_543 : i32
      %select_n3A_554 = arith.select %and3A_552, %add3A_553, %rem3A_544 : i32
      %eq3A_555 = arith.constant 4 : i32
      %eq3A_556 = arith.cmpi eq, %select_n3A_554, %eq3A_555 : i32
      %convert_element_type3A_557 = arith.extui %eq3A_556 : i1 to i32
      %cond3A_558 = arith.constant 0 : i32
      %cond3A_559 = arith.cmpi ne, %convert_element_type3A_557, %cond3A_558 : i32
      scf.if %cond3A_559 {
        %ge3A = arith.constant 5 : i32
        %ge3A_561 = arith.cmpi sge, %scan3A_458, %ge3A : i32
        %convert_element_type3A_562 = arith.extui %ge3A_561 : i1 to i32
        %cond3A_563 = arith.constant 0 : i32
        %cond3A_564 = arith.cmpi ne, %convert_element_type3A_562, %cond3A_563 : i32
        scf.if %cond3A_564 {
          %dma_wait3A_1049 = arith.constant 0 : i32
          %dma_wait3A_1050 = arith.constant 0 : i32
          %dma_wait3A_1051 = tpu.memref_slice %arg19[%dma_wait3A_1049, %dma_wait3A_1050] : memref<10x128xf32, #tpu.memory_space<vmem>> -> memref<1x128xf32, #tpu.memory_space<vmem>>
          %dma_wait3A_1052 = tpu.memref_squeeze %dma_wait3A_1051 : memref<1x128xf32, #tpu.memory_space<vmem>> -> memref<128xf32, #tpu.memory_space<vmem>>
          %dma_wait3A_1053 = arith.constant 0 : i32
          %dma_wait3A_1054 = tpu.memref_slice %arg7[%dma_wait3A_1053] : memref<665600xf32, #tpu.memory_space<vmem_shared>> -> memref<128xf32, #tpu.memory_space<vmem_shared>>
          %dma_wait3A_1055 = arith.constant 0 : i32
          %dma_wait3A_1056 = tpu.memref_slice %arg7[%dma_wait3A_1055] : memref<665600xf32, #tpu.memory_space<vmem_shared>> -> memref<128xf32, #tpu.memory_space<vmem_shared>>
          %dma_wait3A_1057 = arith.constant 0 : i32
          %dma_wait3A_1058 = tpu.memref_slice %arg19[%dma_wait3A_1049, %dma_wait3A_1057] : memref<10x128xf32, #tpu.memory_space<vmem>> -> memref<1x128xf32, #tpu.memory_space<vmem>>
          %dma_wait3A_1059 = tpu.memref_squeeze %dma_wait3A_1058 : memref<1x128xf32, #tpu.memory_space<vmem>> -> memref<128xf32, #tpu.memory_space<vmem>>
          tpu.wait_dma2 semaphore(%arg20 : memref<!tpu.dma_semaphore, #tpu.memory_space<semaphore_mem>>) src(%dma_wait3A_1059 : memref<128xf32, #tpu.memory_space<vmem>>) dst(%dma_wait3A_1056 : memref<128xf32, #tpu.memory_space<vmem_shared>>)
          %dma_wait3A_1060 = arith.constant 0 : i32
          %dma_wait3A_1061 = arith.constant 0 : i32
          %dma_wait3A_1062 = tpu.memref_slice %arg19[%dma_wait3A_1060, %dma_wait3A_1061] : memref<10x128xf32, #tpu.memory_space<vmem>> -> memref<1x128xf32, #tpu.memory_space<vmem>>
          %dma_wait3A_1063 = tpu.memref_squeeze %dma_wait3A_1062 : memref<1x128xf32, #tpu.memory_space<vmem>> -> memref<128xf32, #tpu.memory_space<vmem>>
          %dma_wait3A_1064 = arith.constant 0 : i32
          %dma_wait3A_1065 = tpu.memref_slice %arg7[%dma_wait3A_1064] : memref<665600xf32, #tpu.memory_space<vmem_shared>> -> memref<128xf32, #tpu.memory_space<vmem_shared>>
          %dma_wait3A_1066 = arith.constant 0 : i32
          %dma_wait3A_1067 = tpu.memref_slice %arg7[%dma_wait3A_1066] : memref<665600xf32, #tpu.memory_space<vmem_shared>> -> memref<128xf32, #tpu.memory_space<vmem_shared>>
          %dma_wait3A_1068 = arith.constant 0 : i32
          %dma_wait3A_1069 = tpu.memref_slice %arg19[%dma_wait3A_1060, %dma_wait3A_1068] : memref<10x128xf32, #tpu.memory_space<vmem>> -> memref<1x128xf32, #tpu.memory_space<vmem>>
          %dma_wait3A_1070 = tpu.memref_squeeze %dma_wait3A_1069 : memref<1x128xf32, #tpu.memory_space<vmem>> -> memref<128xf32, #tpu.memory_space<vmem>>
          tpu.wait_dma2 semaphore(%arg20 : memref<!tpu.dma_semaphore, #tpu.memory_space<semaphore_mem>>) src(%dma_wait3A_1070 : memref<128xf32, #tpu.memory_space<vmem>>) dst(%dma_wait3A_1067 : memref<128xf32, #tpu.memory_space<vmem_shared>>)
        } else {
        }
        %mul3A_565 = arith.constant 2 : i32
        %mul3A_566 = arith.muli %scan3A_458, %mul3A_565 : i32
        %add3A_567 = arith.constant 0 : i32
        %add3A_568 = arith.addi %mul3A_566, %add3A_567 : i32
        %mul3A_569 = arith.constant 128 : i32
        %mul3A_570 = arith.muli %add3A_568, %mul3A_569 : i32
        %add3A_571 = arith.constant 0 : i32
        %add3A_572 = arith.addi %mul3A_570, %add3A_571 : i32
        %add3A_573 = arith.constant 20000 : i32
        %add3A_574 = arith.addi %add3A_573, %add3A_572 : i32
        %get3A_575 = arith.index_cast %add3A_574 : i32 to index
        %get3A_576 = tpu.vector_load %arg12[%get3A_575] {strides = array<i32>} : memref<30000xi32, #tpu.memory_space<vmem>>, vector<16xi32>,
        %add3A_577 = arith.addi %mul3A_222, %add3A_572 : i32
        %get3A_578 = arith.index_cast %add3A_577 : i32 to index
        %get3A_579 = tpu.vector_load %arg12[%get3A_578] {strides = array<i32>} : memref<30000xi32, #tpu.memory_space<vmem>>, vector<16xi32>,
        %gather3A_580 = tpu.vector_load_idx %arg13[%get3A_579] : memref<10240xf32, #tpu.memory_space<vmem>>[vector<16xi32>], vector<16xf32>,
        %gather3A_581 = tpu.vector_load_idx %arg14[%get3A_579] : memref<10240xi32, #tpu.memory_space<vmem>>[vector<16xi32>], vector<16xi32>,
        %swap3A_582 = arith.constant 8 : i32
        %swap3A_583 = arith.index_cast %swap3A_582 : i32 to index
        %swap3A_584 = arith.constant 0 : index
        %swap3A_585 = tpu.vector_load %arg19[%swap3A_583, %swap3A_584] {strides = array<i32>} : memref<10x128xf32, #tpu.memory_space<vmem>>, vector<16xf32>,
        tpu.vector_store %arg19[%swap3A_583, %swap3A_584], %gather3A_580 {strides = array<i32>} : memref<10x128xf32, #tpu.memory_space<vmem>>, vector<16xf32>,
        %mul3A_586 = arith.constant 10240 : i32
        %mul3A_587 = vector.broadcast %mul3A_586 : i32 to vector<16xi32>
        %mul3A_588 = arith.muli %gather3A_581, %mul3A_587 : vector<16xi32>
        %add3A_589 = arith.addi %mul3A_588, %get3A_576 : vector<16xi32>
        %swap3A_590 = arith.constant 8 : i32
        %swap3A_591 = arith.index_cast %swap3A_590 : i32 to index
        %swap3A_592 = arith.constant 0 : index
        %swap3A_593 = tpu.vector_load %arg18[%swap3A_591, %swap3A_592] {strides = array<i32>} : memref<10x128xi32, #tpu.memory_space<vmem>>, vector<16xi32>,
        tpu.vector_store %arg18[%swap3A_591, %swap3A_592], %add3A_589 {strides = array<i32>} : memref<10x128xi32, #tpu.memory_space<vmem>>, vector<16xi32>,
        %mul3A_594 = arith.constant 2 : i32
        %mul3A_595 = arith.muli %scan3A_458, %mul3A_594 : i32
        %add3A_596 = arith.constant 0 : i32
        %add3A_597 = arith.addi %mul3A_595, %add3A_596 : i32
        %mul3A_598 = arith.constant 128 : i32
        %mul3A_599 = arith.muli %add3A_597, %mul3A_598 : i32
        %add3A_600 = arith.constant 16 : i32
        %add3A_601 = arith.addi %mul3A_599, %add3A_600 : i32
        %add3A_602 = arith.constant 20000 : i32
        %add3A_603 = arith.addi %add3A_602, %add3A_601 : i32
        %get3A_604 = arith.index_cast %add3A_603 : i32 to index
        %get3A_605 = tpu.vector_load %arg12[%get3A_604] {strides = array<i32>} : memref<30000xi32, #tpu.memory_space<vmem>>, vector<16xi32>,
        %add3A_606 = arith.addi %mul3A_222, %add3A_601 : i32
        %get3A_607 = arith.index_cast %add3A_606 : i32 to index
        %get3A_608 = tpu.vector_load %arg12[%get3A_607] {strides = array<i32>} : memref<30000xi32, #tpu.memory_space<vmem>>, vector<16xi32>,
        %gather3A_609 = tpu.vector_load_idx %arg13[%get3A_608] : memref<10240xf32, #tpu.memory_space<vmem>>[vector<16xi32>], vector<16xf32>,
        %gather3A_610 = tpu.vector_load_idx %arg14[%get3A_608] : memref<10240xi32, #tpu.memory_space<vmem>>[vector<16xi32>], vector<16xi32>,
        %swap3A_611 = arith.constant 8 : i32
        %swap3A_612 = arith.index_cast %swap3A_611 : i32 to index
        %swap3A_613 = arith.constant 16 : index
        %swap3A_614 = tpu.vector_load %arg19[%swap3A_612, %swap3A_613] {strides = array<i32>} : memref<10x128xf32, #tpu.memory_space<vmem>>, vector<16xf32>,
        tpu.vector_store %arg19[%swap3A_612, %swap3A_613], %gather3A_609 {strides = array<i32>} : memref<10x128xf32, #tpu.memory_space<vmem>>, vector<16xf32>,
        %mul3A_615 = arith.constant 10240 : i32
        %mul3A_616 = vector.broadcast %mul3A_615 : i32 to vector<16xi32>
        %mul3A_617 = arith.muli %gather3A_610, %mul3A_616 : vector<16xi32>
        %add3A_618 = arith.addi %mul3A_617, %get3A_605 : vector<16xi32>
        %swap3A_619 = arith.constant 8 : i32
        %swap3A_620 = arith.index_cast %swap3A_619 : i32 to index
        %swap3A_621 = arith.constant 16 : index
        %swap3A_622 = tpu.vector_load %arg18[%swap3A_620, %swap3A_621] {strides = array<i32>} : memref<10x128xi32, #tpu.memory_space<vmem>>, vector<16xi32>,
        tpu.vector_store %arg18[%swap3A_620, %swap3A_621], %add3A_618 {strides = array<i32>} : memref<10x128xi32, #tpu.memory_space<vmem>>, vector<16xi32>,
        %mul3A_623 = arith.constant 2 : i32
        %mul3A_624 = arith.muli %scan3A_458, %mul3A_623 : i32
        %add3A_625 = arith.constant 0 : i32
        %add3A_626 = arith.addi %mul3A_624, %add3A_625 : i32
        %mul3A_627 = arith.constant 128 : i32
        %mul3A_628 = arith.muli %add3A_626, %mul3A_627 : i32
        %add3A_629 = arith.constant 32 : i32
        %add3A_630 = arith.addi %mul3A_628, %add3A_629 : i32
        %add3A_631 = arith.constant 20000 : i32
        %add3A_632 = arith.addi %add3A_631, %add3A_630 : i32
        %get3A_633 = arith.index_cast %add3A_632 : i32 to index
        %get3A_634 = tpu.vector_load %arg12[%get3A_633] {strides = array<i32>} : memref<30000xi32, #tpu.memory_space<vmem>>, vector<16xi32>,
        %add3A_635 = arith.addi %mul3A_222, %add3A_630 : i32
        %get3A_636 = arith.index_cast %add3A_635 : i32 to index
        %get3A_637 = tpu.vector_load %arg12[%get3A_636] {strides = array<i32>} : memref<30000xi32, #tpu.memory_space<vmem>>, vector<16xi32>,
        %gather3A_638 = tpu.vector_load_idx %arg13[%get3A_637] : memref<10240xf32, #tpu.memory_space<vmem>>[vector<16xi32>], vector<16xf32>,
        %gather3A_639 = tpu.vector_load_idx %arg14[%get3A_637] : memref<10240xi32, #tpu.memory_space<vmem>>[vector<16xi32>], vector<16xi32>,
        %swap3A_640 = arith.constant 8 : i32
        %swap3A_641 = arith.index_cast %swap3A_640 : i32 to index
        %swap3A_642 = arith.constant 32 : index
        %swap3A_643 = tpu.vector_load %arg19[%swap3A_641, %swap3A_642] {strides = array<i32>} : memref<10x128xf32, #tpu.memory_space<vmem>>, vector<16xf32>,
        tpu.vector_store %arg19[%swap3A_641, %swap3A_642], %gather3A_638 {strides = array<i32>} : memref<10x128xf32, #tpu.memory_space<vmem>>, vector<16xf32>,
        %mul3A_644 = arith.constant 10240 : i32
        %mul3A_645 = vector.broadcast %mul3A_644 : i32 to vector<16xi32>
        %mul3A_646 = arith.muli %gather3A_639, %mul3A_645 : vector<16xi32>
        %add3A_647 = arith.addi %mul3A_646, %get3A_634 : vector<16xi32>
        %swap3A_648 = arith.constant 8 : i32
        %swap3A_649 = arith.index_cast %swap3A_648 : i32 to index
        %swap3A_650 = arith.constant 32 : index
        %swap3A_651 = tpu.vector_load %arg18[%swap3A_649, %swap3A_650] {strides = array<i32>} : memref<10x128xi32, #tpu.memory_space<vmem>>, vector<16xi32>,
        tpu.vector_store %arg18[%swap3A_649, %swap3A_650], %add3A_647 {strides = array<i32>} : memref<10x128xi32, #tpu.memory_space<vmem>>, vector<16xi32>,
        %mul3A_652 = arith.constant 2 : i32
        %mul3A_653 = arith.muli %scan3A_458, %mul3A_652 : i32
        %add3A_654 = arith.constant 0 : i32
        %add3A_655 = arith.addi %mul3A_653, %add3A_654 : i32
        %mul3A_656 = arith.constant 128 : i32
        %mul3A_657 = arith.muli %add3A_655, %mul3A_656 : i32
        %add3A_658 = arith.constant 48 : i32
        %add3A_659 = arith.addi %mul3A_657, %add3A_658 : i32
        %add3A_660 = arith.constant 20000 : i32
        %add3A_661 = arith.addi %add3A_660, %add3A_659 : i32
        %get3A_662 = arith.index_cast %add3A_661 : i32 to index
        %get3A_663 = tpu.vector_load %arg12[%get3A_662] {strides = array<i32>} : memref<30000xi32, #tpu.memory_space<vmem>>, vector<16xi32>,
        %add3A_664 = arith.addi %mul3A_222, %add3A_659 : i32
        %get3A_665 = arith.index_cast %add3A_664 : i32 to index
        %get3A_666 = tpu.vector_load %arg12[%get3A_665] {strides = array<i32>} : memref<30000xi32, #tpu.memory_space<vmem>>, vector<16xi32>,
        %gather3A_667 = tpu.vector_load_idx %arg13[%get3A_666] : memref<10240xf32, #tpu.memory_space<vmem>>[vector<16xi32>], vector<16xf32>,
        %gather3A_668 = tpu.vector_load_idx %arg14[%get3A_666] : memref<10240xi32, #tpu.memory_space<vmem>>[vector<16xi32>], vector<16xi32>,
        %swap3A_669 = arith.constant 8 : i32
        %swap3A_670 = arith.index_cast %swap3A_669 : i32 to index
        %swap3A_671 = arith.constant 48 : index
        %swap3A_672 = tpu.vector_load %arg19[%swap3A_670, %swap3A_671] {strides = array<i32>} : memref<10x128xf32, #tpu.memory_space<vmem>>, vector<16xf32>,
        tpu.vector_store %arg19[%swap3A_670, %swap3A_671], %gather3A_667 {strides = array<i32>} : memref<10x128xf32, #tpu.memory_space<vmem>>, vector<16xf32>,
        %mul3A_673 = arith.constant 10240 : i32
        %mul3A_674 = vector.broadcast %mul3A_673 : i32 to vector<16xi32>
        %mul3A_675 = arith.muli %gather3A_668, %mul3A_674 : vector<16xi32>
        %add3A_676 = arith.addi %mul3A_675, %get3A_663 : vector<16xi32>
        %swap3A_677 = arith.constant 8 : i32
        %swap3A_678 = arith.index_cast %swap3A_677 : i32 to index
        %swap3A_679 = arith.constant 48 : index
        %swap3A_680 = tpu.vector_load %arg18[%swap3A_678, %swap3A_679] {strides = array<i32>} : memref<10x128xi32, #tpu.memory_space<vmem>>, vector<16xi32>,
        tpu.vector_store %arg18[%swap3A_678, %swap3A_679], %add3A_676 {strides = array<i32>} : memref<10x128xi32, #tpu.memory_space<vmem>>, vector<16xi32>,
        %mul3A_681 = arith.constant 2 : i32
        %mul3A_682 = arith.muli %scan3A_458, %mul3A_681 : i32
        %add3A_683 = arith.constant 0 : i32
        %add3A_684 = arith.addi %mul3A_682, %add3A_683 : i32
        %mul3A_685 = arith.constant 128 : i32
        %mul3A_686 = arith.muli %add3A_684, %mul3A_685 : i32
        %add3A_687 = arith.constant 64 : i32
        %add3A_688 = arith.addi %mul3A_686, %add3A_687 : i32
        %add3A_689 = arith.constant 20000 : i32
        %add3A_690 = arith.addi %add3A_689, %add3A_688 : i32
        %get3A_691 = arith.index_cast %add3A_690 : i32 to index
        %get3A_692 = tpu.vector_load %arg12[%get3A_691] {strides = array<i32>} : memref<30000xi32, #tpu.memory_space<vmem>>, vector<16xi32>,
        %add3A_693 = arith.addi %mul3A_222, %add3A_688 : i32
        %get3A_694 = arith.index_cast %add3A_693 : i32 to index
        %get3A_695 = tpu.vector_load %arg12[%get3A_694] {strides = array<i32>} : memref<30000xi32, #tpu.memory_space<vmem>>, vector<16xi32>,
        %gather3A_696 = tpu.vector_load_idx %arg13[%get3A_695] : memref<10240xf32, #tpu.memory_space<vmem>>[vector<16xi32>], vector<16xf32>,
        %gather3A_697 = tpu.vector_load_idx %arg14[%get3A_695] : memref<10240xi32, #tpu.memory_space<vmem>>[vector<16xi32>], vector<16xi32>,
        %swap3A_698 = arith.constant 8 : i32
        %swap3A_699 = arith.index_cast %swap3A_698 : i32 to index
        %swap3A_700 = arith.constant 64 : index
        %swap3A_701 = tpu.vector_load %arg19[%swap3A_699, %swap3A_700] {strides = array<i32>} : memref<10x128xf32, #tpu.memory_space<vmem>>, vector<16xf32>,
        tpu.vector_store %arg19[%swap3A_699, %swap3A_700], %gather3A_696 {strides = array<i32>} : memref<10x128xf32, #tpu.memory_space<vmem>>, vector<16xf32>,
        %mul3A_702 = arith.constant 10240 : i32
        %mul3A_703 = vector.broadcast %mul3A_702 : i32 to vector<16xi32>
        %mul3A_704 = arith.muli %gather3A_697, %mul3A_703 : vector<16xi32>
        %add3A_705 = arith.addi %mul3A_704, %get3A_692 : vector<16xi32>
        %swap3A_706 = arith.constant 8 : i32
        %swap3A_707 = arith.index_cast %swap3A_706 : i32 to index
        %swap3A_708 = arith.constant 64 : index
        %swap3A_709 = tpu.vector_load %arg18[%swap3A_707, %swap3A_708] {strides = array<i32>} : memref<10x128xi32, #tpu.memory_space<vmem>>, vector<16xi32>,
        tpu.vector_store %arg18[%swap3A_707, %swap3A_708], %add3A_705 {strides = array<i32>} : memref<10x128xi32, #tpu.memory_space<vmem>>, vector<16xi32>,
        %mul3A_710 = arith.constant 2 : i32
        %mul3A_711 = arith.muli %scan3A_458, %mul3A_710 : i32
        %add3A_712 = arith.constant 0 : i32
        %add3A_713 = arith.addi %mul3A_711, %add3A_712 : i32
        %mul3A_714 = arith.constant 128 : i32
        %mul3A_715 = arith.muli %add3A_713, %mul3A_714 : i32
        %add3A_716 = arith.constant 80 : i32
        %add3A_717 = arith.addi %mul3A_715, %add3A_716 : i32
        %add3A_718 = arith.constant 20000 : i32
        %add3A_719 = arith.addi %add3A_718, %add3A_717 : i32
        %get3A_720 = arith.index_cast %add3A_719 : i32 to index
        %get3A_721 = tpu.vector_load %arg12[%get3A_720] {strides = array<i32>} : memref<30000xi32, #tpu.memory_space<vmem>>, vector<16xi32>,
        %add3A_722 = arith.addi %mul3A_222, %add3A_717 : i32
        %get3A_723 = arith.index_cast %add3A_722 : i32 to index
        %get3A_724 = tpu.vector_load %arg12[%get3A_723] {strides = array<i32>} : memref<30000xi32, #tpu.memory_space<vmem>>, vector<16xi32>,
        %gather3A_725 = tpu.vector_load_idx %arg13[%get3A_724] : memref<10240xf32, #tpu.memory_space<vmem>>[vector<16xi32>], vector<16xf32>,
        %gather3A_726 = tpu.vector_load_idx %arg14[%get3A_724] : memref<10240xi32, #tpu.memory_space<vmem>>[vector<16xi32>], vector<16xi32>,
        %swap3A_727 = arith.constant 8 : i32
        %swap3A_728 = arith.index_cast %swap3A_727 : i32 to index
        %swap3A_729 = arith.constant 80 : index
        %swap3A_730 = tpu.vector_load %arg19[%swap3A_728, %swap3A_729] {strides = array<i32>} : memref<10x128xf32, #tpu.memory_space<vmem>>, vector<16xf32>,
        tpu.vector_store %arg19[%swap3A_728, %swap3A_729], %gather3A_725 {strides = array<i32>} : memref<10x128xf32, #tpu.memory_space<vmem>>, vector<16xf32>,
        %mul3A_731 = arith.constant 10240 : i32
        %mul3A_732 = vector.broadcast %mul3A_731 : i32 to vector<16xi32>
        %mul3A_733 = arith.muli %gather3A_726, %mul3A_732 : vector<16xi32>
        %add3A_734 = arith.addi %mul3A_733, %get3A_721 : vector<16xi32>
        %swap3A_735 = arith.constant 8 : i32
        %swap3A_736 = arith.index_cast %swap3A_735 : i32 to index
        %swap3A_737 = arith.constant 80 : index
        %swap3A_738 = tpu.vector_load %arg18[%swap3A_736, %swap3A_737] {strides = array<i32>} : memref<10x128xi32, #tpu.memory_space<vmem>>, vector<16xi32>,
        tpu.vector_store %arg18[%swap3A_736, %swap3A_737], %add3A_734 {strides = array<i32>} : memref<10x128xi32, #tpu.memory_space<vmem>>, vector<16xi32>,
        %mul3A_739 = arith.constant 2 : i32
        %mul3A_740 = arith.muli %scan3A_458, %mul3A_739 : i32
        %add3A_741 = arith.constant 0 : i32
        %add3A_742 = arith.addi %mul3A_740, %add3A_741 : i32
        %mul3A_743 = arith.constant 128 : i32
        %mul3A_744 = arith.muli %add3A_742, %mul3A_743 : i32
        %add3A_745 = arith.constant 96 : i32
        %add3A_746 = arith.addi %mul3A_744, %add3A_745 : i32
        %add3A_747 = arith.constant 20000 : i32
        %add3A_748 = arith.addi %add3A_747, %add3A_746 : i32
        %get3A_749 = arith.index_cast %add3A_748 : i32 to index
        %get3A_750 = tpu.vector_load %arg12[%get3A_749] {strides = array<i32>} : memref<30000xi32, #tpu.memory_space<vmem>>, vector<16xi32>,
        %add3A_751 = arith.addi %mul3A_222, %add3A_746 : i32
        %get3A_752 = arith.index_cast %add3A_751 : i32 to index
        %get3A_753 = tpu.vector_load %arg12[%get3A_752] {strides = array<i32>} : memref<30000xi32, #tpu.memory_space<vmem>>, vector<16xi32>,
        %gather3A_754 = tpu.vector_load_idx %arg13[%get3A_753] : memref<10240xf32, #tpu.memory_space<vmem>>[vector<16xi32>], vector<16xf32>,
        %gather3A_755 = tpu.vector_load_idx %arg14[%get3A_753] : memref<10240xi32, #tpu.memory_space<vmem>>[vector<16xi32>], vector<16xi32>,
        %swap3A_756 = arith.constant 8 : i32
        %swap3A_757 = arith.index_cast %swap3A_756 : i32 to index
        %swap3A_758 = arith.constant 96 : index
        %swap3A_759 = tpu.vector_load %arg19[%swap3A_757, %swap3A_758] {strides = array<i32>} : memref<10x128xf32, #tpu.memory_space<vmem>>, vector<16xf32>,
        tpu.vector_store %arg19[%swap3A_757, %swap3A_758], %gather3A_754 {strides = array<i32>} : memref<10x128xf32, #tpu.memory_space<vmem>>, vector<16xf32>,
        %mul3A_760 = arith.constant 10240 : i32
        %mul3A_761 = vector.broadcast %mul3A_760 : i32 to vector<16xi32>
        %mul3A_762 = arith.muli %gather3A_755, %mul3A_761 : vector<16xi32>
        %add3A_763 = arith.addi %mul3A_762, %get3A_750 : vector<16xi32>
        %swap3A_764 = arith.constant 8 : i32
        %swap3A_765 = arith.index_cast %swap3A_764 : i32 to index
        %swap3A_766 = arith.constant 96 : index
        %swap3A_767 = tpu.vector_load %arg18[%swap3A_765, %swap3A_766] {strides = array<i32>} : memref<10x128xi32, #tpu.memory_space<vmem>>, vector<16xi32>,
        tpu.vector_store %arg18[%swap3A_765, %swap3A_766], %add3A_763 {strides = array<i32>} : memref<10x128xi32, #tpu.memory_space<vmem>>, vector<16xi32>,
        %mul3A_768 = arith.constant 2 : i32
        %mul3A_769 = arith.muli %scan3A_458, %mul3A_768 : i32
        %add3A_770 = arith.constant 0 : i32
        %add3A_771 = arith.addi %mul3A_769, %add3A_770 : i32
        %mul3A_772 = arith.constant 128 : i32
        %mul3A_773 = arith.muli %add3A_771, %mul3A_772 : i32
        %add3A_774 = arith.constant 112 : i32
        %add3A_775 = arith.addi %mul3A_773, %add3A_774 : i32
        %add3A_776 = arith.constant 20000 : i32
        %add3A_777 = arith.addi %add3A_776, %add3A_775 : i32
        %get3A_778 = arith.index_cast %add3A_777 : i32 to index
        %get3A_779 = tpu.vector_load %arg12[%get3A_778] {strides = array<i32>} : memref<30000xi32, #tpu.memory_space<vmem>>, vector<16xi32>,
        %add3A_780 = arith.addi %mul3A_222, %add3A_775 : i32
        %get3A_781 = arith.index_cast %add3A_780 : i32 to index
        %get3A_782 = tpu.vector_load %arg12[%get3A_781] {strides = array<i32>} : memref<30000xi32, #tpu.memory_space<vmem>>, vector<16xi32>,
        %gather3A_783 = tpu.vector_load_idx %arg13[%get3A_782] : memref<10240xf32, #tpu.memory_space<vmem>>[vector<16xi32>], vector<16xf32>,
        %gather3A_784 = tpu.vector_load_idx %arg14[%get3A_782] : memref<10240xi32, #tpu.memory_space<vmem>>[vector<16xi32>], vector<16xi32>,
        %swap3A_785 = arith.constant 8 : i32
        %swap3A_786 = arith.index_cast %swap3A_785 : i32 to index
        %swap3A_787 = arith.constant 112 : index
        %swap3A_788 = tpu.vector_load %arg19[%swap3A_786, %swap3A_787] {strides = array<i32>} : memref<10x128xf32, #tpu.memory_space<vmem>>, vector<16xf32>,
        tpu.vector_store %arg19[%swap3A_786, %swap3A_787], %gather3A_783 {strides = array<i32>} : memref<10x128xf32, #tpu.memory_space<vmem>>, vector<16xf32>,
        %mul3A_789 = arith.constant 10240 : i32
        %mul3A_790 = vector.broadcast %mul3A_789 : i32 to vector<16xi32>
        %mul3A_791 = arith.muli %gather3A_784, %mul3A_790 : vector<16xi32>
        %add3A_792 = arith.addi %mul3A_791, %get3A_779 : vector<16xi32>
        %swap3A_793 = arith.constant 8 : i32
        %swap3A_794 = arith.index_cast %swap3A_793 : i32 to index
        %swap3A_795 = arith.constant 112 : index
        %swap3A_796 = tpu.vector_load %arg18[%swap3A_794, %swap3A_795] {strides = array<i32>} : memref<10x128xi32, #tpu.memory_space<vmem>>, vector<16xi32>,
        tpu.vector_store %arg18[%swap3A_794, %swap3A_795], %add3A_792 {strides = array<i32>} : memref<10x128xi32, #tpu.memory_space<vmem>>, vector<16xi32>,
        %mul3A_797 = arith.constant 2 : i32
        %mul3A_798 = arith.muli %scan3A_458, %mul3A_797 : i32
        %add3A_799 = arith.constant 1 : i32
        %add3A_800 = arith.addi %mul3A_798, %add3A_799 : i32
        %mul3A_801 = arith.constant 128 : i32
        %mul3A_802 = arith.muli %add3A_800, %mul3A_801 : i32
        %add3A_803 = arith.constant 0 : i32
        %add3A_804 = arith.addi %mul3A_802, %add3A_803 : i32
        %add3A_805 = arith.constant 20000 : i32
        %add3A_806 = arith.addi %add3A_805, %add3A_804 : i32
        %get3A_807 = arith.index_cast %add3A_806 : i32 to index
        %get3A_808 = tpu.vector_load %arg12[%get3A_807] {strides = array<i32>} : memref<30000xi32, #tpu.memory_space<vmem>>, vector<16xi32>,
        %add3A_809 = arith.addi %mul3A_222, %add3A_804 : i32
        %get3A_810 = arith.index_cast %add3A_809 : i32 to index
        %get3A_811 = tpu.vector_load %arg12[%get3A_810] {strides = array<i32>} : memref<30000xi32, #tpu.memory_space<vmem>>, vector<16xi32>,
        %gather3A_812 = tpu.vector_load_idx %arg13[%get3A_811] : memref<10240xf32, #tpu.memory_space<vmem>>[vector<16xi32>], vector<16xf32>,
        %gather3A_813 = tpu.vector_load_idx %arg14[%get3A_811] : memref<10240xi32, #tpu.memory_space<vmem>>[vector<16xi32>], vector<16xi32>,
        %swap3A_814 = arith.constant 9 : i32
        %swap3A_815 = arith.index_cast %swap3A_814 : i32 to index
        %swap3A_816 = arith.constant 0 : index
        %swap3A_817 = tpu.vector_load %arg19[%swap3A_815, %swap3A_816] {strides = array<i32>} : memref<10x128xf32, #tpu.memory_space<vmem>>, vector<16xf32>,
        tpu.vector_store %arg19[%swap3A_815, %swap3A_816], %gather3A_812 {strides = array<i32>} : memref<10x128xf32, #tpu.memory_space<vmem>>, vector<16xf32>,
        %mul3A_818 = arith.constant 10240 : i32
        %mul3A_819 = vector.broadcast %mul3A_818 : i32 to vector<16xi32>
        %mul3A_820 = arith.muli %gather3A_813, %mul3A_819 : vector<16xi32>
        %add3A_821 = arith.addi %mul3A_820, %get3A_808 : vector<16xi32>
        %swap3A_822 = arith.constant 9 : i32
        %swap3A_823 = arith.index_cast %swap3A_822 : i32 to index
        %swap3A_824 = arith.constant 0 : index
        %swap3A_825 = tpu.vector_load %arg18[%swap3A_823, %swap3A_824] {strides = array<i32>} : memref<10x128xi32, #tpu.memory_space<vmem>>, vector<16xi32>,
        tpu.vector_store %arg18[%swap3A_823, %swap3A_824], %add3A_821 {strides = array<i32>} : memref<10x128xi32, #tpu.memory_space<vmem>>, vector<16xi32>,
        %mul3A_826 = arith.constant 2 : i32
        %mul3A_827 = arith.muli %scan3A_458, %mul3A_826 : i32
        %add3A_828 = arith.constant 1 : i32
        %add3A_829 = arith.addi %mul3A_827, %add3A_828 : i32
        %mul3A_830 = arith.constant 128 : i32
        %mul3A_831 = arith.muli %add3A_829, %mul3A_830 : i32
        %add3A_832 = arith.constant 16 : i32
        %add3A_833 = arith.addi %mul3A_831, %add3A_832 : i32
        %add3A_834 = arith.constant 20000 : i32
        %add3A_835 = arith.addi %add3A_834, %add3A_833 : i32
        %get3A_836 = arith.index_cast %add3A_835 : i32 to index
        %get3A_837 = tpu.vector_load %arg12[%get3A_836] {strides = array<i32>} : memref<30000xi32, #tpu.memory_space<vmem>>, vector<16xi32>,
        %add3A_838 = arith.addi %mul3A_222, %add3A_833 : i32
        %get3A_839 = arith.index_cast %add3A_838 : i32 to index
        %get3A_840 = tpu.vector_load %arg12[%get3A_839] {strides = array<i32>} : memref<30000xi32, #tpu.memory_space<vmem>>, vector<16xi32>,
        %gather3A_841 = tpu.vector_load_idx %arg13[%get3A_840] : memref<10240xf32, #tpu.memory_space<vmem>>[vector<16xi32>], vector<16xf32>,
        %gather3A_842 = tpu.vector_load_idx %arg14[%get3A_840] : memref<10240xi32, #tpu.memory_space<vmem>>[vector<16xi32>], vector<16xi32>,
        %swap3A_843 = arith.constant 9 : i32
        %swap3A_844 = arith.index_cast %swap3A_843 : i32 to index
        %swap3A_845 = arith.constant 16 : index
        %swap3A_846 = tpu.vector_load %arg19[%swap3A_844, %swap3A_845] {strides = array<i32>} : memref<10x128xf32, #tpu.memory_space<vmem>>, vector<16xf32>,
        tpu.vector_store %arg19[%swap3A_844, %swap3A_845], %gather3A_841 {strides = array<i32>} : memref<10x128xf32, #tpu.memory_space<vmem>>, vector<16xf32>,
        %mul3A_847 = arith.constant 10240 : i32
        %mul3A_848 = vector.broadcast %mul3A_847 : i32 to vector<16xi32>
        %mul3A_849 = arith.muli %gather3A_842, %mul3A_848 : vector<16xi32>
        %add3A_850 = arith.addi %mul3A_849, %get3A_837 : vector<16xi32>
        %swap3A_851 = arith.constant 9 : i32
        %swap3A_852 = arith.index_cast %swap3A_851 : i32 to index
        %swap3A_853 = arith.constant 16 : index
        %swap3A_854 = tpu.vector_load %arg18[%swap3A_852, %swap3A_853] {strides = array<i32>} : memref<10x128xi32, #tpu.memory_space<vmem>>, vector<16xi32>,
        tpu.vector_store %arg18[%swap3A_852, %swap3A_853], %add3A_850 {strides = array<i32>} : memref<10x128xi32, #tpu.memory_space<vmem>>, vector<16xi32>,
        %mul3A_855 = arith.constant 2 : i32
        %mul3A_856 = arith.muli %scan3A_458, %mul3A_855 : i32
        %add3A_857 = arith.constant 1 : i32
        %add3A_858 = arith.addi %mul3A_856, %add3A_857 : i32
        %mul3A_859 = arith.constant 128 : i32
        %mul3A_860 = arith.muli %add3A_858, %mul3A_859 : i32
        %add3A_861 = arith.constant 32 : i32
        %add3A_862 = arith.addi %mul3A_860, %add3A_861 : i32
        %add3A_863 = arith.constant 20000 : i32
        %add3A_864 = arith.addi %add3A_863, %add3A_862 : i32
        %get3A_865 = arith.index_cast %add3A_864 : i32 to index
        %get3A_866 = tpu.vector_load %arg12[%get3A_865] {strides = array<i32>} : memref<30000xi32, #tpu.memory_space<vmem>>, vector<16xi32>,
        %add3A_867 = arith.addi %mul3A_222, %add3A_862 : i32
        %get3A_868 = arith.index_cast %add3A_867 : i32 to index
        %get3A_869 = tpu.vector_load %arg12[%get3A_868] {strides = array<i32>} : memref<30000xi32, #tpu.memory_space<vmem>>, vector<16xi32>,
        %gather3A_870 = tpu.vector_load_idx %arg13[%get3A_869] : memref<10240xf32, #tpu.memory_space<vmem>>[vector<16xi32>], vector<16xf32>,
        %gather3A_871 = tpu.vector_load_idx %arg14[%get3A_869] : memref<10240xi32, #tpu.memory_space<vmem>>[vector<16xi32>], vector<16xi32>,
        %swap3A_872 = arith.constant 9 : i32
        %swap3A_873 = arith.index_cast %swap3A_872 : i32 to index
        %swap3A_874 = arith.constant 32 : index
        %swap3A_875 = tpu.vector_load %arg19[%swap3A_873, %swap3A_874] {strides = array<i32>} : memref<10x128xf32, #tpu.memory_space<vmem>>, vector<16xf32>,
        tpu.vector_store %arg19[%swap3A_873, %swap3A_874], %gather3A_870 {strides = array<i32>} : memref<10x128xf32, #tpu.memory_space<vmem>>, vector<16xf32>,
        %mul3A_876 = arith.constant 10240 : i32
        %mul3A_877 = vector.broadcast %mul3A_876 : i32 to vector<16xi32>
        %mul3A_878 = arith.muli %gather3A_871, %mul3A_877 : vector<16xi32>
        %add3A_879 = arith.addi %mul3A_878, %get3A_866 : vector<16xi32>
        %swap3A_880 = arith.constant 9 : i32
        %swap3A_881 = arith.index_cast %swap3A_880 : i32 to index
        %swap3A_882 = arith.constant 32 : index
        %swap3A_883 = tpu.vector_load %arg18[%swap3A_881, %swap3A_882] {strides = array<i32>} : memref<10x128xi32, #tpu.memory_space<vmem>>, vector<16xi32>,
        tpu.vector_store %arg18[%swap3A_881, %swap3A_882], %add3A_879 {strides = array<i32>} : memref<10x128xi32, #tpu.memory_space<vmem>>, vector<16xi32>,
        %mul3A_884 = arith.constant 2 : i32
        %mul3A_885 = arith.muli %scan3A_458, %mul3A_884 : i32
        %add3A_886 = arith.constant 1 : i32
        %add3A_887 = arith.addi %mul3A_885, %add3A_886 : i32
        %mul3A_888 = arith.constant 128 : i32
        %mul3A_889 = arith.muli %add3A_887, %mul3A_888 : i32
        %add3A_890 = arith.constant 48 : i32
        %add3A_891 = arith.addi %mul3A_889, %add3A_890 : i32
        %add3A_892 = arith.constant 20000 : i32
        %add3A_893 = arith.addi %add3A_892, %add3A_891 : i32
        %get3A_894 = arith.index_cast %add3A_893 : i32 to index
        %get3A_895 = tpu.vector_load %arg12[%get3A_894] {strides = array<i32>} : memref<30000xi32, #tpu.memory_space<vmem>>, vector<16xi32>,
        %add3A_896 = arith.addi %mul3A_222, %add3A_891 : i32
        %get3A_897 = arith.index_cast %add3A_896 : i32 to index
        %get3A_898 = tpu.vector_load %arg12[%get3A_897] {strides = array<i32>} : memref<30000xi32, #tpu.memory_space<vmem>>, vector<16xi32>,
        %gather3A_899 = tpu.vector_load_idx %arg13[%get3A_898] : memref<10240xf32, #tpu.memory_space<vmem>>[vector<16xi32>], vector<16xf32>,
        %gather3A_900 = tpu.vector_load_idx %arg14[%get3A_898] : memref<10240xi32, #tpu.memory_space<vmem>>[vector<16xi32>], vector<16xi32>,
        %swap3A_901 = arith.constant 9 : i32
        %swap3A_902 = arith.index_cast %swap3A_901 : i32 to index
        %swap3A_903 = arith.constant 48 : index
        %swap3A_904 = tpu.vector_load %arg19[%swap3A_902, %swap3A_903] {strides = array<i32>} : memref<10x128xf32, #tpu.memory_space<vmem>>, vector<16xf32>,
        tpu.vector_store %arg19[%swap3A_902, %swap3A_903], %gather3A_899 {strides = array<i32>} : memref<10x128xf32, #tpu.memory_space<vmem>>, vector<16xf32>,
        %mul3A_905 = arith.constant 10240 : i32
        %mul3A_906 = vector.broadcast %mul3A_905 : i32 to vector<16xi32>
        %mul3A_907 = arith.muli %gather3A_900, %mul3A_906 : vector<16xi32>
        %add3A_908 = arith.addi %mul3A_907, %get3A_895 : vector<16xi32>
        %swap3A_909 = arith.constant 9 : i32
        %swap3A_910 = arith.index_cast %swap3A_909 : i32 to index
        %swap3A_911 = arith.constant 48 : index
        %swap3A_912 = tpu.vector_load %arg18[%swap3A_910, %swap3A_911] {strides = array<i32>} : memref<10x128xi32, #tpu.memory_space<vmem>>, vector<16xi32>,
        tpu.vector_store %arg18[%swap3A_910, %swap3A_911], %add3A_908 {strides = array<i32>} : memref<10x128xi32, #tpu.memory_space<vmem>>, vector<16xi32>,
        %mul3A_913 = arith.constant 2 : i32
        %mul3A_914 = arith.muli %scan3A_458, %mul3A_913 : i32
        %add3A_915 = arith.constant 1 : i32
        %add3A_916 = arith.addi %mul3A_914, %add3A_915 : i32
        %mul3A_917 = arith.constant 128 : i32
        %mul3A_918 = arith.muli %add3A_916, %mul3A_917 : i32
        %add3A_919 = arith.constant 64 : i32
        %add3A_920 = arith.addi %mul3A_918, %add3A_919 : i32
        %add3A_921 = arith.constant 20000 : i32
        %add3A_922 = arith.addi %add3A_921, %add3A_920 : i32
        %get3A_923 = arith.index_cast %add3A_922 : i32 to index
        %get3A_924 = tpu.vector_load %arg12[%get3A_923] {strides = array<i32>} : memref<30000xi32, #tpu.memory_space<vmem>>, vector<16xi32>,
        %add3A_925 = arith.addi %mul3A_222, %add3A_920 : i32
        %get3A_926 = arith.index_cast %add3A_925 : i32 to index
        %get3A_927 = tpu.vector_load %arg12[%get3A_926] {strides = array<i32>} : memref<30000xi32, #tpu.memory_space<vmem>>, vector<16xi32>,
        %gather3A_928 = tpu.vector_load_idx %arg13[%get3A_927] : memref<10240xf32, #tpu.memory_space<vmem>>[vector<16xi32>], vector<16xf32>,
        %gather3A_929 = tpu.vector_load_idx %arg14[%get3A_927] : memref<10240xi32, #tpu.memory_space<vmem>>[vector<16xi32>], vector<16xi32>,
        %swap3A_930 = arith.constant 9 : i32
        %swap3A_931 = arith.index_cast %swap3A_930 : i32 to index
        %swap3A_932 = arith.constant 64 : index
        %swap3A_933 = tpu.vector_load %arg19[%swap3A_931, %swap3A_932] {strides = array<i32>} : memref<10x128xf32, #tpu.memory_space<vmem>>, vector<16xf32>,
        tpu.vector_store %arg19[%swap3A_931, %swap3A_932], %gather3A_928 {strides = array<i32>} : memref<10x128xf32, #tpu.memory_space<vmem>>, vector<16xf32>,
        %mul3A_934 = arith.constant 10240 : i32
        %mul3A_935 = vector.broadcast %mul3A_934 : i32 to vector<16xi32>
        %mul3A_936 = arith.muli %gather3A_929, %mul3A_935 : vector<16xi32>
        %add3A_937 = arith.addi %mul3A_936, %get3A_924 : vector<16xi32>
        %swap3A_938 = arith.constant 9 : i32
        %swap3A_939 = arith.index_cast %swap3A_938 : i32 to index
        %swap3A_940 = arith.constant 64 : index
        %swap3A_941 = tpu.vector_load %arg18[%swap3A_939, %swap3A_940] {strides = array<i32>} : memref<10x128xi32, #tpu.memory_space<vmem>>, vector<16xi32>,
        tpu.vector_store %arg18[%swap3A_939, %swap3A_940], %add3A_937 {strides = array<i32>} : memref<10x128xi32, #tpu.memory_space<vmem>>, vector<16xi32>,
        %mul3A_942 = arith.constant 2 : i32
        %mul3A_943 = arith.muli %scan3A_458, %mul3A_942 : i32
        %add3A_944 = arith.constant 1 : i32
        %add3A_945 = arith.addi %mul3A_943, %add3A_944 : i32
        %mul3A_946 = arith.constant 128 : i32
        %mul3A_947 = arith.muli %add3A_945, %mul3A_946 : i32
        %add3A_948 = arith.constant 80 : i32
        %add3A_949 = arith.addi %mul3A_947, %add3A_948 : i32
        %add3A_950 = arith.constant 20000 : i32
        %add3A_951 = arith.addi %add3A_950, %add3A_949 : i32
        %get3A_952 = arith.index_cast %add3A_951 : i32 to index
        %get3A_953 = tpu.vector_load %arg12[%get3A_952] {strides = array<i32>} : memref<30000xi32, #tpu.memory_space<vmem>>, vector<16xi32>,
        %add3A_954 = arith.addi %mul3A_222, %add3A_949 : i32
        %get3A_955 = arith.index_cast %add3A_954 : i32 to index
        %get3A_956 = tpu.vector_load %arg12[%get3A_955] {strides = array<i32>} : memref<30000xi32, #tpu.memory_space<vmem>>, vector<16xi32>,
        %gather3A_957 = tpu.vector_load_idx %arg13[%get3A_956] : memref<10240xf32, #tpu.memory_space<vmem>>[vector<16xi32>], vector<16xf32>,
        %gather3A_958 = tpu.vector_load_idx %arg14[%get3A_956] : memref<10240xi32, #tpu.memory_space<vmem>>[vector<16xi32>], vector<16xi32>,
        %swap3A_959 = arith.constant 9 : i32
        %swap3A_960 = arith.index_cast %swap3A_959 : i32 to index
        %swap3A_961 = arith.constant 80 : index
        %swap3A_962 = tpu.vector_load %arg19[%swap3A_960, %swap3A_961] {strides = array<i32>} : memref<10x128xf32, #tpu.memory_space<vmem>>, vector<16xf32>,
        tpu.vector_store %arg19[%swap3A_960, %swap3A_961], %gather3A_957 {strides = array<i32>} : memref<10x128xf32, #tpu.memory_space<vmem>>, vector<16xf32>,
        %mul3A_963 = arith.constant 10240 : i32
        %mul3A_964 = vector.broadcast %mul3A_963 : i32 to vector<16xi32>
        %mul3A_965 = arith.muli %gather3A_958, %mul3A_964 : vector<16xi32>
        %add3A_966 = arith.addi %mul3A_965, %get3A_953 : vector<16xi32>
        %swap3A_967 = arith.constant 9 : i32
        %swap3A_968 = arith.index_cast %swap3A_967 : i32 to index
        %swap3A_969 = arith.constant 80 : index
        %swap3A_970 = tpu.vector_load %arg18[%swap3A_968, %swap3A_969] {strides = array<i32>} : memref<10x128xi32, #tpu.memory_space<vmem>>, vector<16xi32>,
        tpu.vector_store %arg18[%swap3A_968, %swap3A_969], %add3A_966 {strides = array<i32>} : memref<10x128xi32, #tpu.memory_space<vmem>>, vector<16xi32>,
        %mul3A_971 = arith.constant 2 : i32
        %mul3A_972 = arith.muli %scan3A_458, %mul3A_971 : i32
        %add3A_973 = arith.constant 1 : i32
        %add3A_974 = arith.addi %mul3A_972, %add3A_973 : i32
        %mul3A_975 = arith.constant 128 : i32
        %mul3A_976 = arith.muli %add3A_974, %mul3A_975 : i32
        %add3A_977 = arith.constant 96 : i32
        %add3A_978 = arith.addi %mul3A_976, %add3A_977 : i32
        %add3A_979 = arith.constant 20000 : i32
        %add3A_980 = arith.addi %add3A_979, %add3A_978 : i32
        %get3A_981 = arith.index_cast %add3A_980 : i32 to index
        %get3A_982 = tpu.vector_load %arg12[%get3A_981] {strides = array<i32>} : memref<30000xi32, #tpu.memory_space<vmem>>, vector<16xi32>,
        %add3A_983 = arith.addi %mul3A_222, %add3A_978 : i32
        %get3A_984 = arith.index_cast %add3A_983 : i32 to index
        %get3A_985 = tpu.vector_load %arg12[%get3A_984] {strides = array<i32>} : memref<30000xi32, #tpu.memory_space<vmem>>, vector<16xi32>,
        %gather3A_986 = tpu.vector_load_idx %arg13[%get3A_985] : memref<10240xf32, #tpu.memory_space<vmem>>[vector<16xi32>], vector<16xf32>,
        %gather3A_987 = tpu.vector_load_idx %arg14[%get3A_985] : memref<10240xi32, #tpu.memory_space<vmem>>[vector<16xi32>], vector<16xi32>,
        %swap3A_988 = arith.constant 9 : i32
        %swap3A_989 = arith.index_cast %swap3A_988 : i32 to index
        %swap3A_990 = arith.constant 96 : index
        %swap3A_991 = tpu.vector_load %arg19[%swap3A_989, %swap3A_990] {strides = array<i32>} : memref<10x128xf32, #tpu.memory_space<vmem>>, vector<16xf32>,
        tpu.vector_store %arg19[%swap3A_989, %swap3A_990], %gather3A_986 {strides = array<i32>} : memref<10x128xf32, #tpu.memory_space<vmem>>, vector<16xf32>,
        %mul3A_992 = arith.constant 10240 : i32
        %mul3A_993 = vector.broadcast %mul3A_992 : i32 to vector<16xi32>
        %mul3A_994 = arith.muli %gather3A_987, %mul3A_993 : vector<16xi32>
        %add3A_995 = arith.addi %mul3A_994, %get3A_982 : vector<16xi32>
        %swap3A_996 = arith.constant 9 : i32
        %swap3A_997 = arith.index_cast %swap3A_996 : i32 to index
        %swap3A_998 = arith.constant 96 : index
        %swap3A_999 = tpu.vector_load %arg18[%swap3A_997, %swap3A_998] {strides = array<i32>} : memref<10x128xi32, #tpu.memory_space<vmem>>, vector<16xi32>,
        tpu.vector_store %arg18[%swap3A_997, %swap3A_998], %add3A_995 {strides = array<i32>} : memref<10x128xi32, #tpu.memory_space<vmem>>, vector<16xi32>,
        %mul3A_1000 = arith.constant 2 : i32
        %mul3A_1001 = arith.muli %scan3A_458, %mul3A_1000 : i32
        %add3A_1002 = arith.constant 1 : i32
        %add3A_1003 = arith.addi %mul3A_1001, %add3A_1002 : i32
        %mul3A_1004 = arith.constant 128 : i32
        %mul3A_1005 = arith.muli %add3A_1003, %mul3A_1004 : i32
        %add3A_1006 = arith.constant 112 : i32
        %add3A_1007 = arith.addi %mul3A_1005, %add3A_1006 : i32
        %add3A_1008 = arith.constant 20000 : i32
        %add3A_1009 = arith.addi %add3A_1008, %add3A_1007 : i32
        %get3A_1010 = arith.index_cast %add3A_1009 : i32 to index
        %get3A_1011 = tpu.vector_load %arg12[%get3A_1010] {strides = array<i32>} : memref<30000xi32, #tpu.memory_space<vmem>>, vector<16xi32>,
        %add3A_1012 = arith.addi %mul3A_222, %add3A_1007 : i32
        %get3A_1013 = arith.index_cast %add3A_1012 : i32 to index
        %get3A_1014 = tpu.vector_load %arg12[%get3A_1013] {strides = array<i32>} : memref<30000xi32, #tpu.memory_space<vmem>>, vector<16xi32>,
        %gather3A_1015 = tpu.vector_load_idx %arg13[%get3A_1014] : memref<10240xf32, #tpu.memory_space<vmem>>[vector<16xi32>], vector<16xf32>,
        %gather3A_1016 = tpu.vector_load_idx %arg14[%get3A_1014] : memref<10240xi32, #tpu.memory_space<vmem>>[vector<16xi32>], vector<16xi32>,
        %swap3A_1017 = arith.constant 9 : i32
        %swap3A_1018 = arith.index_cast %swap3A_1017 : i32 to index
        %swap3A_1019 = arith.constant 112 : index
        %swap3A_1020 = tpu.vector_load %arg19[%swap3A_1018, %swap3A_1019] {strides = array<i32>} : memref<10x128xf32, #tpu.memory_space<vmem>>, vector<16xf32>,
        tpu.vector_store %arg19[%swap3A_1018, %swap3A_1019], %gather3A_1015 {strides = array<i32>} : memref<10x128xf32, #tpu.memory_space<vmem>>, vector<16xf32>,
        %mul3A_1021 = arith.constant 10240 : i32
        %mul3A_1022 = vector.broadcast %mul3A_1021 : i32 to vector<16xi32>
        %mul3A_1023 = arith.muli %gather3A_1016, %mul3A_1022 : vector<16xi32>
        %add3A_1024 = arith.addi %mul3A_1023, %get3A_1011 : vector<16xi32>
        %swap3A_1025 = arith.constant 9 : i32
        %swap3A_1026 = arith.index_cast %swap3A_1025 : i32 to index
        %swap3A_1027 = arith.constant 112 : index
        %swap3A_1028 = tpu.vector_load %arg18[%swap3A_1026, %swap3A_1027] {strides = array<i32>} : memref<10x128xi32, #tpu.memory_space<vmem>>, vector<16xi32>,
        tpu.vector_store %arg18[%swap3A_1026, %swap3A_1027], %add3A_1024 {strides = array<i32>} : memref<10x128xi32, #tpu.memory_space<vmem>>, vector<16xi32>,
        %dma_start3A_1029 = arith.constant 8 : i32
        %dma_start3A_1030 = arith.constant 8 : i32
        %dma_start3A_1031 = arith.constant 0 : i32
        %dma_start3A_1032 = tpu.memref_slice %arg19[%dma_start3A_1029, %dma_start3A_1031] : memref<10x128xf32, #tpu.memory_space<vmem>> -> memref<1x128xf32, #tpu.memory_space<vmem>>
        %dma_start3A_1033 = tpu.memref_squeeze %dma_start3A_1032 : memref<1x128xf32, #tpu.memory_space<vmem>> -> memref<128xf32, #tpu.memory_space<vmem>>
        %dma_start3A_1034 = arith.constant 0 : i32
        %dma_start3A_1035 = tpu.memref_slice %arg18[%dma_start3A_1030, %dma_start3A_1034] : memref<10x128xi32, #tpu.memory_space<vmem>> -> memref<1x128xi32, #tpu.memory_space<vmem>>
        %dma_start3A_1036 = tpu.memref_squeeze %dma_start3A_1035 : memref<1x128xi32, #tpu.memory_space<vmem>> -> memref<128xi32, #tpu.memory_space<vmem>>
        %dma_start3A_1037 = arith.constant 0 : i32
        %dma_start3A_1038 = tpu.memref_slice %arg7[%dma_start3A_1037] : memref<665600xf32, #tpu.memory_space<vmem_shared>> -> memref<665600xf32, #tpu.memory_space<vmem_shared>>
        tpu.enqueue_indirect_dma source(%dma_start3A_1033 : memref<128xf32, #tpu.memory_space<vmem>>) target(%dma_start3A_1038 : memref<665600xf32, #tpu.memory_space<vmem_shared>>) offsets(%dma_start3A_1036 : memref<128xi32, #tpu.memory_space<vmem>>) semaphore(%arg20 : memref<!tpu.dma_semaphore, #tpu.memory_space<semaphore_mem>>) {add = true}
        %dma_start3A_1039 = arith.constant 9 : i32
        %dma_start3A_1040 = arith.constant 9 : i32
        %dma_start3A_1041 = arith.constant 0 : i32
        %dma_start3A_1042 = tpu.memref_slice %arg19[%dma_start3A_1039, %dma_start3A_1041] : memref<10x128xf32, #tpu.memory_space<vmem>> -> memref<1x128xf32, #tpu.memory_space<vmem>>
        %dma_start3A_1043 = tpu.memref_squeeze %dma_start3A_1042 : memref<1x128xf32, #tpu.memory_space<vmem>> -> memref<128xf32, #tpu.memory_space<vmem>>
        %dma_start3A_1044 = arith.constant 0 : i32
        %dma_start3A_1045 = tpu.memref_slice %arg18[%dma_start3A_1040, %dma_start3A_1044] : memref<10x128xi32, #tpu.memory_space<vmem>> -> memref<1x128xi32, #tpu.memory_space<vmem>>
        %dma_start3A_1046 = tpu.memref_squeeze %dma_start3A_1045 : memref<1x128xi32, #tpu.memory_space<vmem>> -> memref<128xi32, #tpu.memory_space<vmem>>
        %dma_start3A_1047 = arith.constant 0 : i32
        %dma_start3A_1048 = tpu.memref_slice %arg7[%dma_start3A_1047] : memref<665600xf32, #tpu.memory_space<vmem_shared>> -> memref<665600xf32, #tpu.memory_space<vmem_shared>>
        tpu.enqueue_indirect_dma source(%dma_start3A_1043 : memref<128xf32, #tpu.memory_space<vmem>>) target(%dma_start3A_1048 : memref<665600xf32, #tpu.memory_space<vmem_shared>>) offsets(%dma_start3A_1046 : memref<128xi32, #tpu.memory_space<vmem>>) semaphore(%arg20 : memref<!tpu.dma_semaphore, #tpu.memory_space<semaphore_mem>>) {add = true}
      } else {
      }
      %scan3A_560 = arith.constant 0 : i32
      scf.yield %scan3A_560 : i32
    }
    %scan3A_229 = arith.constant 39 : i32
    %dma_wait3A_230 = arith.constant 0 : i32
    %dma_wait3A_231 = arith.constant 0 : i32
    %dma_wait3A_232 = tpu.memref_slice %arg19[%dma_wait3A_230, %dma_wait3A_231] : memref<10x128xf32, #tpu.memory_space<vmem>> -> memref<1x128xf32, #tpu.memory_space<vmem>>
    %dma_wait3A_233 = tpu.memref_squeeze %dma_wait3A_232 : memref<1x128xf32, #tpu.memory_space<vmem>> -> memref<128xf32, #tpu.memory_space<vmem>>
    %dma_wait3A_234 = arith.constant 0 : i32
    %dma_wait3A_235 = tpu.memref_slice %arg7[%dma_wait3A_234] : memref<665600xf32, #tpu.memory_space<vmem_shared>> -> memref<128xf32, #tpu.memory_space<vmem_shared>>
    %dma_wait3A_236 = arith.constant 0 : i32
    %dma_wait3A_237 = tpu.memref_slice %arg7[%dma_wait3A_236] : memref<665600xf32, #tpu.memory_space<vmem_shared>> -> memref<128xf32, #tpu.memory_space<vmem_shared>>
    %dma_wait3A_238 = arith.constant 0 : i32
    %dma_wait3A_239 = tpu.memref_slice %arg19[%dma_wait3A_230, %dma_wait3A_238] : memref<10x128xf32, #tpu.memory_space<vmem>> -> memref<1x128xf32, #tpu.memory_space<vmem>>
    %dma_wait3A_240 = tpu.memref_squeeze %dma_wait3A_239 : memref<1x128xf32, #tpu.memory_space<vmem>> -> memref<128xf32, #tpu.memory_space<vmem>>
    tpu.wait_dma2 semaphore(%arg20 : memref<!tpu.dma_semaphore, #tpu.memory_space<semaphore_mem>>) src(%dma_wait3A_240 : memref<128xf32, #tpu.memory_space<vmem>>) dst(%dma_wait3A_237 : memref<128xf32, #tpu.memory_space<vmem_shared>>)
    %dma_wait3A_241 = arith.constant 0 : i32
    %dma_wait3A_242 = arith.constant 0 : i32
    %dma_wait3A_243 = tpu.memref_slice %arg19[%dma_wait3A_241, %dma_wait3A_242] : memref<10x128xf32, #tpu.memory_space<vmem>> -> memref<1x128xf32, #tpu.memory_space<vmem>>
    %dma_wait3A_244 = tpu.memref_squeeze %dma_wait3A_243 : memref<1x128xf32, #tpu.memory_space<vmem>> -> memref<128xf32, #tpu.memory_space<vmem>>
    %dma_wait3A_245 = arith.constant 0 : i32
    %dma_wait3A_246 = tpu.memref_slice %arg7[%dma_wait3A_245] : memref<665600xf32, #tpu.memory_space<vmem_shared>> -> memref<128xf32, #tpu.memory_space<vmem_shared>>
    %dma_wait3A_247 = arith.constant 0 : i32
    %dma_wait3A_248 = tpu.memref_slice %arg7[%dma_wait3A_247] : memref<665600xf32, #tpu.memory_space<vmem_shared>> -> memref<128xf32, #tpu.memory_space<vmem_shared>>
    %dma_wait3A_249 = arith.constant 0 : i32
    %dma_wait3A_250 = tpu.memref_slice %arg19[%dma_wait3A_241, %dma_wait3A_249] : memref<10x128xf32, #tpu.memory_space<vmem>> -> memref<1x128xf32, #tpu.memory_space<vmem>>
    %dma_wait3A_251 = tpu.memref_squeeze %dma_wait3A_250 : memref<1x128xf32, #tpu.memory_space<vmem>> -> memref<128xf32, #tpu.memory_space<vmem>>
    tpu.wait_dma2 semaphore(%arg20 : memref<!tpu.dma_semaphore, #tpu.memory_space<semaphore_mem>>) src(%dma_wait3A_251 : memref<128xf32, #tpu.memory_space<vmem>>) dst(%dma_wait3A_248 : memref<128xf32, #tpu.memory_space<vmem_shared>>)
    %dma_wait3A_252 = arith.constant 0 : i32
    %dma_wait3A_253 = arith.constant 0 : i32
    %dma_wait3A_254 = tpu.memref_slice %arg19[%dma_wait3A_252, %dma_wait3A_253] : memref<10x128xf32, #tpu.memory_space<vmem>> -> memref<1x128xf32, #tpu.memory_space<vmem>>
    %dma_wait3A_255 = tpu.memref_squeeze %dma_wait3A_254 : memref<1x128xf32, #tpu.memory_space<vmem>> -> memref<128xf32, #tpu.memory_space<vmem>>
    %dma_wait3A_256 = arith.constant 0 : i32
    %dma_wait3A_257 = tpu.memref_slice %arg7[%dma_wait3A_256] : memref<665600xf32, #tpu.memory_space<vmem_shared>> -> memref<128xf32, #tpu.memory_space<vmem_shared>>
    %dma_wait3A_258 = arith.constant 0 : i32
    %dma_wait3A_259 = tpu.memref_slice %arg7[%dma_wait3A_258] : memref<665600xf32, #tpu.memory_space<vmem_shared>> -> memref<128xf32, #tpu.memory_space<vmem_shared>>
    %dma_wait3A_260 = arith.constant 0 : i32
    %dma_wait3A_261 = tpu.memref_slice %arg19[%dma_wait3A_252, %dma_wait3A_260] : memref<10x128xf32, #tpu.memory_space<vmem>> -> memref<1x128xf32, #tpu.memory_space<vmem>>
    %dma_wait3A_262 = tpu.memref_squeeze %dma_wait3A_261 : memref<1x128xf32, #tpu.memory_space<vmem>> -> memref<128xf32, #tpu.memory_space<vmem>>
    tpu.wait_dma2 semaphore(%arg20 : memref<!tpu.dma_semaphore, #tpu.memory_space<semaphore_mem>>) src(%dma_wait3A_262 : memref<128xf32, #tpu.memory_space<vmem>>) dst(%dma_wait3A_259 : memref<128xf32, #tpu.memory_space<vmem_shared>>)
    %dma_wait3A_263 = arith.constant 0 : i32
    %dma_wait3A_264 = arith.constant 0 : i32
    %dma_wait3A_265 = tpu.memref_slice %arg19[%dma_wait3A_263, %dma_wait3A_264] : memref<10x128xf32, #tpu.memory_space<vmem>> -> memref<1x128xf32, #tpu.memory_space<vmem>>
    %dma_wait3A_266 = tpu.memref_squeeze %dma_wait3A_265 : memref<1x128xf32, #tpu.memory_space<vmem>> -> memref<128xf32, #tpu.memory_space<vmem>>
    %dma_wait3A_267 = arith.constant 0 : i32
    %dma_wait3A_268 = tpu.memref_slice %arg7[%dma_wait3A_267] : memref<665600xf32, #tpu.memory_space<vmem_shared>> -> memref<128xf32, #tpu.memory_space<vmem_shared>>
    %dma_wait3A_269 = arith.constant 0 : i32
    %dma_wait3A_270 = tpu.memref_slice %arg7[%dma_wait3A_269] : memref<665600xf32, #tpu.memory_space<vmem_shared>> -> memref<128xf32, #tpu.memory_space<vmem_shared>>
    %dma_wait3A_271 = arith.constant 0 : i32
    %dma_wait3A_272 = tpu.memref_slice %arg19[%dma_wait3A_263, %dma_wait3A_271] : memref<10x128xf32, #tpu.memory_space<vmem>> -> memref<1x128xf32, #tpu.memory_space<vmem>>
    %dma_wait3A_273 = tpu.memref_squeeze %dma_wait3A_272 : memref<1x128xf32, #tpu.memory_space<vmem>> -> memref<128xf32, #tpu.memory_space<vmem>>
    tpu.wait_dma2 semaphore(%arg20 : memref<!tpu.dma_semaphore, #tpu.memory_space<semaphore_mem>>) src(%dma_wait3A_273 : memref<128xf32, #tpu.memory_space<vmem>>) dst(%dma_wait3A_270 : memref<128xf32, #tpu.memory_space<vmem_shared>>)
    %dma_wait3A_274 = arith.constant 0 : i32
    %dma_wait3A_275 = arith.constant 0 : i32
    %dma_wait3A_276 = tpu.memref_slice %arg19[%dma_wait3A_274, %dma_wait3A_275] : memref<10x128xf32, #tpu.memory_space<vmem>> -> memref<1x128xf32, #tpu.memory_space<vmem>>
    %dma_wait3A_277 = tpu.memref_squeeze %dma_wait3A_276 : memref<1x128xf32, #tpu.memory_space<vmem>> -> memref<128xf32, #tpu.memory_space<vmem>>
    %dma_wait3A_278 = arith.constant 0 : i32
    %dma_wait3A_279 = tpu.memref_slice %arg7[%dma_wait3A_278] : memref<665600xf32, #tpu.memory_space<vmem_shared>> -> memref<128xf32, #tpu.memory_space<vmem_shared>>
    %dma_wait3A_280 = arith.constant 0 : i32
    %dma_wait3A_281 = tpu.memref_slice %arg7[%dma_wait3A_280] : memref<665600xf32, #tpu.memory_space<vmem_shared>> -> memref<128xf32, #tpu.memory_space<vmem_shared>>
    %dma_wait3A_282 = arith.constant 0 : i32
    %dma_wait3A_283 = tpu.memref_slice %arg19[%dma_wait3A_274, %dma_wait3A_282] : memref<10x128xf32, #tpu.memory_space<vmem>> -> memref<1x128xf32, #tpu.memory_space<vmem>>
    %dma_wait3A_284 = tpu.memref_squeeze %dma_wait3A_283 : memref<1x128xf32, #tpu.memory_space<vmem>> -> memref<128xf32, #tpu.memory_space<vmem>>
    tpu.wait_dma2 semaphore(%arg20 : memref<!tpu.dma_semaphore, #tpu.memory_space<semaphore_mem>>) src(%dma_wait3A_284 : memref<128xf32, #tpu.memory_space<vmem>>) dst(%dma_wait3A_281 : memref<128xf32, #tpu.memory_space<vmem_shared>>)
    %dma_wait3A_285 = arith.constant 0 : i32
    %dma_wait3A_286 = arith.constant 0 : i32
    %dma_wait3A_287 = tpu.memref_slice %arg19[%dma_wait3A_285, %dma_wait3A_286] : memref<10x128xf32, #tpu.memory_space<vmem>> -> memref<1x128xf32, #tpu.memory_space<vmem>>
    %dma_wait3A_288 = tpu.memref_squeeze %dma_wait3A_287 : memref<1x128xf32, #tpu.memory_space<vmem>> -> memref<128xf32, #tpu.memory_space<vmem>>
    %dma_wait3A_289 = arith.constant 0 : i32
    %dma_wait3A_290 = tpu.memref_slice %arg7[%dma_wait3A_289] : memref<665600xf32, #tpu.memory_space<vmem_shared>> -> memref<128xf32, #tpu.memory_space<vmem_shared>>
    %dma_wait3A_291 = arith.constant 0 : i32
    %dma_wait3A_292 = tpu.memref_slice %arg7[%dma_wait3A_291] : memref<665600xf32, #tpu.memory_space<vmem_shared>> -> memref<128xf32, #tpu.memory_space<vmem_shared>>
    %dma_wait3A_293 = arith.constant 0 : i32
    %dma_wait3A_294 = tpu.memref_slice %arg19[%dma_wait3A_285, %dma_wait3A_293] : memref<10x128xf32, #tpu.memory_space<vmem>> -> memref<1x128xf32, #tpu.memory_space<vmem>>
    %dma_wait3A_295 = tpu.memref_squeeze %dma_wait3A_294 : memref<1x128xf32, #tpu.memory_space<vmem>> -> memref<128xf32, #tpu.memory_space<vmem>>
    tpu.wait_dma2 semaphore(%arg20 : memref<!tpu.dma_semaphore, #tpu.memory_space<semaphore_mem>>) src(%dma_wait3A_295 : memref<128xf32, #tpu.memory_space<vmem>>) dst(%dma_wait3A_292 : memref<128xf32, #tpu.memory_space<vmem_shared>>)
    %dma_wait3A_296 = arith.constant 0 : i32
    %dma_wait3A_297 = arith.constant 0 : i32
    %dma_wait3A_298 = tpu.memref_slice %arg19[%dma_wait3A_296, %dma_wait3A_297] : memref<10x128xf32, #tpu.memory_space<vmem>> -> memref<1x128xf32, #tpu.memory_space<vmem>>
    %dma_wait3A_299 = tpu.memref_squeeze %dma_wait3A_298 : memref<1x128xf32, #tpu.memory_space<vmem>> -> memref<128xf32, #tpu.memory_space<vmem>>
    %dma_wait3A_300 = arith.constant 0 : i32
    %dma_wait3A_301 = tpu.memref_slice %arg7[%dma_wait3A_300] : memref<665600xf32, #tpu.memory_space<vmem_shared>> -> memref<128xf32, #tpu.memory_space<vmem_shared>>
    %dma_wait3A_302 = arith.constant 0 : i32
    %dma_wait3A_303 = tpu.memref_slice %arg7[%dma_wait3A_302] : memref<665600xf32, #tpu.memory_space<vmem_shared>> -> memref<128xf32, #tpu.memory_space<vmem_shared>>
    %dma_wait3A_304 = arith.constant 0 : i32
    %dma_wait3A_305 = tpu.memref_slice %arg19[%dma_wait3A_296, %dma_wait3A_304] : memref<10x128xf32, #tpu.memory_space<vmem>> -> memref<1x128xf32, #tpu.memory_space<vmem>>
    %dma_wait3A_306 = tpu.memref_squeeze %dma_wait3A_305 : memref<1x128xf32, #tpu.memory_space<vmem>> -> memref<128xf32, #tpu.memory_space<vmem>>
    tpu.wait_dma2 semaphore(%arg20 : memref<!tpu.dma_semaphore, #tpu.memory_space<semaphore_mem>>) src(%dma_wait3A_306 : memref<128xf32, #tpu.memory_space<vmem>>) dst(%dma_wait3A_303 : memref<128xf32, #tpu.memory_space<vmem_shared>>)
    %dma_wait3A_307 = arith.constant 0 : i32
    %dma_wait3A_308 = arith.constant 0 : i32
    %dma_wait3A_309 = tpu.memref_slice %arg19[%dma_wait3A_307, %dma_wait3A_308] : memref<10x128xf32, #tpu.memory_space<vmem>> -> memref<1x128xf32, #tpu.memory_space<vmem>>
    %dma_wait3A_310 = tpu.memref_squeeze %dma_wait3A_309 : memref<1x128xf32, #tpu.memory_space<vmem>> -> memref<128xf32, #tpu.memory_space<vmem>>
    %dma_wait3A_311 = arith.constant 0 : i32
    %dma_wait3A_312 = tpu.memref_slice %arg7[%dma_wait3A_311] : memref<665600xf32, #tpu.memory_space<vmem_shared>> -> memref<128xf32, #tpu.memory_space<vmem_shared>>
    %dma_wait3A_313 = arith.constant 0 : i32
    %dma_wait3A_314 = tpu.memref_slice %arg7[%dma_wait3A_313] : memref<665600xf32, #tpu.memory_space<vmem_shared>> -> memref<128xf32, #tpu.memory_space<vmem_shared>>
    %dma_wait3A_315 = arith.constant 0 : i32
    %dma_wait3A_316 = tpu.memref_slice %arg19[%dma_wait3A_307, %dma_wait3A_315] : memref<10x128xf32, #tpu.memory_space<vmem>> -> memref<1x128xf32, #tpu.memory_space<vmem>>
    %dma_wait3A_317 = tpu.memref_squeeze %dma_wait3A_316 : memref<1x128xf32, #tpu.memory_space<vmem>> -> memref<128xf32, #tpu.memory_space<vmem>>
    tpu.wait_dma2 semaphore(%arg20 : memref<!tpu.dma_semaphore, #tpu.memory_space<semaphore_mem>>) src(%dma_wait3A_317 : memref<128xf32, #tpu.memory_space<vmem>>) dst(%dma_wait3A_314 : memref<128xf32, #tpu.memory_space<vmem_shared>>)
    %dma_wait3A_318 = arith.constant 0 : i32
    %dma_wait3A_319 = arith.constant 0 : i32
    %dma_wait3A_320 = tpu.memref_slice %arg19[%dma_wait3A_318, %dma_wait3A_319] : memref<10x128xf32, #tpu.memory_space<vmem>> -> memref<1x128xf32, #tpu.memory_space<vmem>>
    %dma_wait3A_321 = tpu.memref_squeeze %dma_wait3A_320 : memref<1x128xf32, #tpu.memory_space<vmem>> -> memref<128xf32, #tpu.memory_space<vmem>>
    %dma_wait3A_322 = arith.constant 0 : i32
    %dma_wait3A_323 = tpu.memref_slice %arg7[%dma_wait3A_322] : memref<665600xf32, #tpu.memory_space<vmem_shared>> -> memref<128xf32, #tpu.memory_space<vmem_shared>>
    %dma_wait3A_324 = arith.constant 0 : i32
    %dma_wait3A_325 = tpu.memref_slice %arg7[%dma_wait3A_324] : memref<665600xf32, #tpu.memory_space<vmem_shared>> -> memref<128xf32, #tpu.memory_space<vmem_shared>>
    %dma_wait3A_326 = arith.constant 0 : i32
    %dma_wait3A_327 = tpu.memref_slice %arg19[%dma_wait3A_318, %dma_wait3A_326] : memref<10x128xf32, #tpu.memory_space<vmem>> -> memref<1x128xf32, #tpu.memory_space<vmem>>
    %dma_wait3A_328 = tpu.memref_squeeze %dma_wait3A_327 : memref<1x128xf32, #tpu.memory_space<vmem>> -> memref<128xf32, #tpu.memory_space<vmem>>
    tpu.wait_dma2 semaphore(%arg20 : memref<!tpu.dma_semaphore, #tpu.memory_space<semaphore_mem>>) src(%dma_wait3A_328 : memref<128xf32, #tpu.memory_space<vmem>>) dst(%dma_wait3A_325 : memref<128xf32, #tpu.memory_space<vmem_shared>>)
    %dma_wait3A_329 = arith.constant 0 : i32
    %dma_wait3A_330 = arith.constant 0 : i32
    %dma_wait3A_331 = tpu.memref_slice %arg19[%dma_wait3A_329, %dma_wait3A_330] : memref<10x128xf32, #tpu.memory_space<vmem>> -> memref<1x128xf32, #tpu.memory_space<vmem>>
    %dma_wait3A_332 = tpu.memref_squeeze %dma_wait3A_331 : memref<1x128xf32, #tpu.memory_space<vmem>> -> memref<128xf32, #tpu.memory_space<vmem>>
    %dma_wait3A_333 = arith.constant 0 : i32
    %dma_wait3A_334 = tpu.memref_slice %arg7[%dma_wait3A_333] : memref<665600xf32, #tpu.memory_space<vmem_shared>> -> memref<128xf32, #tpu.memory_space<vmem_shared>>
    %dma_wait3A_335 = arith.constant 0 : i32
    %dma_wait3A_336 = tpu.memref_slice %arg7[%dma_wait3A_335] : memref<665600xf32, #tpu.memory_space<vmem_shared>> -> memref<128xf32, #tpu.memory_space<vmem_shared>>
    %dma_wait3A_337 = arith.constant 0 : i32
    %dma_wait3A_338 = tpu.memref_slice %arg19[%dma_wait3A_329, %dma_wait3A_337] : memref<10x128xf32, #tpu.memory_space<vmem>> -> memref<1x128xf32, #tpu.memory_space<vmem>>
    %dma_wait3A_339 = tpu.memref_squeeze %dma_wait3A_338 : memref<1x128xf32, #tpu.memory_space<vmem>> -> memref<128xf32, #tpu.memory_space<vmem>>
    tpu.wait_dma2 semaphore(%arg20 : memref<!tpu.dma_semaphore, #tpu.memory_space<semaphore_mem>>) src(%dma_wait3A_339 : memref<128xf32, #tpu.memory_space<vmem>>) dst(%dma_wait3A_336 : memref<128xf32, #tpu.memory_space<vmem_shared>>)
    %get3A = arith.constant 29984 : index
    %get3A_340 = tpu.vector_load %arg12[%get3A] {strides = array<i32>} : memref<30000xi32, #tpu.memory_space<vmem>>, vector<16xi32>,
    %add3A_341 = arith.constant 9984 : i32
    %add3A_342 = arith.addi %mul3A_222, %add3A_341 : i32
    %get3A_343 = arith.index_cast %add3A_342 : i32 to index
    %get3A_344 = tpu.vector_load %arg12[%get3A_343] {strides = array<i32>} : memref<30000xi32, #tpu.memory_space<vmem>>, vector<16xi32>,
    %gather3A = tpu.vector_load_idx %arg13[%get3A_344] : memref<10240xf32, #tpu.memory_space<vmem>>[vector<16xi32>], vector<16xf32>,
    %gather3A_345 = tpu.vector_load_idx %arg14[%get3A_344] : memref<10240xi32, #tpu.memory_space<vmem>>[vector<16xi32>], vector<16xi32>,
    %swap3A_346 = arith.constant 0 : i32
    %swap3A_347 = arith.index_cast %swap3A_346 : i32 to index
    %swap3A_348 = arith.constant 0 : index
    %swap3A_349 = tpu.vector_load %arg19[%swap3A_347, %swap3A_348] {strides = array<i32>} : memref<10x128xf32, #tpu.memory_space<vmem>>, vector<16xf32>,
    tpu.vector_store %arg19[%swap3A_347, %swap3A_348], %gather3A {strides = array<i32>} : memref<10x128xf32, #tpu.memory_space<vmem>>, vector<16xf32>,
    %mul3A_350 = arith.constant 10240 : i32
    %mul3A_351 = vector.broadcast %mul3A_350 : i32 to vector<16xi32>
    %mul3A_352 = arith.muli %gather3A_345, %mul3A_351 : vector<16xi32>
    %add3A_353 = arith.addi %mul3A_352, %get3A_340 : vector<16xi32>
    %swap3A_354 = arith.constant 0 : i32
    %swap3A_355 = arith.index_cast %swap3A_354 : i32 to index
    %swap3A_356 = arith.constant 0 : index
    %swap3A_357 = tpu.vector_load %arg18[%swap3A_355, %swap3A_356] {strides = array<i32>} : memref<10x128xi32, #tpu.memory_space<vmem>>, vector<16xi32>,
    tpu.vector_store %arg18[%swap3A_355, %swap3A_356], %add3A_353 {strides = array<i32>} : memref<10x128xi32, #tpu.memory_space<vmem>>, vector<16xi32>,
    %broadcast_in_dim3A_358 = arith.constant 0.000000e+00 : f32
    %broadcast_in_dim3A_359 = vector.broadcast %broadcast_in_dim3A_358 : f32 to vector<16xf32>
    %swap3A_360 = arith.constant 0 : i32
    %swap3A_361 = arith.index_cast %swap3A_360 : i32 to index
    %swap3A_362 = arith.constant 16 : index
    %swap3A_363 = tpu.vector_load %arg19[%swap3A_361, %swap3A_362] {strides = array<i32>} : memref<10x128xf32, #tpu.memory_space<vmem>>, vector<16xf32>,
    tpu.vector_store %arg19[%swap3A_361, %swap3A_362], %broadcast_in_dim3A_359 {strides = array<i32>} : memref<10x128xf32, #tpu.memory_space<vmem>>, vector<16xf32>,
    %broadcast_in_dim3A_364 = arith.constant 0 : i32
    %broadcast_in_dim3A_365 = vector.broadcast %broadcast_in_dim3A_364 : i32 to vector<16xi32>
    %swap3A_366 = arith.constant 0 : i32
    %swap3A_367 = arith.index_cast %swap3A_366 : i32 to index
    %swap3A_368 = arith.constant 16 : index
    %swap3A_369 = tpu.vector_load %arg18[%swap3A_367, %swap3A_368] {strides = array<i32>} : memref<10x128xi32, #tpu.memory_space<vmem>>, vector<16xi32>,
    tpu.vector_store %arg18[%swap3A_367, %swap3A_368], %broadcast_in_dim3A_365 {strides = array<i32>} : memref<10x128xi32, #tpu.memory_space<vmem>>, vector<16xi32>,
    %broadcast_in_dim3A_370 = arith.constant 0.000000e+00 : f32
    %broadcast_in_dim3A_371 = vector.broadcast %broadcast_in_dim3A_370 : f32 to vector<16xf32>
    %swap3A_372 = arith.constant 0 : i32
    %swap3A_373 = arith.index_cast %swap3A_372 : i32 to index
    %swap3A_374 = arith.constant 32 : index
    %swap3A_375 = tpu.vector_load %arg19[%swap3A_373, %swap3A_374] {strides = array<i32>} : memref<10x128xf32, #tpu.memory_space<vmem>>, vector<16xf32>,
    tpu.vector_store %arg19[%swap3A_373, %swap3A_374], %broadcast_in_dim3A_371 {strides = array<i32>} : memref<10x128xf32, #tpu.memory_space<vmem>>, vector<16xf32>,
    %broadcast_in_dim3A_376 = arith.constant 0 : i32
    %broadcast_in_dim3A_377 = vector.broadcast %broadcast_in_dim3A_376 : i32 to vector<16xi32>
    %swap3A_378 = arith.constant 0 : i32
    %swap3A_379 = arith.index_cast %swap3A_378 : i32 to index
    %swap3A_380 = arith.constant 32 : index
    %swap3A_381 = tpu.vector_load %arg18[%swap3A_379, %swap3A_380] {strides = array<i32>} : memref<10x128xi32, #tpu.memory_space<vmem>>, vector<16xi32>,
    tpu.vector_store %arg18[%swap3A_379, %swap3A_380], %broadcast_in_dim3A_377 {strides = array<i32>} : memref<10x128xi32, #tpu.memory_space<vmem>>, vector<16xi32>,
    %broadcast_in_dim3A_382 = arith.constant 0.000000e+00 : f32
    %broadcast_in_dim3A_383 = vector.broadcast %broadcast_in_dim3A_382 : f32 to vector<16xf32>
    %swap3A_384 = arith.constant 0 : i32
    %swap3A_385 = arith.index_cast %swap3A_384 : i32 to index
    %swap3A_386 = arith.constant 48 : index
    %swap3A_387 = tpu.vector_load %arg19[%swap3A_385, %swap3A_386] {strides = array<i32>} : memref<10x128xf32, #tpu.memory_space<vmem>>, vector<16xf32>,
    tpu.vector_store %arg19[%swap3A_385, %swap3A_386], %broadcast_in_dim3A_383 {strides = array<i32>} : memref<10x128xf32, #tpu.memory_space<vmem>>, vector<16xf32>,
    %broadcast_in_dim3A_388 = arith.constant 0 : i32
    %broadcast_in_dim3A_389 = vector.broadcast %broadcast_in_dim3A_388 : i32 to vector<16xi32>
    %swap3A_390 = arith.constant 0 : i32
    %swap3A_391 = arith.index_cast %swap3A_390 : i32 to index
    %swap3A_392 = arith.constant 48 : index
    %swap3A_393 = tpu.vector_load %arg18[%swap3A_391, %swap3A_392] {strides = array<i32>} : memref<10x128xi32, #tpu.memory_space<vmem>>, vector<16xi32>,
    tpu.vector_store %arg18[%swap3A_391, %swap3A_392], %broadcast_in_dim3A_389 {strides = array<i32>} : memref<10x128xi32, #tpu.memory_space<vmem>>, vector<16xi32>,
    %broadcast_in_dim3A_394 = arith.constant 0.000000e+00 : f32
    %broadcast_in_dim3A_395 = vector.broadcast %broadcast_in_dim3A_394 : f32 to vector<16xf32>
    %swap3A_396 = arith.constant 0 : i32
    %swap3A_397 = arith.index_cast %swap3A_396 : i32 to index
    %swap3A_398 = arith.constant 64 : index
    %swap3A_399 = tpu.vector_load %arg19[%swap3A_397, %swap3A_398] {strides = array<i32>} : memref<10x128xf32, #tpu.memory_space<vmem>>, vector<16xf32>,
    tpu.vector_store %arg19[%swap3A_397, %swap3A_398], %broadcast_in_dim3A_395 {strides = array<i32>} : memref<10x128xf32, #tpu.memory_space<vmem>>, vector<16xf32>,
    %broadcast_in_dim3A_400 = arith.constant 0 : i32
    %broadcast_in_dim3A_401 = vector.broadcast %broadcast_in_dim3A_400 : i32 to vector<16xi32>
    %swap3A_402 = arith.constant 0 : i32
    %swap3A_403 = arith.index_cast %swap3A_402 : i32 to index
    %swap3A_404 = arith.constant 64 : index
    %swap3A_405 = tpu.vector_load %arg18[%swap3A_403, %swap3A_404] {strides = array<i32>} : memref<10x128xi32, #tpu.memory_space<vmem>>, vector<16xi32>,
    tpu.vector_store %arg18[%swap3A_403, %swap3A_404], %broadcast_in_dim3A_401 {strides = array<i32>} : memref<10x128xi32, #tpu.memory_space<vmem>>, vector<16xi32>,
    %broadcast_in_dim3A_406 = arith.constant 0.000000e+00 : f32
    %broadcast_in_dim3A_407 = vector.broadcast %broadcast_in_dim3A_406 : f32 to vector<16xf32>
    %swap3A_408 = arith.constant 0 : i32
    %swap3A_409 = arith.index_cast %swap3A_408 : i32 to index
    %swap3A_410 = arith.constant 80 : index
    %swap3A_411 = tpu.vector_load %arg19[%swap3A_409, %swap3A_410] {strides = array<i32>} : memref<10x128xf32, #tpu.memory_space<vmem>>, vector<16xf32>,
    tpu.vector_store %arg19[%swap3A_409, %swap3A_410], %broadcast_in_dim3A_407 {strides = array<i32>} : memref<10x128xf32, #tpu.memory_space<vmem>>, vector<16xf32>,
    %broadcast_in_dim3A_412 = arith.constant 0 : i32
    %broadcast_in_dim3A_413 = vector.broadcast %broadcast_in_dim3A_412 : i32 to vector<16xi32>
    %swap3A_414 = arith.constant 0 : i32
    %swap3A_415 = arith.index_cast %swap3A_414 : i32 to index
    %swap3A_416 = arith.constant 80 : index
    %swap3A_417 = tpu.vector_load %arg18[%swap3A_415, %swap3A_416] {strides = array<i32>} : memref<10x128xi32, #tpu.memory_space<vmem>>, vector<16xi32>,
    tpu.vector_store %arg18[%swap3A_415, %swap3A_416], %broadcast_in_dim3A_413 {strides = array<i32>} : memref<10x128xi32, #tpu.memory_space<vmem>>, vector<16xi32>,
    %broadcast_in_dim3A_418 = arith.constant 0.000000e+00 : f32
    %broadcast_in_dim3A_419 = vector.broadcast %broadcast_in_dim3A_418 : f32 to vector<16xf32>
    %swap3A_420 = arith.constant 0 : i32
    %swap3A_421 = arith.index_cast %swap3A_420 : i32 to index
    %swap3A_422 = arith.constant 96 : index
    %swap3A_423 = tpu.vector_load %arg19[%swap3A_421, %swap3A_422] {strides = array<i32>} : memref<10x128xf32, #tpu.memory_space<vmem>>, vector<16xf32>,
    tpu.vector_store %arg19[%swap3A_421, %swap3A_422], %broadcast_in_dim3A_419 {strides = array<i32>} : memref<10x128xf32, #tpu.memory_space<vmem>>, vector<16xf32>,
    %broadcast_in_dim3A_424 = arith.constant 0 : i32
    %broadcast_in_dim3A_425 = vector.broadcast %broadcast_in_dim3A_424 : i32 to vector<16xi32>
    %swap3A_426 = arith.constant 0 : i32
    %swap3A_427 = arith.index_cast %swap3A_426 : i32 to index
    %swap3A_428 = arith.constant 96 : index
    %swap3A_429 = tpu.vector_load %arg18[%swap3A_427, %swap3A_428] {strides = array<i32>} : memref<10x128xi32, #tpu.memory_space<vmem>>, vector<16xi32>,
    tpu.vector_store %arg18[%swap3A_427, %swap3A_428], %broadcast_in_dim3A_425 {strides = array<i32>} : memref<10x128xi32, #tpu.memory_space<vmem>>, vector<16xi32>,
    %broadcast_in_dim3A_430 = arith.constant 0.000000e+00 : f32
    %broadcast_in_dim3A_431 = vector.broadcast %broadcast_in_dim3A_430 : f32 to vector<16xf32>
    %swap3A_432 = arith.constant 0 : i32
    %swap3A_433 = arith.index_cast %swap3A_432 : i32 to index
    %swap3A_434 = arith.constant 112 : index
    %swap3A_435 = tpu.vector_load %arg19[%swap3A_433, %swap3A_434] {strides = array<i32>} : memref<10x128xf32, #tpu.memory_space<vmem>>, vector<16xf32>,
    tpu.vector_store %arg19[%swap3A_433, %swap3A_434], %broadcast_in_dim3A_431 {strides = array<i32>} : memref<10x128xf32, #tpu.memory_space<vmem>>, vector<16xf32>,
    %broadcast_in_dim3A_436 = arith.constant 0 : i32
    %broadcast_in_dim3A_437 = vector.broadcast %broadcast_in_dim3A_436 : i32 to vector<16xi32>
    %swap3A_438 = arith.constant 0 : i32
    %swap3A_439 = arith.index_cast %swap3A_438 : i32 to index
    %swap3A_440 = arith.constant 112 : index
    %swap3A_441 = tpu.vector_load %arg18[%swap3A_439, %swap3A_440] {strides = array<i32>} : memref<10x128xi32, #tpu.memory_space<vmem>>, vector<16xi32>,
    tpu.vector_store %arg18[%swap3A_439, %swap3A_440], %broadcast_in_dim3A_437 {strides = array<i32>} : memref<10x128xi32, #tpu.memory_space<vmem>>, vector<16xi32>,
    %run_scoped3A = arith.constant 0 : i32
    %run_scoped3A_442 = arith.constant 0 : i32
    "tpu.region"() ({
      %run_scoped3A_458 = tpu.sem_alloc : memref<!tpu.dma_semaphore, #tpu.memory_space<semaphore_mem>>
      %dma_start3A_459 = arith.constant 0 : i32
      %dma_start3A_460 = tpu.memref_slice %arg19[%run_scoped3A, %dma_start3A_459] : memref<10x128xf32, #tpu.memory_space<vmem>> -> memref<1x128xf32, #tpu.memory_space<vmem>>
      %dma_start3A_461 = tpu.memref_squeeze %dma_start3A_460 : memref<1x128xf32, #tpu.memory_space<vmem>> -> memref<128xf32, #tpu.memory_space<vmem>>
      %dma_start3A_462 = arith.constant 0 : i32
      %dma_start3A_463 = tpu.memref_slice %arg18[%run_scoped3A_442, %dma_start3A_462] : memref<10x128xi32, #tpu.memory_space<vmem>> -> memref<1x128xi32, #tpu.memory_space<vmem>>
      %dma_start3A_464 = tpu.memref_squeeze %dma_start3A_463 : memref<1x128xi32, #tpu.memory_space<vmem>> -> memref<128xi32, #tpu.memory_space<vmem>>
      %dma_start3A_465 = arith.constant 0 : i32
      %dma_start3A_466 = tpu.memref_slice %arg7[%dma_start3A_465] : memref<665600xf32, #tpu.memory_space<vmem_shared>> -> memref<665600xf32, #tpu.memory_space<vmem_shared>>
      tpu.enqueue_indirect_dma source(%dma_start3A_461 : memref<128xf32, #tpu.memory_space<vmem>>) target(%dma_start3A_466 : memref<665600xf32, #tpu.memory_space<vmem_shared>>) offsets(%dma_start3A_464 : memref<128xi32, #tpu.memory_space<vmem>>) semaphore(%run_scoped3A_458 : memref<!tpu.dma_semaphore, #tpu.memory_space<semaphore_mem>>) {add = true}
      %dma_wait3A_467 = arith.constant 0 : i32
      %dma_wait3A_468 = tpu.memref_slice %arg19[%run_scoped3A, %dma_wait3A_467] : memref<10x128xf32, #tpu.memory_space<vmem>> -> memref<1x128xf32, #tpu.memory_space<vmem>>
      %dma_wait3A_469 = tpu.memref_squeeze %dma_wait3A_468 : memref<1x128xf32, #tpu.memory_space<vmem>> -> memref<128xf32, #tpu.memory_space<vmem>>
      %dma_wait3A_470 = arith.constant 0 : i32
      %dma_wait3A_471 = tpu.memref_slice %arg18[%run_scoped3A_442, %dma_wait3A_470] : memref<10x128xi32, #tpu.memory_space<vmem>> -> memref<1x128xi32, #tpu.memory_space<vmem>>
      %dma_wait3A_472 = tpu.memref_squeeze %dma_wait3A_471 : memref<1x128xi32, #tpu.memory_space<vmem>> -> memref<128xi32, #tpu.memory_space<vmem>>
      %dma_wait3A_473 = arith.constant 0 : i32
      %dma_wait3A_474 = tpu.memref_slice %arg7[%dma_wait3A_473] : memref<665600xf32, #tpu.memory_space<vmem_shared>> -> memref<665600xf32, #tpu.memory_space<vmem_shared>>
      tpu.wait_indirect_dma semaphore(%run_scoped3A_458 : memref<!tpu.dma_semaphore, #tpu.memory_space<semaphore_mem>>) src(%dma_wait3A_469 : memref<128xf32, #tpu.memory_space<vmem>>) dst(%dma_wait3A_474 : memref<665600xf32, #tpu.memory_space<vmem_shared>>)
      tpu.yield
    }) : () -> ()
    %eq3A_443 = arith.constant 0 : i32
    %eq3A_444 = arith.cmpi eq, %arg0, %eq3A_443 : i32
    %convert_element_type3A_445 = arith.extui %eq3A_444 : i1 to i32
    %cond3A_446 = arith.constant 0 : i32
    %cond3A_447 = arith.cmpi ne, %convert_element_type3A_445, %cond3A_446 : i32
    scf.if %cond3A_447 {
      %add3A_458 = arith.constant 0 : i32
      %add3A_459 = arith.addi %mul3A_0, %add3A_458 : i32
      %add3A_460 = arith.constant 0 : i32
      %add3A_461 = arith.addi %add3A_459, %add3A_460 : i32
      %broadcast_in_dim3A_462 = vector.broadcast %add3A_461 : i32 to vector<16xi32>
      %iota3A = tpu.iota {dimensions = array<i32: 0>} : vector<16xi32>
      %add3A_463 = arith.addi %broadcast_in_dim3A_462, %iota3A : vector<16xi32>
      %get3A_464 = arith.index_cast %add3A_461 : i32 to index
      %get3A_465 = tpu.vector_load %arg13[%get3A_464] {strides = array<i32>} : memref<10240xf32, #tpu.memory_space<vmem>>, vector<16xf32>,
      %gather3A_466 = tpu.vector_load_idx %arg14[%add3A_463] : memref<10240xi32, #tpu.memory_space<vmem>>[vector<16xi32>], vector<16xi32>,
      %swap3A_467 = arith.constant 0 : i32
      %swap3A_468 = arith.index_cast %swap3A_467 : i32 to index
      %swap3A_469 = arith.constant 0 : index
      %swap3A_470 = tpu.vector_load %arg19[%swap3A_468, %swap3A_469] {strides = array<i32>} : memref<10x128xf32, #tpu.memory_space<vmem>>, vector<16xf32>,
      tpu.vector_store %arg19[%swap3A_468, %swap3A_469], %get3A_465 {strides = array<i32>} : memref<10x128xf32, #tpu.memory_space<vmem>>, vector<16xf32>,
      %mul3A_471 = arith.constant 10240 : i32
      %mul3A_472 = vector.broadcast %mul3A_471 : i32 to vector<16xi32>
      %mul3A_473 = arith.muli %gather3A_466, %mul3A_472 : vector<16xi32>
      %add3A_474 = arith.addi %mul3A_473, %add3A_463 : vector<16xi32>
      %swap3A_475 = arith.constant 0 : i32
      %swap3A_476 = arith.index_cast %swap3A_475 : i32 to index
      %swap3A_477 = arith.constant 0 : index
      %swap3A_478 = tpu.vector_load %arg18[%swap3A_476, %swap3A_477] {strides = array<i32>} : memref<10x128xi32, #tpu.memory_space<vmem>>, vector<16xi32>,
      tpu.vector_store %arg18[%swap3A_476, %swap3A_477], %add3A_474 {strides = array<i32>} : memref<10x128xi32, #tpu.memory_space<vmem>>, vector<16xi32>,
      %add3A_479 = arith.constant 0 : i32
      %add3A_480 = arith.addi %mul3A_0, %add3A_479 : i32
      %add3A_481 = arith.constant 16 : i32
      %add3A_482 = arith.addi %add3A_480, %add3A_481 : i32
      %broadcast_in_dim3A_483 = vector.broadcast %add3A_482 : i32 to vector<16xi32>
      %iota3A_484 = tpu.iota {dimensions = array<i32: 0>} : vector<16xi32>
      %add3A_485 = arith.addi %broadcast_in_dim3A_483, %iota3A_484 : vector<16xi32>
      %get3A_486 = arith.index_cast %add3A_482 : i32 to index
      %get3A_487 = tpu.vector_load %arg13[%get3A_486] {strides = array<i32>} : memref<10240xf32, #tpu.memory_space<vmem>>, vector<16xf32>,
      %gather3A_488 = tpu.vector_load_idx %arg14[%add3A_485] : memref<10240xi32, #tpu.memory_space<vmem>>[vector<16xi32>], vector<16xi32>,
      %swap3A_489 = arith.constant 0 : i32
      %swap3A_490 = arith.index_cast %swap3A_489 : i32 to index
      %swap3A_491 = arith.constant 16 : index
      %swap3A_492 = tpu.vector_load %arg19[%swap3A_490, %swap3A_491] {strides = array<i32>} : memref<10x128xf32, #tpu.memory_space<vmem>>, vector<16xf32>,
      tpu.vector_store %arg19[%swap3A_490, %swap3A_491], %get3A_487 {strides = array<i32>} : memref<10x128xf32, #tpu.memory_space<vmem>>, vector<16xf32>,
      %mul3A_493 = arith.constant 10240 : i32
      %mul3A_494 = vector.broadcast %mul3A_493 : i32 to vector<16xi32>
      %mul3A_495 = arith.muli %gather3A_488, %mul3A_494 : vector<16xi32>
      %add3A_496 = arith.addi %mul3A_495, %add3A_485 : vector<16xi32>
      %swap3A_497 = arith.constant 0 : i32
      %swap3A_498 = arith.index_cast %swap3A_497 : i32 to index
      %swap3A_499 = arith.constant 16 : index
      %swap3A_500 = tpu.vector_load %arg18[%swap3A_498, %swap3A_499] {strides = array<i32>} : memref<10x128xi32, #tpu.memory_space<vmem>>, vector<16xi32>,
      tpu.vector_store %arg18[%swap3A_498, %swap3A_499], %add3A_496 {strides = array<i32>} : memref<10x128xi32, #tpu.memory_space<vmem>>, vector<16xi32>,
      %add3A_501 = arith.constant 0 : i32
      %add3A_502 = arith.addi %mul3A_0, %add3A_501 : i32
      %add3A_503 = arith.constant 32 : i32
      %add3A_504 = arith.addi %add3A_502, %add3A_503 : i32
      %broadcast_in_dim3A_505 = vector.broadcast %add3A_504 : i32 to vector<16xi32>
      %iota3A_506 = tpu.iota {dimensions = array<i32: 0>} : vector<16xi32>
      %add3A_507 = arith.addi %broadcast_in_dim3A_505, %iota3A_506 : vector<16xi32>
      %get3A_508 = arith.index_cast %add3A_504 : i32 to index
      %get3A_509 = tpu.vector_load %arg13[%get3A_508] {strides = array<i32>} : memref<10240xf32, #tpu.memory_space<vmem>>, vector<16xf32>,
      %gather3A_510 = tpu.vector_load_idx %arg14[%add3A_507] : memref<10240xi32, #tpu.memory_space<vmem>>[vector<16xi32>], vector<16xi32>,
      %swap3A_511 = arith.constant 0 : i32
      %swap3A_512 = arith.index_cast %swap3A_511 : i32 to index
      %swap3A_513 = arith.constant 32 : index
      %swap3A_514 = tpu.vector_load %arg19[%swap3A_512, %swap3A_513] {strides = array<i32>} : memref<10x128xf32, #tpu.memory_space<vmem>>, vector<16xf32>,
      tpu.vector_store %arg19[%swap3A_512, %swap3A_513], %get3A_509 {strides = array<i32>} : memref<10x128xf32, #tpu.memory_space<vmem>>, vector<16xf32>,
      %mul3A_515 = arith.constant 10240 : i32
      %mul3A_516 = vector.broadcast %mul3A_515 : i32 to vector<16xi32>
      %mul3A_517 = arith.muli %gather3A_510, %mul3A_516 : vector<16xi32>
      %add3A_518 = arith.addi %mul3A_517, %add3A_507 : vector<16xi32>
      %swap3A_519 = arith.constant 0 : i32
      %swap3A_520 = arith.index_cast %swap3A_519 : i32 to index
      %swap3A_521 = arith.constant 32 : index
      %swap3A_522 = tpu.vector_load %arg18[%swap3A_520, %swap3A_521] {strides = array<i32>} : memref<10x128xi32, #tpu.memory_space<vmem>>, vector<16xi32>,
      tpu.vector_store %arg18[%swap3A_520, %swap3A_521], %add3A_518 {strides = array<i32>} : memref<10x128xi32, #tpu.memory_space<vmem>>, vector<16xi32>,
      %add3A_523 = arith.constant 0 : i32
      %add3A_524 = arith.addi %mul3A_0, %add3A_523 : i32
      %add3A_525 = arith.constant 48 : i32
      %add3A_526 = arith.addi %add3A_524, %add3A_525 : i32
      %broadcast_in_dim3A_527 = vector.broadcast %add3A_526 : i32 to vector<16xi32>
      %iota3A_528 = tpu.iota {dimensions = array<i32: 0>} : vector<16xi32>
      %add3A_529 = arith.addi %broadcast_in_dim3A_527, %iota3A_528 : vector<16xi32>
      %get3A_530 = arith.index_cast %add3A_526 : i32 to index
      %get3A_531 = tpu.vector_load %arg13[%get3A_530] {strides = array<i32>} : memref<10240xf32, #tpu.memory_space<vmem>>, vector<16xf32>,
      %gather3A_532 = tpu.vector_load_idx %arg14[%add3A_529] : memref<10240xi32, #tpu.memory_space<vmem>>[vector<16xi32>], vector<16xi32>,
      %swap3A_533 = arith.constant 0 : i32
      %swap3A_534 = arith.index_cast %swap3A_533 : i32 to index
      %swap3A_535 = arith.constant 48 : index
      %swap3A_536 = tpu.vector_load %arg19[%swap3A_534, %swap3A_535] {strides = array<i32>} : memref<10x128xf32, #tpu.memory_space<vmem>>, vector<16xf32>,
      tpu.vector_store %arg19[%swap3A_534, %swap3A_535], %get3A_531 {strides = array<i32>} : memref<10x128xf32, #tpu.memory_space<vmem>>, vector<16xf32>,
      %mul3A_537 = arith.constant 10240 : i32
      %mul3A_538 = vector.broadcast %mul3A_537 : i32 to vector<16xi32>
      %mul3A_539 = arith.muli %gather3A_532, %mul3A_538 : vector<16xi32>
      %add3A_540 = arith.addi %mul3A_539, %add3A_529 : vector<16xi32>
      %swap3A_541 = arith.constant 0 : i32
      %swap3A_542 = arith.index_cast %swap3A_541 : i32 to index
      %swap3A_543 = arith.constant 48 : index
      %swap3A_544 = tpu.vector_load %arg18[%swap3A_542, %swap3A_543] {strides = array<i32>} : memref<10x128xi32, #tpu.memory_space<vmem>>, vector<16xi32>,
      tpu.vector_store %arg18[%swap3A_542, %swap3A_543], %add3A_540 {strides = array<i32>} : memref<10x128xi32, #tpu.memory_space<vmem>>, vector<16xi32>,
      %add3A_545 = arith.constant 0 : i32
      %add3A_546 = arith.addi %mul3A_0, %add3A_545 : i32
      %add3A_547 = arith.constant 64 : i32
      %add3A_548 = arith.addi %add3A_546, %add3A_547 : i32
      %broadcast_in_dim3A_549 = vector.broadcast %add3A_548 : i32 to vector<16xi32>
      %iota3A_550 = tpu.iota {dimensions = array<i32: 0>} : vector<16xi32>
      %add3A_551 = arith.addi %broadcast_in_dim3A_549, %iota3A_550 : vector<16xi32>
      %get3A_552 = arith.index_cast %add3A_548 : i32 to index
      %get3A_553 = tpu.vector_load %arg13[%get3A_552] {strides = array<i32>} : memref<10240xf32, #tpu.memory_space<vmem>>, vector<16xf32>,
      %gather3A_554 = tpu.vector_load_idx %arg14[%add3A_551] : memref<10240xi32, #tpu.memory_space<vmem>>[vector<16xi32>], vector<16xi32>,
      %swap3A_555 = arith.constant 0 : i32
      %swap3A_556 = arith.index_cast %swap3A_555 : i32 to index
      %swap3A_557 = arith.constant 64 : index
      %swap3A_558 = tpu.vector_load %arg19[%swap3A_556, %swap3A_557] {strides = array<i32>} : memref<10x128xf32, #tpu.memory_space<vmem>>, vector<16xf32>,
      tpu.vector_store %arg19[%swap3A_556, %swap3A_557], %get3A_553 {strides = array<i32>} : memref<10x128xf32, #tpu.memory_space<vmem>>, vector<16xf32>,
      %mul3A_559 = arith.constant 10240 : i32
      %mul3A_560 = vector.broadcast %mul3A_559 : i32 to vector<16xi32>
      %mul3A_561 = arith.muli %gather3A_554, %mul3A_560 : vector<16xi32>
      %add3A_562 = arith.addi %mul3A_561, %add3A_551 : vector<16xi32>
      %swap3A_563 = arith.constant 0 : i32
      %swap3A_564 = arith.index_cast %swap3A_563 : i32 to index
      %swap3A_565 = arith.constant 64 : index
      %swap3A_566 = tpu.vector_load %arg18[%swap3A_564, %swap3A_565] {strides = array<i32>} : memref<10x128xi32, #tpu.memory_space<vmem>>, vector<16xi32>,
      tpu.vector_store %arg18[%swap3A_564, %swap3A_565], %add3A_562 {strides = array<i32>} : memref<10x128xi32, #tpu.memory_space<vmem>>, vector<16xi32>,
      %add3A_567 = arith.constant 0 : i32
      %add3A_568 = arith.addi %mul3A_0, %add3A_567 : i32
      %add3A_569 = arith.constant 80 : i32
      %add3A_570 = arith.addi %add3A_568, %add3A_569 : i32
      %broadcast_in_dim3A_571 = vector.broadcast %add3A_570 : i32 to vector<16xi32>
      %iota3A_572 = tpu.iota {dimensions = array<i32: 0>} : vector<16xi32>
      %add3A_573 = arith.addi %broadcast_in_dim3A_571, %iota3A_572 : vector<16xi32>
      %get3A_574 = arith.index_cast %add3A_570 : i32 to index
      %get3A_575 = tpu.vector_load %arg13[%get3A_574] {strides = array<i32>} : memref<10240xf32, #tpu.memory_space<vmem>>, vector<16xf32>,
      %gather3A_576 = tpu.vector_load_idx %arg14[%add3A_573] : memref<10240xi32, #tpu.memory_space<vmem>>[vector<16xi32>], vector<16xi32>,
      %swap3A_577 = arith.constant 0 : i32
      %swap3A_578 = arith.index_cast %swap3A_577 : i32 to index
      %swap3A_579 = arith.constant 80 : index
      %swap3A_580 = tpu.vector_load %arg19[%swap3A_578, %swap3A_579] {strides = array<i32>} : memref<10x128xf32, #tpu.memory_space<vmem>>, vector<16xf32>,
      tpu.vector_store %arg19[%swap3A_578, %swap3A_579], %get3A_575 {strides = array<i32>} : memref<10x128xf32, #tpu.memory_space<vmem>>, vector<16xf32>,
      %mul3A_581 = arith.constant 10240 : i32
      %mul3A_582 = vector.broadcast %mul3A_581 : i32 to vector<16xi32>
      %mul3A_583 = arith.muli %gather3A_576, %mul3A_582 : vector<16xi32>
      %add3A_584 = arith.addi %mul3A_583, %add3A_573 : vector<16xi32>
      %swap3A_585 = arith.constant 0 : i32
      %swap3A_586 = arith.index_cast %swap3A_585 : i32 to index
      %swap3A_587 = arith.constant 80 : index
      %swap3A_588 = tpu.vector_load %arg18[%swap3A_586, %swap3A_587] {strides = array<i32>} : memref<10x128xi32, #tpu.memory_space<vmem>>, vector<16xi32>,
      tpu.vector_store %arg18[%swap3A_586, %swap3A_587], %add3A_584 {strides = array<i32>} : memref<10x128xi32, #tpu.memory_space<vmem>>, vector<16xi32>,
      %add3A_589 = arith.constant 0 : i32
      %add3A_590 = arith.addi %mul3A_0, %add3A_589 : i32
      %add3A_591 = arith.constant 96 : i32
      %add3A_592 = arith.addi %add3A_590, %add3A_591 : i32
      %broadcast_in_dim3A_593 = vector.broadcast %add3A_592 : i32 to vector<16xi32>
      %iota3A_594 = tpu.iota {dimensions = array<i32: 0>} : vector<16xi32>
      %add3A_595 = arith.addi %broadcast_in_dim3A_593, %iota3A_594 : vector<16xi32>
      %get3A_596 = arith.index_cast %add3A_592 : i32 to index
      %get3A_597 = tpu.vector_load %arg13[%get3A_596] {strides = array<i32>} : memref<10240xf32, #tpu.memory_space<vmem>>, vector<16xf32>,
      %gather3A_598 = tpu.vector_load_idx %arg14[%add3A_595] : memref<10240xi32, #tpu.memory_space<vmem>>[vector<16xi32>], vector<16xi32>,
      %swap3A_599 = arith.constant 0 : i32
      %swap3A_600 = arith.index_cast %swap3A_599 : i32 to index
      %swap3A_601 = arith.constant 96 : index
      %swap3A_602 = tpu.vector_load %arg19[%swap3A_600, %swap3A_601] {strides = array<i32>} : memref<10x128xf32, #tpu.memory_space<vmem>>, vector<16xf32>,
      tpu.vector_store %arg19[%swap3A_600, %swap3A_601], %get3A_597 {strides = array<i32>} : memref<10x128xf32, #tpu.memory_space<vmem>>, vector<16xf32>,
      %mul3A_603 = arith.constant 10240 : i32
      %mul3A_604 = vector.broadcast %mul3A_603 : i32 to vector<16xi32>
      %mul3A_605 = arith.muli %gather3A_598, %mul3A_604 : vector<16xi32>
      %add3A_606 = arith.addi %mul3A_605, %add3A_595 : vector<16xi32>
      %swap3A_607 = arith.constant 0 : i32
      %swap3A_608 = arith.index_cast %swap3A_607 : i32 to index
      %swap3A_609 = arith.constant 96 : index
      %swap3A_610 = tpu.vector_load %arg18[%swap3A_608, %swap3A_609] {strides = array<i32>} : memref<10x128xi32, #tpu.memory_space<vmem>>, vector<16xi32>,
      tpu.vector_store %arg18[%swap3A_608, %swap3A_609], %add3A_606 {strides = array<i32>} : memref<10x128xi32, #tpu.memory_space<vmem>>, vector<16xi32>,
      %add3A_611 = arith.constant 0 : i32
      %add3A_612 = arith.addi %mul3A_0, %add3A_611 : i32
      %add3A_613 = arith.constant 112 : i32
      %add3A_614 = arith.addi %add3A_612, %add3A_613 : i32
      %broadcast_in_dim3A_615 = vector.broadcast %add3A_614 : i32 to vector<16xi32>
      %iota3A_616 = tpu.iota {dimensions = array<i32: 0>} : vector<16xi32>
      %add3A_617 = arith.addi %broadcast_in_dim3A_615, %iota3A_616 : vector<16xi32>
      %get3A_618 = arith.index_cast %add3A_614 : i32 to index
      %get3A_619 = tpu.vector_load %arg13[%get3A_618] {strides = array<i32>} : memref<10240xf32, #tpu.memory_space<vmem>>, vector<16xf32>,
      %gather3A_620 = tpu.vector_load_idx %arg14[%add3A_617] : memref<10240xi32, #tpu.memory_space<vmem>>[vector<16xi32>], vector<16xi32>,
      %swap3A_621 = arith.constant 0 : i32
      %swap3A_622 = arith.index_cast %swap3A_621 : i32 to index
      %swap3A_623 = arith.constant 112 : index
      %swap3A_624 = tpu.vector_load %arg19[%swap3A_622, %swap3A_623] {strides = array<i32>} : memref<10x128xf32, #tpu.memory_space<vmem>>, vector<16xf32>,
      tpu.vector_store %arg19[%swap3A_622, %swap3A_623], %get3A_619 {strides = array<i32>} : memref<10x128xf32, #tpu.memory_space<vmem>>, vector<16xf32>,
      %mul3A_625 = arith.constant 10240 : i32
      %mul3A_626 = vector.broadcast %mul3A_625 : i32 to vector<16xi32>
      %mul3A_627 = arith.muli %gather3A_620, %mul3A_626 : vector<16xi32>
      %add3A_628 = arith.addi %mul3A_627, %add3A_617 : vector<16xi32>
      %swap3A_629 = arith.constant 0 : i32
      %swap3A_630 = arith.index_cast %swap3A_629 : i32 to index
      %swap3A_631 = arith.constant 112 : index
      %swap3A_632 = tpu.vector_load %arg18[%swap3A_630, %swap3A_631] {strides = array<i32>} : memref<10x128xi32, #tpu.memory_space<vmem>>, vector<16xi32>,
      tpu.vector_store %arg18[%swap3A_630, %swap3A_631], %add3A_628 {strides = array<i32>} : memref<10x128xi32, #tpu.memory_space<vmem>>, vector<16xi32>,
      %run_scoped3A_633 = arith.constant 0 : i32
      %run_scoped3A_634 = arith.constant 0 : i32
      "tpu.region"() ({
        %run_scoped3A_991 = tpu.sem_alloc : memref<!tpu.dma_semaphore, #tpu.memory_space<semaphore_mem>>
        %dma_start3A_992 = arith.constant 0 : i32
        %dma_start3A_993 = tpu.memref_slice %arg19[%run_scoped3A_633, %dma_start3A_992] : memref<10x128xf32, #tpu.memory_space<vmem>> -> memref<1x128xf32, #tpu.memory_space<vmem>>
        %dma_start3A_994 = tpu.memref_squeeze %dma_start3A_993 : memref<1x128xf32, #tpu.memory_space<vmem>> -> memref<128xf32, #tpu.memory_space<vmem>>
        %dma_start3A_995 = arith.constant 0 : i32
        %dma_start3A_996 = tpu.memref_slice %arg18[%run_scoped3A_634, %dma_start3A_995] : memref<10x128xi32, #tpu.memory_space<vmem>> -> memref<1x128xi32, #tpu.memory_space<vmem>>
        %dma_start3A_997 = tpu.memref_squeeze %dma_start3A_996 : memref<1x128xi32, #tpu.memory_space<vmem>> -> memref<128xi32, #tpu.memory_space<vmem>>
        %dma_start3A_998 = arith.constant 0 : i32
        %dma_start3A_999 = tpu.memref_slice %arg7[%dma_start3A_998] : memref<665600xf32, #tpu.memory_space<vmem_shared>> -> memref<665600xf32, #tpu.memory_space<vmem_shared>>
        tpu.enqueue_indirect_dma source(%dma_start3A_994 : memref<128xf32, #tpu.memory_space<vmem>>) target(%dma_start3A_999 : memref<665600xf32, #tpu.memory_space<vmem_shared>>) offsets(%dma_start3A_997 : memref<128xi32, #tpu.memory_space<vmem>>) semaphore(%run_scoped3A_991 : memref<!tpu.dma_semaphore, #tpu.memory_space<semaphore_mem>>) {add = true}
        %dma_wait3A_1000 = arith.constant 0 : i32
        %dma_wait3A_1001 = tpu.memref_slice %arg19[%run_scoped3A_633, %dma_wait3A_1000] : memref<10x128xf32, #tpu.memory_space<vmem>> -> memref<1x128xf32, #tpu.memory_space<vmem>>
        %dma_wait3A_1002 = tpu.memref_squeeze %dma_wait3A_1001 : memref<1x128xf32, #tpu.memory_space<vmem>> -> memref<128xf32, #tpu.memory_space<vmem>>
        %dma_wait3A_1003 = arith.constant 0 : i32
        %dma_wait3A_1004 = tpu.memref_slice %arg18[%run_scoped3A_634, %dma_wait3A_1003] : memref<10x128xi32, #tpu.memory_space<vmem>> -> memref<1x128xi32, #tpu.memory_space<vmem>>
        %dma_wait3A_1005 = tpu.memref_squeeze %dma_wait3A_1004 : memref<1x128xi32, #tpu.memory_space<vmem>> -> memref<128xi32, #tpu.memory_space<vmem>>
        %dma_wait3A_1006 = arith.constant 0 : i32
        %dma_wait3A_1007 = tpu.memref_slice %arg7[%dma_wait3A_1006] : memref<665600xf32, #tpu.memory_space<vmem_shared>> -> memref<665600xf32, #tpu.memory_space<vmem_shared>>
        tpu.wait_indirect_dma semaphore(%run_scoped3A_991 : memref<!tpu.dma_semaphore, #tpu.memory_space<semaphore_mem>>) src(%dma_wait3A_1002 : memref<128xf32, #tpu.memory_space<vmem>>) dst(%dma_wait3A_1007 : memref<665600xf32, #tpu.memory_space<vmem_shared>>)
        tpu.yield
      }) : () -> ()
      %add3A_635 = arith.constant 128 : i32
      %add3A_636 = arith.addi %mul3A_0, %add3A_635 : i32
      %add3A_637 = arith.constant 0 : i32
      %add3A_638 = arith.addi %add3A_636, %add3A_637 : i32
      %broadcast_in_dim3A_639 = vector.broadcast %add3A_638 : i32 to vector<16xi32>
      %iota3A_640 = tpu.iota {dimensions = array<i32: 0>} : vector<16xi32>
      %add3A_641 = arith.addi %broadcast_in_dim3A_639, %iota3A_640 : vector<16xi32>
      %get3A_642 = arith.index_cast %add3A_638 : i32 to index
      %get3A_643 = tpu.vector_load %arg13[%get3A_642] {strides = array<i32>} : memref<10240xf32, #tpu.memory_space<vmem>>, vector<16xf32>,
      %gather3A_644 = tpu.vector_load_idx %arg14[%add3A_641] : memref<10240xi32, #tpu.memory_space<vmem>>[vector<16xi32>], vector<16xi32>,
      %swap3A_645 = arith.constant 0 : i32
      %swap3A_646 = arith.index_cast %swap3A_645 : i32 to index
      %swap3A_647 = arith.constant 0 : index
      %swap3A_648 = tpu.vector_load %arg19[%swap3A_646, %swap3A_647] {strides = array<i32>} : memref<10x128xf32, #tpu.memory_space<vmem>>, vector<16xf32>,
      tpu.vector_store %arg19[%swap3A_646, %swap3A_647], %get3A_643 {strides = array<i32>} : memref<10x128xf32, #tpu.memory_space<vmem>>, vector<16xf32>,
      %mul3A_649 = arith.constant 10240 : i32
      %mul3A_650 = vector.broadcast %mul3A_649 : i32 to vector<16xi32>
      %mul3A_651 = arith.muli %gather3A_644, %mul3A_650 : vector<16xi32>
      %add3A_652 = arith.addi %mul3A_651, %add3A_641 : vector<16xi32>
      %swap3A_653 = arith.constant 0 : i32
      %swap3A_654 = arith.index_cast %swap3A_653 : i32 to index
      %swap3A_655 = arith.constant 0 : index
      %swap3A_656 = tpu.vector_load %arg18[%swap3A_654, %swap3A_655] {strides = array<i32>} : memref<10x128xi32, #tpu.memory_space<vmem>>, vector<16xi32>,
      tpu.vector_store %arg18[%swap3A_654, %swap3A_655], %add3A_652 {strides = array<i32>} : memref<10x128xi32, #tpu.memory_space<vmem>>, vector<16xi32>,
      %add3A_657 = arith.constant 128 : i32
      %add3A_658 = arith.addi %mul3A_0, %add3A_657 : i32
      %add3A_659 = arith.constant 16 : i32
      %add3A_660 = arith.addi %add3A_658, %add3A_659 : i32
      %broadcast_in_dim3A_661 = vector.broadcast %add3A_660 : i32 to vector<16xi32>
      %iota3A_662 = tpu.iota {dimensions = array<i32: 0>} : vector<16xi32>
      %add3A_663 = arith.addi %broadcast_in_dim3A_661, %iota3A_662 : vector<16xi32>
      %get3A_664 = arith.index_cast %add3A_660 : i32 to index
      %get3A_665 = tpu.vector_load %arg13[%get3A_664] {strides = array<i32>} : memref<10240xf32, #tpu.memory_space<vmem>>, vector<16xf32>,
      %gather3A_666 = tpu.vector_load_idx %arg14[%add3A_663] : memref<10240xi32, #tpu.memory_space<vmem>>[vector<16xi32>], vector<16xi32>,
      %swap3A_667 = arith.constant 0 : i32
      %swap3A_668 = arith.index_cast %swap3A_667 : i32 to index
      %swap3A_669 = arith.constant 16 : index
      %swap3A_670 = tpu.vector_load %arg19[%swap3A_668, %swap3A_669] {strides = array<i32>} : memref<10x128xf32, #tpu.memory_space<vmem>>, vector<16xf32>,
      tpu.vector_store %arg19[%swap3A_668, %swap3A_669], %get3A_665 {strides = array<i32>} : memref<10x128xf32, #tpu.memory_space<vmem>>, vector<16xf32>,
      %mul3A_671 = arith.constant 10240 : i32
      %mul3A_672 = vector.broadcast %mul3A_671 : i32 to vector<16xi32>
      %mul3A_673 = arith.muli %gather3A_666, %mul3A_672 : vector<16xi32>
      %add3A_674 = arith.addi %mul3A_673, %add3A_663 : vector<16xi32>
      %swap3A_675 = arith.constant 0 : i32
      %swap3A_676 = arith.index_cast %swap3A_675 : i32 to index
      %swap3A_677 = arith.constant 16 : index
      %swap3A_678 = tpu.vector_load %arg18[%swap3A_676, %swap3A_677] {strides = array<i32>} : memref<10x128xi32, #tpu.memory_space<vmem>>, vector<16xi32>,
      tpu.vector_store %arg18[%swap3A_676, %swap3A_677], %add3A_674 {strides = array<i32>} : memref<10x128xi32, #tpu.memory_space<vmem>>, vector<16xi32>,
      %add3A_679 = arith.constant 128 : i32
      %add3A_680 = arith.addi %mul3A_0, %add3A_679 : i32
      %add3A_681 = arith.constant 32 : i32
      %add3A_682 = arith.addi %add3A_680, %add3A_681 : i32
      %broadcast_in_dim3A_683 = vector.broadcast %add3A_682 : i32 to vector<16xi32>
      %iota3A_684 = tpu.iota {dimensions = array<i32: 0>} : vector<16xi32>
      %add3A_685 = arith.addi %broadcast_in_dim3A_683, %iota3A_684 : vector<16xi32>
      %get3A_686 = arith.index_cast %add3A_682 : i32 to index
      %get3A_687 = tpu.vector_load %arg13[%get3A_686] {strides = array<i32>} : memref<10240xf32, #tpu.memory_space<vmem>>, vector<16xf32>,
      %gather3A_688 = tpu.vector_load_idx %arg14[%add3A_685] : memref<10240xi32, #tpu.memory_space<vmem>>[vector<16xi32>], vector<16xi32>,
      %swap3A_689 = arith.constant 0 : i32
      %swap3A_690 = arith.index_cast %swap3A_689 : i32 to index
      %swap3A_691 = arith.constant 32 : index
      %swap3A_692 = tpu.vector_load %arg19[%swap3A_690, %swap3A_691] {strides = array<i32>} : memref<10x128xf32, #tpu.memory_space<vmem>>, vector<16xf32>,
      tpu.vector_store %arg19[%swap3A_690, %swap3A_691], %get3A_687 {strides = array<i32>} : memref<10x128xf32, #tpu.memory_space<vmem>>, vector<16xf32>,
      %mul3A_693 = arith.constant 10240 : i32
      %mul3A_694 = vector.broadcast %mul3A_693 : i32 to vector<16xi32>
      %mul3A_695 = arith.muli %gather3A_688, %mul3A_694 : vector<16xi32>
      %add3A_696 = arith.addi %mul3A_695, %add3A_685 : vector<16xi32>
      %swap3A_697 = arith.constant 0 : i32
      %swap3A_698 = arith.index_cast %swap3A_697 : i32 to index
      %swap3A_699 = arith.constant 32 : index
      %swap3A_700 = tpu.vector_load %arg18[%swap3A_698, %swap3A_699] {strides = array<i32>} : memref<10x128xi32, #tpu.memory_space<vmem>>, vector<16xi32>,
      tpu.vector_store %arg18[%swap3A_698, %swap3A_699], %add3A_696 {strides = array<i32>} : memref<10x128xi32, #tpu.memory_space<vmem>>, vector<16xi32>,
      %add3A_701 = arith.constant 128 : i32
      %add3A_702 = arith.addi %mul3A_0, %add3A_701 : i32
      %add3A_703 = arith.constant 48 : i32
      %add3A_704 = arith.addi %add3A_702, %add3A_703 : i32
      %broadcast_in_dim3A_705 = vector.broadcast %add3A_704 : i32 to vector<16xi32>
      %iota3A_706 = tpu.iota {dimensions = array<i32: 0>} : vector<16xi32>
      %add3A_707 = arith.addi %broadcast_in_dim3A_705, %iota3A_706 : vector<16xi32>
      %get3A_708 = arith.index_cast %add3A_704 : i32 to index
      %get3A_709 = tpu.vector_load %arg13[%get3A_708] {strides = array<i32>} : memref<10240xf32, #tpu.memory_space<vmem>>, vector<16xf32>,
      %gather3A_710 = tpu.vector_load_idx %arg14[%add3A_707] : memref<10240xi32, #tpu.memory_space<vmem>>[vector<16xi32>], vector<16xi32>,
      %swap3A_711 = arith.constant 0 : i32
      %swap3A_712 = arith.index_cast %swap3A_711 : i32 to index
      %swap3A_713 = arith.constant 48 : index
      %swap3A_714 = tpu.vector_load %arg19[%swap3A_712, %swap3A_713] {strides = array<i32>} : memref<10x128xf32, #tpu.memory_space<vmem>>, vector<16xf32>,
      tpu.vector_store %arg19[%swap3A_712, %swap3A_713], %get3A_709 {strides = array<i32>} : memref<10x128xf32, #tpu.memory_space<vmem>>, vector<16xf32>,
      %mul3A_715 = arith.constant 10240 : i32
      %mul3A_716 = vector.broadcast %mul3A_715 : i32 to vector<16xi32>
      %mul3A_717 = arith.muli %gather3A_710, %mul3A_716 : vector<16xi32>
      %add3A_718 = arith.addi %mul3A_717, %add3A_707 : vector<16xi32>
      %swap3A_719 = arith.constant 0 : i32
      %swap3A_720 = arith.index_cast %swap3A_719 : i32 to index
      %swap3A_721 = arith.constant 48 : index
      %swap3A_722 = tpu.vector_load %arg18[%swap3A_720, %swap3A_721] {strides = array<i32>} : memref<10x128xi32, #tpu.memory_space<vmem>>, vector<16xi32>,
      tpu.vector_store %arg18[%swap3A_720, %swap3A_721], %add3A_718 {strides = array<i32>} : memref<10x128xi32, #tpu.memory_space<vmem>>, vector<16xi32>,
      %add3A_723 = arith.constant 128 : i32
      %add3A_724 = arith.addi %mul3A_0, %add3A_723 : i32
      %add3A_725 = arith.constant 64 : i32
      %add3A_726 = arith.addi %add3A_724, %add3A_725 : i32
      %broadcast_in_dim3A_727 = vector.broadcast %add3A_726 : i32 to vector<16xi32>
      %iota3A_728 = tpu.iota {dimensions = array<i32: 0>} : vector<16xi32>
      %add3A_729 = arith.addi %broadcast_in_dim3A_727, %iota3A_728 : vector<16xi32>
      %get3A_730 = arith.index_cast %add3A_726 : i32 to index
      %get3A_731 = tpu.vector_load %arg13[%get3A_730] {strides = array<i32>} : memref<10240xf32, #tpu.memory_space<vmem>>, vector<16xf32>,
      %gather3A_732 = tpu.vector_load_idx %arg14[%add3A_729] : memref<10240xi32, #tpu.memory_space<vmem>>[vector<16xi32>], vector<16xi32>,
      %swap3A_733 = arith.constant 0 : i32
      %swap3A_734 = arith.index_cast %swap3A_733 : i32 to index
      %swap3A_735 = arith.constant 64 : index
      %swap3A_736 = tpu.vector_load %arg19[%swap3A_734, %swap3A_735] {strides = array<i32>} : memref<10x128xf32, #tpu.memory_space<vmem>>, vector<16xf32>,
      tpu.vector_store %arg19[%swap3A_734, %swap3A_735], %get3A_731 {strides = array<i32>} : memref<10x128xf32, #tpu.memory_space<vmem>>, vector<16xf32>,
      %mul3A_737 = arith.constant 10240 : i32
      %mul3A_738 = vector.broadcast %mul3A_737 : i32 to vector<16xi32>
      %mul3A_739 = arith.muli %gather3A_732, %mul3A_738 : vector<16xi32>
      %add3A_740 = arith.addi %mul3A_739, %add3A_729 : vector<16xi32>
      %swap3A_741 = arith.constant 0 : i32
      %swap3A_742 = arith.index_cast %swap3A_741 : i32 to index
      %swap3A_743 = arith.constant 64 : index
      %swap3A_744 = tpu.vector_load %arg18[%swap3A_742, %swap3A_743] {strides = array<i32>} : memref<10x128xi32, #tpu.memory_space<vmem>>, vector<16xi32>,
      tpu.vector_store %arg18[%swap3A_742, %swap3A_743], %add3A_740 {strides = array<i32>} : memref<10x128xi32, #tpu.memory_space<vmem>>, vector<16xi32>,
      %add3A_745 = arith.constant 128 : i32
      %add3A_746 = arith.addi %mul3A_0, %add3A_745 : i32
      %add3A_747 = arith.constant 80 : i32
      %add3A_748 = arith.addi %add3A_746, %add3A_747 : i32
      %broadcast_in_dim3A_749 = vector.broadcast %add3A_748 : i32 to vector<16xi32>
      %iota3A_750 = tpu.iota {dimensions = array<i32: 0>} : vector<16xi32>
      %add3A_751 = arith.addi %broadcast_in_dim3A_749, %iota3A_750 : vector<16xi32>
      %get3A_752 = arith.index_cast %add3A_748 : i32 to index
      %get3A_753 = tpu.vector_load %arg13[%get3A_752] {strides = array<i32>} : memref<10240xf32, #tpu.memory_space<vmem>>, vector<16xf32>,
      %gather3A_754 = tpu.vector_load_idx %arg14[%add3A_751] : memref<10240xi32, #tpu.memory_space<vmem>>[vector<16xi32>], vector<16xi32>,
      %swap3A_755 = arith.constant 0 : i32
      %swap3A_756 = arith.index_cast %swap3A_755 : i32 to index
      %swap3A_757 = arith.constant 80 : index
      %swap3A_758 = tpu.vector_load %arg19[%swap3A_756, %swap3A_757] {strides = array<i32>} : memref<10x128xf32, #tpu.memory_space<vmem>>, vector<16xf32>,
      tpu.vector_store %arg19[%swap3A_756, %swap3A_757], %get3A_753 {strides = array<i32>} : memref<10x128xf32, #tpu.memory_space<vmem>>, vector<16xf32>,
      %mul3A_759 = arith.constant 10240 : i32
      %mul3A_760 = vector.broadcast %mul3A_759 : i32 to vector<16xi32>
      %mul3A_761 = arith.muli %gather3A_754, %mul3A_760 : vector<16xi32>
      %add3A_762 = arith.addi %mul3A_761, %add3A_751 : vector<16xi32>
      %swap3A_763 = arith.constant 0 : i32
      %swap3A_764 = arith.index_cast %swap3A_763 : i32 to index
      %swap3A_765 = arith.constant 80 : index
      %swap3A_766 = tpu.vector_load %arg18[%swap3A_764, %swap3A_765] {strides = array<i32>} : memref<10x128xi32, #tpu.memory_space<vmem>>, vector<16xi32>,
      tpu.vector_store %arg18[%swap3A_764, %swap3A_765], %add3A_762 {strides = array<i32>} : memref<10x128xi32, #tpu.memory_space<vmem>>, vector<16xi32>,
      %add3A_767 = arith.constant 128 : i32
      %add3A_768 = arith.addi %mul3A_0, %add3A_767 : i32
      %add3A_769 = arith.constant 96 : i32
      %add3A_770 = arith.addi %add3A_768, %add3A_769 : i32
      %broadcast_in_dim3A_771 = vector.broadcast %add3A_770 : i32 to vector<16xi32>
      %iota3A_772 = tpu.iota {dimensions = array<i32: 0>} : vector<16xi32>
      %add3A_773 = arith.addi %broadcast_in_dim3A_771, %iota3A_772 : vector<16xi32>
      %get3A_774 = arith.index_cast %add3A_770 : i32 to index
      %get3A_775 = tpu.vector_load %arg13[%get3A_774] {strides = array<i32>} : memref<10240xf32, #tpu.memory_space<vmem>>, vector<16xf32>,
      %gather3A_776 = tpu.vector_load_idx %arg14[%add3A_773] : memref<10240xi32, #tpu.memory_space<vmem>>[vector<16xi32>], vector<16xi32>,
      %swap3A_777 = arith.constant 0 : i32
      %swap3A_778 = arith.index_cast %swap3A_777 : i32 to index
      %swap3A_779 = arith.constant 96 : index
      %swap3A_780 = tpu.vector_load %arg19[%swap3A_778, %swap3A_779] {strides = array<i32>} : memref<10x128xf32, #tpu.memory_space<vmem>>, vector<16xf32>,
      tpu.vector_store %arg19[%swap3A_778, %swap3A_779], %get3A_775 {strides = array<i32>} : memref<10x128xf32, #tpu.memory_space<vmem>>, vector<16xf32>,
      %mul3A_781 = arith.constant 10240 : i32
      %mul3A_782 = vector.broadcast %mul3A_781 : i32 to vector<16xi32>
      %mul3A_783 = arith.muli %gather3A_776, %mul3A_782 : vector<16xi32>
      %add3A_784 = arith.addi %mul3A_783, %add3A_773 : vector<16xi32>
      %swap3A_785 = arith.constant 0 : i32
      %swap3A_786 = arith.index_cast %swap3A_785 : i32 to index
      %swap3A_787 = arith.constant 96 : index
      %swap3A_788 = tpu.vector_load %arg18[%swap3A_786, %swap3A_787] {strides = array<i32>} : memref<10x128xi32, #tpu.memory_space<vmem>>, vector<16xi32>,
      tpu.vector_store %arg18[%swap3A_786, %swap3A_787], %add3A_784 {strides = array<i32>} : memref<10x128xi32, #tpu.memory_space<vmem>>, vector<16xi32>,
      %add3A_789 = arith.constant 128 : i32
      %add3A_790 = arith.addi %mul3A_0, %add3A_789 : i32
      %add3A_791 = arith.constant 112 : i32
      %add3A_792 = arith.addi %add3A_790, %add3A_791 : i32
      %broadcast_in_dim3A_793 = vector.broadcast %add3A_792 : i32 to vector<16xi32>
      %iota3A_794 = tpu.iota {dimensions = array<i32: 0>} : vector<16xi32>
      %add3A_795 = arith.addi %broadcast_in_dim3A_793, %iota3A_794 : vector<16xi32>
      %get3A_796 = arith.index_cast %add3A_792 : i32 to index
      %get3A_797 = tpu.vector_load %arg13[%get3A_796] {strides = array<i32>} : memref<10240xf32, #tpu.memory_space<vmem>>, vector<16xf32>,
      %gather3A_798 = tpu.vector_load_idx %arg14[%add3A_795] : memref<10240xi32, #tpu.memory_space<vmem>>[vector<16xi32>], vector<16xi32>,
      %swap3A_799 = arith.constant 0 : i32
      %swap3A_800 = arith.index_cast %swap3A_799 : i32 to index
      %swap3A_801 = arith.constant 112 : index
      %swap3A_802 = tpu.vector_load %arg19[%swap3A_800, %swap3A_801] {strides = array<i32>} : memref<10x128xf32, #tpu.memory_space<vmem>>, vector<16xf32>,
      tpu.vector_store %arg19[%swap3A_800, %swap3A_801], %get3A_797 {strides = array<i32>} : memref<10x128xf32, #tpu.memory_space<vmem>>, vector<16xf32>,
      %mul3A_803 = arith.constant 10240 : i32
      %mul3A_804 = vector.broadcast %mul3A_803 : i32 to vector<16xi32>
      %mul3A_805 = arith.muli %gather3A_798, %mul3A_804 : vector<16xi32>
      %add3A_806 = arith.addi %mul3A_805, %add3A_795 : vector<16xi32>
      %swap3A_807 = arith.constant 0 : i32
      %swap3A_808 = arith.index_cast %swap3A_807 : i32 to index
      %swap3A_809 = arith.constant 112 : index
      %swap3A_810 = tpu.vector_load %arg18[%swap3A_808, %swap3A_809] {strides = array<i32>} : memref<10x128xi32, #tpu.memory_space<vmem>>, vector<16xi32>,
      tpu.vector_store %arg18[%swap3A_808, %swap3A_809], %add3A_806 {strides = array<i32>} : memref<10x128xi32, #tpu.memory_space<vmem>>, vector<16xi32>,
      %run_scoped3A_811 = arith.constant 0 : i32
      %run_scoped3A_812 = arith.constant 0 : i32
      "tpu.region"() ({
        %run_scoped3A_991 = tpu.sem_alloc : memref<!tpu.dma_semaphore, #tpu.memory_space<semaphore_mem>>
        %dma_start3A_992 = arith.constant 0 : i32
        %dma_start3A_993 = tpu.memref_slice %arg19[%run_scoped3A_811, %dma_start3A_992] : memref<10x128xf32, #tpu.memory_space<vmem>> -> memref<1x128xf32, #tpu.memory_space<vmem>>
        %dma_start3A_994 = tpu.memref_squeeze %dma_start3A_993 : memref<1x128xf32, #tpu.memory_space<vmem>> -> memref<128xf32, #tpu.memory_space<vmem>>
        %dma_start3A_995 = arith.constant 0 : i32
        %dma_start3A_996 = tpu.memref_slice %arg18[%run_scoped3A_812, %dma_start3A_995] : memref<10x128xi32, #tpu.memory_space<vmem>> -> memref<1x128xi32, #tpu.memory_space<vmem>>
        %dma_start3A_997 = tpu.memref_squeeze %dma_start3A_996 : memref<1x128xi32, #tpu.memory_space<vmem>> -> memref<128xi32, #tpu.memory_space<vmem>>
        %dma_start3A_998 = arith.constant 0 : i32
        %dma_start3A_999 = tpu.memref_slice %arg7[%dma_start3A_998] : memref<665600xf32, #tpu.memory_space<vmem_shared>> -> memref<665600xf32, #tpu.memory_space<vmem_shared>>
        tpu.enqueue_indirect_dma source(%dma_start3A_994 : memref<128xf32, #tpu.memory_space<vmem>>) target(%dma_start3A_999 : memref<665600xf32, #tpu.memory_space<vmem_shared>>) offsets(%dma_start3A_997 : memref<128xi32, #tpu.memory_space<vmem>>) semaphore(%run_scoped3A_991 : memref<!tpu.dma_semaphore, #tpu.memory_space<semaphore_mem>>) {add = true}
        %dma_wait3A_1000 = arith.constant 0 : i32
        %dma_wait3A_1001 = tpu.memref_slice %arg19[%run_scoped3A_811, %dma_wait3A_1000] : memref<10x128xf32, #tpu.memory_space<vmem>> -> memref<1x128xf32, #tpu.memory_space<vmem>>
        %dma_wait3A_1002 = tpu.memref_squeeze %dma_wait3A_1001 : memref<1x128xf32, #tpu.memory_space<vmem>> -> memref<128xf32, #tpu.memory_space<vmem>>
        %dma_wait3A_1003 = arith.constant 0 : i32
        %dma_wait3A_1004 = tpu.memref_slice %arg18[%run_scoped3A_812, %dma_wait3A_1003] : memref<10x128xi32, #tpu.memory_space<vmem>> -> memref<1x128xi32, #tpu.memory_space<vmem>>
        %dma_wait3A_1005 = tpu.memref_squeeze %dma_wait3A_1004 : memref<1x128xi32, #tpu.memory_space<vmem>> -> memref<128xi32, #tpu.memory_space<vmem>>
        %dma_wait3A_1006 = arith.constant 0 : i32
        %dma_wait3A_1007 = tpu.memref_slice %arg7[%dma_wait3A_1006] : memref<665600xf32, #tpu.memory_space<vmem_shared>> -> memref<665600xf32, #tpu.memory_space<vmem_shared>>
        tpu.wait_indirect_dma semaphore(%run_scoped3A_991 : memref<!tpu.dma_semaphore, #tpu.memory_space<semaphore_mem>>) src(%dma_wait3A_1002 : memref<128xf32, #tpu.memory_space<vmem>>) dst(%dma_wait3A_1007 : memref<665600xf32, #tpu.memory_space<vmem_shared>>)
        tpu.yield
      }) : () -> ()
      %add3A_813 = arith.constant 256 : i32
      %add3A_814 = arith.addi %mul3A_0, %add3A_813 : i32
      %add3A_815 = arith.constant 0 : i32
      %add3A_816 = arith.addi %add3A_814, %add3A_815 : i32
      %broadcast_in_dim3A_817 = vector.broadcast %add3A_816 : i32 to vector<16xi32>
      %iota3A_818 = tpu.iota {dimensions = array<i32: 0>} : vector<16xi32>
      %add3A_819 = arith.addi %broadcast_in_dim3A_817, %iota3A_818 : vector<16xi32>
      %get3A_820 = arith.index_cast %add3A_816 : i32 to index
      %get3A_821 = tpu.vector_load %arg13[%get3A_820] {strides = array<i32>} : memref<10240xf32, #tpu.memory_space<vmem>>, vector<16xf32>,
      %gather3A_822 = tpu.vector_load_idx %arg14[%add3A_819] : memref<10240xi32, #tpu.memory_space<vmem>>[vector<16xi32>], vector<16xi32>,
      %swap3A_823 = arith.constant 0 : i32
      %swap3A_824 = arith.index_cast %swap3A_823 : i32 to index
      %swap3A_825 = arith.constant 0 : index
      %swap3A_826 = tpu.vector_load %arg19[%swap3A_824, %swap3A_825] {strides = array<i32>} : memref<10x128xf32, #tpu.memory_space<vmem>>, vector<16xf32>,
      tpu.vector_store %arg19[%swap3A_824, %swap3A_825], %get3A_821 {strides = array<i32>} : memref<10x128xf32, #tpu.memory_space<vmem>>, vector<16xf32>,
      %mul3A_827 = arith.constant 10240 : i32
      %mul3A_828 = vector.broadcast %mul3A_827 : i32 to vector<16xi32>
      %mul3A_829 = arith.muli %gather3A_822, %mul3A_828 : vector<16xi32>
      %add3A_830 = arith.addi %mul3A_829, %add3A_819 : vector<16xi32>
      %swap3A_831 = arith.constant 0 : i32
      %swap3A_832 = arith.index_cast %swap3A_831 : i32 to index
      %swap3A_833 = arith.constant 0 : index
      %swap3A_834 = tpu.vector_load %arg18[%swap3A_832, %swap3A_833] {strides = array<i32>} : memref<10x128xi32, #tpu.memory_space<vmem>>, vector<16xi32>,
      tpu.vector_store %arg18[%swap3A_832, %swap3A_833], %add3A_830 {strides = array<i32>} : memref<10x128xi32, #tpu.memory_space<vmem>>, vector<16xi32>,
      %add3A_835 = arith.constant 256 : i32
      %add3A_836 = arith.addi %mul3A_0, %add3A_835 : i32
      %add3A_837 = arith.constant 16 : i32
      %add3A_838 = arith.addi %add3A_836, %add3A_837 : i32
      %broadcast_in_dim3A_839 = vector.broadcast %add3A_838 : i32 to vector<16xi32>
      %iota3A_840 = tpu.iota {dimensions = array<i32: 0>} : vector<16xi32>
      %add3A_841 = arith.addi %broadcast_in_dim3A_839, %iota3A_840 : vector<16xi32>
      %get3A_842 = arith.index_cast %add3A_838 : i32 to index
      %get3A_843 = tpu.vector_load %arg13[%get3A_842] {strides = array<i32>} : memref<10240xf32, #tpu.memory_space<vmem>>, vector<16xf32>,
      %gather3A_844 = tpu.vector_load_idx %arg14[%add3A_841] : memref<10240xi32, #tpu.memory_space<vmem>>[vector<16xi32>], vector<16xi32>,
      %swap3A_845 = arith.constant 0 : i32
      %swap3A_846 = arith.index_cast %swap3A_845 : i32 to index
      %swap3A_847 = arith.constant 16 : index
      %swap3A_848 = tpu.vector_load %arg19[%swap3A_846, %swap3A_847] {strides = array<i32>} : memref<10x128xf32, #tpu.memory_space<vmem>>, vector<16xf32>,
      tpu.vector_store %arg19[%swap3A_846, %swap3A_847], %get3A_843 {strides = array<i32>} : memref<10x128xf32, #tpu.memory_space<vmem>>, vector<16xf32>,
      %mul3A_849 = arith.constant 10240 : i32
      %mul3A_850 = vector.broadcast %mul3A_849 : i32 to vector<16xi32>
      %mul3A_851 = arith.muli %gather3A_844, %mul3A_850 : vector<16xi32>
      %add3A_852 = arith.addi %mul3A_851, %add3A_841 : vector<16xi32>
      %swap3A_853 = arith.constant 0 : i32
      %swap3A_854 = arith.index_cast %swap3A_853 : i32 to index
      %swap3A_855 = arith.constant 16 : index
      %swap3A_856 = tpu.vector_load %arg18[%swap3A_854, %swap3A_855] {strides = array<i32>} : memref<10x128xi32, #tpu.memory_space<vmem>>, vector<16xi32>,
      tpu.vector_store %arg18[%swap3A_854, %swap3A_855], %add3A_852 {strides = array<i32>} : memref<10x128xi32, #tpu.memory_space<vmem>>, vector<16xi32>,
      %add3A_857 = arith.constant 256 : i32
      %add3A_858 = arith.addi %mul3A_0, %add3A_857 : i32
      %add3A_859 = arith.constant 32 : i32
      %add3A_860 = arith.addi %add3A_858, %add3A_859 : i32
      %broadcast_in_dim3A_861 = vector.broadcast %add3A_860 : i32 to vector<16xi32>
      %iota3A_862 = tpu.iota {dimensions = array<i32: 0>} : vector<16xi32>
      %add3A_863 = arith.addi %broadcast_in_dim3A_861, %iota3A_862 : vector<16xi32>
      %get3A_864 = arith.index_cast %add3A_860 : i32 to index
      %get3A_865 = tpu.vector_load %arg13[%get3A_864] {strides = array<i32>} : memref<10240xf32, #tpu.memory_space<vmem>>, vector<16xf32>,
      %gather3A_866 = tpu.vector_load_idx %arg14[%add3A_863] : memref<10240xi32, #tpu.memory_space<vmem>>[vector<16xi32>], vector<16xi32>,
      %swap3A_867 = arith.constant 0 : i32
      %swap3A_868 = arith.index_cast %swap3A_867 : i32 to index
      %swap3A_869 = arith.constant 32 : index
      %swap3A_870 = tpu.vector_load %arg19[%swap3A_868, %swap3A_869] {strides = array<i32>} : memref<10x128xf32, #tpu.memory_space<vmem>>, vector<16xf32>,
      tpu.vector_store %arg19[%swap3A_868, %swap3A_869], %get3A_865 {strides = array<i32>} : memref<10x128xf32, #tpu.memory_space<vmem>>, vector<16xf32>,
      %mul3A_871 = arith.constant 10240 : i32
      %mul3A_872 = vector.broadcast %mul3A_871 : i32 to vector<16xi32>
      %mul3A_873 = arith.muli %gather3A_866, %mul3A_872 : vector<16xi32>
      %add3A_874 = arith.addi %mul3A_873, %add3A_863 : vector<16xi32>
      %swap3A_875 = arith.constant 0 : i32
      %swap3A_876 = arith.index_cast %swap3A_875 : i32 to index
      %swap3A_877 = arith.constant 32 : index
      %swap3A_878 = tpu.vector_load %arg18[%swap3A_876, %swap3A_877] {strides = array<i32>} : memref<10x128xi32, #tpu.memory_space<vmem>>, vector<16xi32>,
      tpu.vector_store %arg18[%swap3A_876, %swap3A_877], %add3A_874 {strides = array<i32>} : memref<10x128xi32, #tpu.memory_space<vmem>>, vector<16xi32>,
      %add3A_879 = arith.constant 256 : i32
      %add3A_880 = arith.addi %mul3A_0, %add3A_879 : i32
      %add3A_881 = arith.constant 48 : i32
      %add3A_882 = arith.addi %add3A_880, %add3A_881 : i32
      %broadcast_in_dim3A_883 = vector.broadcast %add3A_882 : i32 to vector<16xi32>
      %iota3A_884 = tpu.iota {dimensions = array<i32: 0>} : vector<16xi32>
      %add3A_885 = arith.addi %broadcast_in_dim3A_883, %iota3A_884 : vector<16xi32>
      %get3A_886 = arith.index_cast %add3A_882 : i32 to index
      %get3A_887 = tpu.vector_load %arg13[%get3A_886] {strides = array<i32>} : memref<10240xf32, #tpu.memory_space<vmem>>, vector<16xf32>,
      %gather3A_888 = tpu.vector_load_idx %arg14[%add3A_885] : memref<10240xi32, #tpu.memory_space<vmem>>[vector<16xi32>], vector<16xi32>,
      %swap3A_889 = arith.constant 0 : i32
      %swap3A_890 = arith.index_cast %swap3A_889 : i32 to index
      %swap3A_891 = arith.constant 48 : index
      %swap3A_892 = tpu.vector_load %arg19[%swap3A_890, %swap3A_891] {strides = array<i32>} : memref<10x128xf32, #tpu.memory_space<vmem>>, vector<16xf32>,
      tpu.vector_store %arg19[%swap3A_890, %swap3A_891], %get3A_887 {strides = array<i32>} : memref<10x128xf32, #tpu.memory_space<vmem>>, vector<16xf32>,
      %mul3A_893 = arith.constant 10240 : i32
      %mul3A_894 = vector.broadcast %mul3A_893 : i32 to vector<16xi32>
      %mul3A_895 = arith.muli %gather3A_888, %mul3A_894 : vector<16xi32>
      %add3A_896 = arith.addi %mul3A_895, %add3A_885 : vector<16xi32>
      %swap3A_897 = arith.constant 0 : i32
      %swap3A_898 = arith.index_cast %swap3A_897 : i32 to index
      %swap3A_899 = arith.constant 48 : index
      %swap3A_900 = tpu.vector_load %arg18[%swap3A_898, %swap3A_899] {strides = array<i32>} : memref<10x128xi32, #tpu.memory_space<vmem>>, vector<16xi32>,
      tpu.vector_store %arg18[%swap3A_898, %swap3A_899], %add3A_896 {strides = array<i32>} : memref<10x128xi32, #tpu.memory_space<vmem>>, vector<16xi32>,
      %add3A_901 = arith.constant 256 : i32
      %add3A_902 = arith.addi %mul3A_0, %add3A_901 : i32
      %add3A_903 = arith.constant 64 : i32
      %add3A_904 = arith.addi %add3A_902, %add3A_903 : i32
      %broadcast_in_dim3A_905 = vector.broadcast %add3A_904 : i32 to vector<16xi32>
      %iota3A_906 = tpu.iota {dimensions = array<i32: 0>} : vector<16xi32>
      %add3A_907 = arith.addi %broadcast_in_dim3A_905, %iota3A_906 : vector<16xi32>
      %get3A_908 = arith.index_cast %add3A_904 : i32 to index
      %get3A_909 = tpu.vector_load %arg13[%get3A_908] {strides = array<i32>} : memref<10240xf32, #tpu.memory_space<vmem>>, vector<16xf32>,
      %gather3A_910 = tpu.vector_load_idx %arg14[%add3A_907] : memref<10240xi32, #tpu.memory_space<vmem>>[vector<16xi32>], vector<16xi32>,
      %swap3A_911 = arith.constant 0 : i32
      %swap3A_912 = arith.index_cast %swap3A_911 : i32 to index
      %swap3A_913 = arith.constant 64 : index
      %swap3A_914 = tpu.vector_load %arg19[%swap3A_912, %swap3A_913] {strides = array<i32>} : memref<10x128xf32, #tpu.memory_space<vmem>>, vector<16xf32>,
      tpu.vector_store %arg19[%swap3A_912, %swap3A_913], %get3A_909 {strides = array<i32>} : memref<10x128xf32, #tpu.memory_space<vmem>>, vector<16xf32>,
      %mul3A_915 = arith.constant 10240 : i32
      %mul3A_916 = vector.broadcast %mul3A_915 : i32 to vector<16xi32>
      %mul3A_917 = arith.muli %gather3A_910, %mul3A_916 : vector<16xi32>
      %add3A_918 = arith.addi %mul3A_917, %add3A_907 : vector<16xi32>
      %swap3A_919 = arith.constant 0 : i32
      %swap3A_920 = arith.index_cast %swap3A_919 : i32 to index
      %swap3A_921 = arith.constant 64 : index
      %swap3A_922 = tpu.vector_load %arg18[%swap3A_920, %swap3A_921] {strides = array<i32>} : memref<10x128xi32, #tpu.memory_space<vmem>>, vector<16xi32>,
      tpu.vector_store %arg18[%swap3A_920, %swap3A_921], %add3A_918 {strides = array<i32>} : memref<10x128xi32, #tpu.memory_space<vmem>>, vector<16xi32>,
      %add3A_923 = arith.constant 256 : i32
      %add3A_924 = arith.addi %mul3A_0, %add3A_923 : i32
      %add3A_925 = arith.constant 80 : i32
      %add3A_926 = arith.addi %add3A_924, %add3A_925 : i32
      %broadcast_in_dim3A_927 = vector.broadcast %add3A_926 : i32 to vector<16xi32>
      %iota3A_928 = tpu.iota {dimensions = array<i32: 0>} : vector<16xi32>
      %add3A_929 = arith.addi %broadcast_in_dim3A_927, %iota3A_928 : vector<16xi32>
      %get3A_930 = arith.index_cast %add3A_926 : i32 to index
      %get3A_931 = tpu.vector_load %arg13[%get3A_930] {strides = array<i32>} : memref<10240xf32, #tpu.memory_space<vmem>>, vector<16xf32>,
      %gather3A_932 = tpu.vector_load_idx %arg14[%add3A_929] : memref<10240xi32, #tpu.memory_space<vmem>>[vector<16xi32>], vector<16xi32>,
      %swap3A_933 = arith.constant 0 : i32
      %swap3A_934 = arith.index_cast %swap3A_933 : i32 to index
      %swap3A_935 = arith.constant 80 : index
      %swap3A_936 = tpu.vector_load %arg19[%swap3A_934, %swap3A_935] {strides = array<i32>} : memref<10x128xf32, #tpu.memory_space<vmem>>, vector<16xf32>,
      tpu.vector_store %arg19[%swap3A_934, %swap3A_935], %get3A_931 {strides = array<i32>} : memref<10x128xf32, #tpu.memory_space<vmem>>, vector<16xf32>,
      %mul3A_937 = arith.constant 10240 : i32
      %mul3A_938 = vector.broadcast %mul3A_937 : i32 to vector<16xi32>
      %mul3A_939 = arith.muli %gather3A_932, %mul3A_938 : vector<16xi32>
      %add3A_940 = arith.addi %mul3A_939, %add3A_929 : vector<16xi32>
      %swap3A_941 = arith.constant 0 : i32
      %swap3A_942 = arith.index_cast %swap3A_941 : i32 to index
      %swap3A_943 = arith.constant 80 : index
      %swap3A_944 = tpu.vector_load %arg18[%swap3A_942, %swap3A_943] {strides = array<i32>} : memref<10x128xi32, #tpu.memory_space<vmem>>, vector<16xi32>,
      tpu.vector_store %arg18[%swap3A_942, %swap3A_943], %add3A_940 {strides = array<i32>} : memref<10x128xi32, #tpu.memory_space<vmem>>, vector<16xi32>,
      %add3A_945 = arith.constant 256 : i32
      %add3A_946 = arith.addi %mul3A_0, %add3A_945 : i32
      %add3A_947 = arith.constant 96 : i32
      %add3A_948 = arith.addi %add3A_946, %add3A_947 : i32
      %broadcast_in_dim3A_949 = vector.broadcast %add3A_948 : i32 to vector<16xi32>
      %iota3A_950 = tpu.iota {dimensions = array<i32: 0>} : vector<16xi32>
      %add3A_951 = arith.addi %broadcast_in_dim3A_949, %iota3A_950 : vector<16xi32>
      %get3A_952 = arith.index_cast %add3A_948 : i32 to index
      %get3A_953 = tpu.vector_load %arg13[%get3A_952] {strides = array<i32>} : memref<10240xf32, #tpu.memory_space<vmem>>, vector<16xf32>,
      %gather3A_954 = tpu.vector_load_idx %arg14[%add3A_951] : memref<10240xi32, #tpu.memory_space<vmem>>[vector<16xi32>], vector<16xi32>,
      %swap3A_955 = arith.constant 0 : i32
      %swap3A_956 = arith.index_cast %swap3A_955 : i32 to index
      %swap3A_957 = arith.constant 96 : index
      %swap3A_958 = tpu.vector_load %arg19[%swap3A_956, %swap3A_957] {strides = array<i32>} : memref<10x128xf32, #tpu.memory_space<vmem>>, vector<16xf32>,
      tpu.vector_store %arg19[%swap3A_956, %swap3A_957], %get3A_953 {strides = array<i32>} : memref<10x128xf32, #tpu.memory_space<vmem>>, vector<16xf32>,
      %mul3A_959 = arith.constant 10240 : i32
      %mul3A_960 = vector.broadcast %mul3A_959 : i32 to vector<16xi32>
      %mul3A_961 = arith.muli %gather3A_954, %mul3A_960 : vector<16xi32>
      %add3A_962 = arith.addi %mul3A_961, %add3A_951 : vector<16xi32>
      %swap3A_963 = arith.constant 0 : i32
      %swap3A_964 = arith.index_cast %swap3A_963 : i32 to index
      %swap3A_965 = arith.constant 96 : index
      %swap3A_966 = tpu.vector_load %arg18[%swap3A_964, %swap3A_965] {strides = array<i32>} : memref<10x128xi32, #tpu.memory_space<vmem>>, vector<16xi32>,
      tpu.vector_store %arg18[%swap3A_964, %swap3A_965], %add3A_962 {strides = array<i32>} : memref<10x128xi32, #tpu.memory_space<vmem>>, vector<16xi32>,
      %add3A_967 = arith.constant 256 : i32
      %add3A_968 = arith.addi %mul3A_0, %add3A_967 : i32
      %add3A_969 = arith.constant 112 : i32
      %add3A_970 = arith.addi %add3A_968, %add3A_969 : i32
      %broadcast_in_dim3A_971 = vector.broadcast %add3A_970 : i32 to vector<16xi32>
      %iota3A_972 = tpu.iota {dimensions = array<i32: 0>} : vector<16xi32>
      %add3A_973 = arith.addi %broadcast_in_dim3A_971, %iota3A_972 : vector<16xi32>
      %get3A_974 = arith.index_cast %add3A_970 : i32 to index
      %get3A_975 = tpu.vector_load %arg13[%get3A_974] {strides = array<i32>} : memref<10240xf32, #tpu.memory_space<vmem>>, vector<16xf32>,
      %gather3A_976 = tpu.vector_load_idx %arg14[%add3A_973] : memref<10240xi32, #tpu.memory_space<vmem>>[vector<16xi32>], vector<16xi32>,
      %swap3A_977 = arith.constant 0 : i32
      %swap3A_978 = arith.index_cast %swap3A_977 : i32 to index
      %swap3A_979 = arith.constant 112 : index
      %swap3A_980 = tpu.vector_load %arg19[%swap3A_978, %swap3A_979] {strides = array<i32>} : memref<10x128xf32, #tpu.memory_space<vmem>>, vector<16xf32>,
      tpu.vector_store %arg19[%swap3A_978, %swap3A_979], %get3A_975 {strides = array<i32>} : memref<10x128xf32, #tpu.memory_space<vmem>>, vector<16xf32>,
      %mul3A_981 = arith.constant 10240 : i32
      %mul3A_982 = vector.broadcast %mul3A_981 : i32 to vector<16xi32>
      %mul3A_983 = arith.muli %gather3A_976, %mul3A_982 : vector<16xi32>
      %add3A_984 = arith.addi %mul3A_983, %add3A_973 : vector<16xi32>
      %swap3A_985 = arith.constant 0 : i32
      %swap3A_986 = arith.index_cast %swap3A_985 : i32 to index
      %swap3A_987 = arith.constant 112 : index
      %swap3A_988 = tpu.vector_load %arg18[%swap3A_986, %swap3A_987] {strides = array<i32>} : memref<10x128xi32, #tpu.memory_space<vmem>>, vector<16xi32>,
      tpu.vector_store %arg18[%swap3A_986, %swap3A_987], %add3A_984 {strides = array<i32>} : memref<10x128xi32, #tpu.memory_space<vmem>>, vector<16xi32>,
      %run_scoped3A_989 = arith.constant 0 : i32
      %run_scoped3A_990 = arith.constant 0 : i32
      "tpu.region"() ({
        %run_scoped3A_991 = tpu.sem_alloc : memref<!tpu.dma_semaphore, #tpu.memory_space<semaphore_mem>>
        %dma_start3A_992 = arith.constant 0 : i32
        %dma_start3A_993 = tpu.memref_slice %arg19[%run_scoped3A_989, %dma_start3A_992] : memref<10x128xf32, #tpu.memory_space<vmem>> -> memref<1x128xf32, #tpu.memory_space<vmem>>
        %dma_start3A_994 = tpu.memref_squeeze %dma_start3A_993 : memref<1x128xf32, #tpu.memory_space<vmem>> -> memref<128xf32, #tpu.memory_space<vmem>>
        %dma_start3A_995 = arith.constant 0 : i32
        %dma_start3A_996 = tpu.memref_slice %arg18[%run_scoped3A_990, %dma_start3A_995] : memref<10x128xi32, #tpu.memory_space<vmem>> -> memref<1x128xi32, #tpu.memory_space<vmem>>
        %dma_start3A_997 = tpu.memref_squeeze %dma_start3A_996 : memref<1x128xi32, #tpu.memory_space<vmem>> -> memref<128xi32, #tpu.memory_space<vmem>>
        %dma_start3A_998 = arith.constant 0 : i32
        %dma_start3A_999 = tpu.memref_slice %arg7[%dma_start3A_998] : memref<665600xf32, #tpu.memory_space<vmem_shared>> -> memref<665600xf32, #tpu.memory_space<vmem_shared>>
        tpu.enqueue_indirect_dma source(%dma_start3A_994 : memref<128xf32, #tpu.memory_space<vmem>>) target(%dma_start3A_999 : memref<665600xf32, #tpu.memory_space<vmem_shared>>) offsets(%dma_start3A_997 : memref<128xi32, #tpu.memory_space<vmem>>) semaphore(%run_scoped3A_991 : memref<!tpu.dma_semaphore, #tpu.memory_space<semaphore_mem>>) {add = true}
        %dma_wait3A_1000 = arith.constant 0 : i32
        %dma_wait3A_1001 = tpu.memref_slice %arg19[%run_scoped3A_989, %dma_wait3A_1000] : memref<10x128xf32, #tpu.memory_space<vmem>> -> memref<1x128xf32, #tpu.memory_space<vmem>>
        %dma_wait3A_1002 = tpu.memref_squeeze %dma_wait3A_1001 : memref<1x128xf32, #tpu.memory_space<vmem>> -> memref<128xf32, #tpu.memory_space<vmem>>
        %dma_wait3A_1003 = arith.constant 0 : i32
        %dma_wait3A_1004 = tpu.memref_slice %arg18[%run_scoped3A_990, %dma_wait3A_1003] : memref<10x128xi32, #tpu.memory_space<vmem>> -> memref<1x128xi32, #tpu.memory_space<vmem>>
        %dma_wait3A_1005 = tpu.memref_squeeze %dma_wait3A_1004 : memref<1x128xi32, #tpu.memory_space<vmem>> -> memref<128xi32, #tpu.memory_space<vmem>>
        %dma_wait3A_1006 = arith.constant 0 : i32
        %dma_wait3A_1007 = tpu.memref_slice %arg7[%dma_wait3A_1006] : memref<665600xf32, #tpu.memory_space<vmem_shared>> -> memref<665600xf32, #tpu.memory_space<vmem_shared>>
        tpu.wait_indirect_dma semaphore(%run_scoped3A_991 : memref<!tpu.dma_semaphore, #tpu.memory_space<semaphore_mem>>) src(%dma_wait3A_1002 : memref<128xf32, #tpu.memory_space<vmem>>) dst(%dma_wait3A_1007 : memref<665600xf32, #tpu.memory_space<vmem_shared>>)
        tpu.yield
      }) : () -> ()
    } else {
    }
    %eq3A_448 = arith.constant 1 : i32
    %eq3A_449 = arith.cmpi eq, %arg0, %eq3A_448 : i32
    %convert_element_type3A_450 = arith.extui %eq3A_449 : i1 to i32
    %cond3A_451 = arith.constant 0 : i32
    %cond3A_452 = arith.cmpi ne, %convert_element_type3A_450, %cond3A_451 : i32
    scf.if %cond3A_452 {
      %add3A_458 = arith.constant 384 : i32
      %add3A_459 = arith.addi %mul3A_0, %add3A_458 : i32
      %add3A_460 = arith.constant 0 : i32
      %add3A_461 = arith.addi %add3A_459, %add3A_460 : i32
      %broadcast_in_dim3A_462 = vector.broadcast %add3A_461 : i32 to vector<16xi32>
      %iota3A = tpu.iota {dimensions = array<i32: 0>} : vector<16xi32>
      %add3A_463 = arith.addi %broadcast_in_dim3A_462, %iota3A : vector<16xi32>
      %get3A_464 = arith.index_cast %add3A_461 : i32 to index
      %get3A_465 = tpu.vector_load %arg13[%get3A_464] {strides = array<i32>} : memref<10240xf32, #tpu.memory_space<vmem>>, vector<16xf32>,
      %gather3A_466 = tpu.vector_load_idx %arg14[%add3A_463] : memref<10240xi32, #tpu.memory_space<vmem>>[vector<16xi32>], vector<16xi32>,
      %swap3A_467 = arith.constant 0 : i32
      %swap3A_468 = arith.index_cast %swap3A_467 : i32 to index
      %swap3A_469 = arith.constant 0 : index
      %swap3A_470 = tpu.vector_load %arg19[%swap3A_468, %swap3A_469] {strides = array<i32>} : memref<10x128xf32, #tpu.memory_space<vmem>>, vector<16xf32>,
      tpu.vector_store %arg19[%swap3A_468, %swap3A_469], %get3A_465 {strides = array<i32>} : memref<10x128xf32, #tpu.memory_space<vmem>>, vector<16xf32>,
      %mul3A_471 = arith.constant 10240 : i32
      %mul3A_472 = vector.broadcast %mul3A_471 : i32 to vector<16xi32>
      %mul3A_473 = arith.muli %gather3A_466, %mul3A_472 : vector<16xi32>
      %add3A_474 = arith.addi %mul3A_473, %add3A_463 : vector<16xi32>
      %swap3A_475 = arith.constant 0 : i32
      %swap3A_476 = arith.index_cast %swap3A_475 : i32 to index
      %swap3A_477 = arith.constant 0 : index
      %swap3A_478 = tpu.vector_load %arg18[%swap3A_476, %swap3A_477] {strides = array<i32>} : memref<10x128xi32, #tpu.memory_space<vmem>>, vector<16xi32>,
      tpu.vector_store %arg18[%swap3A_476, %swap3A_477], %add3A_474 {strides = array<i32>} : memref<10x128xi32, #tpu.memory_space<vmem>>, vector<16xi32>,
      %add3A_479 = arith.constant 384 : i32
      %add3A_480 = arith.addi %mul3A_0, %add3A_479 : i32
      %add3A_481 = arith.constant 16 : i32
      %add3A_482 = arith.addi %add3A_480, %add3A_481 : i32
      %broadcast_in_dim3A_483 = vector.broadcast %add3A_482 : i32 to vector<16xi32>
      %iota3A_484 = tpu.iota {dimensions = array<i32: 0>} : vector<16xi32>
      %add3A_485 = arith.addi %broadcast_in_dim3A_483, %iota3A_484 : vector<16xi32>
      %get3A_486 = arith.index_cast %add3A_482 : i32 to index
      %get3A_487 = tpu.vector_load %arg13[%get3A_486] {strides = array<i32>} : memref<10240xf32, #tpu.memory_space<vmem>>, vector<16xf32>,
      %gather3A_488 = tpu.vector_load_idx %arg14[%add3A_485] : memref<10240xi32, #tpu.memory_space<vmem>>[vector<16xi32>], vector<16xi32>,
      %swap3A_489 = arith.constant 0 : i32
      %swap3A_490 = arith.index_cast %swap3A_489 : i32 to index
      %swap3A_491 = arith.constant 16 : index
      %swap3A_492 = tpu.vector_load %arg19[%swap3A_490, %swap3A_491] {strides = array<i32>} : memref<10x128xf32, #tpu.memory_space<vmem>>, vector<16xf32>,
      tpu.vector_store %arg19[%swap3A_490, %swap3A_491], %get3A_487 {strides = array<i32>} : memref<10x128xf32, #tpu.memory_space<vmem>>, vector<16xf32>,
      %mul3A_493 = arith.constant 10240 : i32
      %mul3A_494 = vector.broadcast %mul3A_493 : i32 to vector<16xi32>
      %mul3A_495 = arith.muli %gather3A_488, %mul3A_494 : vector<16xi32>
      %add3A_496 = arith.addi %mul3A_495, %add3A_485 : vector<16xi32>
      %swap3A_497 = arith.constant 0 : i32
      %swap3A_498 = arith.index_cast %swap3A_497 : i32 to index
      %swap3A_499 = arith.constant 16 : index
      %swap3A_500 = tpu.vector_load %arg18[%swap3A_498, %swap3A_499] {strides = array<i32>} : memref<10x128xi32, #tpu.memory_space<vmem>>, vector<16xi32>,
      tpu.vector_store %arg18[%swap3A_498, %swap3A_499], %add3A_496 {strides = array<i32>} : memref<10x128xi32, #tpu.memory_space<vmem>>, vector<16xi32>,
      %add3A_501 = arith.constant 384 : i32
      %add3A_502 = arith.addi %mul3A_0, %add3A_501 : i32
      %add3A_503 = arith.constant 32 : i32
      %add3A_504 = arith.addi %add3A_502, %add3A_503 : i32
      %broadcast_in_dim3A_505 = vector.broadcast %add3A_504 : i32 to vector<16xi32>
      %iota3A_506 = tpu.iota {dimensions = array<i32: 0>} : vector<16xi32>
      %add3A_507 = arith.addi %broadcast_in_dim3A_505, %iota3A_506 : vector<16xi32>
      %get3A_508 = arith.index_cast %add3A_504 : i32 to index
      %get3A_509 = tpu.vector_load %arg13[%get3A_508] {strides = array<i32>} : memref<10240xf32, #tpu.memory_space<vmem>>, vector<16xf32>,
      %gather3A_510 = tpu.vector_load_idx %arg14[%add3A_507] : memref<10240xi32, #tpu.memory_space<vmem>>[vector<16xi32>], vector<16xi32>,
      %swap3A_511 = arith.constant 0 : i32
      %swap3A_512 = arith.index_cast %swap3A_511 : i32 to index
      %swap3A_513 = arith.constant 32 : index
      %swap3A_514 = tpu.vector_load %arg19[%swap3A_512, %swap3A_513] {strides = array<i32>} : memref<10x128xf32, #tpu.memory_space<vmem>>, vector<16xf32>,
      tpu.vector_store %arg19[%swap3A_512, %swap3A_513], %get3A_509 {strides = array<i32>} : memref<10x128xf32, #tpu.memory_space<vmem>>, vector<16xf32>,
      %mul3A_515 = arith.constant 10240 : i32
      %mul3A_516 = vector.broadcast %mul3A_515 : i32 to vector<16xi32>
      %mul3A_517 = arith.muli %gather3A_510, %mul3A_516 : vector<16xi32>
      %add3A_518 = arith.addi %mul3A_517, %add3A_507 : vector<16xi32>
      %swap3A_519 = arith.constant 0 : i32
      %swap3A_520 = arith.index_cast %swap3A_519 : i32 to index
      %swap3A_521 = arith.constant 32 : index
      %swap3A_522 = tpu.vector_load %arg18[%swap3A_520, %swap3A_521] {strides = array<i32>} : memref<10x128xi32, #tpu.memory_space<vmem>>, vector<16xi32>,
      tpu.vector_store %arg18[%swap3A_520, %swap3A_521], %add3A_518 {strides = array<i32>} : memref<10x128xi32, #tpu.memory_space<vmem>>, vector<16xi32>,
      %add3A_523 = arith.constant 384 : i32
      %add3A_524 = arith.addi %mul3A_0, %add3A_523 : i32
      %add3A_525 = arith.constant 48 : i32
      %add3A_526 = arith.addi %add3A_524, %add3A_525 : i32
      %broadcast_in_dim3A_527 = vector.broadcast %add3A_526 : i32 to vector<16xi32>
      %iota3A_528 = tpu.iota {dimensions = array<i32: 0>} : vector<16xi32>
      %add3A_529 = arith.addi %broadcast_in_dim3A_527, %iota3A_528 : vector<16xi32>
      %get3A_530 = arith.index_cast %add3A_526 : i32 to index
      %get3A_531 = tpu.vector_load %arg13[%get3A_530] {strides = array<i32>} : memref<10240xf32, #tpu.memory_space<vmem>>, vector<16xf32>,
      %gather3A_532 = tpu.vector_load_idx %arg14[%add3A_529] : memref<10240xi32, #tpu.memory_space<vmem>>[vector<16xi32>], vector<16xi32>,
      %swap3A_533 = arith.constant 0 : i32
      %swap3A_534 = arith.index_cast %swap3A_533 : i32 to index
      %swap3A_535 = arith.constant 48 : index
      %swap3A_536 = tpu.vector_load %arg19[%swap3A_534, %swap3A_535] {strides = array<i32>} : memref<10x128xf32, #tpu.memory_space<vmem>>, vector<16xf32>,
      tpu.vector_store %arg19[%swap3A_534, %swap3A_535], %get3A_531 {strides = array<i32>} : memref<10x128xf32, #tpu.memory_space<vmem>>, vector<16xf32>,
      %mul3A_537 = arith.constant 10240 : i32
      %mul3A_538 = vector.broadcast %mul3A_537 : i32 to vector<16xi32>
      %mul3A_539 = arith.muli %gather3A_532, %mul3A_538 : vector<16xi32>
      %add3A_540 = arith.addi %mul3A_539, %add3A_529 : vector<16xi32>
      %swap3A_541 = arith.constant 0 : i32
      %swap3A_542 = arith.index_cast %swap3A_541 : i32 to index
      %swap3A_543 = arith.constant 48 : index
      %swap3A_544 = tpu.vector_load %arg18[%swap3A_542, %swap3A_543] {strides = array<i32>} : memref<10x128xi32, #tpu.memory_space<vmem>>, vector<16xi32>,
      tpu.vector_store %arg18[%swap3A_542, %swap3A_543], %add3A_540 {strides = array<i32>} : memref<10x128xi32, #tpu.memory_space<vmem>>, vector<16xi32>,
      %add3A_545 = arith.constant 384 : i32
      %add3A_546 = arith.addi %mul3A_0, %add3A_545 : i32
      %add3A_547 = arith.constant 64 : i32
      %add3A_548 = arith.addi %add3A_546, %add3A_547 : i32
      %broadcast_in_dim3A_549 = vector.broadcast %add3A_548 : i32 to vector<16xi32>
      %iota3A_550 = tpu.iota {dimensions = array<i32: 0>} : vector<16xi32>
      %add3A_551 = arith.addi %broadcast_in_dim3A_549, %iota3A_550 : vector<16xi32>
      %get3A_552 = arith.index_cast %add3A_548 : i32 to index
      %get3A_553 = tpu.vector_load %arg13[%get3A_552] {strides = array<i32>} : memref<10240xf32, #tpu.memory_space<vmem>>, vector<16xf32>,
      %gather3A_554 = tpu.vector_load_idx %arg14[%add3A_551] : memref<10240xi32, #tpu.memory_space<vmem>>[vector<16xi32>], vector<16xi32>,
      %swap3A_555 = arith.constant 0 : i32
      %swap3A_556 = arith.index_cast %swap3A_555 : i32 to index
      %swap3A_557 = arith.constant 64 : index
      %swap3A_558 = tpu.vector_load %arg19[%swap3A_556, %swap3A_557] {strides = array<i32>} : memref<10x128xf32, #tpu.memory_space<vmem>>, vector<16xf32>,
      tpu.vector_store %arg19[%swap3A_556, %swap3A_557], %get3A_553 {strides = array<i32>} : memref<10x128xf32, #tpu.memory_space<vmem>>, vector<16xf32>,
      %mul3A_559 = arith.constant 10240 : i32
      %mul3A_560 = vector.broadcast %mul3A_559 : i32 to vector<16xi32>
      %mul3A_561 = arith.muli %gather3A_554, %mul3A_560 : vector<16xi32>
      %add3A_562 = arith.addi %mul3A_561, %add3A_551 : vector<16xi32>
      %swap3A_563 = arith.constant 0 : i32
      %swap3A_564 = arith.index_cast %swap3A_563 : i32 to index
      %swap3A_565 = arith.constant 64 : index
      %swap3A_566 = tpu.vector_load %arg18[%swap3A_564, %swap3A_565] {strides = array<i32>} : memref<10x128xi32, #tpu.memory_space<vmem>>, vector<16xi32>,
      tpu.vector_store %arg18[%swap3A_564, %swap3A_565], %add3A_562 {strides = array<i32>} : memref<10x128xi32, #tpu.memory_space<vmem>>, vector<16xi32>,
      %add3A_567 = arith.constant 384 : i32
      %add3A_568 = arith.addi %mul3A_0, %add3A_567 : i32
      %add3A_569 = arith.constant 80 : i32
      %add3A_570 = arith.addi %add3A_568, %add3A_569 : i32
      %broadcast_in_dim3A_571 = vector.broadcast %add3A_570 : i32 to vector<16xi32>
      %iota3A_572 = tpu.iota {dimensions = array<i32: 0>} : vector<16xi32>
      %add3A_573 = arith.addi %broadcast_in_dim3A_571, %iota3A_572 : vector<16xi32>
      %get3A_574 = arith.index_cast %add3A_570 : i32 to index
      %get3A_575 = tpu.vector_load %arg13[%get3A_574] {strides = array<i32>} : memref<10240xf32, #tpu.memory_space<vmem>>, vector<16xf32>,
      %gather3A_576 = tpu.vector_load_idx %arg14[%add3A_573] : memref<10240xi32, #tpu.memory_space<vmem>>[vector<16xi32>], vector<16xi32>,
      %swap3A_577 = arith.constant 0 : i32
      %swap3A_578 = arith.index_cast %swap3A_577 : i32 to index
      %swap3A_579 = arith.constant 80 : index
      %swap3A_580 = tpu.vector_load %arg19[%swap3A_578, %swap3A_579] {strides = array<i32>} : memref<10x128xf32, #tpu.memory_space<vmem>>, vector<16xf32>,
      tpu.vector_store %arg19[%swap3A_578, %swap3A_579], %get3A_575 {strides = array<i32>} : memref<10x128xf32, #tpu.memory_space<vmem>>, vector<16xf32>,
      %mul3A_581 = arith.constant 10240 : i32
      %mul3A_582 = vector.broadcast %mul3A_581 : i32 to vector<16xi32>
      %mul3A_583 = arith.muli %gather3A_576, %mul3A_582 : vector<16xi32>
      %add3A_584 = arith.addi %mul3A_583, %add3A_573 : vector<16xi32>
      %swap3A_585 = arith.constant 0 : i32
      %swap3A_586 = arith.index_cast %swap3A_585 : i32 to index
      %swap3A_587 = arith.constant 80 : index
      %swap3A_588 = tpu.vector_load %arg18[%swap3A_586, %swap3A_587] {strides = array<i32>} : memref<10x128xi32, #tpu.memory_space<vmem>>, vector<16xi32>,
      tpu.vector_store %arg18[%swap3A_586, %swap3A_587], %add3A_584 {strides = array<i32>} : memref<10x128xi32, #tpu.memory_space<vmem>>, vector<16xi32>,
      %add3A_589 = arith.constant 384 : i32
      %add3A_590 = arith.addi %mul3A_0, %add3A_589 : i32
      %add3A_591 = arith.constant 96 : i32
      %add3A_592 = arith.addi %add3A_590, %add3A_591 : i32
      %broadcast_in_dim3A_593 = vector.broadcast %add3A_592 : i32 to vector<16xi32>
      %iota3A_594 = tpu.iota {dimensions = array<i32: 0>} : vector<16xi32>
      %add3A_595 = arith.addi %broadcast_in_dim3A_593, %iota3A_594 : vector<16xi32>
      %get3A_596 = arith.index_cast %add3A_592 : i32 to index
      %get3A_597 = tpu.vector_load %arg13[%get3A_596] {strides = array<i32>} : memref<10240xf32, #tpu.memory_space<vmem>>, vector<16xf32>,
      %gather3A_598 = tpu.vector_load_idx %arg14[%add3A_595] : memref<10240xi32, #tpu.memory_space<vmem>>[vector<16xi32>], vector<16xi32>,
      %swap3A_599 = arith.constant 0 : i32
      %swap3A_600 = arith.index_cast %swap3A_599 : i32 to index
      %swap3A_601 = arith.constant 96 : index
      %swap3A_602 = tpu.vector_load %arg19[%swap3A_600, %swap3A_601] {strides = array<i32>} : memref<10x128xf32, #tpu.memory_space<vmem>>, vector<16xf32>,
      tpu.vector_store %arg19[%swap3A_600, %swap3A_601], %get3A_597 {strides = array<i32>} : memref<10x128xf32, #tpu.memory_space<vmem>>, vector<16xf32>,
      %mul3A_603 = arith.constant 10240 : i32
      %mul3A_604 = vector.broadcast %mul3A_603 : i32 to vector<16xi32>
      %mul3A_605 = arith.muli %gather3A_598, %mul3A_604 : vector<16xi32>
      %add3A_606 = arith.addi %mul3A_605, %add3A_595 : vector<16xi32>
      %swap3A_607 = arith.constant 0 : i32
      %swap3A_608 = arith.index_cast %swap3A_607 : i32 to index
      %swap3A_609 = arith.constant 96 : index
      %swap3A_610 = tpu.vector_load %arg18[%swap3A_608, %swap3A_609] {strides = array<i32>} : memref<10x128xi32, #tpu.memory_space<vmem>>, vector<16xi32>,
      tpu.vector_store %arg18[%swap3A_608, %swap3A_609], %add3A_606 {strides = array<i32>} : memref<10x128xi32, #tpu.memory_space<vmem>>, vector<16xi32>,
      %add3A_611 = arith.constant 384 : i32
      %add3A_612 = arith.addi %mul3A_0, %add3A_611 : i32
      %add3A_613 = arith.constant 112 : i32
      %add3A_614 = arith.addi %add3A_612, %add3A_613 : i32
      %broadcast_in_dim3A_615 = vector.broadcast %add3A_614 : i32 to vector<16xi32>
      %iota3A_616 = tpu.iota {dimensions = array<i32: 0>} : vector<16xi32>
      %add3A_617 = arith.addi %broadcast_in_dim3A_615, %iota3A_616 : vector<16xi32>
      %get3A_618 = arith.index_cast %add3A_614 : i32 to index
      %get3A_619 = tpu.vector_load %arg13[%get3A_618] {strides = array<i32>} : memref<10240xf32, #tpu.memory_space<vmem>>, vector<16xf32>,
      %gather3A_620 = tpu.vector_load_idx %arg14[%add3A_617] : memref<10240xi32, #tpu.memory_space<vmem>>[vector<16xi32>], vector<16xi32>,
      %swap3A_621 = arith.constant 0 : i32
      %swap3A_622 = arith.index_cast %swap3A_621 : i32 to index
      %swap3A_623 = arith.constant 112 : index
      %swap3A_624 = tpu.vector_load %arg19[%swap3A_622, %swap3A_623] {strides = array<i32>} : memref<10x128xf32, #tpu.memory_space<vmem>>, vector<16xf32>,
      tpu.vector_store %arg19[%swap3A_622, %swap3A_623], %get3A_619 {strides = array<i32>} : memref<10x128xf32, #tpu.memory_space<vmem>>, vector<16xf32>,
      %mul3A_625 = arith.constant 10240 : i32
      %mul3A_626 = vector.broadcast %mul3A_625 : i32 to vector<16xi32>
      %mul3A_627 = arith.muli %gather3A_620, %mul3A_626 : vector<16xi32>
      %add3A_628 = arith.addi %mul3A_627, %add3A_617 : vector<16xi32>
      %swap3A_629 = arith.constant 0 : i32
      %swap3A_630 = arith.index_cast %swap3A_629 : i32 to index
      %swap3A_631 = arith.constant 112 : index
      %swap3A_632 = tpu.vector_load %arg18[%swap3A_630, %swap3A_631] {strides = array<i32>} : memref<10x128xi32, #tpu.memory_space<vmem>>, vector<16xi32>,
      tpu.vector_store %arg18[%swap3A_630, %swap3A_631], %add3A_628 {strides = array<i32>} : memref<10x128xi32, #tpu.memory_space<vmem>>, vector<16xi32>,
      %run_scoped3A_633 = arith.constant 0 : i32
      %run_scoped3A_634 = arith.constant 0 : i32
      "tpu.region"() ({
        %run_scoped3A_813 = tpu.sem_alloc : memref<!tpu.dma_semaphore, #tpu.memory_space<semaphore_mem>>
        %dma_start3A_814 = arith.constant 0 : i32
        %dma_start3A_815 = tpu.memref_slice %arg19[%run_scoped3A_633, %dma_start3A_814] : memref<10x128xf32, #tpu.memory_space<vmem>> -> memref<1x128xf32, #tpu.memory_space<vmem>>
        %dma_start3A_816 = tpu.memref_squeeze %dma_start3A_815 : memref<1x128xf32, #tpu.memory_space<vmem>> -> memref<128xf32, #tpu.memory_space<vmem>>
        %dma_start3A_817 = arith.constant 0 : i32
        %dma_start3A_818 = tpu.memref_slice %arg18[%run_scoped3A_634, %dma_start3A_817] : memref<10x128xi32, #tpu.memory_space<vmem>> -> memref<1x128xi32, #tpu.memory_space<vmem>>
        %dma_start3A_819 = tpu.memref_squeeze %dma_start3A_818 : memref<1x128xi32, #tpu.memory_space<vmem>> -> memref<128xi32, #tpu.memory_space<vmem>>
        %dma_start3A_820 = arith.constant 0 : i32
        %dma_start3A_821 = tpu.memref_slice %arg7[%dma_start3A_820] : memref<665600xf32, #tpu.memory_space<vmem_shared>> -> memref<665600xf32, #tpu.memory_space<vmem_shared>>
        tpu.enqueue_indirect_dma source(%dma_start3A_816 : memref<128xf32, #tpu.memory_space<vmem>>) target(%dma_start3A_821 : memref<665600xf32, #tpu.memory_space<vmem_shared>>) offsets(%dma_start3A_819 : memref<128xi32, #tpu.memory_space<vmem>>) semaphore(%run_scoped3A_813 : memref<!tpu.dma_semaphore, #tpu.memory_space<semaphore_mem>>) {add = true}
        %dma_wait3A_822 = arith.constant 0 : i32
        %dma_wait3A_823 = tpu.memref_slice %arg19[%run_scoped3A_633, %dma_wait3A_822] : memref<10x128xf32, #tpu.memory_space<vmem>> -> memref<1x128xf32, #tpu.memory_space<vmem>>
        %dma_wait3A_824 = tpu.memref_squeeze %dma_wait3A_823 : memref<1x128xf32, #tpu.memory_space<vmem>> -> memref<128xf32, #tpu.memory_space<vmem>>
        %dma_wait3A_825 = arith.constant 0 : i32
        %dma_wait3A_826 = tpu.memref_slice %arg18[%run_scoped3A_634, %dma_wait3A_825] : memref<10x128xi32, #tpu.memory_space<vmem>> -> memref<1x128xi32, #tpu.memory_space<vmem>>
        %dma_wait3A_827 = tpu.memref_squeeze %dma_wait3A_826 : memref<1x128xi32, #tpu.memory_space<vmem>> -> memref<128xi32, #tpu.memory_space<vmem>>
        %dma_wait3A_828 = arith.constant 0 : i32
        %dma_wait3A_829 = tpu.memref_slice %arg7[%dma_wait3A_828] : memref<665600xf32, #tpu.memory_space<vmem_shared>> -> memref<665600xf32, #tpu.memory_space<vmem_shared>>
        tpu.wait_indirect_dma semaphore(%run_scoped3A_813 : memref<!tpu.dma_semaphore, #tpu.memory_space<semaphore_mem>>) src(%dma_wait3A_824 : memref<128xf32, #tpu.memory_space<vmem>>) dst(%dma_wait3A_829 : memref<665600xf32, #tpu.memory_space<vmem_shared>>)
        tpu.yield
      }) : () -> ()
      %add3A_635 = arith.constant 512 : i32
      %add3A_636 = arith.addi %mul3A_0, %add3A_635 : i32
      %add3A_637 = arith.constant 0 : i32
      %add3A_638 = arith.addi %add3A_636, %add3A_637 : i32
      %broadcast_in_dim3A_639 = vector.broadcast %add3A_638 : i32 to vector<16xi32>
      %iota3A_640 = tpu.iota {dimensions = array<i32: 0>} : vector<16xi32>
      %add3A_641 = arith.addi %broadcast_in_dim3A_639, %iota3A_640 : vector<16xi32>
      %get3A_642 = arith.index_cast %add3A_638 : i32 to index
      %get3A_643 = tpu.vector_load %arg13[%get3A_642] {strides = array<i32>} : memref<10240xf32, #tpu.memory_space<vmem>>, vector<16xf32>,
      %gather3A_644 = tpu.vector_load_idx %arg14[%add3A_641] : memref<10240xi32, #tpu.memory_space<vmem>>[vector<16xi32>], vector<16xi32>,
      %swap3A_645 = arith.constant 0 : i32
      %swap3A_646 = arith.index_cast %swap3A_645 : i32 to index
      %swap3A_647 = arith.constant 0 : index
      %swap3A_648 = tpu.vector_load %arg19[%swap3A_646, %swap3A_647] {strides = array<i32>} : memref<10x128xf32, #tpu.memory_space<vmem>>, vector<16xf32>,
      tpu.vector_store %arg19[%swap3A_646, %swap3A_647], %get3A_643 {strides = array<i32>} : memref<10x128xf32, #tpu.memory_space<vmem>>, vector<16xf32>,
      %mul3A_649 = arith.constant 10240 : i32
      %mul3A_650 = vector.broadcast %mul3A_649 : i32 to vector<16xi32>
      %mul3A_651 = arith.muli %gather3A_644, %mul3A_650 : vector<16xi32>
      %add3A_652 = arith.addi %mul3A_651, %add3A_641 : vector<16xi32>
      %swap3A_653 = arith.constant 0 : i32
      %swap3A_654 = arith.index_cast %swap3A_653 : i32 to index
      %swap3A_655 = arith.constant 0 : index
      %swap3A_656 = tpu.vector_load %arg18[%swap3A_654, %swap3A_655] {strides = array<i32>} : memref<10x128xi32, #tpu.memory_space<vmem>>, vector<16xi32>,
      tpu.vector_store %arg18[%swap3A_654, %swap3A_655], %add3A_652 {strides = array<i32>} : memref<10x128xi32, #tpu.memory_space<vmem>>, vector<16xi32>,
      %add3A_657 = arith.constant 512 : i32
      %add3A_658 = arith.addi %mul3A_0, %add3A_657 : i32
      %add3A_659 = arith.constant 16 : i32
      %add3A_660 = arith.addi %add3A_658, %add3A_659 : i32
      %broadcast_in_dim3A_661 = vector.broadcast %add3A_660 : i32 to vector<16xi32>
      %iota3A_662 = tpu.iota {dimensions = array<i32: 0>} : vector<16xi32>
      %add3A_663 = arith.addi %broadcast_in_dim3A_661, %iota3A_662 : vector<16xi32>
      %get3A_664 = arith.index_cast %add3A_660 : i32 to index
      %get3A_665 = tpu.vector_load %arg13[%get3A_664] {strides = array<i32>} : memref<10240xf32, #tpu.memory_space<vmem>>, vector<16xf32>,
      %gather3A_666 = tpu.vector_load_idx %arg14[%add3A_663] : memref<10240xi32, #tpu.memory_space<vmem>>[vector<16xi32>], vector<16xi32>,
      %swap3A_667 = arith.constant 0 : i32
      %swap3A_668 = arith.index_cast %swap3A_667 : i32 to index
      %swap3A_669 = arith.constant 16 : index
      %swap3A_670 = tpu.vector_load %arg19[%swap3A_668, %swap3A_669] {strides = array<i32>} : memref<10x128xf32, #tpu.memory_space<vmem>>, vector<16xf32>,
      tpu.vector_store %arg19[%swap3A_668, %swap3A_669], %get3A_665 {strides = array<i32>} : memref<10x128xf32, #tpu.memory_space<vmem>>, vector<16xf32>,
      %mul3A_671 = arith.constant 10240 : i32
      %mul3A_672 = vector.broadcast %mul3A_671 : i32 to vector<16xi32>
      %mul3A_673 = arith.muli %gather3A_666, %mul3A_672 : vector<16xi32>
      %add3A_674 = arith.addi %mul3A_673, %add3A_663 : vector<16xi32>
      %swap3A_675 = arith.constant 0 : i32
      %swap3A_676 = arith.index_cast %swap3A_675 : i32 to index
      %swap3A_677 = arith.constant 16 : index
      %swap3A_678 = tpu.vector_load %arg18[%swap3A_676, %swap3A_677] {strides = array<i32>} : memref<10x128xi32, #tpu.memory_space<vmem>>, vector<16xi32>,
      tpu.vector_store %arg18[%swap3A_676, %swap3A_677], %add3A_674 {strides = array<i32>} : memref<10x128xi32, #tpu.memory_space<vmem>>, vector<16xi32>,
      %add3A_679 = arith.constant 512 : i32
      %add3A_680 = arith.addi %mul3A_0, %add3A_679 : i32
      %add3A_681 = arith.constant 32 : i32
      %add3A_682 = arith.addi %add3A_680, %add3A_681 : i32
      %broadcast_in_dim3A_683 = vector.broadcast %add3A_682 : i32 to vector<16xi32>
      %iota3A_684 = tpu.iota {dimensions = array<i32: 0>} : vector<16xi32>
      %add3A_685 = arith.addi %broadcast_in_dim3A_683, %iota3A_684 : vector<16xi32>
      %get3A_686 = arith.index_cast %add3A_682 : i32 to index
      %get3A_687 = tpu.vector_load %arg13[%get3A_686] {strides = array<i32>} : memref<10240xf32, #tpu.memory_space<vmem>>, vector<16xf32>,
      %gather3A_688 = tpu.vector_load_idx %arg14[%add3A_685] : memref<10240xi32, #tpu.memory_space<vmem>>[vector<16xi32>], vector<16xi32>,
      %swap3A_689 = arith.constant 0 : i32
      %swap3A_690 = arith.index_cast %swap3A_689 : i32 to index
      %swap3A_691 = arith.constant 32 : index
      %swap3A_692 = tpu.vector_load %arg19[%swap3A_690, %swap3A_691] {strides = array<i32>} : memref<10x128xf32, #tpu.memory_space<vmem>>, vector<16xf32>,
      tpu.vector_store %arg19[%swap3A_690, %swap3A_691], %get3A_687 {strides = array<i32>} : memref<10x128xf32, #tpu.memory_space<vmem>>, vector<16xf32>,
      %mul3A_693 = arith.constant 10240 : i32
      %mul3A_694 = vector.broadcast %mul3A_693 : i32 to vector<16xi32>
      %mul3A_695 = arith.muli %gather3A_688, %mul3A_694 : vector<16xi32>
      %add3A_696 = arith.addi %mul3A_695, %add3A_685 : vector<16xi32>
      %swap3A_697 = arith.constant 0 : i32
      %swap3A_698 = arith.index_cast %swap3A_697 : i32 to index
      %swap3A_699 = arith.constant 32 : index
      %swap3A_700 = tpu.vector_load %arg18[%swap3A_698, %swap3A_699] {strides = array<i32>} : memref<10x128xi32, #tpu.memory_space<vmem>>, vector<16xi32>,
      tpu.vector_store %arg18[%swap3A_698, %swap3A_699], %add3A_696 {strides = array<i32>} : memref<10x128xi32, #tpu.memory_space<vmem>>, vector<16xi32>,
      %add3A_701 = arith.constant 512 : i32
      %add3A_702 = arith.addi %mul3A_0, %add3A_701 : i32
      %add3A_703 = arith.constant 48 : i32
      %add3A_704 = arith.addi %add3A_702, %add3A_703 : i32
      %broadcast_in_dim3A_705 = vector.broadcast %add3A_704 : i32 to vector<16xi32>
      %iota3A_706 = tpu.iota {dimensions = array<i32: 0>} : vector<16xi32>
      %add3A_707 = arith.addi %broadcast_in_dim3A_705, %iota3A_706 : vector<16xi32>
      %get3A_708 = arith.index_cast %add3A_704 : i32 to index
      %get3A_709 = tpu.vector_load %arg13[%get3A_708] {strides = array<i32>} : memref<10240xf32, #tpu.memory_space<vmem>>, vector<16xf32>,
      %gather3A_710 = tpu.vector_load_idx %arg14[%add3A_707] : memref<10240xi32, #tpu.memory_space<vmem>>[vector<16xi32>], vector<16xi32>,
      %swap3A_711 = arith.constant 0 : i32
      %swap3A_712 = arith.index_cast %swap3A_711 : i32 to index
      %swap3A_713 = arith.constant 48 : index
      %swap3A_714 = tpu.vector_load %arg19[%swap3A_712, %swap3A_713] {strides = array<i32>} : memref<10x128xf32, #tpu.memory_space<vmem>>, vector<16xf32>,
      tpu.vector_store %arg19[%swap3A_712, %swap3A_713], %get3A_709 {strides = array<i32>} : memref<10x128xf32, #tpu.memory_space<vmem>>, vector<16xf32>,
      %mul3A_715 = arith.constant 10240 : i32
      %mul3A_716 = vector.broadcast %mul3A_715 : i32 to vector<16xi32>
      %mul3A_717 = arith.muli %gather3A_710, %mul3A_716 : vector<16xi32>
      %add3A_718 = arith.addi %mul3A_717, %add3A_707 : vector<16xi32>
      %swap3A_719 = arith.constant 0 : i32
      %swap3A_720 = arith.index_cast %swap3A_719 : i32 to index
      %swap3A_721 = arith.constant 48 : index
      %swap3A_722 = tpu.vector_load %arg18[%swap3A_720, %swap3A_721] {strides = array<i32>} : memref<10x128xi32, #tpu.memory_space<vmem>>, vector<16xi32>,
      tpu.vector_store %arg18[%swap3A_720, %swap3A_721], %add3A_718 {strides = array<i32>} : memref<10x128xi32, #tpu.memory_space<vmem>>, vector<16xi32>,
      %add3A_723 = arith.constant 512 : i32
      %add3A_724 = arith.addi %mul3A_0, %add3A_723 : i32
      %add3A_725 = arith.constant 64 : i32
      %add3A_726 = arith.addi %add3A_724, %add3A_725 : i32
      %broadcast_in_dim3A_727 = vector.broadcast %add3A_726 : i32 to vector<16xi32>
      %iota3A_728 = tpu.iota {dimensions = array<i32: 0>} : vector<16xi32>
      %add3A_729 = arith.addi %broadcast_in_dim3A_727, %iota3A_728 : vector<16xi32>
      %get3A_730 = arith.index_cast %add3A_726 : i32 to index
      %get3A_731 = tpu.vector_load %arg13[%get3A_730] {strides = array<i32>} : memref<10240xf32, #tpu.memory_space<vmem>>, vector<16xf32>,
      %gather3A_732 = tpu.vector_load_idx %arg14[%add3A_729] : memref<10240xi32, #tpu.memory_space<vmem>>[vector<16xi32>], vector<16xi32>,
      %swap3A_733 = arith.constant 0 : i32
      %swap3A_734 = arith.index_cast %swap3A_733 : i32 to index
      %swap3A_735 = arith.constant 64 : index
      %swap3A_736 = tpu.vector_load %arg19[%swap3A_734, %swap3A_735] {strides = array<i32>} : memref<10x128xf32, #tpu.memory_space<vmem>>, vector<16xf32>,
      tpu.vector_store %arg19[%swap3A_734, %swap3A_735], %get3A_731 {strides = array<i32>} : memref<10x128xf32, #tpu.memory_space<vmem>>, vector<16xf32>,
      %mul3A_737 = arith.constant 10240 : i32
      %mul3A_738 = vector.broadcast %mul3A_737 : i32 to vector<16xi32>
      %mul3A_739 = arith.muli %gather3A_732, %mul3A_738 : vector<16xi32>
      %add3A_740 = arith.addi %mul3A_739, %add3A_729 : vector<16xi32>
      %swap3A_741 = arith.constant 0 : i32
      %swap3A_742 = arith.index_cast %swap3A_741 : i32 to index
      %swap3A_743 = arith.constant 64 : index
      %swap3A_744 = tpu.vector_load %arg18[%swap3A_742, %swap3A_743] {strides = array<i32>} : memref<10x128xi32, #tpu.memory_space<vmem>>, vector<16xi32>,
      tpu.vector_store %arg18[%swap3A_742, %swap3A_743], %add3A_740 {strides = array<i32>} : memref<10x128xi32, #tpu.memory_space<vmem>>, vector<16xi32>,
      %add3A_745 = arith.constant 512 : i32
      %add3A_746 = arith.addi %mul3A_0, %add3A_745 : i32
      %add3A_747 = arith.constant 80 : i32
      %add3A_748 = arith.addi %add3A_746, %add3A_747 : i32
      %broadcast_in_dim3A_749 = vector.broadcast %add3A_748 : i32 to vector<16xi32>
      %iota3A_750 = tpu.iota {dimensions = array<i32: 0>} : vector<16xi32>
      %add3A_751 = arith.addi %broadcast_in_dim3A_749, %iota3A_750 : vector<16xi32>
      %get3A_752 = arith.index_cast %add3A_748 : i32 to index
      %get3A_753 = tpu.vector_load %arg13[%get3A_752] {strides = array<i32>} : memref<10240xf32, #tpu.memory_space<vmem>>, vector<16xf32>,
      %gather3A_754 = tpu.vector_load_idx %arg14[%add3A_751] : memref<10240xi32, #tpu.memory_space<vmem>>[vector<16xi32>], vector<16xi32>,
      %swap3A_755 = arith.constant 0 : i32
      %swap3A_756 = arith.index_cast %swap3A_755 : i32 to index
      %swap3A_757 = arith.constant 80 : index
      %swap3A_758 = tpu.vector_load %arg19[%swap3A_756, %swap3A_757] {strides = array<i32>} : memref<10x128xf32, #tpu.memory_space<vmem>>, vector<16xf32>,
      tpu.vector_store %arg19[%swap3A_756, %swap3A_757], %get3A_753 {strides = array<i32>} : memref<10x128xf32, #tpu.memory_space<vmem>>, vector<16xf32>,
      %mul3A_759 = arith.constant 10240 : i32
      %mul3A_760 = vector.broadcast %mul3A_759 : i32 to vector<16xi32>
      %mul3A_761 = arith.muli %gather3A_754, %mul3A_760 : vector<16xi32>
      %add3A_762 = arith.addi %mul3A_761, %add3A_751 : vector<16xi32>
      %swap3A_763 = arith.constant 0 : i32
      %swap3A_764 = arith.index_cast %swap3A_763 : i32 to index
      %swap3A_765 = arith.constant 80 : index
      %swap3A_766 = tpu.vector_load %arg18[%swap3A_764, %swap3A_765] {strides = array<i32>} : memref<10x128xi32, #tpu.memory_space<vmem>>, vector<16xi32>,
      tpu.vector_store %arg18[%swap3A_764, %swap3A_765], %add3A_762 {strides = array<i32>} : memref<10x128xi32, #tpu.memory_space<vmem>>, vector<16xi32>,
      %add3A_767 = arith.constant 512 : i32
      %add3A_768 = arith.addi %mul3A_0, %add3A_767 : i32
      %add3A_769 = arith.constant 96 : i32
      %add3A_770 = arith.addi %add3A_768, %add3A_769 : i32
      %broadcast_in_dim3A_771 = vector.broadcast %add3A_770 : i32 to vector<16xi32>
      %iota3A_772 = tpu.iota {dimensions = array<i32: 0>} : vector<16xi32>
      %add3A_773 = arith.addi %broadcast_in_dim3A_771, %iota3A_772 : vector<16xi32>
      %get3A_774 = arith.index_cast %add3A_770 : i32 to index
      %get3A_775 = tpu.vector_load %arg13[%get3A_774] {strides = array<i32>} : memref<10240xf32, #tpu.memory_space<vmem>>, vector<16xf32>,
      %gather3A_776 = tpu.vector_load_idx %arg14[%add3A_773] : memref<10240xi32, #tpu.memory_space<vmem>>[vector<16xi32>], vector<16xi32>,
      %swap3A_777 = arith.constant 0 : i32
      %swap3A_778 = arith.index_cast %swap3A_777 : i32 to index
      %swap3A_779 = arith.constant 96 : index
      %swap3A_780 = tpu.vector_load %arg19[%swap3A_778, %swap3A_779] {strides = array<i32>} : memref<10x128xf32, #tpu.memory_space<vmem>>, vector<16xf32>,
      tpu.vector_store %arg19[%swap3A_778, %swap3A_779], %get3A_775 {strides = array<i32>} : memref<10x128xf32, #tpu.memory_space<vmem>>, vector<16xf32>,
      %mul3A_781 = arith.constant 10240 : i32
      %mul3A_782 = vector.broadcast %mul3A_781 : i32 to vector<16xi32>
      %mul3A_783 = arith.muli %gather3A_776, %mul3A_782 : vector<16xi32>
      %add3A_784 = arith.addi %mul3A_783, %add3A_773 : vector<16xi32>
      %swap3A_785 = arith.constant 0 : i32
      %swap3A_786 = arith.index_cast %swap3A_785 : i32 to index
      %swap3A_787 = arith.constant 96 : index
      %swap3A_788 = tpu.vector_load %arg18[%swap3A_786, %swap3A_787] {strides = array<i32>} : memref<10x128xi32, #tpu.memory_space<vmem>>, vector<16xi32>,
      tpu.vector_store %arg18[%swap3A_786, %swap3A_787], %add3A_784 {strides = array<i32>} : memref<10x128xi32, #tpu.memory_space<vmem>>, vector<16xi32>,
      %add3A_789 = arith.constant 512 : i32
      %add3A_790 = arith.addi %mul3A_0, %add3A_789 : i32
      %add3A_791 = arith.constant 112 : i32
      %add3A_792 = arith.addi %add3A_790, %add3A_791 : i32
      %broadcast_in_dim3A_793 = vector.broadcast %add3A_792 : i32 to vector<16xi32>
      %iota3A_794 = tpu.iota {dimensions = array<i32: 0>} : vector<16xi32>
      %add3A_795 = arith.addi %broadcast_in_dim3A_793, %iota3A_794 : vector<16xi32>
      %get3A_796 = arith.index_cast %add3A_792 : i32 to index
      %get3A_797 = tpu.vector_load %arg13[%get3A_796] {strides = array<i32>} : memref<10240xf32, #tpu.memory_space<vmem>>, vector<16xf32>,
      %gather3A_798 = tpu.vector_load_idx %arg14[%add3A_795] : memref<10240xi32, #tpu.memory_space<vmem>>[vector<16xi32>], vector<16xi32>,
      %swap3A_799 = arith.constant 0 : i32
      %swap3A_800 = arith.index_cast %swap3A_799 : i32 to index
      %swap3A_801 = arith.constant 112 : index
      %swap3A_802 = tpu.vector_load %arg19[%swap3A_800, %swap3A_801] {strides = array<i32>} : memref<10x128xf32, #tpu.memory_space<vmem>>, vector<16xf32>,
      tpu.vector_store %arg19[%swap3A_800, %swap3A_801], %get3A_797 {strides = array<i32>} : memref<10x128xf32, #tpu.memory_space<vmem>>, vector<16xf32>,
      %mul3A_803 = arith.constant 10240 : i32
      %mul3A_804 = vector.broadcast %mul3A_803 : i32 to vector<16xi32>
      %mul3A_805 = arith.muli %gather3A_798, %mul3A_804 : vector<16xi32>
      %add3A_806 = arith.addi %mul3A_805, %add3A_795 : vector<16xi32>
      %swap3A_807 = arith.constant 0 : i32
      %swap3A_808 = arith.index_cast %swap3A_807 : i32 to index
      %swap3A_809 = arith.constant 112 : index
      %swap3A_810 = tpu.vector_load %arg18[%swap3A_808, %swap3A_809] {strides = array<i32>} : memref<10x128xi32, #tpu.memory_space<vmem>>, vector<16xi32>,
      tpu.vector_store %arg18[%swap3A_808, %swap3A_809], %add3A_806 {strides = array<i32>} : memref<10x128xi32, #tpu.memory_space<vmem>>, vector<16xi32>,
      %run_scoped3A_811 = arith.constant 0 : i32
      %run_scoped3A_812 = arith.constant 0 : i32
      "tpu.region"() ({
        %run_scoped3A_813 = tpu.sem_alloc : memref<!tpu.dma_semaphore, #tpu.memory_space<semaphore_mem>>
        %dma_start3A_814 = arith.constant 0 : i32
        %dma_start3A_815 = tpu.memref_slice %arg19[%run_scoped3A_811, %dma_start3A_814] : memref<10x128xf32, #tpu.memory_space<vmem>> -> memref<1x128xf32, #tpu.memory_space<vmem>>
        %dma_start3A_816 = tpu.memref_squeeze %dma_start3A_815 : memref<1x128xf32, #tpu.memory_space<vmem>> -> memref<128xf32, #tpu.memory_space<vmem>>
        %dma_start3A_817 = arith.constant 0 : i32
        %dma_start3A_818 = tpu.memref_slice %arg18[%run_scoped3A_812, %dma_start3A_817] : memref<10x128xi32, #tpu.memory_space<vmem>> -> memref<1x128xi32, #tpu.memory_space<vmem>>
        %dma_start3A_819 = tpu.memref_squeeze %dma_start3A_818 : memref<1x128xi32, #tpu.memory_space<vmem>> -> memref<128xi32, #tpu.memory_space<vmem>>
        %dma_start3A_820 = arith.constant 0 : i32
        %dma_start3A_821 = tpu.memref_slice %arg7[%dma_start3A_820] : memref<665600xf32, #tpu.memory_space<vmem_shared>> -> memref<665600xf32, #tpu.memory_space<vmem_shared>>
        tpu.enqueue_indirect_dma source(%dma_start3A_816 : memref<128xf32, #tpu.memory_space<vmem>>) target(%dma_start3A_821 : memref<665600xf32, #tpu.memory_space<vmem_shared>>) offsets(%dma_start3A_819 : memref<128xi32, #tpu.memory_space<vmem>>) semaphore(%run_scoped3A_813 : memref<!tpu.dma_semaphore, #tpu.memory_space<semaphore_mem>>) {add = true}
        %dma_wait3A_822 = arith.constant 0 : i32
        %dma_wait3A_823 = tpu.memref_slice %arg19[%run_scoped3A_811, %dma_wait3A_822] : memref<10x128xf32, #tpu.memory_space<vmem>> -> memref<1x128xf32, #tpu.memory_space<vmem>>
        %dma_wait3A_824 = tpu.memref_squeeze %dma_wait3A_823 : memref<1x128xf32, #tpu.memory_space<vmem>> -> memref<128xf32, #tpu.memory_space<vmem>>
        %dma_wait3A_825 = arith.constant 0 : i32
        %dma_wait3A_826 = tpu.memref_slice %arg18[%run_scoped3A_812, %dma_wait3A_825] : memref<10x128xi32, #tpu.memory_space<vmem>> -> memref<1x128xi32, #tpu.memory_space<vmem>>
        %dma_wait3A_827 = tpu.memref_squeeze %dma_wait3A_826 : memref<1x128xi32, #tpu.memory_space<vmem>> -> memref<128xi32, #tpu.memory_space<vmem>>
        %dma_wait3A_828 = arith.constant 0 : i32
        %dma_wait3A_829 = tpu.memref_slice %arg7[%dma_wait3A_828] : memref<665600xf32, #tpu.memory_space<vmem_shared>> -> memref<665600xf32, #tpu.memory_space<vmem_shared>>
        tpu.wait_indirect_dma semaphore(%run_scoped3A_813 : memref<!tpu.dma_semaphore, #tpu.memory_space<semaphore_mem>>) src(%dma_wait3A_824 : memref<128xf32, #tpu.memory_space<vmem>>) dst(%dma_wait3A_829 : memref<665600xf32, #tpu.memory_space<vmem_shared>>)
        tpu.yield
      }) : () -> ()
    } else {
    }
    %barrier3A_453 = arith.constant 0 : index
    tpu.barrier barrier_id(%barrier3A_453)
    %mul3A_454 = arith.constant 41600 : i32
    %mul3A_455 = arith.muli %arg1, %mul3A_454 : i32
    %mul3A_456 = arith.constant 41600 : i32
    %mul3A_457 = arith.muli %arg1, %mul3A_456 : i32
    "tpu.region"() ({
      %run_scoped3A_458 = tpu.sem_alloc : memref<!tpu.dma_semaphore, #tpu.memory_space<semaphore_mem>>
      %dma_start3A_459 = tpu.memref_slice %arg4[%arg0, %mul3A_457] : memref<2x737280xf32, #tpu.memory_space<hbm>> -> memref<1x41600xf32, #tpu.memory_space<hbm>>
      %dma_start3A_460 = tpu.memref_squeeze %dma_start3A_459 : memref<1x41600xf32, #tpu.memory_space<hbm>> -> memref<41600xf32, #tpu.memory_space<hbm>>
      %dma_start3A_461 = tpu.memref_slice %arg7[%mul3A_455] : memref<665600xf32, #tpu.memory_space<vmem_shared>> -> memref<41600xf32, #tpu.memory_space<vmem_shared>>
      tpu.enqueue_dma source(%dma_start3A_461 : memref<41600xf32, #tpu.memory_space<vmem_shared>>) target(%dma_start3A_460 : memref<41600xf32, #tpu.memory_space<hbm>>) target_semaphore(%run_scoped3A_458 : memref<!tpu.dma_semaphore, #tpu.memory_space<semaphore_mem>>)
      %dma_wait3A_462 = tpu.memref_slice %arg4[%arg0, %mul3A_457] : memref<2x737280xf32, #tpu.memory_space<hbm>> -> memref<1x41600xf32, #tpu.memory_space<hbm>>
      %dma_wait3A_463 = tpu.memref_squeeze %dma_wait3A_462 : memref<1x41600xf32, #tpu.memory_space<hbm>> -> memref<41600xf32, #tpu.memory_space<hbm>>
      %dma_wait3A_464 = tpu.memref_slice %arg7[%mul3A_455] : memref<665600xf32, #tpu.memory_space<vmem_shared>> -> memref<41600xf32, #tpu.memory_space<vmem_shared>>
      tpu.wait_dma2 semaphore(%run_scoped3A_458 : memref<!tpu.dma_semaphore, #tpu.memory_space<semaphore_mem>>) src(%dma_wait3A_464 : memref<41600xf32, #tpu.memory_space<vmem_shared>>) dst(%dma_wait3A_463 : memref<41600xf32, #tpu.memory_space<hbm>>)
      tpu.yield
    }) : () -> ()
    return
  }
}

module attributes {stable_mosaic.version = 14 : i64} {
  func.func @_tc_body(%arg0: memref<144x10240xf32, #tpu.memory_space<vmem>>, %arg1: memref<10000x128xf32, #tpu.memory_space<vmem>>, %arg2: memref<16x128xf32, #tpu.memory_space<vmem>>, %arg3: memref<1x10240xf32, #tpu.memory_space<vmem>>, %arg4: memref<128x128xf32, #tpu.memory_space<vmem>>, %arg5: memref<128xf32, #tpu.memory_space<vmem>>, %arg6: memref<128x64xf32, #tpu.memory_space<vmem>>, %arg7: memref<64xf32, #tpu.memory_space<vmem>>, %arg8: memref<64x64xf32, #tpu.memory_space<vmem>>) attributes {dimension_semantics = [], scalar_prefetch = 0 : i64, scratch_operands = 0 : i64, tpu.core_type = #tpu.core_type<tc>} {
    %get3A = arith.constant 0 : index
    %get3A_0 = arith.constant 0 : index
    %get3A_1 = vector.load %arg0[%get3A, %get3A_0] : memref<144x10240xf32, #tpu.memory_space<vmem>>, vector<64x10000xf32>
    %get3A_2 = arith.constant 72 : index
    %get3A_3 = arith.constant 0 : index
    %get3A_4 = vector.load %arg0[%get3A_2, %get3A_3] : memref<144x10240xf32, #tpu.memory_space<vmem>>, vector<64x10000xf32>
    %add3A = arith.addf %get3A_1, %get3A_4 : vector<64x10000xf32>
    %get3A_5 = arith.constant 0 : index
    %get3A_6 = arith.constant 0 : index
    %get3A_7 = vector.load %arg3[%get3A_5, %get3A_6] : memref<1x10240xf32, #tpu.memory_space<vmem>>, vector<1x10000xf32>
    %mul3A = vector.broadcast %get3A_7 : vector<1x10000xf32> to vector<64x10000xf32>
    %mul3A_8 = arith.mulf %add3A, %mul3A : vector<64x10000xf32>
    %get3A_9 = arith.constant 0 : index
    %get3A_10 = arith.constant 0 : index
    %get3A_11 = vector.load %arg1[%get3A_9, %get3A_10] : memref<10000x128xf32, #tpu.memory_space<vmem>>, vector<10000x128xf32>
    %dot_general3A = arith.constant dense<0.000000e+00> : vector<64x128xf32>
    %dot_general3A_12 = tpu.matmul %mul3A_8, %get3A_11, %dot_general3A {dimension_numbers = #tpu.dot_dimension_numbers<[1], [0], [0], [1], [0, 0, 1, 1], [], []>, transpose_lhs_hint = false} : vector<64x10000xf32>, vector<10000x128xf32>, vector<64x128xf32> -> vector<64x128xf32>
    %get3A_13 = arith.constant 0 : index
    %get3A_14 = arith.constant 0 : index
    %get3A_15 = vector.load %arg4[%get3A_13, %get3A_14] : memref<128x128xf32, #tpu.memory_space<vmem>>, vector<128x128xf32>
    %dot_general3A_16 = arith.constant dense<0.000000e+00> : vector<64x128xf32>
    %dot_general3A_17 = tpu.matmul %dot_general3A_12, %get3A_15, %dot_general3A_16 {dimension_numbers = #tpu.dot_dimension_numbers<[1], [0], [0], [1], [0, 0, 1, 1], [], []>, transpose_lhs_hint = false} : vector<64x128xf32>, vector<128x128xf32>, vector<64x128xf32> -> vector<64x128xf32>
    %get3A_18 = arith.constant 0 : index
    %get3A_19 = arith.constant 0 : index
    %get3A_20 = vector.load %arg2[%get3A_18, %get3A_19] : memref<16x128xf32, #tpu.memory_space<vmem>>, vector<16x128xf32>
    %reduce_sum3A = arith.constant dense<0.000000e+00> : vector<128xf32>
    %reduce_sum3A_21 = vector.multi_reduction <add>, %get3A_20, %reduce_sum3A [0] : vector<16x128xf32> to vector<128xf32>
    %slice3A = vector.extract_strided_slice %reduce_sum3A_21 {offsets = [0], sizes = [64], strides = [1]} : vector<128xf32> to vector<64xf32>
    %reshape3A = vector.shape_cast %slice3A : vector<64xf32> to vector<64x1xf32>
    %get3A_22 = arith.constant 0 : index
    %get3A_23 = vector.load %arg5[%get3A_22] : memref<128xf32, #tpu.memory_space<vmem>>, vector<128xf32>
    %reshape3A_24 = vector.shape_cast %get3A_23 : vector<128xf32> to vector<1x128xf32>
    %mul3A_25 = vector.broadcast %reshape3A : vector<64x1xf32> to vector<64x128xf32>
    %mul3A_26 = vector.broadcast %reshape3A_24 : vector<1x128xf32> to vector<64x128xf32>
    %mul3A_27 = arith.mulf %mul3A_25, %mul3A_26 : vector<64x128xf32>
    %add3A_28 = arith.addf %dot_general3A_17, %mul3A_27 : vector<64x128xf32>
    %get3A_29 = arith.constant 0 : index
    %get3A_30 = arith.constant 0 : index
    %get3A_31 = vector.load %arg6[%get3A_29, %get3A_30] : memref<128x64xf32, #tpu.memory_space<vmem>>, vector<128x64xf32>
    %dot_general3A_32 = arith.constant dense<0.000000e+00> : vector<64x64xf32>
    %dot_general3A_33 = tpu.matmul %add3A_28, %get3A_31, %dot_general3A_32 {dimension_numbers = #tpu.dot_dimension_numbers<[1], [0], [0], [1], [0, 0, 1, 1], [], []>, transpose_lhs_hint = false} : vector<64x128xf32>, vector<128x64xf32>, vector<64x64xf32> -> vector<64x64xf32>
    %get3A_34 = arith.constant 0 : index
    %get3A_35 = vector.load %arg7[%get3A_34] : memref<64xf32, #tpu.memory_space<vmem>>, vector<64xf32>
    %reshape3A_36 = vector.shape_cast %get3A_35 : vector<64xf32> to vector<1x64xf32>
    %add3A_37 = vector.broadcast %reshape3A_36 : vector<1x64xf32> to vector<64x64xf32>
    %add3A_38 = arith.addf %dot_general3A_33, %add3A_37 : vector<64x64xf32>
    %swap3A = arith.constant 0 : index
    %swap3A_39 = arith.constant 0 : index
    %swap3A_40 = vector.load %arg8[%swap3A, %swap3A_39] : memref<64x64xf32, #tpu.memory_space<vmem>>, vector<64x64xf32>
    tpu.vector_store %arg8[%swap3A, %swap3A_39], %add3A_38 {strides = array<i32>} : memref<64x64xf32, #tpu.memory_space<vmem>>, vector<64x64xf32>,
    return
  }
}

</mosaic_0001>

<sc_bundles>
// kernel: kernel.4.cloned.1.call-start
scs
__scs_entry_jumppad:
0x0: {  	(pc) =	sbr.rel $0x88, $3  }
0x1: {  	(tag) =	ssettag $0x0;
	lr =	simm.s32 $0x1  }
0x2: {  	[smem:$0x3F9A] =	sst lr;
	_ =	strace $0xD0000000  }
0x3: {  	_ = 	snop  }
0x4: {  	_ = 	snop  }
0x5: {  	_ = 	snop  }
0x6: {  	_ = 	snop  }
0x7: {  	_ = 	snop  }
__scs_overlays_trampoline_lowered:
0x8: {  	[smem:$0x3FA9] =	sst s0  }
0x9: {  	[smem:$0x3FAA] =	sst s1  }
0xa: {  	[smem:$0x3FAB] =	sst s2  }
0xb: {  	[smem:$0x3FAC] =	sst s3  }
0xc: {  	[smem:$0x3FAD] =	sst s4  }
0xd: {  	[smem:$0x3FAE] =	sst s5  }
0xe: {  	[smem:$0x3FAF] =	sst s6  }
0xf: {  	[smem:$0x3FB0] =	sst s7  }
0x10: {  	[smem:$0x3FB1] =	sst s8  }
0x11: {  	[smem:$0x3FB2] =	sst s9;
	s0 =	simm.s32 @!p0 $0x0  }
0x12: {  	s1 =	sld [smem:$0x3F98];
	s0 =	simm.s32 @p0 $0x1  }
0x13: {  	[smem:$0x3FB3] =	sst s0;
	s0 =	simm.s32 @!p1 $0x0  }
0x14: {  	s2 =	sld [smem:$0x3F97];
	s0 =	simm.s32 @p1 $0x1  }
0x15: {  	[smem:$0x3FB4] =	sst s0;
	s0 =	simm.s32 @!p2 $0x0  }
0x16: {  	s3 =	sld [smem:$0x3FDB];
	s0 =	simm.s32 @p2 $0x1  }
0x17: {  	s4 =	simm.s32 $0x1BF5;
	[smem:$0x3FB6] =	sst s0  }
0x18: {  	s0 =	sld [smem:$0x3F99];
	_ =	swait.ge [sflag:s4], $0x0  }
0x19: {  	s7 =	sld [smem:$0x3F9A]  }
0x1a: {  	s8 =	sadd.s32 $0xFFFFE003, lr  }
0x1b: {  	s9 =	sadd.s32 $0xFFFFFEF7, lr;
	s5 =	simm.s32 $0xFFFFFFFF;
	p2 =	slt.u32 s8, $0xFFFFF086  }
0x1c: {  	p1 =	slt.u32 s9, $0xF7A;
	s5 =	simm.s32 @!p2 $0x0  }
0x1d: {  	s5 =	simm.s32 @p1 $0x1;
	p0 =	seq.s32 s7, s2  }
0x1e: {  	s7 =	smul.u32 @!p0 $0xF7A, s2;
	p2 =	seq.s32 @!p0 s5, $0x0  }
0x1f: {  	s9 =	smul.u32 $0xF7A, s1;
	s8 =	simm.s32 @!p0 $0x1BF5;
	p2 =	por !p2, p0  }
0x20: {  	[sflag:s8] =	ssyncset.s32 @!p0 $0xFFFFF086;
	s6 =	sadd.s32 @!p0 s3, s7;
	s7 =	simm.s32 @!p0 $0x108  }
0x21: {  	s3 =	sadd.s32 s3, s9;
	s6 =	sadd.s32 @!p0 $0x88, s6;
	s7 =	simm.s32 @p2 $0x1082  }
0x22: {  	[simem:s7], [sflag:s8] =	dma.local @!p0 [hbm:s6], $0xF7A  }
0x23: {  	s9 =	sor.u32 $0xD0000000, s2;
	s6 =	simm.s32 $0x108;
	_ =	swait.ge @!p0 [sflag:s8], $0x0  }
0x24: {  	s3 =	sadd.s32 $0x88, s3;
	s6 =	simm.s32 @!p1 $0x1082;
	[sflag:s4] =	ssyncset.s32 $0xFFFFF086  }
0x25: {  	[simem:s6], [sflag:s4] =	dma.local [hbm:s3], $0xF7A  }
0x26: {  	[smem:$0x3F9A] =	sst s1;
	(tag) =	ssettag s2;
	_ =	strace s9  }
0x27: {  	s1 =	sld [smem:$0x3FAA]  }
0x28: {  	s2 =	sld [smem:$0x3FAB]  }
0x29: {  	s4 =	sld [smem:$0x3FAD]  }
0x2a: {  	p0 =	seq.s32 s5, $0x0;
	s5 =	sld [smem:$0x3FAE]  }
0x2b: {  	s6 =	sld [smem:$0x3FAF]  }
0x2c: {  	s7 =	sld [smem:$0x3FB0]  }
0x2d: {  	s3 =	simm.s32 $0x108;
	s8 =	sld [smem:$0x3FB1]  }
0x2e: {  	s3 =	simm.s32 @!p0 $0x1082;
	s9 =	sld [smem:$0x3FB2]  }
0x2f: {  	lr =	sadd.s32 s0, s3;
	s0 =	sld [smem:$0x3FA9]  }
0x30: {  	s3 =	sld [smem:$0x3FAC]  }
0x31: {  	[smem:$0x3FB5] =	sst s10  }
0x32: {  	s10 =	sld [smem:$0x3FB3];
	_ =	sdelay $0x3  }
0x33: {  	p0 =	seq.s32 s10, $0x1;
	s10 =	sld [smem:$0x3FB5];
	_ =	sdelay $0x3  }
0x34: {  	[smem:$0x3FB5] =	sst s10  }
0x35: {  	s10 =	sld [smem:$0x3FB4];
	_ =	sdelay $0x3  }
0x36: {  	p1 =	seq.s32 s10, $0x1;
	s10 =	sld [smem:$0x3FB5];
	_ =	sdelay $0x3  }
0x37: {  	[smem:$0x3FB5] =	sst s10  }
0x38: {  	s10 =	sld [smem:$0x3FB6]  }
0x39: {  	_ = 	snop;
	(pc) =	sbr.ind lr, $3  }
0x3a: {  	_ = 	snop  }
0x3b: {  	_ = 	snop  }
0x3c: {  	p2 =	seq.s32 s10, $0x1;
	s10 =	sld [smem:$0x3FB5]  }
0x3d: {  	_ =	shalt  }
0x3e: {  	_ =	shalt  }
0x3f: {  	_ =	shalt  }
0x40: {  	_ =	shalt  }
0x41: {  	_ =	shalt  }
0x42: {  	_ =	shalt  }
0x43: {  	_ =	shalt  }
0x44: {  	_ =	shalt  }
0x45: {  	_ =	shalt  }
0x46: {  	_ =	shalt  }
0x47: {  	_ =	shalt  }
0x48: {  	_ =	shalt  }
0x49: {  	_ =	shalt  }
0x4a: {  	_ =	shalt  }
0x4b: {  	_ =	shalt  }
0x4c: {  	_ =	shalt  }
0x4d: {  	_ =	shalt  }
0x4e: {  	_ =	shalt  }
0x4f: {  	_ =	shalt  }
0x50: {  	_ =	shalt  }
0x51: {  	_ =	shalt  }
0x52: {  	_ =	shalt  }
0x53: {  	_ =	shalt  }
0x54: {  	_ =	shalt  }
0x55: {  	_ =	shalt  }
0x56: {  	_ =	shalt  }
0x57: {  	_ =	shalt  }
0x58: {  	_ =	shalt  }
0x59: {  	_ =	shalt  }
0x5a: {  	_ =	shalt  }
0x5b: {  	_ =	shalt  }
0x5c: {  	_ =	shalt  }
0x5d: {  	_ =	shalt  }
0x5e: {  	_ =	shalt  }
0x5f: {  	_ =	shalt  }
0x60: {  	_ =	shalt  }
0x61: {  	_ =	shalt  }
0x62: {  	_ =	shalt  }
0x63: {  	_ =	shalt  }
0x64: {  	_ =	shalt  }
0x65: {  	_ =	shalt  }
0x66: {  	_ =	shalt  }
0x67: {  	_ =	shalt  }
0x68: {  	_ =	shalt  }
0x69: {  	_ =	shalt  }
0x6a: {  	_ =	shalt  }
0x6b: {  	_ =	shalt  }
0x6c: {  	_ =	shalt  }
0x6d: {  	_ =	shalt  }
0x6e: {  	_ =	shalt  }
0x6f: {  	_ =	shalt  }
0x70: {  	_ =	shalt  }
0x71: {  	_ =	shalt  }
0x72: {  	_ =	shalt  }
0x73: {  	_ =	shalt  }
0x74: {  	_ =	shalt  }
0x75: {  	_ =	shalt  }
0x76: {  	_ =	shalt  }
0x77: {  	_ =	shalt  }
0x78: {  	_ =	shalt  }
0x79: {  	_ =	shalt  }
0x7a: {  	_ =	shalt  }
0x7b: {  	_ =	shalt  }
0x7c: {  	_ =	shalt  }
0x7d: {  	_ =	shalt  }
0x7e: {  	_ =	shalt  }
0x7f: {  	_ =	shalt  }
0x80: {  	_ =	shalt  }
0x81: {  	_ =	shalt  }
0x82: {  	_ =	shalt  }
0x83: {  	_ =	shalt  }
0x84: {  	_ =	shalt  }
0x85: {  	_ =	shalt  }
0x86: {  	_ =	shalt  }
0x87: {  	_ =	shalt  }
.Lfunc_end0:
.L_simem_size_0:
called_computation_lowered:
.L_overlay_start_0:
0x88: {  	s2 =	sld [smem:$0x3FD9]  }
0x89: {  	s3 =	sld [smem:$0x3FFE];
	_ =	sdelay $0x1  }
0x8a: {  	s1 =	srdreg.scid  }
0x8b: {  	s0 =	sand.u32 $0x1, s1  }
0x8c: {  	s17 =	sshll.u32 s0, $0xA;
	s2 =	sadd.s32 s3, s2  }
0x8d: {  	s2 =	sadd.s32 s2, s17  }
0x8e: {  	[smem:$0x3FC1] =	sst s2  }
0x8f: {  	_ = 	snop  }
0x90: {  	s2 =	sld [smem:$0x3FC7]  }
0x91: {  	s18 =	sld [smem:$0x3FD0];
	(tm) =	ssettm $0x1  }
0x92: {  	s4 =	sld [smem:$0x3FFB];
	_ =	sdelay $0x3  }
0x93: {  	_ =	strace s4  }
0x94: {  	s4 =	sld [smem:$0x3FFC];
	_ =	sdelay $0x3  }
0x95: {  	_ =	strace s4  }
0x96: {  	s4 =	sld [smem:$0x3FFD];
	_ =	sdelay $0x3  }
0x97: {  	_ =	strace s4  }
0x98: {  	_ =	strace $0x8FFFFFFF  }
0x99: {  	s19 =	sld [smem:$0x3FDB];
	_ =	sdelay $0x1  }
0x9a: {  	s5 =	simm.s32 $_scs_section_size  }
0x9b: {  	s6 =	simm.s32 $_size__tile_overlayer_lowered;
	s7 =	simm.s32 $_tile_overlayer_lowered  }
0x9c: {  	s22 =	simm.s32 $0x1BFF;
	s21 =	sshll.u32 s7, $0x1;
	s4 =	sadd.s32 s5, s19  }
0x9d: {  	s8 =	simm.s32 $0x0;
	s20 =	sshll.u32 s6, $0x1;
	s6 =	sadd.s32 s21, s4  }
0x9e: {  	[timem:s8], [sflag:s22] =	dma.local [hbm:s6], s20  }
0x9f: {  	_ =	swait.ge [sflag:s22], s20  }
0xa0: {  	s5 =	ssub.s32 $0x0, s20;
	[sflag:s22] =	ssyncset.done $0x0  }
0xa1: {  	[sflag:s22] =	ssyncadd.s32 s5;
	_ =	sdelay $0x1  }
0xa2: {  	s23 =	simm.s32 $0x1B8B  }
0xa3: {  	_ =	swait.ge [sflag:s23], $0x1  }
0xa4: {  	[sflag:s23] =	ssyncset.done $0x0  }
0xa5: {  	s25 =	simm.s32 $0x1B8E;
	s24 =	sld [smem:$0x3FFE];
	[sflag:s23] =	ssyncadd.s32 $0xFFFFFFFF  }
0xa6: {  	s26 =	simm.s32 $execute0_lowered;
	[smem:$0x3FD2] =	sst s25  }
0xa7: {  	s6 =	sshll.u32 s26, $0x1;
	_ =	strace $0x80000046;
	[dreg:$0x1] =	wrdreg $0xFFFFFFFF  }
0xa8: {  	s28 =	simm.s32 $_size_execute0_lowered;
	s4 =	sadd.s32 s4, s6;
	[dreg:$0x0] =	wrdreg $0x0  }
0xa9: {  	s6 =	sshll.u32 s28, $0x1;
	[dreg:$0x2] =	wrdreg s4  }
0xaa: {  	[dreg:$0x3] =	wrdreg s6  }
0xab: {  	[dreg:$0x4] =	wrdreg $0xC0  }
0xac: {  	_ =	task [dreg:s8], $0x5FFFF  }
0xad: {  	[dreg:$0x1] =	wrdreg $0xFFFFFFFF  }
0xae: {  	[dreg:$0x0] =	wrdreg $0x60  }
0xaf: {  	[dreg:$0x2] =	wrdreg s24  }
0xb0: {  	[dreg:$0x3] =	wrdreg s2  }
0xb1: {  	[dreg:$0x4] =	wrdreg s18  }
0xb2: {  	[dreg:$0x5] =	wrdreg $0xCD000  }
0xb3: {  	[dreg:$0x6] =	wrdreg $0x0  }
0xb4: {  	[dreg:$0x7] =	wrdreg $0xA2800  }
0xb5: {  	[dreg:$0x8] =	wrdreg $0xCA800  }
0xb6: {  	[dreg:$0x9] =	wrdreg $0x9  }
0xb7: {  	_ =	task.clear_ibuf [dreg:s8], $0xAFFFF;
	_ =	strace $0x90000046  }
0xb8: {  	s29 =	simm.s32 $0x9;
	_ =	strace $0x80000048  }
0xb9: {  	_ =	swait.ge [sflag:s29], $0x1  }
0xba: {  	[sflag:s29] =	ssyncadd.s32 $0xFFFFFFFF  }
0xbb: {  	_ =	strace $0x90000048  }
0xbc: {  	_ =	sfence  }
0xbd: {  	s30 =	sld [smem:$0x0];
	_ =	sdelay $0x2  }
0xbe: {  	s31 =	sshll.u32 s1, $0xD;
	s1 =	sshrl.u32 s1, $0x2  }
0xbf: {  	s3 =	sand.u32 $0x4000, s31;
	s1 =	sadd.s32 s1, s30  }
0xc0: {  	s0 =	sor.u32 s3, s0;
	s1 =	sshll.u32 s1, $0x11  }
0xc1: {  	s0 =	sor.u32 s1, s0  }
0xc2: {  	s0 =	sadd.s32 $0x8F2B, s0  }
0xc3: {  	[sflag:s0] =	ssyncadd.remote.s32 $0x1  }
0xc4: {  	_ =	sfence.sel $0xFFFF  }
0xc5: {  	[dreg:$0x0] =	wrdreg $0xFFFFFFFF;
	(pc) =	sbr.abs _section_cstart, $3  }
0xc6: {  	[dreg:$0x1] =	wrdreg $0xFFFFFFFF  }
0xc7: {  	_ =	task.clear_ibuf [dreg:s8], $0x2FFFF;
	_ =	strace $0x9FFFFFFF  }
0xc8: {  	(tm) =	ssettm $0x7FFFFFFF  }
0xc9: {  	_ =	shalt  }
tec
execute0_lowered:
.L_overlay_start_1:
0x0: {  	(tag) =	ssettag $0x1  }
0x1: {  	s0 =	rddreg [dreg:$0x0]  }
0x2: {  	s13 =	rddreg [dreg:$0x3]  }
0x3: {  	s4 =	rddreg [dreg:$0x4]  }
0x4: {  	s1 =	rddreg [dreg:$0x5];
	s12 =	stileid.u32  }
0x5: {  	s2 =	srdreg.scid;
	s3 =	smul.u32 $0x14500, s12  }
0x6: {  	s14 =	rddreg [dreg:$0x6];
	s6 =	simm.s32 $0x0;
	s8 =	smul.u32 $0x280, s12  }
0x7: {  	s2 =	sand.u32 $0x1, s2;
	[smem:$0x7FF] =	sst s6;
	s7 =	smul.u32 $0x4E20, s12  }
0x8: {  	s26 =	sadd.s32 $0x1C00, s0;
	s11 =	smul.u32 $0x28A00, s12;
	s23 =	sshll.u32 s12, $0x7  }
0x9: {  	s5 =	sshll.u32 s2, $0x7;
	_ =	strace $0x80000047;
	s17 =	ssub.s32 $0x2, s2  }
0xa: {  	s15 =	smul.u32 $0x2710, s2;
	s25 =	sand.u32 $0x380, s23;
	s23 =	sadd.s32 s23, s13  }
0xb: {  	s3 =	sor.u32 s5, s3;
	s16 =	sshrl.u32 s8, $0x3;
	[dreg:$0x11] =	wrdreg s23  }
0xc: {  	s9 =	sshrl.u32 s17, $0x1;
	s28 =	sadd.s32 $0xA0, s8;
	[dreg:$0x8] =	wrdreg s15  }
0xd: {  	s10 =	sshrl.u32 s7, $0x3;
	s13 =	sadd.s32 $0x190, s8;
	[smem:$0x7F0] =	sst s28  }
0xe: {  	s19 =	sshrl.u32 s11, $0x2;
	s29 =	sadd.s32 $0x250, s8;
	[dreg:$0x17] =	wrdreg s13  }
0xf: {  	s30 =	sadd.s32 $0x260, s8;
	s3 =	sshrl.u32 s3, $0x3;
	[smem:$0x7EB] =	sst s29  }
0x10: {  	s6 =	ssub.s32 s17, s9;
	s28 =	sadd.s32 $0xB0, s8;
	[smem:$0x7EC] =	sst s30  }
0x11: {  	s18 =	sadd.s32 s26, s10;
	s31 =	sadd.s32 s19, s4;
	[smem:$0x7F1] =	sst s28  }
0x12: {  	s7 =	sadd.s32 s15, s7;
	s9 =	sadd.s32 $0x9C40, s18;
	[dreg:$0xa] =	wrdreg s31  }
0x13: {  	s15 =	sshll.u32 s15, $0x2;
	s22 =	sadd.s32 $0x28A0, s31;
	[dreg:$0x9] =	wrdreg s9  }
0x14: {  	s3 =	sadd.s32 s3, s0;
	s24 =	sadd.s32 $0x5140, s31;
	[dreg:$0xc] =	wrdreg s22  }
0x15: {  	s0 =	sadd.s32 s16, s0;
	s28 =	sadd.s32 $0xC0, s8;
	[dreg:$0xd] =	wrdreg s24  }
0x16: {  	s16 =	sadd.s32 $0x200, s15;
	s15 =	sadd.s32 $0x1B0, s8;
	[smem:$0x7F2] =	sst s28  }
0x17: {  	v0 =	vlaneseq.u32;
	s7 =	sshrl.u32 s7, $0x3;
	[dreg:$0x19] =	wrdreg s15  }
0x18: {  	s20 =	sshrl.u32 s12, $0x3;
	s5 =	sadd.s32 s26, s7;
	v14 =	vor.u32 s15, v0;
	s15 =	sld [smem:$0x7F0]  }
0x19: {  	s21 =	smul.u32 $0x50000, s20;
	s22 =	sadd.s32 $0x79E0, s31;
	[dreg:$0xb] =	wrdreg s5  }
0x1a: {  	s24 =	sadd.s32 s8, s14;
	[dreg:$0x10] =	wrdreg s22  }
0x1b: {  	s9 =	sshrl.u32 s21, $0x2;
	s0 =	sadd.s32 $0x42600, s0;
	[dreg:$0x12] =	wrdreg s24  }
0x1c: {  	s26 =	smul.u32 $0x5000, s12;
	s28 =	sadd.s32 $0xD0, s8;
	[dreg:$0x13] =	wrdreg s0  }
0x1d: {  	s21 =	sor.u32 s12, s2;
	s12 =	sadd.s32 $0x180, s8;
	[smem:$0x7F3] =	sst s28  }
0x1e: {  	s14 =	sadd.s32 $0x1A0, s8;
	[dreg:$0x16] =	wrdreg s12  }
0x1f: {  	s5 =	sadd.s32 $0x270, s8;
	[dreg:$0x18] =	wrdreg s14  }
0x20: {  	s28 =	sadd.s32 $0xE0, s8;
	[smem:$0x7ED] =	sst s5  }
0x21: {  	p1 =	sne.s32 s21, $0x0;
	s21 =	sadd.s32 $0x210, s8;
	[smem:$0x7F4] =	sst s28  }
0x22: {  	s22 =	sadd.s32 $0x220, s8;
	[dreg:$0x1f] =	wrdreg s21  }
0x23: {  	s24 =	sadd.s32 $0x230, s8;
	[smem:$0x7E8] =	sst s22  }
0x24: {  	s9 =	sadd.s32 s9, s1;
	s0 =	sadd.s32 $0x90, s8;
	[smem:$0x7E9] =	sst s24  }
0x25: {  	s7 =	sadd.s32 s25, s9;
	[smem:$0x7EF] =	sst s0  }
0x26: {  	s17 =	smul.u32 $0x9C40, s2;
	s25 =	sadd.s32 $0x15600, s3;
	[dreg:$0xe] =	wrdreg s7  }
0x27: {  	s10 =	sshrl.u32 s26, $0x2;
	s26 =	smax.u32 s6, $0x1;
	[dreg:$0x14] =	wrdreg s25  }
0x28: {  	s20 =	sand.u32 $0xFE00, s17;
	s28 =	sadd.s32 $0xF0, s8;
	[dreg:$0x15] =	wrdreg s26  }
0x29: {  	s3 =	sshrl.u32 s17, $0x2;
	s17 =	sadd.s32 $0x1D0, s8;
	[smem:$0x7F5] =	sst s28  }
0x2a: {  	[dreg:$0x1b] =	wrdreg s17  }
0x2b: {  	v13 =	vor.u32 s14, v0;
	s14 =	sld [smem:$0x7ED]  }
0x2c: {  	s1 =	sadd.s32 s10, s1;
	v16 =	vor.u32 s17, v0;
	s17 =	sld [smem:$0x7F2]  }
0x2d: {  	s5 =	sor.u32 $0x20, s8;
	s28 =	sadd.s32 $0x100, s8;
	[dreg:$0xf] =	wrdreg s1  }
0x2e: {  	s6 =	sor.u32 $0x30, s8;
	v2 =	vor.u32 s5, v0;
	s5 =	sadd.s32 $0x120, s8;
	[smem:$0x7F6] =	sst s28  }
0x2f: {  	p0 =	sne.s32 s2, $0x0;
	v3 =	vor.u32 s6, v0;
	s6 =	sadd.s32 $0x160, s8;
	[smem:$0x7F8] =	sst s5  }
0x30: {  	s7 =	sand.u32 $0x1FE00, s16;
	s16 =	sadd.s32 $0x1C0, s8;
	[smem:$0x7FC] =	sst s6  }
0x31: {  	s11 =	sor.u32 $0x70, s8;
	s26 =	sadd.s32 $0x240, s8;
	[dreg:$0x1a] =	wrdreg s16  }
0x32: {  	v24 =	vor.u32 s29, v0;
	s29 =	simm.s32 $0x1E700;
	s9 =	sor.u32 $0x50, s8;
	[smem:$0x7EA] =	sst s26  }
0x33: {  	s18 =	sshll.u32 s2, $0x6;
	v5 =	vor.u32 s9, v0;
	s9 =	sadd.s32 $0x150, s8;
	v15 =	vor.u32 s16, v0;
	s16 =	sld [smem:$0x7F1]  }
0x34: {  	s19 =	sor.u32 s18, s7;
	s5 =	sadd.s32 $0x130, s8;
	[smem:$0x7FB] =	sst s9  }
0x35: {  	s7 =	sor.u32 s18, s20;
	s18 =	sadd.s32 $0x1E0, s8;
	[smem:$0x7F9] =	sst s5  }
0x36: {  	v25 =	vmov s30;
	s30 =	simm.s32 $0x1EF00;
	s20 =	sadd.s32 $0x200, s8;
	[dreg:$0x1c] =	wrdreg s18  }
0x37: {  	v7 =	vor.u32 s11, v0;
	s11 =	simm.s32 $0x0;
	s25 =	sadd.s32 $0xF710, s3;
	[dreg:$0x1e] =	wrdreg s20  }
0x38: {  	s3 =	sor.u32 $0x10, s8;
	s10 =	sor.u32 $0x60, s8;
	v17 =	vor.u32 s18, v0;
	s18 =	sld [smem:$0x7F3]  }
0x39: {  	v1 =	vor.u32 s3, v0;
	s3 =	sadd.s32 $0x110, s8;
	v6 =	vor.u32 s10, v0;
	s10 =	sadd.s32 $0x170, s8;
	v19 =	vor.u32 s20, v0;
	s20 =	sld [smem:$0x7F5]  }
0x3a: {  	v20 =	vor.u32 s21, v0;
	v9 =	vmov s25;
	s25 =	simm.s32 $0x6;
	s6 =	simm.s32 $0x16C00;
	s21 =	sld [smem:$0x7F6]  }
0x3b: {  	s28 =	simm.s32 $0x5;
	v41 =	vor.u32 s9, v0;
	s9 =	simm.s32 $0x1EA80;
	[smem:$0x7F7] =	sst s3  }
0x3c: {  	v21 =	vor.u32 s22, v0;
	s1 =	sshrl.u32 s19, $0x2;
	s2 =	sshrl.u32 s7, $0x2;
	s22 =	sld [smem:$0x7F8]  }
0x3d: {  	v44 =	vimm.f32 $0.0e+00;
	v23 =	vor.u32 s26, v0;
	s19 =	sadd.s32 $0x1F0, s8;
	s7 =	sor.u32 $0x40, s8;
	s26 =	sld [smem:$0x7FC]  }
0x3e: {  	v45 =	vimm.s32 $0x40;
	v46 =	vimm.f32 $1.000000000e+00;
	s5 =	simm.s32 $0x19400;
	v37 =	vor.u32 s3, v0;
	[smem:$0x7FD] =	sst s10;
	s3 =	simm.s32 $0x1EB80  }
0x3f: {  	v47 =	vimm.s32 $0x0;
	v27 =	vor.u32 s8, v0;
	v12 =	vor.u32 s13, v0;
	s23 =	sadd.s32 $0xF680, s1;
	s1 =	sadd.s32 $0xF680, s2;
	[dreg:$0x1d] =	wrdreg s19  }
0x40: {  	v11 =	vor.u32 s12, v0;
	s2 =	sadd.s32 $0x80, s8;
	v4 =	vor.u32 s7, v0;
	s7 =	sadd.s32 $0x140, s8;
	v18 =	vor.u32 s19, v0;
	s19 =	sld [smem:$0x7F4]  }
0x41: {  	v22 =	vor.u32 s24, v0;
	v26 =	vmov s14;
	v32 =	vor.u32 s17, v0;
	s14 =	simm.s32 $0x1E880;
	s17 =	simm.s32 $0x1E900;
	s24 =	sld [smem:$0x7F9]  }
.Ltmp0:
0x42: {  	v29 =	vor.u32 s0, v0;
	v30 =	vor.u32 s15, v0;
	v8 =	vmov s1;
	s1 =	simm.s32 $0x1E680;
	[smem:$0x7EE] =	sst s2;
	(pc) =	sbr.rel .LBB2_1-.Ltmp0, $4  }
0x43: {  	v43 =	vmov s10;
	v10 =	vmov s23;
	s23 =	simm.s32 $0x80;
	v31 =	vor.u32 s16, v0;
	s16 =	simm.s32 $0x1;
	[smem:$0x7FA] =	sst s7  }
0x44: {  	v28 =	vor.u32 s2, v0;
	v40 =	vor.u32 s7, v0;
	s2 =	simm.s32 $0x1F280;
	s7 =	simm.s32 $0x1EB00;
	v33 =	vor.u32 s18, v0;
	s18 =	simm.s32 $0x1F100  }
0x45: {  	v35 =	vor.u32 s20, v0;
	v36 =	vor.u32 s21, v0;
	v38 =	vor.u32 s22, v0;
	s20 =	simm.s32 $0x1F180;
	s21 =	simm.s32 $0x1EA00;
	s22 =	simm.s32 $0x1F200  }
0x46: {  	v42 =	vmov s26;
	s26 =	simm.s32 $0x1F380;
	v34 =	vor.u32 s19, v0;
	s19 =	simm.s32 $0x1E980;
	v39 =	vor.u32 s24, v0;
	s24 =	simm.s32 $0x1F300  }
.LBB2_24:
0x47: {  	_ =	sdelay $0x3  }
0x48: {  	v48 =	vld.idx.msk [tilespmem:v11+s5+$0x0], $0xffff  }
0x49: {  	s0 =	rddreg [dreg:$0x16]  }
0x4a: {  	v49 =	vld [tilespmem:s0+$0x16C00];
	_ =	sdelay $0x2  }
0x4b: {  	v48 =	vmul.u32 $0x2800, v48;
	_ =	sdelay $0x1  }
0x4c: {  	[tilespmem:$0x1EF00] =	vst v49;
	v48 =	vadd.s32 v11, v48  }
0x4d: {  	[tilespmem:$0x1E700] =	vst v48  }
0x4e: {  	v48 =	vld.idx.msk [tilespmem:v12+s5+$0x0], $0xffff  }
0x4f: {  	s13 =	rddreg [dreg:$0x17]  }
0x50: {  	v49 =	vld [tilespmem:s13+$0x16C00];
	_ =	sdelay $0x2  }
0x51: {  	v48 =	vmul.u32 $0x2800, v48;
	_ =	sdelay $0x1  }
0x52: {  	[tilespmem:$0x1EF10] =	vst v49;
	v48 =	vadd.s32 v12, v48  }
0x53: {  	[tilespmem:$0x1E710] =	vst v48  }
0x54: {  	v48 =	vld.idx.msk [tilespmem:v13+s5+$0x0], $0xffff  }
0x55: {  	s14 =	rddreg [dreg:$0x18]  }
0x56: {  	v49 =	vld [tilespmem:s14+$0x16C00];
	_ =	sdelay $0x2  }
0x57: {  	v48 =	vmul.u32 $0x2800, v48;
	_ =	sdelay $0x1  }
0x58: {  	[tilespmem:$0x1EF20] =	vst v49;
	v48 =	vadd.s32 v13, v48  }
0x59: {  	[tilespmem:$0x1E720] =	vst v48  }
0x5a: {  	v48 =	vld.idx.msk [tilespmem:v14+s5+$0x0], $0xffff  }
0x5b: {  	s15 =	rddreg [dreg:$0x19]  }
0x5c: {  	v49 =	vld [tilespmem:s15+$0x16C00];
	_ =	sdelay $0x2  }
0x5d: {  	v48 =	vmul.u32 $0x2800, v48;
	_ =	sdelay $0x1  }
0x5e: {  	[tilespmem:$0x1EF30] =	vst v49;
	v48 =	vadd.s32 v14, v48  }
0x5f: {  	[tilespmem:$0x1E730] =	vst v48  }
0x60: {  	v48 =	vld.idx.msk [tilespmem:v15+s5+$0x0], $0xffff  }
0x61: {  	s10 =	rddreg [dreg:$0x1a]  }
0x62: {  	v49 =	vld [tilespmem:s10+$0x16C00];
	_ =	sdelay $0x2  }
0x63: {  	v48 =	vmul.u32 $0x2800, v48;
	_ =	sdelay $0x1  }
0x64: {  	[tilespmem:$0x1EF40] =	vst v49;
	v48 =	vadd.s32 v15, v48  }
0x65: {  	[tilespmem:$0x1E740] =	vst v48  }
0x66: {  	v48 =	vld.idx.msk [tilespmem:v16+s5+$0x0], $0xffff  }
0x67: {  	s12 =	rddreg [dreg:$0x1b]  }
0x68: {  	v49 =	vld [tilespmem:s12+$0x16C00];
	_ =	sdelay $0x2  }
0x69: {  	v48 =	vmul.u32 $0x2800, v48;
	_ =	sdelay $0x1  }
0x6a: {  	[tilespmem:$0x1EF50] =	vst v49;
	v48 =	vadd.s32 v16, v48  }
0x6b: {  	[tilespmem:$0x1E750] =	vst v48  }
0x6c: {  	v48 =	vld.idx.msk [tilespmem:v17+s5+$0x0], $0xffff  }
0x6d: {  	s13 =	rddreg [dreg:$0x1c]  }
0x6e: {  	v49 =	vld [tilespmem:s13+$0x16C00];
	_ =	sdelay $0x2  }
0x6f: {  	v48 =	vmul.u32 $0x2800, v48;
	_ =	sdelay $0x1  }
0x70: {  	[tilespmem:$0x1EF60] =	vst v49;
	v48 =	vadd.s32 v17, v48  }
0x71: {  	[tilespmem:$0x1E760] =	vst v48  }
0x72: {  	v48 =	vld.idx.msk [tilespmem:v18+s5+$0x0], $0xffff  }
0x73: {  	s14 =	rddreg [dreg:$0x1d]  }
0x74: {  	v49 =	vld [tilespmem:s14+$0x16C00];
	_ =	sdelay $0x2  }
0x75: {  	v48 =	vmul.u32 $0x2800, v48;
	_ =	sdelay $0x1  }
0x76: {  	[tilespmem:$0x1EF70] =	vst v49;
	v48 =	vadd.s32 v18, v48  }
0x77: {  	[tilespmem:$0x1E770] =	vst v48  }
0x78: {  	[spmem:s4] =	stream.indirect.scatter.add.f32 [tilespmem:s30], [sflag:$0x6], $0x1, s29, s23, $0xb8;
	[tilespmem:$0x1F700] =	vst v63  }
0x79: {  	_ =	swait.ge [sflag:s25], $0x80  }
0x7a: {  	[sflag:s25] =	ssyncset.done $0x0  }
0x7b: {  	[sflag:s25] =	ssyncadd.s32 $0xFFFFFF80  }
0x7c: {  	v62 =	vld.idx.msk [tilespmem:v19+s5+$0x0], $0xffff  }
0x7d: {  	s15 =	rddreg [dreg:$0x1e]  }
0x7e: {  	v63 =	vld [tilespmem:s15+$0x16C00];
	_ =	sdelay $0x2  }
0x7f: {  	v48 =	vmul.u32 $0x2800, v62;
	_ =	sdelay $0x1  }
0x80: {  	[tilespmem:$0x1EF00] =	vst v63;
	v48 =	vadd.s32 v19, v48  }
0x81: {  	[tilespmem:$0x1E700] =	vst v48  }
0x82: {  	v48 =	vld.idx.msk [tilespmem:v20+s5+$0x0], $0xffff  }
0x83: {  	s10 =	rddreg [dreg:$0x1f]  }
0x84: {  	v49 =	vld [tilespmem:s10+$0x16C00];
	_ =	sdelay $0x2  }
0x85: {  	v48 =	vmul.u32 $0x2800, v48;
	_ =	sdelay $0x1  }
0x86: {  	[tilespmem:$0x1EF10] =	vst v49;
	v48 =	vadd.s32 v20, v48  }
0x87: {  	s12 =	sld [smem:$0x7E8];
	[tilespmem:$0x1E710] =	vst v48  }
0x88: {  	v48 =	vld.idx.msk [tilespmem:v21+s5+$0x0], $0xffff;
	_ =	sdelay $0x1  }
0x89: {  	v49 =	vld [tilespmem:s12+$0x16C00];
	_ =	sdelay $0x2  }
0x8a: {  	v48 =	vmul.u32 $0x2800, v48;
	_ =	sdelay $0x1  }
0x8b: {  	[tilespmem:$0x1EF20] =	vst v49;
	v48 =	vadd.s32 v21, v48  }
0x8c: {  	s13 =	sld [smem:$0x7E9];
	[tilespmem:$0x1E720] =	vst v48  }
0x8d: {  	v48 =	vld.idx.msk [tilespmem:v22+s5+$0x0], $0xffff;
	_ =	sdelay $0x1  }
0x8e: {  	v49 =	vld [tilespmem:s13+$0x16C00];
	_ =	sdelay $0x2  }
0x8f: {  	v48 =	vmul.u32 $0x2800, v48;
	_ =	sdelay $0x1  }
0x90: {  	[tilespmem:$0x1EF30] =	vst v49;
	v48 =	vadd.s32 v22, v48  }
0x91: {  	s14 =	sld [smem:$0x7EA];
	[tilespmem:$0x1E730] =	vst v48  }
0x92: {  	v48 =	vld.idx.msk [tilespmem:v23+s5+$0x0], $0xffff;
	_ =	sdelay $0x1  }
0x93: {  	v49 =	vld [tilespmem:s14+$0x16C00];
	_ =	sdelay $0x2  }
0x94: {  	v48 =	vmul.u32 $0x2800, v48;
	_ =	sdelay $0x1  }
0x95: {  	[tilespmem:$0x1EF40] =	vst v49;
	v48 =	vadd.s32 v23, v48  }
0x96: {  	s15 =	sld [smem:$0x7EB];
	[tilespmem:$0x1E740] =	vst v48  }
0x97: {  	v48 =	vld.idx.msk [tilespmem:v24+s5+$0x0], $0xffff;
	_ =	sdelay $0x1  }
0x98: {  	v49 =	vld [tilespmem:s15+$0x16C00];
	_ =	sdelay $0x2  }
0x99: {  	s0 =	sld [smem:$0x7ED];
	v48 =	vmul.u32 $0x2800, v48  }
0x9a: {  	s31 =	rddreg [dreg:$0xa]  }
0x9b: {  	v50 =	vmov v26;
	s10 =	sld [smem:$0x7EC];
	s12 =	stileid.u32;
	[tilespmem:$0x1EF50] =	vst v49;
	v49 =	vmov v25;
	v48 =	vadd.s32 v24, v48  }
.LBB2_25:
0x9c: {  	v49 =	vor.u32 v0, v49;
	_ =	sdelay $0x3  }
0x9d: {  	[tilespmem:$0x1E750] =	vst v48  }
0x9e: {  	v48 =	vld.idx.msk [tilespmem:v49+s5+$0x0], $0xffff;
	_ =	sdelay $0x1  }
0x9f: {  	v51 =	vld [tilespmem:s10+$0x16C00];
	_ =	sdelay $0x1  }
0xa0: {  	v50 =	vor.u32 v0, v50  }
0xa1: {  	v48 =	vmul.u32 $0x2800, v48;
	_ =	sdelay $0x1  }
0xa2: {  	[tilespmem:$0x1EF60] =	vst v51;
	v48 =	vadd.s32 v49, v48  }
0xa3: {  	[tilespmem:$0x1E760] =	vst v48  }
0xa4: {  	v48 =	vld.idx.msk [tilespmem:v50+s5+$0x0], $0xffff;
	_ =	sdelay $0x1  }
0xa5: {  	v63 =	vld [tilespmem:s0+$0x16C00];
	_ =	sdelay $0x2  }
0xa6: {  	v48 =	vmul.u32 $0x2800, v48;
	_ =	sdelay $0x1  }
0xa7: {  	[tilespmem:$0x1EF70] =	vst v63;
	v48 =	vadd.s32 v50, v48  }
0xa8: {  	[tilespmem:$0x1E770] =	vst v48  }
0xa9: {  	[spmem:s4] =	stream.indirect.scatter.add.f32 [tilespmem:s30], [sflag:$0x6], $0x1, s29, s23, $0xb8;
	[tilespmem:$0x1F700] =	vst v63  }
0xaa: {  	_ =	swait.ge [sflag:s25], $0x80  }
0xab: {  	[sflag:s25] =	ssyncset.done $0x0  }
0xac: {  	s13 =	sshll.u32 s12, $0x6;
	[sflag:s25] =	ssyncadd.s32 $0xFFFFFF80  }
0xad: {  	s14 =	simm.s32 $0x10;
	s10 =	sshrl.u32 s31, $0x3;
	[bflag:$0x0] =	sbarrier.arrive $0xFFFF  }
0xae: {  	s0 =	sor.u32 $0x1C06, s13;
	s13 =	simm.s32 $0x20;
	s12 =	rddreg [dreg:$0x14]  }
0xaf: {  	[hbm:s12@s13], [sflag:s0] =	dma.strided [spmem:s10@s14], $0x1450, s16, $0x10   }
0xb0: {  	_ =	swait.ge [sflag:s25], $0x1450  }
0xb1: {  	s11 =	sadd.s32 $0x1, s11;
	s14 =	rddreg [dreg:$0x15]  }
0xb2: {  	p2 =	sne.s32 s11, s14  }
.Ltmp1:
0xb3: {  	_ = 	snop;
	(pc) =	sbr.rel @!p2 .LBB2_26-.Ltmp1, $3  }
0xb4: {  	_ =	sdelay $0x1  }
0xb5: {  	[sflag:s25] =	ssyncset.done $0x0  }
0xb6: {  	s15 =	stileid.u32;
	[sflag:s25] =	ssyncadd.s32 $0xFFFFEBB0;
	s14 =	simm.s32 $0x1E880  }
.LBB2_1:
0xb7: {  	s0 =	rddreg [dreg:$0x1];
	s10 =	simm.s32 $0x0  }
0xb8: {  	[tilespmem:s5], [sflag:$0x2] =	stream.linear.gather [hbm4b:s0+s10], $0x2710, $0x38;
	[tilespmem:$0x1F700] =	vst v63  }
0xb9: {  	s15 =	rddreg [dreg:$0x9];
	s12 =	simm.s32 $0xF680  }
0xba: {  	[tilespmem:s12], [sflag:$0x3] =	stream.linear.gather [hbm4b:s15+s10], $0x4E20, $0x38;
	[tilespmem:$0x1F700] =	vst v63  }
0xbb: {  	s13 =	rddreg [dreg:$0xb];
	s15 =	simm.s32 $0x144A0  }
0xbc: {  	[tilespmem:s15], [sflag:$0x4] =	stream.linear.gather [hbm4b:s13+s10], $0x2710, $0x38;
	[tilespmem:$0x1F700] =	vst v63  }
0xbd: {  	s0 =	simm.s32 $0x0;
	s10 =	simm.s32 $0x140  }
.LBB2_2:
0xbe: {  	p2 =	sne.s32 s10, $0xA140;
	[tilespmem:s0+$0xCDC0] =	vst v44;
	s12 =	smov.u32 s10;
	s10 =	sadd.s32 $0x140, s10  }
.Ltmp2:
0xbf: {  	[tilespmem:s0+$0xCDB0] =	vst v44;
	(pc) =	sbr.rel @p2 .LBB2_2-.Ltmp2, $4  }
0xc0: {  	[tilespmem:s0+$0xCDA0] =	vst v44  }
0xc1: {  	[tilespmem:s0+$0xCD80] =	vst v44  }
0xc2: {  	[tilespmem:s0+$0xCD90] =	vst v44  }
0xc3: {  	s0 =	sshra.s32 s12, $0x2  }
0xc4: {  	[tilespmem:s0+$0xCDC0] =	vst v44  }
0xc5: {  	[tilespmem:s0+$0xCDB0] =	vst v44  }
0xc6: {  	[tilespmem:s0+$0xCDA0] =	vst v44  }
0xc7: {  	[tilespmem:s0+$0xCD80] =	vst v44  }
0xc8: {  	[tilespmem:s0+$0xCD90] =	vst v44;
	s10 =	simm.s32 $0xCD80  }
0xc9: {  	[spmem:s31] =	stream.linear.scatter [tilespmem:s10], [sflag:$0x5], $0x28A0, $0x38;
	[tilespmem:$0x1F700] =	vst v63  }
0xca: {  	s13 =	rddreg [dreg:$0xc]  }
0xcb: {  	[spmem:s13] =	stream.linear.scatter [tilespmem:s10], [sflag:$0x5], $0x28A0, $0x38;
	[tilespmem:$0x1F700] =	vst v63  }
0xcc: {  	s15 =	rddreg [dreg:$0xd]  }
0xcd: {  	[spmem:s15] =	stream.linear.scatter [tilespmem:s10], [sflag:$0x5], $0x28A0, $0x38;
	[tilespmem:$0x1F700] =	vst v63  }
0xce: {  	s31 =	rddreg [dreg:$0x10]  }
0xcf: {  	[spmem:s31] =	stream.linear.scatter [tilespmem:s10], [sflag:$0x5], $0x28A0, $0x38;
	[tilespmem:$0x1F700] =	vst v63  }
0xd0: {  	s0 =	simm.s32 $0x0;
	s10 =	simm.s32 $0x140  }
.LBB2_4:
0xd1: {  	p2 =	sne.s32 s10, $0x9EC0;
	[tilespmem:s0+$0x16C40] =	vst v44;
	s12 =	smov.u32 s10;
	s10 =	sadd.s32 $0x140, s10  }
.Ltmp3:
0xd2: {  	[tilespmem:s0+$0x16C30] =	vst v44;
	(pc) =	sbr.rel @p2 .LBB2_4-.Ltmp3, $4  }
0xd3: {  	[tilespmem:s0+$0x16C20] =	vst v44  }
0xd4: {  	[tilespmem:s0+$0x16C00] =	vst v44  }
0xd5: {  	[tilespmem:s0+$0x16C10] =	vst v44  }
0xd6: {  	s0 =	sshra.s32 s12, $0x2  }
0xd7: {  	[tilespmem:s0+$0x16C40] =	vst v44  }
0xd8: {  	[tilespmem:s0+$0x16C30] =	vst v44  }
0xd9: {  	[tilespmem:s0+$0x16C20] =	vst v44  }
0xda: {  	[tilespmem:s0+$0x16C00] =	vst v44  }
0xdb: {  	[tilespmem:s0+$0x16C10] =	vst v44  }
0xdc: {  	[tilespmem:$0x1E680] =	vst v44  }
0xdd: {  	[tilespmem:$0x1E690] =	vst v44  }
0xde: {  	[tilespmem:$0x1E6A0] =	vst v44  }
0xdf: {  	[tilespmem:$0x1E6B0] =	vst v44  }
0xe0: {  	[tilespmem:$0x1E6C0] =	vst v44  }
0xe1: {  	[tilespmem:$0x1E6D0] =	vst v44  }
0xe2: {  	[tilespmem:$0x1E6E0] =	vst v44  }
0xe3: {  	s15 =	simm.s32 $0x2;
	[tilespmem:$0x1E6F0] =	vst v44  }
0xe4: {  	_ =	swait.ge [sflag:s15], $0x2710  }
0xe5: {  	[sflag:s15] =	ssyncset.done $0x0  }
0xe6: {  	[sflag:s15] =	ssyncadd.s32 $0xFFFFD8F0  }
0xe7: {  	[tilespmem:$0x1BB10] =	vst v45  }
0xe8: {  	[tilespmem:$0x1BB20] =	vst v45  }
0xe9: {  	[tilespmem:$0x1BB30] =	vst v45  }
0xea: {  	[tilespmem:$0x1BB40] =	vst v45  }
0xeb: {  	[tilespmem:$0x1BB50] =	vst v45  }
0xec: {  	[tilespmem:$0x1BB60] =	vst v45  }
0xed: {  	[tilespmem:$0x1BB70] =	vst v45  }
0xee: {  	[tilespmem:$0x1BB80] =	vst v45  }
0xef: {  	[tilespmem:$0x1BB90] =	vst v45  }
0xf0: {  	[tilespmem:$0x1BBA0] =	vst v45  }
0xf1: {  	[tilespmem:$0x1BBB0] =	vst v45  }
0xf2: {  	[tilespmem:$0x1BBC0] =	vst v45  }
0xf3: {  	s31 =	simm.s32 $0x0;
	s10 =	sadd.s32 $0x0, s8;
	[tilespmem:$0x1BBD0] =	vst v45  }
0xf4: {  	s10 =	sand.u32 $0x7F80, s10;
	s0 =	sand.u32 $0x70, s31;
	[tilespmem:$0x1BBE0] =	vst v45  }
0xf5: {  	s10 =	sor.u32 s0, s10;
	[tilespmem:$0x1BBF0] =	vst v45  }
0xf6: {  	v48 =	vld [tilespmem:s10+$0x19400];
	_ =	sdelay $0x5  }
0xf7: {  	s12 =	sadd.s32 $0x10, s8;
	s0 =	simm.s32 $0x10;
	s10 =	simm.s32 $0x20  }
.LBB2_6:
0xf8: {  	p2 =	sne.s32 s10, $0x270;
	s12 =	sand.u32 $0x7F80, s12;
	s0 =	sand.u32 $0x70, s0  }
0xf9: {  	s12 =	sor.u32 s0, s12;
	[tilespmem:v48+s1+$0x0] =	vst.idx.add.f32.msk $0xffff, v46;
	s0 =	smov.u32 s10  }
0xfa: {  	v48 =	vld [tilespmem:s12+$0x19400];
	_ =	sdelay $0x1  }
.Ltmp4:
0xfb: {  	(pc) =	sbr.rel @p2 .LBB2_6-.Ltmp4, $2  }
0xfc: {  	_ =	sdelay $0x2  }
0xfd: {  	s10 =	sadd.s32 $0x10, s10;
	s12 =	sadd.s32 s0, s8  }
0xfe: {  	_ =	sdelay $0x2  }
0xff: {  	s10 =	sand.u32 $0x7F80, s12;
	s0 =	sand.u32 $0x70, s0  }
0x100: {  	[tilespmem:v48+s1+$0x0] =	vst.idx.add.f32.msk $0xffff, v46;
	s0 =	sor.u32 s0, s10  }
0x101: {  	v48 =	vld [tilespmem:s0+$0x19400];
	_ =	sdelay $0x7  }
0x102: {  	s15 =	rddreg [dreg:$0x11];
	[tilespmem:v48+s1+$0x0] =	vst.idx.add.f32.msk $0xffff, v46  }
0x103: {  	[spmem:s15] =	stream.linear.scatter [tilespmem:s1], [sflag:$0x6], $0x80, $0x38;
	[tilespmem:$0x1F700] =	vst v63  }
0x104: {  	_ =	swait.ge [sflag:s25], $0x80  }
0x105: {  	[sflag:s25] =	ssyncset.done $0x0  }
0x106: {  	s31 =	simm.s32 $0x3;
	[sflag:s25] =	ssyncadd.s32 $0xFFFFFF80  }
0x107: {  	_ =	swait.ge [sflag:s31], $0x4E20  }
0x108: {  	s10 =	simm.s32 $0xF6D0;
	[sflag:s31] =	ssyncset.done $0x0  }
0x109: {  	s0 =	simm.s32 $0x0;
	s15 =	simm.s32 $0x1F080;
	[sflag:s31] =	ssyncadd.s32 $0xFFFFB1E0  }
.LBB2_8:
0x10a: {  	v48 =	vld [tilespmem:s10+$0xFFFFFFB0];
	_ =	sdelay $0x7  }
0x10b: {  	[tilespmem:v48+s6+$0x0] =	vst.idx.add.f32.msk $0xffff, v46  }
0x10c: {  	v48 =	vld [tilespmem:s10+$0xFFFFFFC0];
	_ =	sdelay $0x7  }
0x10d: {  	[tilespmem:v48+s6+$0x0] =	vst.idx.add.f32.msk $0xffff, v46  }
0x10e: {  	v48 =	vld [tilespmem:s10+$0xFFFFFFD0];
	_ =	sdelay $0x7  }
0x10f: {  	[tilespmem:v48+s6+$0x0] =	vst.idx.add.f32.msk $0xffff, v46  }
0x110: {  	v48 =	vld [tilespmem:s10+$0xFFFFFFE0];
	_ =	sdelay $0x7  }
0x111: {  	[tilespmem:v48+s6+$0x0] =	vst.idx.add.f32.msk $0xffff, v46  }
0x112: {  	v48 =	vld [tilespmem:s10+$0xFFFFFFF0];
	_ =	sdelay $0x7  }
0x113: {  	[tilespmem:v48+s6+$0x0] =	vst.idx.add.f32.msk $0xffff, v46  }
0x114: {  	v48 =	vld [tilespmem:s10+$0x0];
	_ =	sdelay $0x7  }
0x115: {  	[tilespmem:v48+s6+$0x0] =	vst.idx.add.f32.msk $0xffff, v46  }
0x116: {  	v48 =	vld [tilespmem:s10+$0x10];
	_ =	sdelay $0x7  }
0x117: {  	[tilespmem:v48+s6+$0x0] =	vst.idx.add.f32.msk $0xffff, v46  }
0x118: {  	v48 =	vld [tilespmem:s10+$0x20];
	_ =	sdelay $0x7  }
0x119: {  	s12 =	sand.u32 $0x7FE0, s0;
	[tilespmem:v48+s6+$0x0] =	vst.idx.add.f32.msk $0xffff, v46  }
0x11a: {  	v48 =	vld [tilespmem:s12+$0xF700];
	_ =	sdelay $0x7  }
0x11b: {  	[tilespmem:v48+s6+$0x0] =	vst.idx.add.f32.msk $0xffff, v46  }
0x11c: {  	v48 =	vld [tilespmem:s10+$0x40];
	_ =	sdelay $0x2  }
0x11d: {  	p2 =	sne.s32 s0, $0x4D80  }
.Ltmp5:
0x11e: {  	_ = 	snop;
	(pc) =	sbr.rel @p2 .LBB2_8-.Ltmp5, $2  }
0x11f: {  	_ =	sdelay $0x2  }
0x120: {  	s0 =	sadd.s32 $0xA0, s0;
	s10 =	sadd.s32 $0xA0, s10;
	[tilespmem:v48+s6+$0x0] =	vst.idx.add.f32.msk $0xffff, v46  }
0x121: {  	s0 =	rddreg [dreg:$0xe];
	s10 =	simm.s32 $0x400  }
0x122: {  	[spmem:s0] =	stream.strided.scatter [tilespmem:s6], [sflag:$0x6], $0x2800, s10, s23, $0x38;
	[tilespmem:$0x1F700] =	vst v63  }
0x123: {  	_ =	swait.ge [sflag:s25], $0x2800  }
0x124: {  	[sflag:s25] =	ssyncset.done $0x0  }
0x125: {  	s10 =	simm.s32 $0x4;
	[sflag:s25] =	ssyncadd.s32 $0xFFFFD800  }
0x126: {  	_ =	swait.ge [sflag:s10], $0x2710  }
0x127: {  	[sflag:s10] =	ssyncset.done $0x0  }
0x128: {  	[sflag:s10] =	ssyncadd.s32 $0xFFFFD8F0  }
0x129: {  	_ =	swait.ge [sflag:s28], $0x28A0  }
0x12a: {  	[sflag:s28] =	ssyncset.done $0x0  }
0x12b: {  	[sflag:s28] =	ssyncadd.s32 $0xFFFFD760  }
0x12c: {  	_ =	swait.ge [sflag:s28], $0x28A0  }
0x12d: {  	[sflag:s28] =	ssyncset.done $0x0  }
0x12e: {  	[sflag:s28] =	ssyncadd.s32 $0xFFFFD760  }
0x12f: {  	_ =	swait.ge [sflag:s28], $0x28A0  }
0x130: {  	[sflag:s28] =	ssyncset.done $0x0  }
0x131: {  	[sflag:s28] =	ssyncadd.s32 $0xFFFFD760  }
0x132: {  	_ =	swait.ge [sflag:s28], $0x28A0  }
0x133: {  	[sflag:s28] =	ssyncset.done $0x0  }
0x134: {  	[sflag:s28] =	ssyncadd.s32 $0xFFFFD760  }
0x135: {  	s12 =	simm.s32 $0x14000;
	[bflag:$0x0] =	sbarrier.arrive $0xFFFF  }
0x136: {  	s13 =	simm.s32 $0x1BE80;
	s10 =	simm.s32 $0x1400;
	s0 =	rddreg [dreg:$0xf]  }
0x137: {  	[tilespmem:s13], [sflag:$0x6] =	stream.strided.gather [spmem:s0], $0x2800, s12, s10, $0x38;
	[tilespmem:$0x1F700] =	vst v63  }
0x138: {  	s12 =	simm.s32 $0x0  }
0x139: {  	_ =	swait.ge [sflag:s25], $0x2800;
	s13 =	sand.u32 $0x70, s12;
	s0 =	sand.u32 $0x1C00, s12  }
0x13a: {  	[sflag:s25] =	ssyncset.done $0x0;
	s0 =	sor.u32 s13, s0  }
0x13b: {  	[sflag:s25] =	ssyncadd.s32 $0xFFFFD800;
	s10 =	sadd.s32 $0x1BE80, s0  }
0x13c: {  	v48 =	vld [tilespmem:s10+$0x80]  }
0x13d: {  	v49 =	vld [tilespmem:s0+$0x1BE80];
	_ =	sdelay $0x1  }
0x13e: {  	v50 =	vld [tilespmem:s10+$0x100];
	_ =	sdelay $0x1  }
0x13f: {  	v51 =	vld [tilespmem:s10+$0x180]  }
0x140: {  	v48 =	vadd.f32 v48, v49  }
0x141: {  	v60 =	vld [tilespmem:s10+$0x200]  }
0x142: {  	v48 =	vadd.f32 v50, v48  }
0x143: {  	v61 =	vld [tilespmem:s10+$0x280]  }
0x144: {  	v48 =	vadd.f32 v51, v48  }
0x145: {  	v62 =	vld [tilespmem:s10+$0x300]  }
0x146: {  	v48 =	vadd.f32 v60, v48  }
0x147: {  	v63 =	vld [tilespmem:s10+$0x380]  }
0x148: {  	v48 =	vadd.f32 v61, v48  }
0x149: {  	v54 =	vld [tilespmem:s0+$0x1D280]  }
0x14a: {  	v48 =	vadd.f32 v62, v48  }
0x14b: {  	v55 =	vld [tilespmem:s0+$0x1D300]  }
0x14c: {  	v48 =	vadd.f32 v63, v48  }
0x14d: {  	v56 =	vld [tilespmem:s0+$0x1D380]  }
0x14e: {  	v48 =	vadd.f32 v54, v48  }
0x14f: {  	v57 =	vld [tilespmem:s0+$0x1D400]  }
0x150: {  	v48 =	vadd.f32 v55, v48  }
0x151: {  	v58 =	vld [tilespmem:s0+$0x1D480]  }
0x152: {  	v48 =	vadd.f32 v56, v48  }
0x153: {  	v59 =	vld [tilespmem:s0+$0x1D500]  }
0x154: {  	v48 =	vadd.f32 v57, v48  }
0x155: {  	v60 =	vld [tilespmem:s0+$0x1D580]  }
0x156: {  	v48 =	vadd.f32 v58, v48  }
0x157: {  	v61 =	vld [tilespmem:s0+$0x1D600]  }
0x158: {  	v48 =	vadd.f32 v59, v48;
	_ =	sdelay $0x1  }
0x159: {  	v48 =	vadd.f32 v60, v48;
	_ =	sdelay $0x1  }
0x15a: {  	v48 =	vadd.f32 v61, v48;
	_ =	sdelay $0x1  }
0x15b: {  	v48 =	vadd.f32 $1.000000000e+00, v48;
	_ =	sdelay $0x1  }
0x15c: {  	v62 =	vshra.s32 v48, $0x1;
	v48 =	vmul.f32 $5.000000000e-01, v48  }
0x15d: {  	v49 =	vsub.s32 $0x5F3759DF, v62  }
0x15e: {  	v63 =	vmul.f32 v49, v48;
	_ =	sdelay $0x1  }
0x15f: {  	v50 =	vmul.f32 v49, v63;
	_ =	sdelay $0x1  }
0x160: {  	v50 =	vsub.f32 $1.500000000e+00, v50;
	_ =	sdelay $0x1  }
0x161: {  	v49 =	vmul.f32 v49, v50;
	_ =	sdelay $0x1  }
0x162: {  	v50 =	vmul.f32 v49, v48;
	_ =	sdelay $0x1  }
0x163: {  	v50 =	vmul.f32 v50, v49;
	_ =	sdelay $0x1  }
0x164: {  	v50 =	vsub.f32 $1.500000000e+00, v50;
	_ =	sdelay $0x1  }
0x165: {  	v49 =	vmul.f32 v50, v49;
	_ =	sdelay $0x1  }
0x166: {  	v48 =	vmul.f32 v49, v48;
	_ =	sdelay $0x1  }
0x167: {  	v48 =	vmul.f32 v48, v49;
	_ =	sdelay $0x1  }
0x168: {  	v48 =	vsub.f32 $1.500000000e+00, v48  }
0x169: {  	s31 =	simm.s32 $0x80;
	s10 =	simm.s32 $0x10  }
0x16a: {  	s13 =	sand.u32 $0x1C00, s31;
	s12 =	sand.u32 $0x70, s10;
	v48 =	vmul.f32 v48, v49  }
0x16b: {  	s10 =	simm.s32 $0x20;
	s12 =	sor.u32 s12, s13;
	s0 =	simm.s32 $0x1BC00  }
.LBB2_10:
0x16c: {  	p2 =	sne.s32 s10, $0x270;
	s13 =	sadd.s32 $0x1BE80, s12;
	[tilespmem:s0+$0x0] =	vst v48  }
0x16d: {  	v48 =	vld [tilespmem:s13+$0x80]  }
0x16e: {  	v49 =	vld [tilespmem:s12+$0x1BE80];
	_ =	sdelay $0x1  }
0x16f: {  	v50 =	vld [tilespmem:s13+$0x100];
	_ =	sdelay $0x1  }
0x170: {  	v51 =	vld [tilespmem:s13+$0x180]  }
0x171: {  	v48 =	vadd.f32 v48, v49  }
0x172: {  	v49 =	vld [tilespmem:s13+$0x200]  }
0x173: {  	v48 =	vadd.f32 v50, v48  }
0x174: {  	v50 =	vld [tilespmem:s13+$0x280]  }
0x175: {  	v48 =	vadd.f32 v51, v48  }
0x176: {  	v51 =	vld [tilespmem:s13+$0x300]  }
0x177: {  	v48 =	vadd.f32 v49, v48  }
0x178: {  	v49 =	vld [tilespmem:s13+$0x380]  }
0x179: {  	v48 =	vadd.f32 v50, v48  }
0x17a: {  	v50 =	vld [tilespmem:s12+$0x1D280]  }
0x17b: {  	v48 =	vadd.f32 v51, v48  }
0x17c: {  	v51 =	vld [tilespmem:s12+$0x1D300]  }
0x17d: {  	v48 =	vadd.f32 v49, v48  }
0x17e: {  	v49 =	vld [tilespmem:s12+$0x1D380]  }
0x17f: {  	v48 =	vadd.f32 v50, v48  }
0x180: {  	v50 =	vld [tilespmem:s12+$0x1D400]  }
0x181: {  	v48 =	vadd.f32 v51, v48  }
0x182: {  	v51 =	vld [tilespmem:s12+$0x1D480]  }
0x183: {  	v48 =	vadd.f32 v49, v48  }
0x184: {  	v49 =	vld [tilespmem:s12+$0x1D500]  }
0x185: {  	v48 =	vadd.f32 v50, v48  }
0x186: {  	v50 =	vld [tilespmem:s12+$0x1D580]  }
0x187: {  	v48 =	vadd.f32 v51, v48  }
0x188: {  	v51 =	vld [tilespmem:s12+$0x1D600]  }
0x189: {  	v48 =	vadd.f32 v49, v48;
	_ =	sdelay $0x1  }
0x18a: {  	v48 =	vadd.f32 v50, v48;
	_ =	sdelay $0x1  }
0x18b: {  	v48 =	vadd.f32 v51, v48;
	_ =	sdelay $0x1  }
0x18c: {  	v48 =	vadd.f32 $1.000000000e+00, v48;
	_ =	sdelay $0x1  }
0x18d: {  	v49 =	vshra.s32 v48, $0x1;
	v48 =	vmul.f32 $5.000000000e-01, v48  }
0x18e: {  	v49 =	vsub.s32 $0x5F3759DF, v49  }
0x18f: {  	v50 =	vmul.f32 v49, v48;
	_ =	sdelay $0x1  }
0x190: {  	v50 =	vmul.f32 v49, v50;
	_ =	sdelay $0x1  }
0x191: {  	v50 =	vsub.f32 $1.500000000e+00, v50;
	_ =	sdelay $0x1  }
0x192: {  	v49 =	vmul.f32 v49, v50;
	_ =	sdelay $0x1  }
0x193: {  	v50 =	vmul.f32 v49, v48;
	_ =	sdelay $0x1  }
0x194: {  	v50 =	vmul.f32 v50, v49;
	_ =	sdelay $0x1  }
0x195: {  	v50 =	vsub.f32 $1.500000000e+00, v50;
	_ =	sdelay $0x1  }
0x196: {  	v49 =	vmul.f32 v50, v49;
	_ =	sdelay $0x1  }
0x197: {  	v48 =	vmul.f32 v49, v48;
	_ =	sdelay $0x1  }
0x198: {  	v48 =	vmul.f32 v48, v49  }
.Ltmp6:
0x199: {  	(pc) =	sbr.rel @p2 .LBB2_10-.Ltmp6, $4  }
0x19a: {  	v48 =	vsub.f32 $1.500000000e+00, v48  }
0x19b: {  	s31 =	sadd.s32 $0x80, s31  }
0x19c: {  	s13 =	sand.u32 $0x1C00, s31;
	s12 =	sand.u32 $0x70, s10;
	v48 =	vmul.f32 v48, v49  }
0x19d: {  	s0 =	sadd.s32 $0x10, s0;
	s10 =	sadd.s32 $0x10, s10;
	s12 =	sor.u32 s12, s13  }
0x19e: {  	s10 =	sadd.s32 $0x1BE80, s12;
	[tilespmem:s0+$0x0] =	vst v48  }
0x19f: {  	v48 =	vld [tilespmem:s10+$0x80]  }
0x1a0: {  	v49 =	vld [tilespmem:s12+$0x1BE80];
	_ =	sdelay $0x1  }
0x1a1: {  	v50 =	vld [tilespmem:s10+$0x100];
	_ =	sdelay $0x1  }
0x1a2: {  	v51 =	vld [tilespmem:s10+$0x180]  }
0x1a3: {  	v48 =	vadd.f32 v48, v49  }
0x1a4: {  	v60 =	vld [tilespmem:s10+$0x200]  }
0x1a5: {  	v48 =	vadd.f32 v50, v48  }
0x1a6: {  	v61 =	vld [tilespmem:s10+$0x280]  }
0x1a7: {  	v48 =	vadd.f32 v51, v48  }
0x1a8: {  	v62 =	vld [tilespmem:s10+$0x300]  }
0x1a9: {  	v48 =	vadd.f32 v60, v48  }
0x1aa: {  	v63 =	vld [tilespmem:s10+$0x380]  }
0x1ab: {  	v48 =	vadd.f32 v61, v48  }
0x1ac: {  	v54 =	vld [tilespmem:s12+$0x1D280]  }
0x1ad: {  	v48 =	vadd.f32 v62, v48  }
0x1ae: {  	v55 =	vld [tilespmem:s12+$0x1D300]  }
0x1af: {  	v48 =	vadd.f32 v63, v48  }
0x1b0: {  	v56 =	vld [tilespmem:s12+$0x1D380]  }
0x1b1: {  	v48 =	vadd.f32 v54, v48  }
0x1b2: {  	v57 =	vld [tilespmem:s12+$0x1D400]  }
0x1b3: {  	v48 =	vadd.f32 v55, v48  }
0x1b4: {  	v58 =	vld [tilespmem:s12+$0x1D480]  }
0x1b5: {  	v48 =	vadd.f32 v56, v48  }
0x1b6: {  	v59 =	vld [tilespmem:s12+$0x1D500]  }
0x1b7: {  	v48 =	vadd.f32 v57, v48  }
0x1b8: {  	v60 =	vld [tilespmem:s12+$0x1D580]  }
0x1b9: {  	v48 =	vadd.f32 v58, v48  }
0x1ba: {  	v61 =	vld [tilespmem:s12+$0x1D600]  }
0x1bb: {  	v48 =	vadd.f32 v59, v48;
	_ =	sdelay $0x1  }
0x1bc: {  	v48 =	vadd.f32 v60, v48;
	_ =	sdelay $0x1  }
0x1bd: {  	v48 =	vadd.f32 v61, v48;
	_ =	sdelay $0x1  }
0x1be: {  	v48 =	vadd.f32 $1.000000000e+00, v48;
	_ =	sdelay $0x1  }
0x1bf: {  	v62 =	vshra.s32 v48, $0x1;
	v48 =	vmul.f32 $5.000000000e-01, v48  }
0x1c0: {  	v49 =	vsub.s32 $0x5F3759DF, v62  }
0x1c1: {  	v63 =	vmul.f32 v49, v48;
	_ =	sdelay $0x1  }
0x1c2: {  	v50 =	vmul.f32 v49, v63;
	_ =	sdelay $0x1  }
0x1c3: {  	v50 =	vsub.f32 $1.500000000e+00, v50;
	_ =	sdelay $0x1  }
0x1c4: {  	v49 =	vmul.f32 v49, v50;
	_ =	sdelay $0x1  }
0x1c5: {  	v50 =	vmul.f32 v49, v48;
	_ =	sdelay $0x1  }
0x1c6: {  	v50 =	vmul.f32 v50, v49;
	_ =	sdelay $0x1  }
0x1c7: {  	v50 =	vsub.f32 $1.500000000e+00, v50;
	_ =	sdelay $0x1  }
0x1c8: {  	v49 =	vmul.f32 v50, v49;
	_ =	sdelay $0x1  }
0x1c9: {  	v48 =	vmul.f32 v49, v48;
	_ =	sdelay $0x1  }
0x1ca: {  	v48 =	vmul.f32 v48, v49;
	_ =	sdelay $0x1  }
0x1cb: {  	v48 =	vsub.f32 $1.500000000e+00, v48;
	_ =	sdelay $0x1  }
0x1cc: {  	v48 =	vmul.f32 v48, v49  }
0x1cd: {  	s13 =	sadd.s32 $0x10, s0  }
0x1ce: {  	s10 =	rddreg [dreg:$0x12];
	s12 =	simm.s32 $0x1BC00;
	[tilespmem:s13+$0x0] =	vst v48  }
0x1cf: {  	[spmem:s10] =	stream.linear.scatter [tilespmem:s12], [sflag:$0x6], $0x280, $0x38;
	[tilespmem:$0x1F700] =	vst v63  }
0x1d0: {  	_ =	swait.ge [sflag:s25], $0x280  }
0x1d1: {  	s0 =	simm.s32 @!p0 $0x0;
	[sflag:s25] =	ssyncset.done $0x0  }
0x1d2: {  	s10 =	simm.s32 @!p0 $0x1BC00;
	s12 =	rddreg [dreg:$0x13];
	[sflag:s25] =	ssyncadd.s32 $0xFFFFFD80  }
0x1d3: {  	[hbm4b:s12+s0] =	stream.linear.scatter @!p0 [tilespmem:s10], [sflag:$0x6], $0x280, $0x38;
	[tilespmem:$0x1F700] =	vst v63  }
0x1d4: {  	s0 =	simm.s32 @!p0 $0x6  }
0x1d5: {  	_ =	swait.ge @!p0 [sflag:s0], $0x280  }
0x1d6: {  	s10 =	stileid.u32;
	[sflag:s0] =	ssyncset.done @!p0 $0x0  }
0x1d7: {  	s10 =	sshll.u32 @!p1 s10, $0x6;
	[sflag:s0] =	ssyncadd.s32 @!p0 $0xFFFFFD80  }
0x1d8: {  	s0 =	sor.u32 @!p1 $0x1C06, s10;
	s10 =	rddreg [dreg:$0x3]  }
0x1d9: {  	s12 =	rddreg [dreg:$0x2];
	s10 =	sshrl.u32 @!p1 s10, $0x3  }
0x1da: {  	[hbm:s12], [sflag:s0] =	dma.local @!p1 [spmem:s10], $0x100  }
0x1db: {  	s0 =	simm.s32 @!p1 $0x6  }
0x1dc: {  	_ =	swait.ge @!p1 [sflag:s0], $0x100  }
0x1dd: {  	[sflag:s0] =	ssyncset.done @!p1 $0x0  }
0x1de: {  	[sflag:s0] =	ssyncadd.s32 @!p1 $0xFFFFFF00  }
0x1df: {  	[bflag:$0x0] =	sbarrier.arrive $0xFFFF  }
.Ltmp7:
0x1e0: {  	s13 =	rddreg [dreg:$0x6];
	(pc) =	sbr.rel .LBB2_12-.Ltmp7, $4  }
0x1e1: {  	[tilespmem:s6], [sflag:$0x6] =	stream.linear.gather [spmem:s13], $0x2800, $0x38;
	[tilespmem:$0x1F700] =	vst v63  }
0x1e2: {  	_ =	swait.ge [sflag:s25], $0x2800  }
0x1e3: {  	s31 =	simm.s32 $0x0;
	[sflag:s25] =	ssyncset.done $0x0  }
0x1e4: {  	s12 =	simm.s32 $0x1E780;
	s0 =	simm.s32 $0x0;
	[sflag:s25] =	ssyncadd.s32 $0xFFFFD800  }
.LBB2_19:
0x1e5: {  	p2 =	slt.u32 s31, $0x5  }
0x1e6: {  	s10 =	simm.s32 @!p2 $0x1  }
0x1e7: {  	_ =	swait.ge @!p2 [sflag:s10], $0x80  }
0x1e8: {  	[sflag:s10] =	ssyncset.done @!p2 $0x0  }
0x1e9: {  	[sflag:s10] =	ssyncadd.s32 @!p2 $0xFFFFFF80  }
0x1ea: {  	_ =	swait.ge @!p2 [sflag:s10], $0x80  }
0x1eb: {  	[sflag:s10] =	ssyncset.done @!p2 $0x0  }
0x1ec: {  	s13 =	sshra.s32 s0, $0x2;
	[sflag:s10] =	ssyncadd.s32 @!p2 $0xFFFFFF80  }
0x1ed: {  	v48 =	vld.idx.msk [tilespmem:v8+s13+$0x0 ss:$0x1], $0xffff;
	_ =	sdelay $0x7  }
0x1ee: {  	v49 =	vld.idx.msk [tilespmem:v48+s5+$0x0], $0xffff  }
0x1ef: {  	v50 =	vld [tilespmem:s13+$0x144A0]  }
0x1f0: {  	v48 =	vld.idx.msk [tilespmem:v48+s6+$0x0], $0xffff;
	_ =	sdelay $0x2  }
0x1f1: {  	v49 =	vmul.u32 $0x2800, v49;
	_ =	sdelay $0x1  }
0x1f2: {  	[tilespmem:$0x1F100] =	vst v48;
	v54 =	vadd.s32 v50, v49  }
0x1f3: {  	[tilespmem:$0x1E900] =	vst v54  }
0x1f4: {  	v48 =	vld.idx.msk [tilespmem:v9+s13+$0xFFFFFF80 ss:$0x1], $0xffff;
	_ =	sdelay $0x7  }
0x1f5: {  	v55 =	vld.idx.msk [tilespmem:v48+s5+$0x0], $0xffff  }
0x1f6: {  	v56 =	vld [tilespmem:s13+$0x144B0]  }
0x1f7: {  	v48 =	vld.idx.msk [tilespmem:v48+s6+$0x0], $0xffff;
	_ =	sdelay $0x2  }
0x1f8: {  	v49 =	vmul.u32 $0x2800, v55;
	_ =	sdelay $0x1  }
0x1f9: {  	[tilespmem:$0x1F110] =	vst v48;
	v57 =	vadd.s32 v56, v49  }
0x1fa: {  	[tilespmem:$0x1E910] =	vst v57  }
0x1fb: {  	v48 =	vld.idx.msk [tilespmem:v9+s13+$0xFFFFFF90 ss:$0x1], $0xffff;
	_ =	sdelay $0x7  }
0x1fc: {  	v58 =	vld.idx.msk [tilespmem:v48+s5+$0x0], $0xffff  }
0x1fd: {  	v59 =	vld [tilespmem:s13+$0x144C0]  }
0x1fe: {  	v48 =	vld.idx.msk [tilespmem:v48+s6+$0x0], $0xffff;
	_ =	sdelay $0x2  }
0x1ff: {  	v49 =	vmul.u32 $0x2800, v58;
	_ =	sdelay $0x1  }
0x200: {  	[tilespmem:$0x1F120] =	vst v48;
	v60 =	vadd.s32 v59, v49  }
0x201: {  	[tilespmem:$0x1E920] =	vst v60  }
0x202: {  	v48 =	vld.idx.msk [tilespmem:v9+s13+$0xFFFFFFA0 ss:$0x1], $0xffff;
	_ =	sdelay $0x7  }
0x203: {  	v61 =	vld.idx.msk [tilespmem:v48+s5+$0x0], $0xffff  }
0x204: {  	v62 =	vld [tilespmem:s13+$0x144D0]  }
0x205: {  	v48 =	vld.idx.msk [tilespmem:v48+s6+$0x0], $0xffff;
	_ =	sdelay $0x2  }
0x206: {  	v49 =	vmul.u32 $0x2800, v61;
	_ =	sdelay $0x1  }
0x207: {  	[tilespmem:$0x1F130] =	vst v48;
	v63 =	vadd.s32 v62, v49  }
0x208: {  	[tilespmem:$0x1E930] =	vst v63  }
0x209: {  	v48 =	vld.idx.msk [tilespmem:v9+s13+$0xFFFFFFB0 ss:$0x1], $0xffff;
	_ =	sdelay $0x7  }
0x20a: {  	v52 =	vld.idx.msk [tilespmem:v48+s5+$0x0], $0xffff  }
0x20b: {  	v53 =	vld [tilespmem:s13+$0x144E0]  }
0x20c: {  	v48 =	vld.idx.msk [tilespmem:v48+s6+$0x0], $0xffff;
	_ =	sdelay $0x2  }
0x20d: {  	v49 =	vmul.u32 $0x2800, v52;
	_ =	sdelay $0x1  }
0x20e: {  	[tilespmem:$0x1F140] =	vst v48;
	v54 =	vadd.s32 v53, v49  }
0x20f: {  	[tilespmem:$0x1E940] =	vst v54  }
0x210: {  	v48 =	vld.idx.msk [tilespmem:v9+s13+$0xFFFFFFC0 ss:$0x1], $0xffff;
	_ =	sdelay $0x7  }
0x211: {  	v55 =	vld.idx.msk [tilespmem:v48+s5+$0x0], $0xffff  }
0x212: {  	v56 =	vld [tilespmem:s13+$0x144F0]  }
0x213: {  	v48 =	vld.idx.msk [tilespmem:v48+s6+$0x0], $0xffff;
	_ =	sdelay $0x2  }
0x214: {  	v49 =	vmul.u32 $0x2800, v55;
	_ =	sdelay $0x1  }
0x215: {  	[tilespmem:$0x1F150] =	vst v48;
	v57 =	vadd.s32 v56, v49  }
0x216: {  	[tilespmem:$0x1E950] =	vst v57  }
0x217: {  	v48 =	vld.idx.msk [tilespmem:v9+s13+$0xFFFFFFD0 ss:$0x1], $0xffff;
	_ =	sdelay $0x7  }
0x218: {  	v58 =	vld.idx.msk [tilespmem:v48+s5+$0x0], $0xffff  }
0x219: {  	v59 =	vld [tilespmem:s13+$0x14500]  }
0x21a: {  	v48 =	vld.idx.msk [tilespmem:v48+s6+$0x0], $0xffff;
	_ =	sdelay $0x2  }
0x21b: {  	v49 =	vmul.u32 $0x2800, v58;
	_ =	sdelay $0x1  }
0x21c: {  	[tilespmem:$0x1F160] =	vst v48;
	v60 =	vadd.s32 v59, v49  }
0x21d: {  	[tilespmem:$0x1E960] =	vst v60  }
0x21e: {  	v48 =	vld.idx.msk [tilespmem:v9+s13+$0xFFFFFFE0 ss:$0x1], $0xffff;
	_ =	sdelay $0x7  }
0x21f: {  	v61 =	vld.idx.msk [tilespmem:v48+s5+$0x0], $0xffff  }
0x220: {  	v62 =	vld [tilespmem:s13+$0x14510]  }
0x221: {  	v48 =	vld.idx.msk [tilespmem:v48+s6+$0x0], $0xffff;
	_ =	sdelay $0x2  }
0x222: {  	v49 =	vmul.u32 $0x2800, v61;
	_ =	sdelay $0x1  }
0x223: {  	[tilespmem:$0x1F170] =	vst v48;
	v63 =	vadd.s32 v62, v49  }
0x224: {  	[tilespmem:$0x1E970] =	vst v63  }
0x225: {  	v48 =	vld.idx.msk [tilespmem:v10+s13+$0x0 ss:$0x1], $0xffff;
	_ =	sdelay $0x7  }
0x226: {  	v52 =	vld.idx.msk [tilespmem:v48+s5+$0x0], $0xffff  }
0x227: {  	v53 =	vld [tilespmem:s13+$0x14520]  }
0x228: {  	v48 =	vld.idx.msk [tilespmem:v48+s6+$0x0], $0xffff;
	_ =	sdelay $0x2  }
0x229: {  	v49 =	vmul.u32 $0x2800, v52;
	_ =	sdelay $0x1  }
0x22a: {  	[tilespmem:$0x1F180] =	vst v48;
	v54 =	vadd.s32 v53, v49  }
0x22b: {  	[tilespmem:$0x1E980] =	vst v54  }
0x22c: {  	v48 =	vld.idx.msk [tilespmem:v9+s13+$0x0 ss:$0x1], $0xffff;
	_ =	sdelay $0x7  }
0x22d: {  	v55 =	vld.idx.msk [tilespmem:v48+s5+$0x0], $0xffff  }
0x22e: {  	v56 =	vld [tilespmem:s13+$0x14530]  }
0x22f: {  	v48 =	vld.idx.msk [tilespmem:v48+s6+$0x0], $0xffff;
	_ =	sdelay $0x2  }
0x230: {  	v49 =	vmul.u32 $0x2800, v55;
	_ =	sdelay $0x1  }
0x231: {  	[tilespmem:$0x1F190] =	vst v48;
	v57 =	vadd.s32 v56, v49  }
0x232: {  	[tilespmem:$0x1E990] =	vst v57  }
0x233: {  	v48 =	vld.idx.msk [tilespmem:v9+s13+$0x10 ss:$0x1], $0xffff;
	_ =	sdelay $0x7  }
0x234: {  	v58 =	vld.idx.msk [tilespmem:v48+s5+$0x0], $0xffff  }
0x235: {  	v59 =	vld [tilespmem:s13+$0x14540]  }
0x236: {  	v48 =	vld.idx.msk [tilespmem:v48+s6+$0x0], $0xffff;
	_ =	sdelay $0x2  }
0x237: {  	v49 =	vmul.u32 $0x2800, v58;
	_ =	sdelay $0x1  }
0x238: {  	[tilespmem:$0x1F1A0] =	vst v48;
	v60 =	vadd.s32 v59, v49  }
0x239: {  	[tilespmem:$0x1E9A0] =	vst v60  }
0x23a: {  	v48 =	vld.idx.msk [tilespmem:v9+s13+$0x20 ss:$0x1], $0xffff;
	_ =	sdelay $0x7  }
0x23b: {  	v61 =	vld.idx.msk [tilespmem:v48+s5+$0x0], $0xffff  }
0x23c: {  	v62 =	vld [tilespmem:s13+$0x14550]  }
0x23d: {  	v48 =	vld.idx.msk [tilespmem:v48+s6+$0x0], $0xffff;
	_ =	sdelay $0x2  }
0x23e: {  	v49 =	vmul.u32 $0x2800, v61;
	_ =	sdelay $0x1  }
0x23f: {  	[tilespmem:$0x1F1B0] =	vst v48;
	v63 =	vadd.s32 v62, v49  }
0x240: {  	[tilespmem:$0x1E9B0] =	vst v63  }
0x241: {  	v48 =	vld.idx.msk [tilespmem:v9+s13+$0x30 ss:$0x1], $0xffff;
	_ =	sdelay $0x7  }
0x242: {  	v52 =	vld.idx.msk [tilespmem:v48+s5+$0x0], $0xffff  }
0x243: {  	v53 =	vld [tilespmem:s13+$0x14560]  }
0x244: {  	v48 =	vld.idx.msk [tilespmem:v48+s6+$0x0], $0xffff;
	_ =	sdelay $0x2  }
0x245: {  	v49 =	vmul.u32 $0x2800, v52;
	_ =	sdelay $0x1  }
0x246: {  	[tilespmem:$0x1F1C0] =	vst v48;
	v54 =	vadd.s32 v53, v49  }
0x247: {  	[tilespmem:$0x1E9C0] =	vst v54  }
0x248: {  	v48 =	vld.idx.msk [tilespmem:v9+s13+$0x40 ss:$0x1], $0xffff;
	_ =	sdelay $0x7  }
0x249: {  	v55 =	vld.idx.msk [tilespmem:v48+s5+$0x0], $0xffff  }
0x24a: {  	v56 =	vld [tilespmem:s13+$0x14570]  }
0x24b: {  	v48 =	vld.idx.msk [tilespmem:v48+s6+$0x0], $0xffff;
	_ =	sdelay $0x2  }
0x24c: {  	v49 =	vmul.u32 $0x2800, v55;
	_ =	sdelay $0x1  }
0x24d: {  	[tilespmem:$0x1F1D0] =	vst v48;
	v57 =	vadd.s32 v56, v49  }
0x24e: {  	[tilespmem:$0x1E9D0] =	vst v57  }
0x24f: {  	v48 =	vld.idx.msk [tilespmem:v9+s13+$0x50 ss:$0x1], $0xffff;
	_ =	sdelay $0x7  }
0x250: {  	v58 =	vld.idx.msk [tilespmem:v48+s5+$0x0], $0xffff  }
0x251: {  	v59 =	vld [tilespmem:s13+$0x14580]  }
0x252: {  	v48 =	vld.idx.msk [tilespmem:v48+s6+$0x0], $0xffff;
	_ =	sdelay $0x2  }
0x253: {  	v49 =	vmul.u32 $0x2800, v58;
	_ =	sdelay $0x1  }
0x254: {  	[tilespmem:$0x1F1E0] =	vst v48;
	v60 =	vadd.s32 v59, v49  }
0x255: {  	[tilespmem:$0x1E9E0] =	vst v60  }
0x256: {  	v48 =	vld.idx.msk [tilespmem:v9+s13+$0x60 ss:$0x1], $0xffff;
	_ =	sdelay $0x7  }
0x257: {  	v61 =	vld.idx.msk [tilespmem:v48+s5+$0x0], $0xffff  }
0x258: {  	v62 =	vld [tilespmem:s13+$0x14590]  }
0x259: {  	v48 =	vld.idx.msk [tilespmem:v48+s6+$0x0], $0xffff;
	_ =	sdelay $0x2  }
0x25a: {  	v49 =	vmul.u32 $0x2800, v61;
	_ =	sdelay $0x1  }
0x25b: {  	[tilespmem:$0x1F1F0] =	vst v48;
	v63 =	vadd.s32 v62, v49  }
0x25c: {  	[tilespmem:$0x1E9F0] =	vst v63  }
0x25d: {  	[spmem:s4] =	stream.indirect.scatter.add.f32 [tilespmem:s18], [sflag:$0x1], $0x1, s17, s23, $0xb8;
	[tilespmem:$0x1F700] =	vst v63  }
0x25e: {  	_ = 	snop  }
0x25f: {  	[spmem:s4] =	stream.indirect.scatter.add.f32 [tilespmem:s20], [sflag:$0x1], $0x1, s19, s23, $0xb8;
	[tilespmem:$0x1F700] =	vst v63  }
.LBB2_21:
0x260: {  	s0 =	sadd.s32 $0x400, s0  }
0x261: {  	p2 =	sne.s32 s0, $0x9C00  }
.Ltmp8:
0x262: {  	_ = 	snop;
	(pc) =	sbr.rel @!p2 .LBB2_22-.Ltmp8, $2  }
0x263: {  	_ =	sdelay $0x2  }
0x264: {  	s31 =	sadd.s32 $0x1, s31  }
.LBB2_12:
0x265: {  	s10 =	smul.u32 $0xCD, s31;
	_ =	sdelay $0x1  }
0x266: {  	s10 =	sshrl.u32 s10, $0xA  }
0x267: {  	s10 =	sand.u32 $0x3F, s10  }
0x268: {  	s10 =	smul.u32 $0x5, s10;
	_ =	sdelay $0x1  }
0x269: {  	s10 =	ssub.s32 s31, s10  }
0x26a: {  	s10 =	sand.u32 $0xFF, s10  }
0x26b: {  	p2 =	sgt.s32 s10, $0x1  }
.Ltmp9:
0x26c: {  	_ = 	snop;
	(pc) =	sbr.rel @!p2 .LBB2_13-.Ltmp9, $1  }
0x26d: {  	_ =	sdelay $0x3  }
0x26e: {  	p2 =	seq.s32 s10, $0x2  }
.Ltmp10:
0x26f: {  	_ = 	snop;
	(pc) =	sbr.rel @p2 .LBB2_19-.Ltmp10, $1  }
0x270: {  	_ =	sdelay $0x3  }
0x271: {  	p2 =	seq.s32 s10, $0x3  }
.Ltmp11:
0x272: {  	_ = 	snop;
	(pc) =	sbr.rel @!p2 .LBB2_20-.Ltmp11, $1  }
0x273: {  	_ =	sdelay $0x3  }
0x274: {  	p2 =	slt.u32 s31, $0x5  }
0x275: {  	s10 =	simm.s32 @!p2 $0x1  }
0x276: {  	_ =	swait.ge @!p2 [sflag:s10], $0x80  }
0x277: {  	[sflag:s10] =	ssyncset.done @!p2 $0x0  }
0x278: {  	[sflag:s10] =	ssyncadd.s32 @!p2 $0xFFFFFF80  }
0x279: {  	_ =	swait.ge @!p2 [sflag:s10], $0x80  }
0x27a: {  	[sflag:s10] =	ssyncset.done @!p2 $0x0  }
0x27b: {  	s13 =	sshra.s32 s0, $0x2;
	[sflag:s10] =	ssyncadd.s32 @!p2 $0xFFFFFF80  }
0x27c: {  	v48 =	vld.idx.msk [tilespmem:v8+s13+$0x0 ss:$0x1], $0xffff;
	_ =	sdelay $0x7  }
0x27d: {  	v49 =	vld.idx.msk [tilespmem:v48+s5+$0x0], $0xffff  }
0x27e: {  	v50 =	vld [tilespmem:s13+$0x144A0]  }
0x27f: {  	v48 =	vld.idx.msk [tilespmem:v48+s6+$0x0], $0xffff;
	_ =	sdelay $0x2  }
0x280: {  	v49 =	vmul.u32 $0x2800, v49;
	_ =	sdelay $0x1  }
0x281: {  	[tilespmem:$0x1F200] =	vst v48;
	v54 =	vadd.s32 v50, v49  }
0x282: {  	[tilespmem:$0x1EA00] =	vst v54  }
0x283: {  	v48 =	vld.idx.msk [tilespmem:v9+s13+$0xFFFFFF80 ss:$0x1], $0xffff;
	_ =	sdelay $0x7  }
0x284: {  	v55 =	vld.idx.msk [tilespmem:v48+s5+$0x0], $0xffff  }
0x285: {  	v56 =	vld [tilespmem:s13+$0x144B0]  }
0x286: {  	v48 =	vld.idx.msk [tilespmem:v48+s6+$0x0], $0xffff;
	_ =	sdelay $0x2  }
0x287: {  	v49 =	vmul.u32 $0x2800, v55;
	_ =	sdelay $0x1  }
0x288: {  	[tilespmem:$0x1F210] =	vst v48;
	v57 =	vadd.s32 v56, v49  }
0x289: {  	[tilespmem:$0x1EA10] =	vst v57  }
0x28a: {  	v48 =	vld.idx.msk [tilespmem:v9+s13+$0xFFFFFF90 ss:$0x1], $0xffff;
	_ =	sdelay $0x7  }
0x28b: {  	v58 =	vld.idx.msk [tilespmem:v48+s5+$0x0], $0xffff  }
0x28c: {  	v59 =	vld [tilespmem:s13+$0x144C0]  }
0x28d: {  	v48 =	vld.idx.msk [tilespmem:v48+s6+$0x0], $0xffff;
	_ =	sdelay $0x2  }
0x28e: {  	v49 =	vmul.u32 $0x2800, v58;
	_ =	sdelay $0x1  }
0x28f: {  	[tilespmem:$0x1F220] =	vst v48;
	v60 =	vadd.s32 v59, v49  }
0x290: {  	[tilespmem:$0x1EA20] =	vst v60  }
0x291: {  	v48 =	vld.idx.msk [tilespmem:v9+s13+$0xFFFFFFA0 ss:$0x1], $0xffff;
	_ =	sdelay $0x7  }
0x292: {  	v61 =	vld.idx.msk [tilespmem:v48+s5+$0x0], $0xffff  }
0x293: {  	v62 =	vld [tilespmem:s13+$0x144D0]  }
0x294: {  	v48 =	vld.idx.msk [tilespmem:v48+s6+$0x0], $0xffff;
	_ =	sdelay $0x2  }
0x295: {  	v49 =	vmul.u32 $0x2800, v61;
	_ =	sdelay $0x1  }
0x296: {  	[tilespmem:$0x1F230] =	vst v48;
	v63 =	vadd.s32 v62, v49  }
0x297: {  	[tilespmem:$0x1EA30] =	vst v63  }
0x298: {  	v48 =	vld.idx.msk [tilespmem:v9+s13+$0xFFFFFFB0 ss:$0x1], $0xffff;
	_ =	sdelay $0x7  }
0x299: {  	v52 =	vld.idx.msk [tilespmem:v48+s5+$0x0], $0xffff  }
0x29a: {  	v53 =	vld [tilespmem:s13+$0x144E0]  }
0x29b: {  	v48 =	vld.idx.msk [tilespmem:v48+s6+$0x0], $0xffff;
	_ =	sdelay $0x2  }
0x29c: {  	v49 =	vmul.u32 $0x2800, v52;
	_ =	sdelay $0x1  }
0x29d: {  	[tilespmem:$0x1F240] =	vst v48;
	v54 =	vadd.s32 v53, v49  }
0x29e: {  	[tilespmem:$0x1EA40] =	vst v54  }
0x29f: {  	v48 =	vld.idx.msk [tilespmem:v9+s13+$0xFFFFFFC0 ss:$0x1], $0xffff;
	_ =	sdelay $0x7  }
0x2a0: {  	v55 =	vld.idx.msk [tilespmem:v48+s5+$0x0], $0xffff  }
0x2a1: {  	v56 =	vld [tilespmem:s13+$0x144F0]  }
0x2a2: {  	v48 =	vld.idx.msk [tilespmem:v48+s6+$0x0], $0xffff;
	_ =	sdelay $0x2  }
0x2a3: {  	v49 =	vmul.u32 $0x2800, v55;
	_ =	sdelay $0x1  }
0x2a4: {  	[tilespmem:$0x1F250] =	vst v48;
	v57 =	vadd.s32 v56, v49  }
0x2a5: {  	[tilespmem:$0x1EA50] =	vst v57  }
0x2a6: {  	v48 =	vld.idx.msk [tilespmem:v9+s13+$0xFFFFFFD0 ss:$0x1], $0xffff;
	_ =	sdelay $0x7  }
0x2a7: {  	v58 =	vld.idx.msk [tilespmem:v48+s5+$0x0], $0xffff  }
0x2a8: {  	v59 =	vld [tilespmem:s13+$0x14500]  }
0x2a9: {  	v48 =	vld.idx.msk [tilespmem:v48+s6+$0x0], $0xffff;
	_ =	sdelay $0x2  }
0x2aa: {  	v49 =	vmul.u32 $0x2800, v58;
	_ =	sdelay $0x1  }
0x2ab: {  	[tilespmem:$0x1F260] =	vst v48;
	v60 =	vadd.s32 v59, v49  }
0x2ac: {  	[tilespmem:$0x1EA60] =	vst v60  }
0x2ad: {  	v48 =	vld.idx.msk [tilespmem:v9+s13+$0xFFFFFFE0 ss:$0x1], $0xffff;
	_ =	sdelay $0x7  }
0x2ae: {  	v61 =	vld.idx.msk [tilespmem:v48+s5+$0x0], $0xffff  }
0x2af: {  	v62 =	vld [tilespmem:s13+$0x14510]  }
0x2b0: {  	v48 =	vld.idx.msk [tilespmem:v48+s6+$0x0], $0xffff;
	_ =	sdelay $0x2  }
0x2b1: {  	v49 =	vmul.u32 $0x2800, v61;
	_ =	sdelay $0x1  }
0x2b2: {  	[tilespmem:$0x1F270] =	vst v48;
	v63 =	vadd.s32 v62, v49  }
0x2b3: {  	[tilespmem:$0x1EA70] =	vst v63  }
0x2b4: {  	v48 =	vld.idx.msk [tilespmem:v10+s13+$0x0 ss:$0x1], $0xffff;
	_ =	sdelay $0x7  }
0x2b5: {  	v52 =	vld.idx.msk [tilespmem:v48+s5+$0x0], $0xffff  }
0x2b6: {  	v53 =	vld [tilespmem:s13+$0x14520]  }
0x2b7: {  	v48 =	vld.idx.msk [tilespmem:v48+s6+$0x0], $0xffff;
	_ =	sdelay $0x2  }
0x2b8: {  	v49 =	vmul.u32 $0x2800, v52;
	_ =	sdelay $0x1  }
0x2b9: {  	[tilespmem:$0x1F280] =	vst v48;
	v54 =	vadd.s32 v53, v49  }
0x2ba: {  	[tilespmem:$0x1EA80] =	vst v54  }
0x2bb: {  	v48 =	vld.idx.msk [tilespmem:v9+s13+$0x0 ss:$0x1], $0xffff;
	_ =	sdelay $0x7  }
0x2bc: {  	v55 =	vld.idx.msk [tilespmem:v48+s5+$0x0], $0xffff  }
0x2bd: {  	v56 =	vld [tilespmem:s13+$0x14530]  }
0x2be: {  	v48 =	vld.idx.msk [tilespmem:v48+s6+$0x0], $0xffff;
	_ =	sdelay $0x2  }
0x2bf: {  	v49 =	vmul.u32 $0x2800, v55;
	_ =	sdelay $0x1  }
0x2c0: {  	[tilespmem:$0x1F290] =	vst v48;
	v57 =	vadd.s32 v56, v49  }
0x2c1: {  	[tilespmem:$0x1EA90] =	vst v57  }
0x2c2: {  	v48 =	vld.idx.msk [tilespmem:v9+s13+$0x10 ss:$0x1], $0xffff;
	_ =	sdelay $0x7  }
0x2c3: {  	v58 =	vld.idx.msk [tilespmem:v48+s5+$0x0], $0xffff  }
0x2c4: {  	v59 =	vld [tilespmem:s13+$0x14540]  }
0x2c5: {  	v48 =	vld.idx.msk [tilespmem:v48+s6+$0x0], $0xffff;
	_ =	sdelay $0x2  }
0x2c6: {  	v49 =	vmul.u32 $0x2800, v58;
	_ =	sdelay $0x1  }
0x2c7: {  	[tilespmem:$0x1F2A0] =	vst v48;
	v60 =	vadd.s32 v59, v49  }
0x2c8: {  	[tilespmem:$0x1EAA0] =	vst v60  }
0x2c9: {  	v48 =	vld.idx.msk [tilespmem:v9+s13+$0x20 ss:$0x1], $0xffff;
	_ =	sdelay $0x7  }
0x2ca: {  	v61 =	vld.idx.msk [tilespmem:v48+s5+$0x0], $0xffff  }
0x2cb: {  	v62 =	vld [tilespmem:s13+$0x14550]  }
0x2cc: {  	v48 =	vld.idx.msk [tilespmem:v48+s6+$0x0], $0xffff;
	_ =	sdelay $0x2  }
0x2cd: {  	v49 =	vmul.u32 $0x2800, v61;
	_ =	sdelay $0x1  }
0x2ce: {  	[tilespmem:$0x1F2B0] =	vst v48;
	v63 =	vadd.s32 v62, v49  }
0x2cf: {  	[tilespmem:$0x1EAB0] =	vst v63  }
0x2d0: {  	v48 =	vld.idx.msk [tilespmem:v9+s13+$0x30 ss:$0x1], $0xffff;
	_ =	sdelay $0x7  }
0x2d1: {  	v52 =	vld.idx.msk [tilespmem:v48+s5+$0x0], $0xffff  }
0x2d2: {  	v53 =	vld [tilespmem:s13+$0x14560]  }
0x2d3: {  	v48 =	vld.idx.msk [tilespmem:v48+s6+$0x0], $0xffff;
	_ =	sdelay $0x2  }
0x2d4: {  	v49 =	vmul.u32 $0x2800, v52;
	_ =	sdelay $0x1  }
0x2d5: {  	[tilespmem:$0x1F2C0] =	vst v48;
	v54 =	vadd.s32 v53, v49  }
0x2d6: {  	[tilespmem:$0x1EAC0] =	vst v54  }
0x2d7: {  	v48 =	vld.idx.msk [tilespmem:v9+s13+$0x40 ss:$0x1], $0xffff;
	_ =	sdelay $0x7  }
0x2d8: {  	v55 =	vld.idx.msk [tilespmem:v48+s5+$0x0], $0xffff  }
0x2d9: {  	v56 =	vld [tilespmem:s13+$0x14570]  }
0x2da: {  	v48 =	vld.idx.msk [tilespmem:v48+s6+$0x0], $0xffff;
	_ =	sdelay $0x2  }
0x2db: {  	v49 =	vmul.u32 $0x2800, v55;
	_ =	sdelay $0x1  }
0x2dc: {  	[tilespmem:$0x1F2D0] =	vst v48;
	v57 =	vadd.s32 v56, v49  }
0x2dd: {  	[tilespmem:$0x1EAD0] =	vst v57  }
0x2de: {  	v48 =	vld.idx.msk [tilespmem:v9+s13+$0x50 ss:$0x1], $0xffff;
	_ =	sdelay $0x7  }
0x2df: {  	v58 =	vld.idx.msk [tilespmem:v48+s5+$0x0], $0xffff  }
0x2e0: {  	v59 =	vld [tilespmem:s13+$0x14580]  }
0x2e1: {  	v48 =	vld.idx.msk [tilespmem:v48+s6+$0x0], $0xffff;
	_ =	sdelay $0x2  }
0x2e2: {  	v49 =	vmul.u32 $0x2800, v58;
	_ =	sdelay $0x1  }
0x2e3: {  	[tilespmem:$0x1F2E0] =	vst v48;
	v60 =	vadd.s32 v59, v49  }
0x2e4: {  	[tilespmem:$0x1EAE0] =	vst v60  }
0x2e5: {  	v48 =	vld.idx.msk [tilespmem:v9+s13+$0x60 ss:$0x1], $0xffff;
	_ =	sdelay $0x7  }
0x2e6: {  	v61 =	vld.idx.msk [tilespmem:v48+s5+$0x0], $0xffff  }
0x2e7: {  	v62 =	vld [tilespmem:s13+$0x14590]  }
0x2e8: {  	v48 =	vld.idx.msk [tilespmem:v48+s6+$0x0], $0xffff;
	_ =	sdelay $0x2  }
0x2e9: {  	v49 =	vmul.u32 $0x2800, v61;
	_ =	sdelay $0x1  }
.Ltmp12:
0x2ea: {  	[tilespmem:$0x1F2F0] =	vst v48;
	v63 =	vadd.s32 v62, v49;
	(pc) =	sbr.rel .LBB2_21-.Ltmp12, $4  }
0x2eb: {  	[tilespmem:$0x1EAF0] =	vst v63  }
0x2ec: {  	[spmem:s4] =	stream.indirect.scatter.add.f32 [tilespmem:s22], [sflag:$0x1], $0x1, s21, s23, $0xb8;
	[tilespmem:$0x1F700] =	vst v63  }
0x2ed: {  	_ = 	snop  }
0x2ee: {  	[spmem:s4] =	stream.indirect.scatter.add.f32 [tilespmem:s2], [sflag:$0x1], $0x1, s9, s23, $0xb8;
	[tilespmem:$0x1F700] =	vst v63  }
.LBB2_13:
0x2ef: {  	p2 =	seq.s32 s10, $0x0  }
.Ltmp13:
0x2f0: {  	_ = 	snop;
	(pc) =	sbr.rel @!p2 .LBB2_18-.Ltmp13, $1  }
0x2f1: {  	_ =	sdelay $0x3  }
0x2f2: {  	p2 =	slt.u32 s31, $0x5  }
0x2f3: {  	s10 =	simm.s32 @!p2 $0x1  }
0x2f4: {  	_ =	swait.ge @!p2 [sflag:s10], $0x80  }
0x2f5: {  	[sflag:s10] =	ssyncset.done @!p2 $0x0  }
0x2f6: {  	[sflag:s10] =	ssyncadd.s32 @!p2 $0xFFFFFF80  }
0x2f7: {  	_ =	swait.ge @!p2 [sflag:s10], $0x80  }
0x2f8: {  	[sflag:s10] =	ssyncset.done @!p2 $0x0  }
0x2f9: {  	s13 =	sshra.s32 s0, $0x2;
	[sflag:s10] =	ssyncadd.s32 @!p2 $0xFFFFFF80  }
0x2fa: {  	v48 =	vld.idx.msk [tilespmem:v8+s13+$0x0 ss:$0x1], $0xffff;
	_ =	sdelay $0x7  }
0x2fb: {  	v49 =	vld.idx.msk [tilespmem:v48+s5+$0x0], $0xffff  }
0x2fc: {  	v50 =	vld [tilespmem:s13+$0x144A0]  }
0x2fd: {  	v48 =	vld.idx.msk [tilespmem:v48+s6+$0x0], $0xffff;
	_ =	sdelay $0x2  }
0x2fe: {  	v49 =	vmul.u32 $0x2800, v49;
	_ =	sdelay $0x1  }
0x2ff: {  	[tilespmem:$0x1EF00] =	vst v48;
	v54 =	vadd.s32 v50, v49  }
0x300: {  	[tilespmem:$0x1E700] =	vst v54  }
0x301: {  	v48 =	vld.idx.msk [tilespmem:v9+s13+$0xFFFFFF80 ss:$0x1], $0xffff;
	_ =	sdelay $0x7  }
0x302: {  	v55 =	vld.idx.msk [tilespmem:v48+s5+$0x0], $0xffff  }
0x303: {  	v56 =	vld [tilespmem:s13+$0x144B0]  }
0x304: {  	v48 =	vld.idx.msk [tilespmem:v48+s6+$0x0], $0xffff;
	_ =	sdelay $0x2  }
0x305: {  	v49 =	vmul.u32 $0x2800, v55;
	_ =	sdelay $0x1  }
0x306: {  	[tilespmem:$0x1EF10] =	vst v48;
	v57 =	vadd.s32 v56, v49  }
0x307: {  	[tilespmem:$0x1E710] =	vst v57  }
0x308: {  	v48 =	vld.idx.msk [tilespmem:v9+s13+$0xFFFFFF90 ss:$0x1], $0xffff;
	_ =	sdelay $0x7  }
0x309: {  	v58 =	vld.idx.msk [tilespmem:v48+s5+$0x0], $0xffff  }
0x30a: {  	v59 =	vld [tilespmem:s13+$0x144C0]  }
0x30b: {  	v48 =	vld.idx.msk [tilespmem:v48+s6+$0x0], $0xffff;
	_ =	sdelay $0x2  }
0x30c: {  	v49 =	vmul.u32 $0x2800, v58;
	_ =	sdelay $0x1  }
0x30d: {  	[tilespmem:$0x1EF20] =	vst v48;
	v60 =	vadd.s32 v59, v49  }
0x30e: {  	[tilespmem:$0x1E720] =	vst v60  }
0x30f: {  	v48 =	vld.idx.msk [tilespmem:v9+s13+$0xFFFFFFA0 ss:$0x1], $0xffff;
	_ =	sdelay $0x7  }
0x310: {  	v61 =	vld.idx.msk [tilespmem:v48+s5+$0x0], $0xffff  }
0x311: {  	v62 =	vld [tilespmem:s13+$0x144D0]  }
0x312: {  	v48 =	vld.idx.msk [tilespmem:v48+s6+$0x0], $0xffff;
	_ =	sdelay $0x2  }
0x313: {  	v49 =	vmul.u32 $0x2800, v61;
	_ =	sdelay $0x1  }
0x314: {  	[tilespmem:$0x1EF30] =	vst v48;
	v63 =	vadd.s32 v62, v49  }
0x315: {  	[tilespmem:$0x1E730] =	vst v63  }
0x316: {  	v48 =	vld.idx.msk [tilespmem:v9+s13+$0xFFFFFFB0 ss:$0x1], $0xffff;
	_ =	sdelay $0x7  }
0x317: {  	v52 =	vld.idx.msk [tilespmem:v48+s5+$0x0], $0xffff  }
0x318: {  	v53 =	vld [tilespmem:s13+$0x144E0]  }
0x319: {  	v48 =	vld.idx.msk [tilespmem:v48+s6+$0x0], $0xffff;
	_ =	sdelay $0x2  }
0x31a: {  	v49 =	vmul.u32 $0x2800, v52;
	_ =	sdelay $0x1  }
0x31b: {  	[tilespmem:$0x1EF40] =	vst v48;
	v54 =	vadd.s32 v53, v49  }
0x31c: {  	[tilespmem:$0x1E740] =	vst v54  }
0x31d: {  	v48 =	vld.idx.msk [tilespmem:v9+s13+$0xFFFFFFC0 ss:$0x1], $0xffff;
	_ =	sdelay $0x7  }
0x31e: {  	v55 =	vld.idx.msk [tilespmem:v48+s5+$0x0], $0xffff  }
0x31f: {  	v56 =	vld [tilespmem:s13+$0x144F0]  }
0x320: {  	v48 =	vld.idx.msk [tilespmem:v48+s6+$0x0], $0xffff;
	_ =	sdelay $0x2  }
0x321: {  	v49 =	vmul.u32 $0x2800, v55;
	_ =	sdelay $0x1  }
0x322: {  	[tilespmem:$0x1EF50] =	vst v48;
	v57 =	vadd.s32 v56, v49  }
0x323: {  	[tilespmem:$0x1E750] =	vst v57  }
0x324: {  	v48 =	vld.idx.msk [tilespmem:v9+s13+$0xFFFFFFD0 ss:$0x1], $0xffff;
	_ =	sdelay $0x7  }
0x325: {  	v58 =	vld.idx.msk [tilespmem:v48+s5+$0x0], $0xffff  }
0x326: {  	v59 =	vld [tilespmem:s13+$0x14500]  }
0x327: {  	v48 =	vld.idx.msk [tilespmem:v48+s6+$0x0], $0xffff;
	_ =	sdelay $0x2  }
0x328: {  	v49 =	vmul.u32 $0x2800, v58;
	_ =	sdelay $0x1  }
0x329: {  	[tilespmem:$0x1EF60] =	vst v48;
	v60 =	vadd.s32 v59, v49  }
0x32a: {  	[tilespmem:$0x1E760] =	vst v60  }
0x32b: {  	v48 =	vld.idx.msk [tilespmem:v9+s13+$0xFFFFFFE0 ss:$0x1], $0xffff;
	_ =	sdelay $0x7  }
0x32c: {  	v61 =	vld.idx.msk [tilespmem:v48+s5+$0x0], $0xffff  }
0x32d: {  	v62 =	vld [tilespmem:s13+$0x14510]  }
0x32e: {  	v48 =	vld.idx.msk [tilespmem:v48+s6+$0x0], $0xffff;
	_ =	sdelay $0x2  }
0x32f: {  	v49 =	vmul.u32 $0x2800, v61;
	_ =	sdelay $0x1  }
0x330: {  	[tilespmem:$0x1EF70] =	vst v48;
	v63 =	vadd.s32 v62, v49  }
0x331: {  	[tilespmem:$0x1E770] =	vst v63  }
0x332: {  	v48 =	vld.idx.msk [tilespmem:v10+s13+$0x0 ss:$0x1], $0xffff;
	_ =	sdelay $0x7  }
0x333: {  	v52 =	vld.idx.msk [tilespmem:v48+s5+$0x0], $0xffff  }
0x334: {  	v53 =	vld [tilespmem:s13+$0x14520]  }
0x335: {  	v48 =	vld.idx.msk [tilespmem:v48+s6+$0x0], $0xffff;
	_ =	sdelay $0x2  }
0x336: {  	v49 =	vmul.u32 $0x2800, v52;
	_ =	sdelay $0x1  }
0x337: {  	[tilespmem:$0x1EF80] =	vst v48;
	v54 =	vadd.s32 v53, v49  }
0x338: {  	[tilespmem:$0x1E780] =	vst v54  }
0x339: {  	v48 =	vld.idx.msk [tilespmem:v9+s13+$0x0 ss:$0x1], $0xffff;
	_ =	sdelay $0x7  }
0x33a: {  	v55 =	vld.idx.msk [tilespmem:v48+s5+$0x0], $0xffff  }
0x33b: {  	v56 =	vld [tilespmem:s13+$0x14530]  }
0x33c: {  	v48 =	vld.idx.msk [tilespmem:v48+s6+$0x0], $0xffff;
	_ =	sdelay $0x2  }
0x33d: {  	v49 =	vmul.u32 $0x2800, v55;
	_ =	sdelay $0x1  }
0x33e: {  	[tilespmem:$0x1EF90] =	vst v48;
	v57 =	vadd.s32 v56, v49  }
0x33f: {  	[tilespmem:$0x1E790] =	vst v57  }
0x340: {  	v48 =	vld.idx.msk [tilespmem:v9+s13+$0x10 ss:$0x1], $0xffff;
	_ =	sdelay $0x7  }
0x341: {  	v58 =	vld.idx.msk [tilespmem:v48+s5+$0x0], $0xffff  }
0x342: {  	v59 =	vld [tilespmem:s13+$0x14540]  }
0x343: {  	v48 =	vld.idx.msk [tilespmem:v48+s6+$0x0], $0xffff;
	_ =	sdelay $0x2  }
0x344: {  	v49 =	vmul.u32 $0x2800, v58;
	_ =	sdelay $0x1  }
0x345: {  	[tilespmem:$0x1EFA0] =	vst v48;
	v60 =	vadd.s32 v59, v49  }
0x346: {  	[tilespmem:$0x1E7A0] =	vst v60  }
0x347: {  	v48 =	vld.idx.msk [tilespmem:v9+s13+$0x20 ss:$0x1], $0xffff;
	_ =	sdelay $0x7  }
0x348: {  	v61 =	vld.idx.msk [tilespmem:v48+s5+$0x0], $0xffff  }
0x349: {  	v62 =	vld [tilespmem:s13+$0x14550]  }
0x34a: {  	v48 =	vld.idx.msk [tilespmem:v48+s6+$0x0], $0xffff;
	_ =	sdelay $0x2  }
0x34b: {  	v49 =	vmul.u32 $0x2800, v61;
	_ =	sdelay $0x1  }
0x34c: {  	[tilespmem:$0x1EFB0] =	vst v48;
	v63 =	vadd.s32 v62, v49  }
0x34d: {  	[tilespmem:$0x1E7B0] =	vst v63  }
0x34e: {  	v48 =	vld.idx.msk [tilespmem:v9+s13+$0x30 ss:$0x1], $0xffff;
	_ =	sdelay $0x7  }
0x34f: {  	v52 =	vld.idx.msk [tilespmem:v48+s5+$0x0], $0xffff  }
0x350: {  	v53 =	vld [tilespmem:s13+$0x14560]  }
0x351: {  	v48 =	vld.idx.msk [tilespmem:v48+s6+$0x0], $0xffff;
	_ =	sdelay $0x2  }
0x352: {  	v49 =	vmul.u32 $0x2800, v52;
	_ =	sdelay $0x1  }
0x353: {  	[tilespmem:$0x1EFC0] =	vst v48;
	v54 =	vadd.s32 v53, v49  }
0x354: {  	[tilespmem:$0x1E7C0] =	vst v54  }
0x355: {  	v48 =	vld.idx.msk [tilespmem:v9+s13+$0x40 ss:$0x1], $0xffff;
	_ =	sdelay $0x7  }
0x356: {  	v55 =	vld.idx.msk [tilespmem:v48+s5+$0x0], $0xffff  }
0x357: {  	v56 =	vld [tilespmem:s13+$0x14570]  }
0x358: {  	v48 =	vld.idx.msk [tilespmem:v48+s6+$0x0], $0xffff;
	_ =	sdelay $0x2  }
0x359: {  	v49 =	vmul.u32 $0x2800, v55;
	_ =	sdelay $0x1  }
0x35a: {  	[tilespmem:$0x1EFD0] =	vst v48;
	v57 =	vadd.s32 v56, v49  }
0x35b: {  	[tilespmem:$0x1E7D0] =	vst v57  }
0x35c: {  	v48 =	vld.idx.msk [tilespmem:v9+s13+$0x50 ss:$0x1], $0xffff;
	_ =	sdelay $0x7  }
0x35d: {  	v58 =	vld.idx.msk [tilespmem:v48+s5+$0x0], $0xffff  }
0x35e: {  	v59 =	vld [tilespmem:s13+$0x14580]  }
0x35f: {  	v48 =	vld.idx.msk [tilespmem:v48+s6+$0x0], $0xffff;
	_ =	sdelay $0x2  }
0x360: {  	v49 =	vmul.u32 $0x2800, v58;
	_ =	sdelay $0x1  }
0x361: {  	[tilespmem:$0x1EFE0] =	vst v48;
	v60 =	vadd.s32 v59, v49  }
0x362: {  	[tilespmem:$0x1E7E0] =	vst v60  }
0x363: {  	v48 =	vld.idx.msk [tilespmem:v9+s13+$0x60 ss:$0x1], $0xffff;
	_ =	sdelay $0x7  }
0x364: {  	v61 =	vld.idx.msk [tilespmem:v48+s5+$0x0], $0xffff  }
0x365: {  	v62 =	vld [tilespmem:s13+$0x14590]  }
0x366: {  	v48 =	vld.idx.msk [tilespmem:v48+s6+$0x0], $0xffff;
	_ =	sdelay $0x2  }
0x367: {  	v49 =	vmul.u32 $0x2800, v61;
	_ =	sdelay $0x1  }
.Ltmp14:
0x368: {  	[tilespmem:$0x1EFF0] =	vst v48;
	v63 =	vadd.s32 v62, v49;
	(pc) =	sbr.rel .LBB2_21-.Ltmp14, $4  }
0x369: {  	[tilespmem:$0x1E7F0] =	vst v63  }
0x36a: {  	[spmem:s4] =	stream.indirect.scatter.add.f32 [tilespmem:s30], [sflag:$0x1], $0x1, s29, s23, $0xb8;
	[tilespmem:$0x1F700] =	vst v63  }
0x36b: {  	s13 =	simm.s32 $0x1EF80  }
0x36c: {  	[spmem:s4] =	stream.indirect.scatter.add.f32 [tilespmem:s13], [sflag:$0x1], $0x1, s12, s23, $0xb8;
	[tilespmem:$0x1F700] =	vst v63  }
.LBB2_20:
0x36d: {  	p2 =	slt.u32 s31, $0x5  }
0x36e: {  	s10 =	simm.s32 @!p2 $0x1  }
0x36f: {  	_ =	swait.ge @!p2 [sflag:s10], $0x80  }
0x370: {  	[sflag:s10] =	ssyncset.done @!p2 $0x0  }
0x371: {  	[sflag:s10] =	ssyncadd.s32 @!p2 $0xFFFFFF80  }
0x372: {  	_ =	swait.ge @!p2 [sflag:s10], $0x80  }
0x373: {  	[sflag:s10] =	ssyncset.done @!p2 $0x0  }
0x374: {  	s13 =	sshra.s32 s0, $0x2;
	[sflag:s10] =	ssyncadd.s32 @!p2 $0xFFFFFF80  }
0x375: {  	v48 =	vld.idx.msk [tilespmem:v8+s13+$0x0 ss:$0x1], $0xffff;
	_ =	sdelay $0x7  }
0x376: {  	v49 =	vld.idx.msk [tilespmem:v48+s5+$0x0], $0xffff  }
0x377: {  	v50 =	vld [tilespmem:s13+$0x144A0]  }
0x378: {  	v48 =	vld.idx.msk [tilespmem:v48+s6+$0x0], $0xffff;
	_ =	sdelay $0x2  }
0x379: {  	v49 =	vmul.u32 $0x2800, v49;
	_ =	sdelay $0x1  }
0x37a: {  	[tilespmem:$0x1F300] =	vst v48;
	v54 =	vadd.s32 v50, v49  }
0x37b: {  	[tilespmem:$0x1EB00] =	vst v54  }
0x37c: {  	v48 =	vld.idx.msk [tilespmem:v9+s13+$0xFFFFFF80 ss:$0x1], $0xffff;
	_ =	sdelay $0x7  }
0x37d: {  	v55 =	vld.idx.msk [tilespmem:v48+s5+$0x0], $0xffff  }
0x37e: {  	v56 =	vld [tilespmem:s13+$0x144B0]  }
0x37f: {  	v48 =	vld.idx.msk [tilespmem:v48+s6+$0x0], $0xffff;
	_ =	sdelay $0x2  }
0x380: {  	v49 =	vmul.u32 $0x2800, v55;
	_ =	sdelay $0x1  }
0x381: {  	[tilespmem:$0x1F310] =	vst v48;
	v57 =	vadd.s32 v56, v49  }
0x382: {  	[tilespmem:$0x1EB10] =	vst v57  }
0x383: {  	v48 =	vld.idx.msk [tilespmem:v9+s13+$0xFFFFFF90 ss:$0x1], $0xffff;
	_ =	sdelay $0x7  }
0x384: {  	v58 =	vld.idx.msk [tilespmem:v48+s5+$0x0], $0xffff  }
0x385: {  	v59 =	vld [tilespmem:s13+$0x144C0]  }
0x386: {  	v48 =	vld.idx.msk [tilespmem:v48+s6+$0x0], $0xffff;
	_ =	sdelay $0x2  }
0x387: {  	v49 =	vmul.u32 $0x2800, v58;
	_ =	sdelay $0x1  }
0x388: {  	[tilespmem:$0x1F320] =	vst v48;
	v60 =	vadd.s32 v59, v49  }
0x389: {  	[tilespmem:$0x1EB20] =	vst v60  }
0x38a: {  	v48 =	vld.idx.msk [tilespmem:v9+s13+$0xFFFFFFA0 ss:$0x1], $0xffff;
	_ =	sdelay $0x7  }
0x38b: {  	v61 =	vld.idx.msk [tilespmem:v48+s5+$0x0], $0xffff  }
0x38c: {  	v62 =	vld [tilespmem:s13+$0x144D0]  }
0x38d: {  	v48 =	vld.idx.msk [tilespmem:v48+s6+$0x0], $0xffff;
	_ =	sdelay $0x2  }
0x38e: {  	v49 =	vmul.u32 $0x2800, v61;
	_ =	sdelay $0x1  }
0x38f: {  	[tilespmem:$0x1F330] =	vst v48;
	v63 =	vadd.s32 v62, v49  }
0x390: {  	[tilespmem:$0x1EB30] =	vst v63  }
0x391: {  	v48 =	vld.idx.msk [tilespmem:v9+s13+$0xFFFFFFB0 ss:$0x1], $0xffff;
	_ =	sdelay $0x7  }
0x392: {  	v52 =	vld.idx.msk [tilespmem:v48+s5+$0x0], $0xffff  }
0x393: {  	v53 =	vld [tilespmem:s13+$0x144E0]  }
0x394: {  	v48 =	vld.idx.msk [tilespmem:v48+s6+$0x0], $0xffff;
	_ =	sdelay $0x2  }
0x395: {  	v49 =	vmul.u32 $0x2800, v52;
	_ =	sdelay $0x1  }
0x396: {  	[tilespmem:$0x1F340] =	vst v48;
	v54 =	vadd.s32 v53, v49  }
0x397: {  	[tilespmem:$0x1EB40] =	vst v54  }
0x398: {  	v48 =	vld.idx.msk [tilespmem:v9+s13+$0xFFFFFFC0 ss:$0x1], $0xffff;
	_ =	sdelay $0x7  }
0x399: {  	v55 =	vld.idx.msk [tilespmem:v48+s5+$0x0], $0xffff  }
0x39a: {  	v56 =	vld [tilespmem:s13+$0x144F0]  }
0x39b: {  	v48 =	vld.idx.msk [tilespmem:v48+s6+$0x0], $0xffff;
	_ =	sdelay $0x2  }
0x39c: {  	v49 =	vmul.u32 $0x2800, v55;
	_ =	sdelay $0x1  }
0x39d: {  	[tilespmem:$0x1F350] =	vst v48;
	v57 =	vadd.s32 v56, v49  }
0x39e: {  	[tilespmem:$0x1EB50] =	vst v57  }
0x39f: {  	v48 =	vld.idx.msk [tilespmem:v9+s13+$0xFFFFFFD0 ss:$0x1], $0xffff;
	_ =	sdelay $0x7  }
0x3a0: {  	v58 =	vld.idx.msk [tilespmem:v48+s5+$0x0], $0xffff  }
0x3a1: {  	v59 =	vld [tilespmem:s13+$0x14500]  }
0x3a2: {  	v48 =	vld.idx.msk [tilespmem:v48+s6+$0x0], $0xffff;
	_ =	sdelay $0x2  }
0x3a3: {  	v49 =	vmul.u32 $0x2800, v58;
	_ =	sdelay $0x1  }
0x3a4: {  	[tilespmem:$0x1F360] =	vst v48;
	v60 =	vadd.s32 v59, v49  }
0x3a5: {  	[tilespmem:$0x1EB60] =	vst v60  }
0x3a6: {  	v48 =	vld.idx.msk [tilespmem:v9+s13+$0xFFFFFFE0 ss:$0x1], $0xffff;
	_ =	sdelay $0x7  }
0x3a7: {  	v61 =	vld.idx.msk [tilespmem:v48+s5+$0x0], $0xffff  }
0x3a8: {  	v62 =	vld [tilespmem:s13+$0x14510]  }
0x3a9: {  	v48 =	vld.idx.msk [tilespmem:v48+s6+$0x0], $0xffff;
	_ =	sdelay $0x2  }
0x3aa: {  	v49 =	vmul.u32 $0x2800, v61;
	_ =	sdelay $0x1  }
0x3ab: {  	[tilespmem:$0x1F370] =	vst v48;
	v63 =	vadd.s32 v62, v49  }
0x3ac: {  	[tilespmem:$0x1EB70] =	vst v63  }
0x3ad: {  	v48 =	vld.idx.msk [tilespmem:v10+s13+$0x0 ss:$0x1], $0xffff;
	_ =	sdelay $0x7  }
0x3ae: {  	v52 =	vld.idx.msk [tilespmem:v48+s5+$0x0], $0xffff  }
0x3af: {  	v53 =	vld [tilespmem:s13+$0x14520]  }
0x3b0: {  	v48 =	vld.idx.msk [tilespmem:v48+s6+$0x0], $0xffff;
	_ =	sdelay $0x2  }
0x3b1: {  	v49 =	vmul.u32 $0x2800, v52;
	_ =	sdelay $0x1  }
0x3b2: {  	[tilespmem:$0x1F380] =	vst v48;
	v54 =	vadd.s32 v53, v49  }
0x3b3: {  	[tilespmem:$0x1EB80] =	vst v54  }
0x3b4: {  	v48 =	vld.idx.msk [tilespmem:v9+s13+$0x0 ss:$0x1], $0xffff;
	_ =	sdelay $0x7  }
0x3b5: {  	v55 =	vld.idx.msk [tilespmem:v48+s5+$0x0], $0xffff  }
0x3b6: {  	v56 =	vld [tilespmem:s13+$0x14530]  }
0x3b7: {  	v48 =	vld.idx.msk [tilespmem:v48+s6+$0x0], $0xffff;
	_ =	sdelay $0x2  }
0x3b8: {  	v49 =	vmul.u32 $0x2800, v55;
	_ =	sdelay $0x1  }
0x3b9: {  	[tilespmem:$0x1F390] =	vst v48;
	v57 =	vadd.s32 v56, v49  }
0x3ba: {  	[tilespmem:$0x1EB90] =	vst v57  }
0x3bb: {  	v48 =	vld.idx.msk [tilespmem:v9+s13+$0x10 ss:$0x1], $0xffff;
	_ =	sdelay $0x7  }
0x3bc: {  	v58 =	vld.idx.msk [tilespmem:v48+s5+$0x0], $0xffff  }
0x3bd: {  	v59 =	vld [tilespmem:s13+$0x14540]  }
0x3be: {  	v48 =	vld.idx.msk [tilespmem:v48+s6+$0x0], $0xffff;
	_ =	sdelay $0x2  }
0x3bf: {  	v49 =	vmul.u32 $0x2800, v58;
	_ =	sdelay $0x1  }
0x3c0: {  	[tilespmem:$0x1F3A0] =	vst v48;
	v60 =	vadd.s32 v59, v49  }
0x3c1: {  	[tilespmem:$0x1EBA0] =	vst v60  }
0x3c2: {  	v48 =	vld.idx.msk [tilespmem:v9+s13+$0x20 ss:$0x1], $0xffff;
	_ =	sdelay $0x7  }
0x3c3: {  	v61 =	vld.idx.msk [tilespmem:v48+s5+$0x0], $0xffff  }
0x3c4: {  	v62 =	vld [tilespmem:s13+$0x14550]  }
0x3c5: {  	v48 =	vld.idx.msk [tilespmem:v48+s6+$0x0], $0xffff;
	_ =	sdelay $0x2  }
0x3c6: {  	v49 =	vmul.u32 $0x2800, v61;
	_ =	sdelay $0x1  }
0x3c7: {  	[tilespmem:$0x1F3B0] =	vst v48;
	v63 =	vadd.s32 v62, v49  }
0x3c8: {  	[tilespmem:$0x1EBB0] =	vst v63  }
0x3c9: {  	v48 =	vld.idx.msk [tilespmem:v9+s13+$0x30 ss:$0x1], $0xffff;
	_ =	sdelay $0x7  }
0x3ca: {  	v52 =	vld.idx.msk [tilespmem:v48+s5+$0x0], $0xffff  }
0x3cb: {  	v53 =	vld [tilespmem:s13+$0x14560]  }
0x3cc: {  	v48 =	vld.idx.msk [tilespmem:v48+s6+$0x0], $0xffff;
	_ =	sdelay $0x2  }
0x3cd: {  	v49 =	vmul.u32 $0x2800, v52;
	_ =	sdelay $0x1  }
0x3ce: {  	[tilespmem:$0x1F3C0] =	vst v48;
	v54 =	vadd.s32 v53, v49  }
0x3cf: {  	[tilespmem:$0x1EBC0] =	vst v54  }
0x3d0: {  	v48 =	vld.idx.msk [tilespmem:v9+s13+$0x40 ss:$0x1], $0xffff;
	_ =	sdelay $0x7  }
0x3d1: {  	v55 =	vld.idx.msk [tilespmem:v48+s5+$0x0], $0xffff  }
0x3d2: {  	v56 =	vld [tilespmem:s13+$0x14570]  }
0x3d3: {  	v48 =	vld.idx.msk [tilespmem:v48+s6+$0x0], $0xffff;
	_ =	sdelay $0x2  }
0x3d4: {  	v49 =	vmul.u32 $0x2800, v55;
	_ =	sdelay $0x1  }
0x3d5: {  	[tilespmem:$0x1F3D0] =	vst v48;
	v57 =	vadd.s32 v56, v49  }
0x3d6: {  	[tilespmem:$0x1EBD0] =	vst v57  }
0x3d7: {  	v48 =	vld.idx.msk [tilespmem:v9+s13+$0x50 ss:$0x1], $0xffff;
	_ =	sdelay $0x7  }
0x3d8: {  	v58 =	vld.idx.msk [tilespmem:v48+s5+$0x0], $0xffff  }
0x3d9: {  	v59 =	vld [tilespmem:s13+$0x14580]  }
0x3da: {  	v48 =	vld.idx.msk [tilespmem:v48+s6+$0x0], $0xffff;
	_ =	sdelay $0x2  }
0x3db: {  	v49 =	vmul.u32 $0x2800, v58;
	_ =	sdelay $0x1  }
0x3dc: {  	[tilespmem:$0x1F3E0] =	vst v48;
	v60 =	vadd.s32 v59, v49  }
0x3dd: {  	[tilespmem:$0x1EBE0] =	vst v60  }
0x3de: {  	v48 =	vld.idx.msk [tilespmem:v9+s13+$0x60 ss:$0x1], $0xffff;
	_ =	sdelay $0x7  }
0x3df: {  	v61 =	vld.idx.msk [tilespmem:v48+s5+$0x0], $0xffff  }
0x3e0: {  	v62 =	vld [tilespmem:s13+$0x14590]  }
0x3e1: {  	v48 =	vld.idx.msk [tilespmem:v48+s6+$0x0], $0xffff;
	_ =	sdelay $0x2  }
0x3e2: {  	v49 =	vmul.u32 $0x2800, v61;
	_ =	sdelay $0x1  }
.Ltmp15:
0x3e3: {  	[tilespmem:$0x1F3F0] =	vst v48;
	v63 =	vadd.s32 v62, v49;
	(pc) =	sbr.rel .LBB2_21-.Ltmp15, $4  }
0x3e4: {  	[tilespmem:$0x1EBF0] =	vst v63  }
0x3e5: {  	[spmem:s4] =	stream.indirect.scatter.add.f32 [tilespmem:s24], [sflag:$0x1], $0x1, s7, s23, $0xb8;
	[tilespmem:$0x1F700] =	vst v63  }
0x3e6: {  	_ = 	snop  }
0x3e7: {  	[spmem:s4] =	stream.indirect.scatter.add.f32 [tilespmem:s26], [sflag:$0x1], $0x1, s3, s23, $0xb8;
	[tilespmem:$0x1F700] =	vst v63  }
.LBB2_18:
0x3e8: {  	p2 =	slt.u32 s31, $0x5  }
0x3e9: {  	s10 =	simm.s32 @!p2 $0x1  }
0x3ea: {  	_ =	swait.ge @!p2 [sflag:s10], $0x80  }
0x3eb: {  	[sflag:s10] =	ssyncset.done @!p2 $0x0  }
0x3ec: {  	[sflag:s10] =	ssyncadd.s32 @!p2 $0xFFFFFF80  }
0x3ed: {  	_ =	swait.ge @!p2 [sflag:s10], $0x80  }
0x3ee: {  	[sflag:s10] =	ssyncset.done @!p2 $0x0  }
0x3ef: {  	s13 =	sshra.s32 s0, $0x2;
	[sflag:s10] =	ssyncadd.s32 @!p2 $0xFFFFFF80  }
0x3f0: {  	v48 =	vld.idx.msk [tilespmem:v8+s13+$0x0 ss:$0x1], $0xffff;
	_ =	sdelay $0x7  }
0x3f1: {  	v49 =	vld.idx.msk [tilespmem:v48+s5+$0x0], $0xffff  }
0x3f2: {  	v50 =	vld [tilespmem:s13+$0x144A0]  }
0x3f3: {  	v48 =	vld.idx.msk [tilespmem:v48+s6+$0x0], $0xffff;
	_ =	sdelay $0x2  }
0x3f4: {  	v49 =	vmul.u32 $0x2800, v49;
	_ =	sdelay $0x1  }
0x3f5: {  	[tilespmem:$0x1F000] =	vst v48;
	v54 =	vadd.s32 v50, v49  }
0x3f6: {  	[tilespmem:$0x1E800] =	vst v54  }
0x3f7: {  	v48 =	vld.idx.msk [tilespmem:v9+s13+$0xFFFFFF80 ss:$0x1], $0xffff;
	_ =	sdelay $0x7  }
0x3f8: {  	v55 =	vld.idx.msk [tilespmem:v48+s5+$0x0], $0xffff  }
0x3f9: {  	v56 =	vld [tilespmem:s13+$0x144B0]  }
0x3fa: {  	v48 =	vld.idx.msk [tilespmem:v48+s6+$0x0], $0xffff;
	_ =	sdelay $0x2  }
0x3fb: {  	v49 =	vmul.u32 $0x2800, v55;
	_ =	sdelay $0x1  }
0x3fc: {  	[tilespmem:$0x1F010] =	vst v48;
	v57 =	vadd.s32 v56, v49  }
0x3fd: {  	[tilespmem:$0x1E810] =	vst v57  }
0x3fe: {  	v48 =	vld.idx.msk [tilespmem:v9+s13+$0xFFFFFF90 ss:$0x1], $0xffff;
	_ =	sdelay $0x7  }
0x3ff: {  	v58 =	vld.idx.msk [tilespmem:v48+s5+$0x0], $0xffff  }
0x400: {  	v59 =	vld [tilespmem:s13+$0x144C0]  }
0x401: {  	v48 =	vld.idx.msk [tilespmem:v48+s6+$0x0], $0xffff;
	_ =	sdelay $0x2  }
0x402: {  	v49 =	vmul.u32 $0x2800, v58;
	_ =	sdelay $0x1  }
0x403: {  	[tilespmem:$0x1F020] =	vst v48;
	v60 =	vadd.s32 v59, v49  }
0x404: {  	[tilespmem:$0x1E820] =	vst v60  }
0x405: {  	v48 =	vld.idx.msk [tilespmem:v9+s13+$0xFFFFFFA0 ss:$0x1], $0xffff;
	_ =	sdelay $0x7  }
0x406: {  	v61 =	vld.idx.msk [tilespmem:v48+s5+$0x0], $0xffff  }
0x407: {  	v62 =	vld [tilespmem:s13+$0x144D0]  }
0x408: {  	v48 =	vld.idx.msk [tilespmem:v48+s6+$0x0], $0xffff;
	_ =	sdelay $0x2  }
0x409: {  	v49 =	vmul.u32 $0x2800, v61;
	_ =	sdelay $0x1  }
0x40a: {  	[tilespmem:$0x1F030] =	vst v48;
	v63 =	vadd.s32 v62, v49  }
0x40b: {  	[tilespmem:$0x1E830] =	vst v63  }
0x40c: {  	v48 =	vld.idx.msk [tilespmem:v9+s13+$0xFFFFFFB0 ss:$0x1], $0xffff;
	_ =	sdelay $0x7  }
0x40d: {  	v52 =	vld.idx.msk [tilespmem:v48+s5+$0x0], $0xffff  }
0x40e: {  	v53 =	vld [tilespmem:s13+$0x144E0]  }
0x40f: {  	v48 =	vld.idx.msk [tilespmem:v48+s6+$0x0], $0xffff;
	_ =	sdelay $0x2  }
0x410: {  	v49 =	vmul.u32 $0x2800, v52;
	_ =	sdelay $0x1  }
0x411: {  	[tilespmem:$0x1F040] =	vst v48;
	v54 =	vadd.s32 v53, v49  }
0x412: {  	[tilespmem:$0x1E840] =	vst v54  }
0x413: {  	v48 =	vld.idx.msk [tilespmem:v9+s13+$0xFFFFFFC0 ss:$0x1], $0xffff;
	_ =	sdelay $0x7  }
0x414: {  	v55 =	vld.idx.msk [tilespmem:v48+s5+$0x0], $0xffff  }
0x415: {  	v56 =	vld [tilespmem:s13+$0x144F0]  }
0x416: {  	v48 =	vld.idx.msk [tilespmem:v48+s6+$0x0], $0xffff;
	_ =	sdelay $0x2  }
0x417: {  	v49 =	vmul.u32 $0x2800, v55;
	_ =	sdelay $0x1  }
0x418: {  	[tilespmem:$0x1F050] =	vst v48;
	v57 =	vadd.s32 v56, v49  }
0x419: {  	[tilespmem:$0x1E850] =	vst v57  }
0x41a: {  	v48 =	vld.idx.msk [tilespmem:v9+s13+$0xFFFFFFD0 ss:$0x1], $0xffff;
	_ =	sdelay $0x7  }
0x41b: {  	v58 =	vld.idx.msk [tilespmem:v48+s5+$0x0], $0xffff  }
0x41c: {  	v59 =	vld [tilespmem:s13+$0x14500]  }
0x41d: {  	v48 =	vld.idx.msk [tilespmem:v48+s6+$0x0], $0xffff;
	_ =	sdelay $0x2  }
0x41e: {  	v49 =	vmul.u32 $0x2800, v58;
	_ =	sdelay $0x1  }
0x41f: {  	[tilespmem:$0x1F060] =	vst v48;
	v60 =	vadd.s32 v59, v49  }
0x420: {  	[tilespmem:$0x1E860] =	vst v60  }
0x421: {  	v48 =	vld.idx.msk [tilespmem:v9+s13+$0xFFFFFFE0 ss:$0x1], $0xffff;
	_ =	sdelay $0x7  }
0x422: {  	v61 =	vld.idx.msk [tilespmem:v48+s5+$0x0], $0xffff  }
0x423: {  	v62 =	vld [tilespmem:s13+$0x14510]  }
0x424: {  	v48 =	vld.idx.msk [tilespmem:v48+s6+$0x0], $0xffff;
	_ =	sdelay $0x2  }
0x425: {  	v49 =	vmul.u32 $0x2800, v61;
	_ =	sdelay $0x1  }
0x426: {  	[tilespmem:$0x1F070] =	vst v48;
	v63 =	vadd.s32 v62, v49  }
0x427: {  	[tilespmem:$0x1E870] =	vst v63  }
0x428: {  	v48 =	vld.idx.msk [tilespmem:v10+s13+$0x0 ss:$0x1], $0xffff;
	_ =	sdelay $0x7  }
0x429: {  	v52 =	vld.idx.msk [tilespmem:v48+s5+$0x0], $0xffff  }
0x42a: {  	v53 =	vld [tilespmem:s13+$0x14520]  }
0x42b: {  	v48 =	vld.idx.msk [tilespmem:v48+s6+$0x0], $0xffff;
	_ =	sdelay $0x2  }
0x42c: {  	v49 =	vmul.u32 $0x2800, v52;
	_ =	sdelay $0x1  }
0x42d: {  	[tilespmem:$0x1F080] =	vst v48;
	v54 =	vadd.s32 v53, v49  }
0x42e: {  	[tilespmem:$0x1E880] =	vst v54  }
0x42f: {  	v48 =	vld.idx.msk [tilespmem:v9+s13+$0x0 ss:$0x1], $0xffff;
	_ =	sdelay $0x7  }
0x430: {  	v55 =	vld.idx.msk [tilespmem:v48+s5+$0x0], $0xffff  }
0x431: {  	v56 =	vld [tilespmem:s13+$0x14530]  }
0x432: {  	v48 =	vld.idx.msk [tilespmem:v48+s6+$0x0], $0xffff;
	_ =	sdelay $0x2  }
0x433: {  	v49 =	vmul.u32 $0x2800, v55;
	_ =	sdelay $0x1  }
0x434: {  	[tilespmem:$0x1F090] =	vst v48;
	v57 =	vadd.s32 v56, v49  }
0x435: {  	[tilespmem:$0x1E890] =	vst v57  }
0x436: {  	v48 =	vld.idx.msk [tilespmem:v9+s13+$0x10 ss:$0x1], $0xffff;
	_ =	sdelay $0x7  }
0x437: {  	v58 =	vld.idx.msk [tilespmem:v48+s5+$0x0], $0xffff  }
0x438: {  	v59 =	vld [tilespmem:s13+$0x14540]  }
0x439: {  	v48 =	vld.idx.msk [tilespmem:v48+s6+$0x0], $0xffff;
	_ =	sdelay $0x2  }
0x43a: {  	v49 =	vmul.u32 $0x2800, v58;
	_ =	sdelay $0x1  }
0x43b: {  	[tilespmem:$0x1F0A0] =	vst v48;
	v60 =	vadd.s32 v59, v49  }
0x43c: {  	[tilespmem:$0x1E8A0] =	vst v60  }
0x43d: {  	v48 =	vld.idx.msk [tilespmem:v9+s13+$0x20 ss:$0x1], $0xffff;
	_ =	sdelay $0x7  }
0x43e: {  	v61 =	vld.idx.msk [tilespmem:v48+s5+$0x0], $0xffff  }
0x43f: {  	v62 =	vld [tilespmem:s13+$0x14550]  }
0x440: {  	v48 =	vld.idx.msk [tilespmem:v48+s6+$0x0], $0xffff;
	_ =	sdelay $0x2  }
0x441: {  	v49 =	vmul.u32 $0x2800, v61;
	_ =	sdelay $0x1  }
0x442: {  	[tilespmem:$0x1F0B0] =	vst v48;
	v63 =	vadd.s32 v62, v49  }
0x443: {  	[tilespmem:$0x1E8B0] =	vst v63  }
0x444: {  	v48 =	vld.idx.msk [tilespmem:v9+s13+$0x30 ss:$0x1], $0xffff;
	_ =	sdelay $0x7  }
0x445: {  	v52 =	vld.idx.msk [tilespmem:v48+s5+$0x0], $0xffff  }
0x446: {  	v53 =	vld [tilespmem:s13+$0x14560]  }
0x447: {  	v48 =	vld.idx.msk [tilespmem:v48+s6+$0x0], $0xffff;
	_ =	sdelay $0x2  }
0x448: {  	v49 =	vmul.u32 $0x2800, v52;
	_ =	sdelay $0x1  }
0x449: {  	[tilespmem:$0x1F0C0] =	vst v48;
	v54 =	vadd.s32 v53, v49  }
0x44a: {  	[tilespmem:$0x1E8C0] =	vst v54  }
0x44b: {  	v48 =	vld.idx.msk [tilespmem:v9+s13+$0x40 ss:$0x1], $0xffff;
	_ =	sdelay $0x7  }
0x44c: {  	v55 =	vld.idx.msk [tilespmem:v48+s5+$0x0], $0xffff  }
0x44d: {  	v56 =	vld [tilespmem:s13+$0x14570]  }
0x44e: {  	v48 =	vld.idx.msk [tilespmem:v48+s6+$0x0], $0xffff;
	_ =	sdelay $0x2  }
0x44f: {  	v49 =	vmul.u32 $0x2800, v55;
	_ =	sdelay $0x1  }
0x450: {  	[tilespmem:$0x1F0D0] =	vst v48;
	v57 =	vadd.s32 v56, v49  }
0x451: {  	[tilespmem:$0x1E8D0] =	vst v57  }
0x452: {  	v48 =	vld.idx.msk [tilespmem:v9+s13+$0x50 ss:$0x1], $0xffff;
	_ =	sdelay $0x7  }
0x453: {  	v58 =	vld.idx.msk [tilespmem:v48+s5+$0x0], $0xffff  }
0x454: {  	v59 =	vld [tilespmem:s13+$0x14580]  }
0x455: {  	v48 =	vld.idx.msk [tilespmem:v48+s6+$0x0], $0xffff;
	_ =	sdelay $0x2  }
0x456: {  	v49 =	vmul.u32 $0x2800, v58;
	_ =	sdelay $0x1  }
0x457: {  	[tilespmem:$0x1F0E0] =	vst v48;
	v60 =	vadd.s32 v59, v49  }
0x458: {  	[tilespmem:$0x1E8E0] =	vst v60  }
0x459: {  	v48 =	vld.idx.msk [tilespmem:v9+s13+$0x60 ss:$0x1], $0xffff;
	_ =	sdelay $0x7  }
0x45a: {  	v61 =	vld.idx.msk [tilespmem:v48+s5+$0x0], $0xffff  }
0x45b: {  	v62 =	vld [tilespmem:s13+$0x14590]  }
0x45c: {  	v48 =	vld.idx.msk [tilespmem:v48+s6+$0x0], $0xffff;
	_ =	sdelay $0x2  }
0x45d: {  	v49 =	vmul.u32 $0x2800, v61;
	_ =	sdelay $0x1  }
.Ltmp16:
0x45e: {  	[tilespmem:$0x1F0F0] =	vst v48;
	v63 =	vadd.s32 v62, v49;
	(pc) =	sbr.rel .LBB2_21-.Ltmp16, $4  }
0x45f: {  	s10 =	simm.s32 $0x1E800;
	s13 =	simm.s32 $0x1F000;
	[tilespmem:$0x1E8F0] =	vst v63  }
0x460: {  	[spmem:s4] =	stream.indirect.scatter.add.f32 [tilespmem:s13], [sflag:$0x1], $0x1, s10, s23, $0xb8;
	[tilespmem:$0x1F700] =	vst v63  }
0x461: {  	_ = 	snop  }
0x462: {  	[spmem:s4] =	stream.indirect.scatter.add.f32 [tilespmem:s15], [sflag:$0x1], $0x1, s14, s23, $0xb8;
	[tilespmem:$0x1F700] =	vst v63  }
.LBB2_22:
0x463: {  	_ =	swait.ge [sflag:s16], $0x80  }
0x464: {  	[sflag:s16] =	ssyncset.done $0x0  }
0x465: {  	[sflag:s16] =	ssyncadd.s32 $0xFFFFFF80  }
0x466: {  	_ =	swait.ge [sflag:s16], $0x80  }
0x467: {  	[sflag:s16] =	ssyncset.done $0x0  }
0x468: {  	[sflag:s16] =	ssyncadd.s32 $0xFFFFFF80  }
0x469: {  	_ =	swait.ge [sflag:s16], $0x80  }
0x46a: {  	[sflag:s16] =	ssyncset.done $0x0  }
0x46b: {  	[sflag:s16] =	ssyncadd.s32 $0xFFFFFF80  }
0x46c: {  	_ =	swait.ge [sflag:s16], $0x80  }
0x46d: {  	[sflag:s16] =	ssyncset.done $0x0  }
0x46e: {  	[sflag:s16] =	ssyncadd.s32 $0xFFFFFF80  }
0x46f: {  	_ =	swait.ge [sflag:s16], $0x80  }
0x470: {  	[sflag:s16] =	ssyncset.done $0x0  }
0x471: {  	[sflag:s16] =	ssyncadd.s32 $0xFFFFFF80  }
0x472: {  	_ =	swait.ge [sflag:s16], $0x80  }
0x473: {  	[sflag:s16] =	ssyncset.done $0x0  }
0x474: {  	[sflag:s16] =	ssyncadd.s32 $0xFFFFFF80  }
0x475: {  	_ =	swait.ge [sflag:s16], $0x80  }
0x476: {  	[sflag:s16] =	ssyncset.done $0x0  }
0x477: {  	[sflag:s16] =	ssyncadd.s32 $0xFFFFFF80  }
0x478: {  	_ =	swait.ge [sflag:s16], $0x80  }
0x479: {  	[sflag:s16] =	ssyncset.done $0x0  }
0x47a: {  	[sflag:s16] =	ssyncadd.s32 $0xFFFFFF80  }
0x47b: {  	_ =	swait.ge [sflag:s16], $0x80  }
0x47c: {  	[sflag:s16] =	ssyncset.done $0x0  }
0x47d: {  	[sflag:s16] =	ssyncadd.s32 $0xFFFFFF80  }
0x47e: {  	_ =	swait.ge [sflag:s16], $0x80  }
0x47f: {  	[sflag:s16] =	ssyncset.done $0x0  }
0x480: {  	s0 =	rddreg [dreg:$0x8];
	[sflag:s16] =	ssyncadd.s32 $0xFFFFFF80  }
0x481: {  	v48 =	vld [tilespmem:s0+$0x11D80];
	_ =	sdelay $0x7  }
0x482: {  	v49 =	vld.idx.msk [tilespmem:v48+s5+$0x0], $0xffff  }
0x483: {  	v48 =	vld.idx.msk [tilespmem:v48+s6+$0x0], $0xffff;
	[tilespmem:$0x1EF10] =	vst v44  }
0x484: {  	[tilespmem:$0x1E710] =	vst v47  }
0x485: {  	[tilespmem:$0x1EF20] =	vst v44  }
0x486: {  	[tilespmem:$0x1E720] =	vst v47  }
0x487: {  	[tilespmem:$0x1EF30] =	vst v44  }
0x488: {  	[tilespmem:$0x1E730] =	vst v47  }
0x489: {  	[tilespmem:$0x1EF40] =	vst v44  }
0x48a: {  	[tilespmem:$0x1E740] =	vst v47  }
0x48b: {  	[tilespmem:$0x1EF50] =	vst v44  }
0x48c: {  	v50 =	vld [tilespmem:$0x16BA0];
	[tilespmem:$0x1E750] =	vst v47  }
0x48d: {  	[tilespmem:$0x1EF60] =	vst v44  }
0x48e: {  	[tilespmem:$0x1E760] =	vst v47  }
0x48f: {  	[tilespmem:$0x1EF70] =	vst v44;
	v49 =	vmul.u32 $0x2800, v49  }
0x490: {  	[tilespmem:$0x1E770] =	vst v47  }
0x491: {  	[tilespmem:$0x1EF00] =	vst v48;
	v63 =	vadd.s32 v50, v49  }
.Ltmp17:
0x492: {  	[tilespmem:$0x1E700] =	vst v63;
	(pc) =	sbr.rel @p0 .LBB2_24-.Ltmp17, $4  }
0x493: {  	[spmem:s4] =	stream.indirect.scatter.add.f32 [tilespmem:s30], [sflag:$0x6], $0x1, s29, s23, $0xb8;
	[tilespmem:$0x1F700] =	vst v63  }
0x494: {  	_ =	swait.ge [sflag:s25], $0x80  }
0x495: {  	[sflag:s25] =	ssyncset.done $0x0  }
0x496: {  	[sflag:s25] =	ssyncadd.s32 $0xFFFFFF80  }
0x497: {  	_ =	sdelay $0x3  }
0x498: {  	v48 =	vld.idx.msk [tilespmem:v27+s5+$0x0], $0xffff;
	_ =	sdelay $0x1  }
0x499: {  	v49 =	vld [tilespmem:s8+$0x16C00];
	_ =	sdelay $0x2  }
0x49a: {  	v48 =	vmul.u32 $0x2800, v48;
	_ =	sdelay $0x1  }
0x49b: {  	[tilespmem:$0x1EF00] =	vst v49;
	v48 =	vadd.s32 v27, v48  }
0x49c: {  	[tilespmem:$0x1E700] =	vst v48  }
0x49d: {  	v48 =	vld.idx.msk [tilespmem:v1+s5+$0x0], $0xffff;
	_ =	sdelay $0x1  }
0x49e: {  	v49 =	vld [tilespmem:s8+$0x16C10];
	_ =	sdelay $0x2  }
0x49f: {  	v48 =	vmul.u32 $0x2800, v48;
	_ =	sdelay $0x1  }
0x4a0: {  	[tilespmem:$0x1EF10] =	vst v49;
	v48 =	vadd.s32 v1, v48  }
0x4a1: {  	[tilespmem:$0x1E710] =	vst v48  }
0x4a2: {  	v48 =	vld.idx.msk [tilespmem:v2+s5+$0x0], $0xffff;
	_ =	sdelay $0x1  }
0x4a3: {  	v49 =	vld [tilespmem:s8+$0x16C20];
	_ =	sdelay $0x2  }
0x4a4: {  	v48 =	vmul.u32 $0x2800, v48;
	_ =	sdelay $0x1  }
0x4a5: {  	[tilespmem:$0x1EF20] =	vst v49;
	v48 =	vadd.s32 v2, v48  }
0x4a6: {  	[tilespmem:$0x1E720] =	vst v48  }
0x4a7: {  	v48 =	vld.idx.msk [tilespmem:v3+s5+$0x0], $0xffff;
	_ =	sdelay $0x1  }
0x4a8: {  	v49 =	vld [tilespmem:s8+$0x16C30];
	_ =	sdelay $0x2  }
0x4a9: {  	v48 =	vmul.u32 $0x2800, v48;
	_ =	sdelay $0x1  }
0x4aa: {  	[tilespmem:$0x1EF30] =	vst v49;
	v48 =	vadd.s32 v3, v48  }
0x4ab: {  	[tilespmem:$0x1E730] =	vst v48  }
0x4ac: {  	v48 =	vld.idx.msk [tilespmem:v4+s5+$0x0], $0xffff;
	_ =	sdelay $0x1  }
0x4ad: {  	v49 =	vld [tilespmem:s8+$0x16C40];
	_ =	sdelay $0x2  }
0x4ae: {  	v48 =	vmul.u32 $0x2800, v48;
	_ =	sdelay $0x1  }
0x4af: {  	[tilespmem:$0x1EF40] =	vst v49;
	v48 =	vadd.s32 v4, v48  }
0x4b0: {  	[tilespmem:$0x1E740] =	vst v48  }
0x4b1: {  	v48 =	vld.idx.msk [tilespmem:v5+s5+$0x0], $0xffff;
	_ =	sdelay $0x1  }
0x4b2: {  	v49 =	vld [tilespmem:s8+$0x16C50];
	_ =	sdelay $0x2  }
0x4b3: {  	v48 =	vmul.u32 $0x2800, v48;
	_ =	sdelay $0x1  }
0x4b4: {  	[tilespmem:$0x1EF50] =	vst v49;
	v48 =	vadd.s32 v5, v48  }
0x4b5: {  	[tilespmem:$0x1E750] =	vst v48  }
0x4b6: {  	v48 =	vld.idx.msk [tilespmem:v6+s5+$0x0], $0xffff;
	_ =	sdelay $0x1  }
0x4b7: {  	v49 =	vld [tilespmem:s8+$0x16C60];
	_ =	sdelay $0x2  }
0x4b8: {  	v48 =	vmul.u32 $0x2800, v48;
	_ =	sdelay $0x1  }
0x4b9: {  	[tilespmem:$0x1EF60] =	vst v49;
	v48 =	vadd.s32 v6, v48  }
0x4ba: {  	[tilespmem:$0x1E760] =	vst v48  }
0x4bb: {  	v48 =	vld.idx.msk [tilespmem:v7+s5+$0x0], $0xffff;
	_ =	sdelay $0x1  }
0x4bc: {  	v49 =	vld [tilespmem:s8+$0x16C70];
	_ =	sdelay $0x2  }
0x4bd: {  	v48 =	vmul.u32 $0x2800, v48;
	_ =	sdelay $0x1  }
0x4be: {  	[tilespmem:$0x1EF70] =	vst v49;
	v48 =	vadd.s32 v7, v48  }
0x4bf: {  	[tilespmem:$0x1E770] =	vst v48  }
0x4c0: {  	[spmem:s4] =	stream.indirect.scatter.add.f32 [tilespmem:s30], [sflag:$0x6], $0x1, s29, s23, $0xb8;
	[tilespmem:$0x1F700] =	vst v63  }
0x4c1: {  	_ =	swait.ge [sflag:s25], $0x80  }
0x4c2: {  	[sflag:s25] =	ssyncset.done $0x0  }
0x4c3: {  	s0 =	sld [smem:$0x7EE];
	[sflag:s25] =	ssyncadd.s32 $0xFFFFFF80  }
0x4c4: {  	v60 =	vld.idx.msk [tilespmem:v28+s5+$0x0], $0xffff;
	_ =	sdelay $0x1  }
0x4c5: {  	v61 =	vld [tilespmem:s0+$0x16C00];
	_ =	sdelay $0x2  }
0x4c6: {  	v48 =	vmul.u32 $0x2800, v60;
	_ =	sdelay $0x1  }
0x4c7: {  	[tilespmem:$0x1EF00] =	vst v61;
	v48 =	vadd.s32 v28, v48  }
0x4c8: {  	s13 =	sld [smem:$0x7EF];
	[tilespmem:$0x1E700] =	vst v48  }
0x4c9: {  	v48 =	vld.idx.msk [tilespmem:v29+s5+$0x0], $0xffff;
	_ =	sdelay $0x1  }
0x4ca: {  	v49 =	vld [tilespmem:s13+$0x16C00];
	_ =	sdelay $0x2  }
0x4cb: {  	v48 =	vmul.u32 $0x2800, v48;
	_ =	sdelay $0x1  }
0x4cc: {  	[tilespmem:$0x1EF10] =	vst v49;
	v48 =	vadd.s32 v29, v48  }
0x4cd: {  	s14 =	sld [smem:$0x7F0];
	[tilespmem:$0x1E710] =	vst v48  }
0x4ce: {  	v48 =	vld.idx.msk [tilespmem:v30+s5+$0x0], $0xffff;
	_ =	sdelay $0x1  }
0x4cf: {  	v49 =	vld [tilespmem:s14+$0x16C00];
	_ =	sdelay $0x2  }
0x4d0: {  	v48 =	vmul.u32 $0x2800, v48;
	_ =	sdelay $0x1  }
0x4d1: {  	[tilespmem:$0x1EF20] =	vst v49;
	v48 =	vadd.s32 v30, v48  }
0x4d2: {  	s15 =	sld [smem:$0x7F1];
	[tilespmem:$0x1E720] =	vst v48  }
0x4d3: {  	v48 =	vld.idx.msk [tilespmem:v31+s5+$0x0], $0xffff;
	_ =	sdelay $0x1  }
0x4d4: {  	v49 =	vld [tilespmem:s15+$0x16C00];
	_ =	sdelay $0x2  }
0x4d5: {  	v48 =	vmul.u32 $0x2800, v48;
	_ =	sdelay $0x1  }
0x4d6: {  	[tilespmem:$0x1EF30] =	vst v49;
	v48 =	vadd.s32 v31, v48  }
0x4d7: {  	s10 =	sld [smem:$0x7F2];
	[tilespmem:$0x1E730] =	vst v48  }
0x4d8: {  	v48 =	vld.idx.msk [tilespmem:v32+s5+$0x0], $0xffff;
	_ =	sdelay $0x1  }
0x4d9: {  	v49 =	vld [tilespmem:s10+$0x16C00];
	_ =	sdelay $0x2  }
0x4da: {  	v48 =	vmul.u32 $0x2800, v48;
	_ =	sdelay $0x1  }
0x4db: {  	[tilespmem:$0x1EF40] =	vst v49;
	v48 =	vadd.s32 v32, v48  }
0x4dc: {  	s12 =	sld [smem:$0x7F3];
	[tilespmem:$0x1E740] =	vst v48  }
0x4dd: {  	v48 =	vld.idx.msk [tilespmem:v33+s5+$0x0], $0xffff;
	_ =	sdelay $0x1  }
0x4de: {  	v49 =	vld [tilespmem:s12+$0x16C00];
	_ =	sdelay $0x2  }
0x4df: {  	v48 =	vmul.u32 $0x2800, v48;
	_ =	sdelay $0x1  }
0x4e0: {  	[tilespmem:$0x1EF50] =	vst v49;
	v48 =	vadd.s32 v33, v48  }
0x4e1: {  	s13 =	sld [smem:$0x7F4];
	[tilespmem:$0x1E750] =	vst v48  }
0x4e2: {  	v48 =	vld.idx.msk [tilespmem:v34+s5+$0x0], $0xffff;
	_ =	sdelay $0x1  }
0x4e3: {  	v49 =	vld [tilespmem:s13+$0x16C00];
	_ =	sdelay $0x2  }
0x4e4: {  	v48 =	vmul.u32 $0x2800, v48;
	_ =	sdelay $0x1  }
0x4e5: {  	[tilespmem:$0x1EF60] =	vst v49;
	v48 =	vadd.s32 v34, v48  }
0x4e6: {  	s14 =	sld [smem:$0x7F5];
	[tilespmem:$0x1E760] =	vst v48  }
0x4e7: {  	v48 =	vld.idx.msk [tilespmem:v35+s5+$0x0], $0xffff;
	_ =	sdelay $0x1  }
0x4e8: {  	v49 =	vld [tilespmem:s14+$0x16C00];
	_ =	sdelay $0x2  }
0x4e9: {  	v48 =	vmul.u32 $0x2800, v48;
	_ =	sdelay $0x1  }
0x4ea: {  	[tilespmem:$0x1EF70] =	vst v49;
	v48 =	vadd.s32 v35, v48  }
0x4eb: {  	[tilespmem:$0x1E770] =	vst v48  }
0x4ec: {  	[spmem:s4] =	stream.indirect.scatter.add.f32 [tilespmem:s30], [sflag:$0x6], $0x1, s29, s23, $0xb8;
	[tilespmem:$0x1F700] =	vst v63  }
0x4ed: {  	_ =	swait.ge [sflag:s25], $0x80  }
0x4ee: {  	[sflag:s25] =	ssyncset.done $0x0  }
0x4ef: {  	s15 =	sld [smem:$0x7F6];
	[sflag:s25] =	ssyncadd.s32 $0xFFFFFF80  }
0x4f0: {  	v62 =	vld.idx.msk [tilespmem:v36+s5+$0x0], $0xffff;
	_ =	sdelay $0x1  }
0x4f1: {  	v63 =	vld [tilespmem:s15+$0x16C00];
	_ =	sdelay $0x2  }
0x4f2: {  	v48 =	vmul.u32 $0x2800, v62;
	_ =	sdelay $0x1  }
0x4f3: {  	[tilespmem:$0x1EF00] =	vst v63;
	v48 =	vadd.s32 v36, v48  }
0x4f4: {  	s10 =	sld [smem:$0x7F7];
	[tilespmem:$0x1E700] =	vst v48  }
0x4f5: {  	v48 =	vld.idx.msk [tilespmem:v37+s5+$0x0], $0xffff;
	_ =	sdelay $0x1  }
0x4f6: {  	v49 =	vld [tilespmem:s10+$0x16C00];
	_ =	sdelay $0x2  }
0x4f7: {  	v48 =	vmul.u32 $0x2800, v48;
	_ =	sdelay $0x1  }
0x4f8: {  	[tilespmem:$0x1EF10] =	vst v49;
	v48 =	vadd.s32 v37, v48  }
0x4f9: {  	s12 =	sld [smem:$0x7F8];
	[tilespmem:$0x1E710] =	vst v48  }
0x4fa: {  	v48 =	vld.idx.msk [tilespmem:v38+s5+$0x0], $0xffff;
	_ =	sdelay $0x1  }
0x4fb: {  	v49 =	vld [tilespmem:s12+$0x16C00];
	_ =	sdelay $0x2  }
0x4fc: {  	v48 =	vmul.u32 $0x2800, v48;
	_ =	sdelay $0x1  }
0x4fd: {  	[tilespmem:$0x1EF20] =	vst v49;
	v48 =	vadd.s32 v38, v48  }
0x4fe: {  	s13 =	sld [smem:$0x7F9];
	[tilespmem:$0x1E720] =	vst v48  }
0x4ff: {  	v48 =	vld.idx.msk [tilespmem:v39+s5+$0x0], $0xffff;
	_ =	sdelay $0x1  }
0x500: {  	v49 =	vld [tilespmem:s13+$0x16C00];
	_ =	sdelay $0x2  }
0x501: {  	v48 =	vmul.u32 $0x2800, v48;
	_ =	sdelay $0x1  }
0x502: {  	[tilespmem:$0x1EF30] =	vst v49;
	v48 =	vadd.s32 v39, v48  }
0x503: {  	s14 =	sld [smem:$0x7FA];
	[tilespmem:$0x1E730] =	vst v48  }
0x504: {  	v48 =	vld.idx.msk [tilespmem:v40+s5+$0x0], $0xffff;
	_ =	sdelay $0x1  }
0x505: {  	v49 =	vld [tilespmem:s14+$0x16C00];
	_ =	sdelay $0x2  }
0x506: {  	v48 =	vmul.u32 $0x2800, v48;
	_ =	sdelay $0x1  }
0x507: {  	[tilespmem:$0x1EF40] =	vst v49;
	v48 =	vadd.s32 v40, v48  }
0x508: {  	s15 =	sld [smem:$0x7FB];
	[tilespmem:$0x1E740] =	vst v48  }
0x509: {  	v48 =	vld.idx.msk [tilespmem:v41+s5+$0x0], $0xffff;
	_ =	sdelay $0x1  }
0x50a: {  	v49 =	vld [tilespmem:s15+$0x16C00]  }
.Ltmp18:
0x50b: {  	_ = 	snop;
	(pc) =	sbr.rel .LBB2_25-.Ltmp18, $4  }
0x50c: {  	_ = 	snop  }
0x50d: {  	s0 =	sld [smem:$0x7FD];
	v48 =	vmul.u32 $0x2800, v48  }
0x50e: {  	s31 =	rddreg [dreg:$0xa]  }
0x50f: {  	v50 =	vmov v43;
	s10 =	sld [smem:$0x7FC];
	s12 =	stileid.u32;
	[tilespmem:$0x1EF50] =	vst v49;
	v49 =	vmov v42;
	v48 =	vadd.s32 v41, v48  }
.LBB2_26:
0x510: {  	_ =	sfence.sel $0x180000  }
0x511: {  	[bflag:$0x0] =	sbarrier.arrive $0xFFFF  }
0x512: {  	_ =	strace $0x90000047  }
0x513: {  	[bflag:$0x2] =	sbarrier.arrive $0xFFFF  }
0x514: {  	p0 =	sne.s32 s15, $0x0;
	s0 =	rddreg [dreg:$0x7]  }
0x515: {  	s0 =	sadd.s32 @!p0 $0x100000, s0  }
0x516: {  	[sflag:s0] =	ssyncadd.tile.s32 @!p0 $0x1;
	_ =	shalt  }
.Lfunc_end2:
_tile_overlayer_lowered:
.L_overlay_start_2:
0x517: {  	(tag) =	ssettag $0x2  }
0x518: {  	s0 =	rddreg [dreg:$0x0];
	s2 =	stileid.u32  }
0x519: {  	s1 =	rddreg [dreg:$0x1];
	p0 =	sne.s32 s2, $0x0  }
0x51a: {  	s3 =	rddreg [dreg:$0x2];
	[bflag:$0x3] =	sbarrier.arrive $0xFFFF;
	s2 =	simm.s32 @!p0 $0x1C06  }
0x51b: {  	[timem:s3], [sflag:s2] =	dma.local @!p0 [hbm:s0], s1  }
0x51c: {  	s0 =	simm.s32 @!p0 $0x6  }
0x51d: {  	_ =	swait.ge @!p0 [sflag:s0], s1  }
0x51e: {  	s1 =	ssub.s32 @!p0 $0x0, s1;
	[sflag:s0] =	ssyncset.done @!p0 $0x0  }
0x51f: {  	[sflag:s0] =	ssyncadd.s32 @!p0 s1  }
0x520: {  	[bflag:$0x3] =	sbarrier.arrive $0xFFFF  }
0x521: {  	_ =	shalt  }

</sc_bundles>
